<compile_context>
chip_gen: v7x
topology: tpu7x:2x2x1
jax: 0.10.2.dev20260603
libtpu: 0.0.44.dev20260713+nightly
codegen_flags: <defaults>
</compile_context>

<pallas_src>
import functools

import jax
import jax.numpy as jnp
from jax import lax
from jax.experimental import pallas as pl
from jax.experimental.pallas import tpu as pltpu
from jax.experimental.pallas import tpu_sc as plsc

_N = 10000
_NP = 10112
_E = 160000
_EP = 163840
_B = 64
_RPT = _NP // 16
_K = 128
_NB = _EP // (16 * _K)
_NBD = _EP // (32 * _K)
_RB = 1000


def _sc_mesh():
    return plsc.VectorSubcoreMesh(core_axis_name="c", subcore_axis_name="s")


def _sc_degree(dst32, zer, ones):
    @functools.partial(
        pl.kernel,
        out_type=jax.ShapeDtypeStruct((2 * _NP, 16), jnp.float32),
        mesh=_sc_mesh(),
        scratch_types=[
            pltpu.VMEM((_NBD, _K), jnp.int32),
            pltpu.VMEM((_K, 16), jnp.float32),
            pltpu.VMEM_SHARED((_NP, 16), jnp.float32),
        ],
    )
    def deg_kernel(dst_hbm, zer_hbm, one_hbm, out_hbm, dbuf, onev, acc):
        core = lax.axis_index("c")
        sub = lax.axis_index("s")
        row0 = sub * _RPT
        pltpu.sync_copy(zer_hbm, acc.at[pl.ds(row0, _RPT)])
        pltpu.sync_copy(one_hbm, onev)
        pltpu.sync_copy(dst_hbm.at[core * 16 + sub], dbuf)
        plsc.subcore_barrier()

        def body(b, carry):
            pltpu.sync_copy(onev, acc.at[dbuf.at[b]], add=True)
            return carry

        lax.fori_loop(0, _NBD, body, 0)
        plsc.subcore_barrier()
        pltpu.sync_copy(acc.at[pl.ds(row0, _RPT)],
                        out_hbm.at[pl.ds(core * _NP + row0, _RPT)])

    return deg_kernel(dst32, zer, ones)


_NBUF = 2
_D = 1
_NBP = 40


def _sc_propagate(C, u_flat, srcoff, dst16):
    ch = C // 2
    ngroups = (_NBP + _D + _NBUF - 1) // _NBUF

    @functools.partial(
        pl.kernel,
        out_type=jax.ShapeDtypeStruct((C * _NP, 128), jnp.float32),
        mesh=_sc_mesh(),
        scratch_types=[
            pltpu.VMEM((_NBP, _K), jnp.int32),
            pltpu.VMEM((_NBP, _K), jnp.int32),
            [pltpu.VMEM((_K, 128), jnp.float32) for _ in range(_NBUF)],
            pltpu.VMEM_SHARED((_NP, 128), jnp.float32),
            [pltpu.SemaphoreType.DMA for _ in range(_NBUF)],
            [pltpu.SemaphoreType.DMA for _ in range(_NBUF)],
        ],
    )
    def prop_kernel(u_hbm, so_hbm, d_hbm, out_hbm, sbuf, dbuf, rows, acc,
                    gsem, ssem):
        core = lax.axis_index("c")
        sub = lax.axis_index("s")
        row0 = sub * _RPT
        for k in range(ch):
            chunk = core * ch + k
            base = chunk * _NP
            pltpu.sync_copy(u_hbm.at[pl.ds(base + row0, _RPT)],
                            acc.at[pl.ds(row0, _RPT)])
            plsc.subcore_barrier()

            for p in range(_NB // _NBP):
                pltpu.sync_copy(
                    so_hbm.at[chunk * 16 + sub, pl.ds(p * _NBP, _NBP)], sbuf)
                pltpu.sync_copy(d_hbm.at[sub, pl.ds(p * _NBP, _NBP)], dbuf)

                def group(g, carry):
                    for j in range(_NBUF):
                        b = g * _NBUF + j

                        @pl.when(b < _NBP)
                        def _gather():
                            @pl.when(b >= _NBUF)
                            def _reuse():
                                pltpu.make_async_copy(
                                    rows[j], acc.at[dbuf.at[b - _NBUF]],
                                    ssem[j]).wait()
                            pltpu.async_copy(u_hbm.at[sbuf.at[b]], rows[j],
                                             gsem[j])

                        bd = b - _D
                        j2 = (j - _D) % _NBUF

                        @pl.when(jnp.logical_and(bd >= 0, bd < _NBP))
                        def _scatter():
                            pltpu.make_async_copy(u_hbm.at[sbuf.at[bd]],
                                                  rows[j2], gsem[j2]).wait()
                            pltpu.async_copy(rows[j2], acc.at[dbuf.at[bd]],
                                             ssem[j2], add=True)
                    return carry

                lax.fori_loop(0, ngroups, group, 0)
                for j in range(_NBUF):
                    b_last = _NBP - _NBUF + j
                    pltpu.make_async_copy(rows[j], acc.at[dbuf.at[b_last]],
                                          ssem[j]).wait()

            plsc.subcore_barrier()
            pltpu.sync_copy(acc.at[pl.ds(row0, _RPT)],
                            out_hbm.at[pl.ds(base + row0, _RPT)])
            plsc.subcore_barrier()

    return prop_kernel(u_flat, srcoff, dst16)


def _dinv_of(deg_ref):
    return lax.rsqrt(deg_ref[0, :, 0:1] + deg_ref[1, :, 0:1] + 1.0)


def _tc_layer1(x, deg3, w1):
    def body(x_ref, deg_ref, w_ref, out_ref):
        dinv = _dinv_of(deg_ref)
        u = jnp.dot(x_ref[...], w_ref[...], preferred_element_type=jnp.float32)
        u = u * dinv
        for c in range(4):
            out_ref[c] = u[:, c * 128:(c + 1) * 128]

    return pl.pallas_call(
        body,
        grid=(_N // _RB,),
        in_specs=[
            pl.BlockSpec((_RB, 1280), lambda i: (i, 0)),
            pl.BlockSpec((2, _RB, 16), lambda i: (0, i, 0)),
            pl.BlockSpec((1280, 512), lambda i: (0, 0)),
        ],
        out_specs=pl.BlockSpec((4, _RB, 128), lambda i: (0, i, 0)),
        out_shape=jax.ShapeDtypeStruct((4, _NP, 128), jnp.float32),
    )(x, deg3, w1)


def _tc_layer(acc3, deg3, brow, w, c_in, c_out):
    f_in, f_out = 128 * c_in, 128 * c_out

    def body(acc_ref, deg_ref, b_ref, w_ref, out_ref):
        dinv = _dinv_of(deg_ref)
        t = jnp.concatenate([acc_ref[c] for c in range(c_in)], axis=1)
        t = jnp.maximum(t * dinv + b_ref[0, :], 0.0)
        u = jnp.dot(t, w_ref[...], preferred_element_type=jnp.float32)
        u = u * dinv
        for c in range(c_out):
            out_ref[c] = u[:, c * 128:(c + 1) * 128]

    return pl.pallas_call(
        body,
        grid=(_N // _RB,),
        in_specs=[
            pl.BlockSpec((c_in, _RB, 128), lambda i: (0, i, 0)),
            pl.BlockSpec((2, _RB, 16), lambda i: (0, i, 0)),
            pl.BlockSpec((1, f_in), lambda i: (0, 0)),
            pl.BlockSpec((f_in, f_out), lambda i: (0, 0)),
        ],
        out_specs=pl.BlockSpec((c_out, _RB, 128), lambda i: (0, i, 0)),
        out_shape=jax.ShapeDtypeStruct((c_out, _NP, 128), jnp.float32),
    )(acc3, deg3, brow, w)


def _tc_final(acc3, deg3, b4r, batch2, vector, c1, cb1r, c2, cb2r, c3p, cb3r):
    nsteps = _N // _RB

    def body(acc_ref, deg_ref, b_ref, bat_ref, vec_ref, c1_ref, cb1_ref,
             c2_ref, cb2_ref, c3_ref, cb3_ref, out_ref, sums, cnt):
        i = pl.program_id(0)

        @pl.when(i == 0)
        def _init():
            sums[...] = jnp.zeros((_B, 256), jnp.float32)
            cnt[...] = jnp.zeros((_B, 8), jnp.float32)

        dinv = _dinv_of(deg_ref)
        h = jnp.concatenate([acc_ref[c] for c in range(2)], axis=1)
        h = h * dinv + b_ref[0, :]
        oh = (bat_ref[:, 0:1] ==
              lax.broadcasted_iota(jnp.int32, (_RB, _B), 1)).astype(jnp.float32)
        dn = (((0,), (0,)), ((), ()))
        sums[...] += lax.dot_general(oh, h, dn,
                                     preferred_element_type=jnp.float32)
        cnt[...] += lax.dot_general(oh, jnp.ones((_RB, 8), jnp.float32), dn,
                                    preferred_element_type=jnp.float32)

        @pl.when(i == nsteps - 1)
        def _fin():
            pool = sums[...] / jnp.maximum(cnt[:, 0:1], 1.0)
            nrm = jnp.maximum(
                jnp.sqrt(jnp.sum(pool * pool, axis=1, keepdims=True)), 1e-12)
            emb = pool / nrm
            z = jnp.dot(emb, c1_ref[0:256, :],
                        preferred_element_type=jnp.float32)
            z += jnp.dot(vec_ref[...], c1_ref[256:512, :],
                         preferred_element_type=jnp.float32)
            z = jnp.maximum(z + cb1_ref[0, :], 0.0)
            z = jnp.maximum(
                jnp.dot(z, c2_ref[...], preferred_element_type=jnp.float32)
                + cb2_ref[0, :], 0.0)
            z = jnp.dot(z, c3_ref[...], preferred_element_type=jnp.float32)
            out_ref[...] = jax.nn.sigmoid(z + cb3_ref[0, :])

    return pl.pallas_call(
        body,
        grid=(nsteps,),
        in_specs=[
            pl.BlockSpec((2, _RB, 128), lambda i: (0, i, 0)),
            pl.BlockSpec((2, _RB, 16), lambda i: (0, i, 0)),
            pl.BlockSpec((1, 256), lambda i: (0, 0)),
            pl.BlockSpec((_RB, 1), lambda i: (i, 0)),
            pl.BlockSpec((_B, 256), lambda i: (0, 0)),
            pl.BlockSpec((512, 256), lambda i: (0, 0)),
            pl.BlockSpec((1, 256), lambda i: (0, 0)),
            pl.BlockSpec((256, 64), lambda i: (0, 0)),
            pl.BlockSpec((1, 64), lambda i: (0, 0)),
            pl.BlockSpec((64, 128), lambda i: (0, 0)),
            pl.BlockSpec((1, 128), lambda i: (0, 0)),
        ],
        out_specs=pl.BlockSpec((_B, 128), lambda i: (0, 0)),
        out_shape=jax.ShapeDtypeStruct((_B, 128), jnp.float32),
        scratch_shapes=[
            pltpu.VMEM((_B, 256), jnp.float32),
            pltpu.VMEM((_B, 8), jnp.float32),
        ],
    )(acc3, deg3, b4r, batch2, vector, c1, cb1r, c2, cb2r, c3p, cb3r)


def kernel(x, edge_index, batch, vector, W1, b1, W2, b2, W3, b3, W4, b4,
           C1, cb1, C2, cb2, C3, cb3):
    src = edge_index[0]
    dst = edge_index[1]
    pad = jnp.full((_EP - _E,), _N, jnp.int32)
    srcp = jnp.concatenate([src, pad])
    dstp = jnp.concatenate([dst, pad])

    dst16 = dstp.reshape(16, _NB, _K)
    dst32 = dstp.reshape(32, _NBD, _K)
    off4 = (jnp.arange(4, dtype=jnp.int32) * _NP)[:, None]
    off2 = (jnp.arange(2, dtype=jnp.int32) * _NP)[:, None]
    srcoff4 = (srcp[None, :] + off4).reshape(4 * 16, _NB, _K)
    srcoff2 = (srcp[None, :] + off2).reshape(2 * 16, _NB, _K)

    zer = jnp.zeros((_RPT, 16), jnp.float32)
    ones = jnp.ones((_K, 16), jnp.float32)
    deg3 = _sc_degree(dst32, zer, ones).reshape(2, _NP, 16)

    u1 = _tc_layer1(x, deg3, W1)
    s1 = _sc_propagate(4, u1.reshape(4 * _NP, 128), srcoff4, dst16)
    u2 = _tc_layer(s1.reshape(4, _NP, 128), deg3, b1.reshape(1, 512), W2, 4, 4)
    s2 = _sc_propagate(4, u2.reshape(4 * _NP, 128), srcoff4, dst16)
    u3 = _tc_layer(s2.reshape(4, _NP, 128), deg3, b2.reshape(1, 512), W3, 4, 4)
    s3 = _sc_propagate(4, u3.reshape(4 * _NP, 128), srcoff4, dst16)
    u4 = _tc_layer(s3.reshape(4, _NP, 128), deg3, b3.reshape(1, 512), W4, 4, 2)
    s4 = _sc_propagate(2, u4.reshape(2 * _NP, 128), srcoff2, dst16)

    c3p = jnp.pad(C3, ((0, 0), (0, 127)))
    cb3r = jnp.pad(cb3, (0, 127)).reshape(1, 128)
    zfull = _tc_final(s4.reshape(2, _NP, 128), deg3, b4.reshape(1, 256),
                      batch.reshape(_N, 1), vector, C1, cb1.reshape(1, 256),
                      C2, cb2.reshape(1, 64), c3p, cb3r)
    return zfull[:, :1]

# --- scband reference (transcript-rebuilt; emitter-appended) ---
"""Pipeline reference for scband-tox-dl-gcn-network-16381005267403 (READ-ONLY COPY).

The authoritative reference and input builder live on the scoring server;
editing this copy changes nothing except your own understanding.
"""

import jax, jax.numpy as jnp
import numpy as np

N = 10000
E = 160000
B = 64


def _glorot(k, shape):
    lim = (6.0 / (shape[0] + shape[1])) ** 0.5
    return jax.random.uniform(k, shape, minval=-lim, maxval=lim, dtype=jnp.float32)


def setup_inputs(seed: int = 0) -> dict:
    key = jax.random.key(seed)
    ks = jax.random.split(key, 16)
    inp = {}
    inp["x"] = jax.random.normal(ks[0], (N, 1280), dtype=jnp.float32)
    inp["edge_index"] = jax.random.randint(ks[1], (2, E), 0, N, dtype=jnp.int32)
    inp["batch"] = jnp.sort(jax.random.randint(ks[2], (N,), 0, B, dtype=jnp.int32))
    inp["vector"] = jax.random.normal(ks[3], (B, 256), dtype=jnp.float32)
    # GCN layer params (4 layers: 1280->512->512->512->256)
    inp["W1"] = _glorot(ks[4], (1280, 512)); inp["b1"] = jnp.zeros((512,), jnp.float32)
    inp["W2"] = _glorot(ks[5], (512, 512)); inp["b2"] = jnp.zeros((512,), jnp.float32)
    inp["W3"] = _glorot(ks[6], (512, 512)); inp["b3"] = jnp.zeros((512,), jnp.float32)
    inp["W4"] = _glorot(ks[7], (512, 256)); inp["b4"] = jnp.zeros((256,), jnp.float32)
    # combine MLP params (512->256->64->1)
    inp["C1"] = _glorot(ks[8], (512, 256)); inp["cb1"] = jnp.zeros((256,), jnp.float32)
    inp["C2"] = _glorot(ks[9], (256, 64)); inp["cb2"] = jnp.zeros((64,), jnp.float32)
    inp["C3"] = _glorot(ks[10], (64, 1)); inp["cb3"] = jnp.zeros((1,), jnp.float32)
    return inp


def _gcn_conv(x, src, dst, W, b):
    # GCNConv with add_self_loops=True: lin -> sym-normalized scatter-add -> bias
    h = x @ W
    loop = jnp.arange(N, dtype=src.dtype)
    s = jnp.concatenate([src, loop])
    d = jnp.concatenate([dst, loop])
    deg = jnp.zeros((N,), jnp.float32).at[d].add(1.0)
    dinv = jnp.where(deg > 0, deg ** -0.5, 0.0)
    norm = dinv[s] * dinv[d]
    msgs = h[s] * norm[:, None]
    out = jnp.zeros((N, h.shape[1]), jnp.float32).at[d].add(msgs)
    return out + b


def _forward(x, edge_index, batch, vector, W1, b1, W2, b2, W3, b3, W4, b4, C1, cb1, C2, cb2, C3, cb3):
    src, dst = edge_index[0], edge_index[1]
    h = jax.nn.relu(_gcn_conv(x, src, dst, W1, b1))  # dropout is identity in eval
    h = jax.nn.relu(_gcn_conv(h, src, dst, W2, b2))
    h = jax.nn.relu(_gcn_conv(h, src, dst, W3, b3))
    h = _gcn_conv(h, src, dst, W4, b4)
    # global mean pool over graphs
    sums = jax.ops.segment_sum(h, batch, num_segments=B)
    cnt = jax.ops.segment_sum(jnp.ones((N,), jnp.float32), batch, num_segments=B)
    pool = sums / jnp.maximum(cnt, 1.0)[:, None]
    # F.normalize(dim=1)
    nrm = jnp.maximum(jnp.linalg.norm(pool, axis=1, keepdims=True), 1e-12)
    emb = pool / nrm
    combined = jnp.concatenate([emb, vector], axis=1)
    z = jax.nn.relu(combined @ C1 + cb1)
    z = jax.nn.relu(z @ C2 + cb2)
    z = jax.nn.sigmoid(z @ C3 + cb3)
    return z


def reference(x, edge_index, batch, vector, W1, b1, W2, b2, W3, b3, W4, b4, C1, cb1, C2, cb2, C3, cb3):
    return _forward(x, edge_index, batch, vector, W1, b1, W2, b2, W3, b3, W4, b4, C1, cb1, C2, cb2, C3, cb3)

if __name__ == "__main__":
    import jax
    _d = setup_inputs()
    print(jax.jit(kernel)(*tuple(_d.values())))

</pallas_src>

<mosaic_0001>
#map = affine_map<(d0, d1) -> (0, 0)>
#map1 = affine_map<(d0, d1) -> (0, 0, 0)>
module attributes {stable_mosaic.version = 14 : i64} {
  func.func @prop_kernel(%arg0: i32, %arg1: i32, %arg2: memref<40448x128xf32, #tpu.memory_space<hbm>>, %arg3: memref<64x80x128xi32, #tpu.memory_space<hbm>>, %arg4: memref<16x80x128xi32, #tpu.memory_space<hbm>>, %arg5: memref<40448x128xf32, #tpu.memory_space<hbm>>, %arg6: memref<40x128xi32, #tpu.memory_space<vmem>>, %arg7: memref<40x128xi32, #tpu.memory_space<vmem>>, %arg8: memref<128x128xf32, #tpu.memory_space<vmem>>, %arg9: memref<128x128xf32, #tpu.memory_space<vmem>>, %arg10: memref<10112x128xf32, #tpu.memory_space<vmem_shared>>, %arg11: memref<!tpu.dma_semaphore, #tpu.memory_space<semaphore_mem>>, %arg12: memref<!tpu.dma_semaphore, #tpu.memory_space<semaphore_mem>>, %arg13: memref<!tpu.dma_semaphore, #tpu.memory_space<semaphore_mem>>, %arg14: memref<!tpu.dma_semaphore, #tpu.memory_space<semaphore_mem>>) attributes {dimension_semantics = [#tpu.dimension_semantics<core_parallel>, #tpu.dimension_semantics<subcore_parallel>], iteration_bounds = array<i64: 2, 16>, scalar_prefetch = 0 : i64, scratch_operands = 9 : i64, tpu.core_type = #tpu.core_type<sc_vector_subcore>, window_params = [{transform_indices = #map}, {transform_indices = #map1}, {transform_indices = #map1}, {transform_indices = #map}]} {
    %mul3A = arith.constant 632 : i32
    %mul3A_0 = arith.muli %arg1, %mul3A : i32
    %mul3A_1 = arith.constant 2 : i32
    %mul3A_2 = arith.muli %arg0, %mul3A_1 : i32
    %add3A = arith.constant 0 : i32
    %add3A_3 = arith.addi %mul3A_2, %add3A : i32
    %mul3A_4 = arith.constant 10112 : i32
    %mul3A_5 = arith.muli %add3A_3, %mul3A_4 : i32
    %add3A_6 = arith.addi %mul3A_5, %mul3A_0 : i32
    "tpu.region"() ({
      %run_scoped3A = tpu.sem_alloc : memref<!tpu.dma_semaphore, #tpu.memory_space<semaphore_mem>>
      %dma_start3A = arith.constant 0 : i32
      %dma_start3A_111 = tpu.memref_slice %arg10[%mul3A_0, %dma_start3A] : memref<10112x128xf32, #tpu.memory_space<vmem_shared>> -> memref<632x128xf32, #tpu.memory_space<vmem_shared>>
      %dma_start3A_112 = arith.constant 0 : i32
      %dma_start3A_113 = tpu.memref_slice %arg2[%add3A_6, %dma_start3A_112] : memref<40448x128xf32, #tpu.memory_space<hbm>> -> memref<632x128xf32, #tpu.memory_space<hbm>>
      tpu.enqueue_dma source(%dma_start3A_113 : memref<632x128xf32, #tpu.memory_space<hbm>>) target(%dma_start3A_111 : memref<632x128xf32, #tpu.memory_space<vmem_shared>>) target_semaphore(%run_scoped3A : memref<!tpu.dma_semaphore, #tpu.memory_space<semaphore_mem>>)
      %dma_wait3A_114 = arith.constant 0 : i32
      %dma_wait3A_115 = tpu.memref_slice %arg10[%mul3A_0, %dma_wait3A_114] : memref<10112x128xf32, #tpu.memory_space<vmem_shared>> -> memref<632x128xf32, #tpu.memory_space<vmem_shared>>
      %dma_wait3A_116 = arith.constant 0 : i32
      %dma_wait3A_117 = tpu.memref_slice %arg2[%add3A_6, %dma_wait3A_116] : memref<40448x128xf32, #tpu.memory_space<hbm>> -> memref<632x128xf32, #tpu.memory_space<hbm>>
      tpu.wait_dma2 semaphore(%run_scoped3A : memref<!tpu.dma_semaphore, #tpu.memory_space<semaphore_mem>>) src(%dma_wait3A_117 : memref<632x128xf32, #tpu.memory_space<hbm>>) dst(%dma_wait3A_115 : memref<632x128xf32, #tpu.memory_space<vmem_shared>>)
      tpu.yield
    }) : () -> ()
    %barrier3A = arith.constant 0 : index
    tpu.barrier barrier_id(%barrier3A)
    %mul3A_7 = arith.constant 16 : i32
    %mul3A_8 = arith.muli %add3A_3, %mul3A_7 : i32
    %add3A_9 = arith.addi %mul3A_8, %arg1 : i32
    "tpu.region"() ({
      %run_scoped3A = tpu.sem_alloc : memref<!tpu.dma_semaphore, #tpu.memory_space<semaphore_mem>>
      %dma_start3A = arith.constant 0 : i32
      %dma_start3A_111 = arith.constant 0 : i32
      %dma_start3A_112 = tpu.memref_slice %arg3[%add3A_9, %dma_start3A, %dma_start3A_111] : memref<64x80x128xi32, #tpu.memory_space<hbm>> -> memref<1x40x128xi32, #tpu.memory_space<hbm>>
      %dma_start3A_113 = tpu.memref_squeeze %dma_start3A_112 : memref<1x40x128xi32, #tpu.memory_space<hbm>> -> memref<40x128xi32, #tpu.memory_space<hbm>>
      %dma_start3A_114 = arith.constant 0 : i32
      %dma_start3A_115 = arith.constant 0 : i32
      %dma_start3A_116 = tpu.memref_slice %arg3[%add3A_9, %dma_start3A_114, %dma_start3A_115] : memref<64x80x128xi32, #tpu.memory_space<hbm>> -> memref<1x40x128xi32, #tpu.memory_space<hbm>>
      %dma_start3A_117 = tpu.memref_squeeze %dma_start3A_116 : memref<1x40x128xi32, #tpu.memory_space<hbm>> -> memref<40x128xi32, #tpu.memory_space<hbm>>
      tpu.enqueue_dma source(%dma_start3A_117 : memref<40x128xi32, #tpu.memory_space<hbm>>) target(%arg6 : memref<40x128xi32, #tpu.memory_space<vmem>>) target_semaphore(%run_scoped3A : memref<!tpu.dma_semaphore, #tpu.memory_space<semaphore_mem>>)
      %dma_wait3A_118 = arith.constant 0 : i32
      %dma_wait3A_119 = arith.constant 0 : i32
      %dma_wait3A_120 = tpu.memref_slice %arg3[%add3A_9, %dma_wait3A_118, %dma_wait3A_119] : memref<64x80x128xi32, #tpu.memory_space<hbm>> -> memref<1x40x128xi32, #tpu.memory_space<hbm>>
      %dma_wait3A_121 = tpu.memref_squeeze %dma_wait3A_120 : memref<1x40x128xi32, #tpu.memory_space<hbm>> -> memref<40x128xi32, #tpu.memory_space<hbm>>
      %dma_wait3A_122 = arith.constant 0 : i32
      %dma_wait3A_123 = arith.constant 0 : i32
      %dma_wait3A_124 = tpu.memref_slice %arg3[%add3A_9, %dma_wait3A_122, %dma_wait3A_123] : memref<64x80x128xi32, #tpu.memory_space<hbm>> -> memref<1x40x128xi32, #tpu.memory_space<hbm>>
      %dma_wait3A_125 = tpu.memref_squeeze %dma_wait3A_124 : memref<1x40x128xi32, #tpu.memory_space<hbm>> -> memref<40x128xi32, #tpu.memory_space<hbm>>
      tpu.wait_dma2 semaphore(%run_scoped3A : memref<!tpu.dma_semaphore, #tpu.memory_space<semaphore_mem>>) src(%dma_wait3A_125 : memref<40x128xi32, #tpu.memory_space<hbm>>) dst(%arg6 : memref<40x128xi32, #tpu.memory_space<vmem>>)
      tpu.yield
    }) : () -> ()
    "tpu.region"() ({
      %run_scoped3A = tpu.sem_alloc : memref<!tpu.dma_semaphore, #tpu.memory_space<semaphore_mem>>
      %dma_start3A = arith.constant 0 : i32
      %dma_start3A_111 = arith.constant 0 : i32
      %dma_start3A_112 = tpu.memref_slice %arg4[%arg1, %dma_start3A, %dma_start3A_111] : memref<16x80x128xi32, #tpu.memory_space<hbm>> -> memref<1x40x128xi32, #tpu.memory_space<hbm>>
      %dma_start3A_113 = tpu.memref_squeeze %dma_start3A_112 : memref<1x40x128xi32, #tpu.memory_space<hbm>> -> memref<40x128xi32, #tpu.memory_space<hbm>>
      %dma_start3A_114 = arith.constant 0 : i32
      %dma_start3A_115 = arith.constant 0 : i32
      %dma_start3A_116 = tpu.memref_slice %arg4[%arg1, %dma_start3A_114, %dma_start3A_115] : memref<16x80x128xi32, #tpu.memory_space<hbm>> -> memref<1x40x128xi32, #tpu.memory_space<hbm>>
      %dma_start3A_117 = tpu.memref_squeeze %dma_start3A_116 : memref<1x40x128xi32, #tpu.memory_space<hbm>> -> memref<40x128xi32, #tpu.memory_space<hbm>>
      tpu.enqueue_dma source(%dma_start3A_117 : memref<40x128xi32, #tpu.memory_space<hbm>>) target(%arg7 : memref<40x128xi32, #tpu.memory_space<vmem>>) target_semaphore(%run_scoped3A : memref<!tpu.dma_semaphore, #tpu.memory_space<semaphore_mem>>)
      %dma_wait3A_118 = arith.constant 0 : i32
      %dma_wait3A_119 = arith.constant 0 : i32
      %dma_wait3A_120 = tpu.memref_slice %arg4[%arg1, %dma_wait3A_118, %dma_wait3A_119] : memref<16x80x128xi32, #tpu.memory_space<hbm>> -> memref<1x40x128xi32, #tpu.memory_space<hbm>>
      %dma_wait3A_121 = tpu.memref_squeeze %dma_wait3A_120 : memref<1x40x128xi32, #tpu.memory_space<hbm>> -> memref<40x128xi32, #tpu.memory_space<hbm>>
      %dma_wait3A_122 = arith.constant 0 : i32
      %dma_wait3A_123 = arith.constant 0 : i32
      %dma_wait3A_124 = tpu.memref_slice %arg4[%arg1, %dma_wait3A_122, %dma_wait3A_123] : memref<16x80x128xi32, #tpu.memory_space<hbm>> -> memref<1x40x128xi32, #tpu.memory_space<hbm>>
      %dma_wait3A_125 = tpu.memref_squeeze %dma_wait3A_124 : memref<1x40x128xi32, #tpu.memory_space<hbm>> -> memref<40x128xi32, #tpu.memory_space<hbm>>
      tpu.wait_dma2 semaphore(%run_scoped3A : memref<!tpu.dma_semaphore, #tpu.memory_space<semaphore_mem>>) src(%dma_wait3A_125 : memref<40x128xi32, #tpu.memory_space<hbm>>) dst(%arg7 : memref<40x128xi32, #tpu.memory_space<vmem>>)
      tpu.yield
    }) : () -> ()
    %scan3A = arith.constant 0 : i32
    %scan3A_10 = arith.constant 0 : i32
    %scan3A_11 = arith.constant 21 : i32
    %scan3A_12 = arith.addi %scan3A_10, %scan3A_11 : i32
    %scan3A_13 = arith.constant 1 : i32
    scf.for %scan3A_111 = %scan3A_10 to %scan3A_12 step %scan3A_13  : i32 {
      %mul3A_112 = arith.constant 2 : i32
      %mul3A_113 = arith.muli %scan3A_111, %mul3A_112 : i32
      %add3A_114 = arith.constant 0 : i32
      %add3A_115 = arith.addi %mul3A_113, %add3A_114 : i32
      %lt3A = arith.constant 40 : i32
      %lt3A_116 = arith.cmpi slt, %add3A_115, %lt3A : i32
      %convert_element_type3A = arith.extui %lt3A_116 : i1 to i32
      %cond3A = arith.constant 0 : i32
      %cond3A_117 = arith.cmpi ne, %convert_element_type3A, %cond3A : i32
      scf.if %cond3A_117 {
        %ge3A_144 = arith.constant 2 : i32
        %ge3A_145 = arith.cmpi sge, %add3A_115, %ge3A_144 : i32
        %convert_element_type3A_146 = arith.extui %ge3A_145 : i1 to i32
        %cond3A_147 = arith.constant 0 : i32
        %cond3A_148 = arith.cmpi ne, %convert_element_type3A_146, %cond3A_147 : i32
        scf.if %cond3A_148 {
          %sub3A_154 = arith.constant 2 : i32
          %sub3A_155 = arith.subi %add3A_115, %sub3A_154 : i32
          %dma_wait3A_156 = arith.constant 0 : i32
          %dma_wait3A_157 = tpu.memref_slice %arg7[%sub3A_155, %dma_wait3A_156] : memref<40x128xi32, #tpu.memory_space<vmem>> -> memref<1x128xi32, #tpu.memory_space<vmem>>
          %dma_wait3A_158 = tpu.memref_squeeze %dma_wait3A_157 : memref<1x128xi32, #tpu.memory_space<vmem>> -> memref<128xi32, #tpu.memory_space<vmem>>
          %dma_wait3A_159 = arith.constant 0 : i32
          %dma_wait3A_160 = arith.constant 0 : i32
          %dma_wait3A_161 = tpu.memref_slice %arg10[%dma_wait3A_159, %dma_wait3A_160] : memref<10112x128xf32, #tpu.memory_space<vmem_shared>> -> memref<10112x128xf32, #tpu.memory_space<vmem_shared>>
          tpu.wait_indirect_dma semaphore(%arg13 : memref<!tpu.dma_semaphore, #tpu.memory_space<semaphore_mem>>) src(%arg8 : memref<128x128xf32, #tpu.memory_space<vmem>>) dst(%dma_wait3A_161 : memref<10112x128xf32, #tpu.memory_space<vmem_shared>>)
        } else {
        }
        %dma_start3A = arith.constant 0 : i32
        %dma_start3A_149 = tpu.memref_slice %arg6[%add3A_115, %dma_start3A] : memref<40x128xi32, #tpu.memory_space<vmem>> -> memref<1x128xi32, #tpu.memory_space<vmem>>
        %dma_start3A_150 = tpu.memref_squeeze %dma_start3A_149 : memref<1x128xi32, #tpu.memory_space<vmem>> -> memref<128xi32, #tpu.memory_space<vmem>>
        %dma_start3A_151 = arith.constant 0 : i32
        %dma_start3A_152 = arith.constant 0 : i32
        %dma_start3A_153 = tpu.memref_slice %arg2[%dma_start3A_151, %dma_start3A_152] : memref<40448x128xf32, #tpu.memory_space<hbm>> -> memref<40448x128xf32, #tpu.memory_space<hbm>>
        tpu.enqueue_indirect_dma source(%dma_start3A_153 : memref<40448x128xf32, #tpu.memory_space<hbm>>) target(%arg8 : memref<128x128xf32, #tpu.memory_space<vmem>>) offsets(%dma_start3A_150 : memref<128xi32, #tpu.memory_space<vmem>>) semaphore(%arg11 : memref<!tpu.dma_semaphore, #tpu.memory_space<semaphore_mem>>)
      } else {
      }
      %sub3A = arith.constant 1 : i32
      %sub3A_118 = arith.subi %add3A_115, %sub3A : i32
      %ge3A = arith.constant 0 : i32
      %ge3A_119 = arith.cmpi sge, %sub3A_118, %ge3A : i32
      %lt3A_120 = arith.constant 40 : i32
      %lt3A_121 = arith.cmpi slt, %sub3A_118, %lt3A_120 : i32
      %and3A = arith.andi %ge3A_119, %lt3A_121 : i1
      %convert_element_type3A_122 = arith.extui %and3A : i1 to i32
      %cond3A_123 = arith.constant 0 : i32
      %cond3A_124 = arith.cmpi ne, %convert_element_type3A_122, %cond3A_123 : i32
      scf.if %cond3A_124 {
        %dma_wait3A_144 = arith.constant 0 : i32
        %dma_wait3A_145 = tpu.memref_slice %arg6[%sub3A_118, %dma_wait3A_144] : memref<40x128xi32, #tpu.memory_space<vmem>> -> memref<1x128xi32, #tpu.memory_space<vmem>>
        %dma_wait3A_146 = tpu.memref_squeeze %dma_wait3A_145 : memref<1x128xi32, #tpu.memory_space<vmem>> -> memref<128xi32, #tpu.memory_space<vmem>>
        %dma_wait3A_147 = arith.constant 0 : i32
        %dma_wait3A_148 = arith.constant 0 : i32
        %dma_wait3A_149 = tpu.memref_slice %arg2[%dma_wait3A_147, %dma_wait3A_148] : memref<40448x128xf32, #tpu.memory_space<hbm>> -> memref<40448x128xf32, #tpu.memory_space<hbm>>
        tpu.wait_indirect_dma semaphore(%arg12 : memref<!tpu.dma_semaphore, #tpu.memory_space<semaphore_mem>>) src(%dma_wait3A_149 : memref<40448x128xf32, #tpu.memory_space<hbm>>) dst(%arg9 : memref<128x128xf32, #tpu.memory_space<vmem>>)
        %dma_start3A = arith.constant 0 : i32
        %dma_start3A_150 = tpu.memref_slice %arg7[%sub3A_118, %dma_start3A] : memref<40x128xi32, #tpu.memory_space<vmem>> -> memref<1x128xi32, #tpu.memory_space<vmem>>
        %dma_start3A_151 = tpu.memref_squeeze %dma_start3A_150 : memref<1x128xi32, #tpu.memory_space<vmem>> -> memref<128xi32, #tpu.memory_space<vmem>>
        %dma_start3A_152 = arith.constant 0 : i32
        %dma_start3A_153 = arith.constant 0 : i32
        %dma_start3A_154 = tpu.memref_slice %arg10[%dma_start3A_152, %dma_start3A_153] : memref<10112x128xf32, #tpu.memory_space<vmem_shared>> -> memref<10112x128xf32, #tpu.memory_space<vmem_shared>>
        tpu.enqueue_indirect_dma source(%arg9 : memref<128x128xf32, #tpu.memory_space<vmem>>) target(%dma_start3A_154 : memref<10112x128xf32, #tpu.memory_space<vmem_shared>>) offsets(%dma_start3A_151 : memref<128xi32, #tpu.memory_space<vmem>>) semaphore(%arg14 : memref<!tpu.dma_semaphore, #tpu.memory_space<semaphore_mem>>) {add = true}
      } else {
      }
      %mul3A_125 = arith.constant 2 : i32
      %mul3A_126 = arith.muli %scan3A_111, %mul3A_125 : i32
      %add3A_127 = arith.constant 1 : i32
      %add3A_128 = arith.addi %mul3A_126, %add3A_127 : i32
      %lt3A_129 = arith.constant 40 : i32
      %lt3A_130 = arith.cmpi slt, %add3A_128, %lt3A_129 : i32
      %convert_element_type3A_131 = arith.extui %lt3A_130 : i1 to i32
      %cond3A_132 = arith.constant 0 : i32
      %cond3A_133 = arith.cmpi ne, %convert_element_type3A_131, %cond3A_132 : i32
      scf.if %cond3A_133 {
        %ge3A_144 = arith.constant 2 : i32
        %ge3A_145 = arith.cmpi sge, %add3A_128, %ge3A_144 : i32
        %convert_element_type3A_146 = arith.extui %ge3A_145 : i1 to i32
        %cond3A_147 = arith.constant 0 : i32
        %cond3A_148 = arith.cmpi ne, %convert_element_type3A_146, %cond3A_147 : i32
        scf.if %cond3A_148 {
          %sub3A_154 = arith.constant 2 : i32
          %sub3A_155 = arith.subi %add3A_128, %sub3A_154 : i32
          %dma_wait3A_156 = arith.constant 0 : i32
          %dma_wait3A_157 = tpu.memref_slice %arg7[%sub3A_155, %dma_wait3A_156] : memref<40x128xi32, #tpu.memory_space<vmem>> -> memref<1x128xi32, #tpu.memory_space<vmem>>
          %dma_wait3A_158 = tpu.memref_squeeze %dma_wait3A_157 : memref<1x128xi32, #tpu.memory_space<vmem>> -> memref<128xi32, #tpu.memory_space<vmem>>
          %dma_wait3A_159 = arith.constant 0 : i32
          %dma_wait3A_160 = arith.constant 0 : i32
          %dma_wait3A_161 = tpu.memref_slice %arg10[%dma_wait3A_159, %dma_wait3A_160] : memref<10112x128xf32, #tpu.memory_space<vmem_shared>> -> memref<10112x128xf32, #tpu.memory_space<vmem_shared>>
          tpu.wait_indirect_dma semaphore(%arg14 : memref<!tpu.dma_semaphore, #tpu.memory_space<semaphore_mem>>) src(%arg9 : memref<128x128xf32, #tpu.memory_space<vmem>>) dst(%dma_wait3A_161 : memref<10112x128xf32, #tpu.memory_space<vmem_shared>>)
        } else {
        }
        %dma_start3A = arith.constant 0 : i32
        %dma_start3A_149 = tpu.memref_slice %arg6[%add3A_128, %dma_start3A] : memref<40x128xi32, #tpu.memory_space<vmem>> -> memref<1x128xi32, #tpu.memory_space<vmem>>
        %dma_start3A_150 = tpu.memref_squeeze %dma_start3A_149 : memref<1x128xi32, #tpu.memory_space<vmem>> -> memref<128xi32, #tpu.memory_space<vmem>>
        %dma_start3A_151 = arith.constant 0 : i32
        %dma_start3A_152 = arith.constant 0 : i32
        %dma_start3A_153 = tpu.memref_slice %arg2[%dma_start3A_151, %dma_start3A_152] : memref<40448x128xf32, #tpu.memory_space<hbm>> -> memref<40448x128xf32, #tpu.memory_space<hbm>>
        tpu.enqueue_indirect_dma source(%dma_start3A_153 : memref<40448x128xf32, #tpu.memory_space<hbm>>) target(%arg9 : memref<128x128xf32, #tpu.memory_space<vmem>>) offsets(%dma_start3A_150 : memref<128xi32, #tpu.memory_space<vmem>>) semaphore(%arg12 : memref<!tpu.dma_semaphore, #tpu.memory_space<semaphore_mem>>)
      } else {
      }
      %sub3A_134 = arith.constant 1 : i32
      %sub3A_135 = arith.subi %add3A_128, %sub3A_134 : i32
      %ge3A_136 = arith.constant 0 : i32
      %ge3A_137 = arith.cmpi sge, %sub3A_135, %ge3A_136 : i32
      %lt3A_138 = arith.constant 40 : i32
      %lt3A_139 = arith.cmpi slt, %sub3A_135, %lt3A_138 : i32
      %and3A_140 = arith.andi %ge3A_137, %lt3A_139 : i1
      %convert_element_type3A_141 = arith.extui %and3A_140 : i1 to i32
      %cond3A_142 = arith.constant 0 : i32
      %cond3A_143 = arith.cmpi ne, %convert_element_type3A_141, %cond3A_142 : i32
      scf.if %cond3A_143 {
        %dma_wait3A_144 = arith.constant 0 : i32
        %dma_wait3A_145 = tpu.memref_slice %arg6[%sub3A_135, %dma_wait3A_144] : memref<40x128xi32, #tpu.memory_space<vmem>> -> memref<1x128xi32, #tpu.memory_space<vmem>>
        %dma_wait3A_146 = tpu.memref_squeeze %dma_wait3A_145 : memref<1x128xi32, #tpu.memory_space<vmem>> -> memref<128xi32, #tpu.memory_space<vmem>>
        %dma_wait3A_147 = arith.constant 0 : i32
        %dma_wait3A_148 = arith.constant 0 : i32
        %dma_wait3A_149 = tpu.memref_slice %arg2[%dma_wait3A_147, %dma_wait3A_148] : memref<40448x128xf32, #tpu.memory_space<hbm>> -> memref<40448x128xf32, #tpu.memory_space<hbm>>
        tpu.wait_indirect_dma semaphore(%arg11 : memref<!tpu.dma_semaphore, #tpu.memory_space<semaphore_mem>>) src(%dma_wait3A_149 : memref<40448x128xf32, #tpu.memory_space<hbm>>) dst(%arg8 : memref<128x128xf32, #tpu.memory_space<vmem>>)
        %dma_start3A = arith.constant 0 : i32
        %dma_start3A_150 = tpu.memref_slice %arg7[%sub3A_135, %dma_start3A] : memref<40x128xi32, #tpu.memory_space<vmem>> -> memref<1x128xi32, #tpu.memory_space<vmem>>
        %dma_start3A_151 = tpu.memref_squeeze %dma_start3A_150 : memref<1x128xi32, #tpu.memory_space<vmem>> -> memref<128xi32, #tpu.memory_space<vmem>>
        %dma_start3A_152 = arith.constant 0 : i32
        %dma_start3A_153 = arith.constant 0 : i32
        %dma_start3A_154 = tpu.memref_slice %arg10[%dma_start3A_152, %dma_start3A_153] : memref<10112x128xf32, #tpu.memory_space<vmem_shared>> -> memref<10112x128xf32, #tpu.memory_space<vmem_shared>>
        tpu.enqueue_indirect_dma source(%arg8 : memref<128x128xf32, #tpu.memory_space<vmem>>) target(%dma_start3A_154 : memref<10112x128xf32, #tpu.memory_space<vmem_shared>>) offsets(%dma_start3A_151 : memref<128xi32, #tpu.memory_space<vmem>>) semaphore(%arg13 : memref<!tpu.dma_semaphore, #tpu.memory_space<semaphore_mem>>) {add = true}
      } else {
      }
    }
    %scan3A_14 = arith.constant 21 : i32
    %dma_wait3A = arith.constant 38 : i32
    %dma_wait3A_15 = arith.constant 0 : i32
    %dma_wait3A_16 = tpu.memref_slice %arg7[%dma_wait3A, %dma_wait3A_15] : memref<40x128xi32, #tpu.memory_space<vmem>> -> memref<1x128xi32, #tpu.memory_space<vmem>>
    %dma_wait3A_17 = tpu.memref_squeeze %dma_wait3A_16 : memref<1x128xi32, #tpu.memory_space<vmem>> -> memref<128xi32, #tpu.memory_space<vmem>>
    %dma_wait3A_18 = arith.constant 0 : i32
    %dma_wait3A_19 = arith.constant 0 : i32
    %dma_wait3A_20 = tpu.memref_slice %arg10[%dma_wait3A_18, %dma_wait3A_19] : memref<10112x128xf32, #tpu.memory_space<vmem_shared>> -> memref<10112x128xf32, #tpu.memory_space<vmem_shared>>
    tpu.wait_indirect_dma semaphore(%arg13 : memref<!tpu.dma_semaphore, #tpu.memory_space<semaphore_mem>>) src(%arg8 : memref<128x128xf32, #tpu.memory_space<vmem>>) dst(%dma_wait3A_20 : memref<10112x128xf32, #tpu.memory_space<vmem_shared>>)
    %dma_wait3A_21 = arith.constant 39 : i32
    %dma_wait3A_22 = arith.constant 0 : i32
    %dma_wait3A_23 = tpu.memref_slice %arg7[%dma_wait3A_21, %dma_wait3A_22] : memref<40x128xi32, #tpu.memory_space<vmem>> -> memref<1x128xi32, #tpu.memory_space<vmem>>
    %dma_wait3A_24 = tpu.memref_squeeze %dma_wait3A_23 : memref<1x128xi32, #tpu.memory_space<vmem>> -> memref<128xi32, #tpu.memory_space<vmem>>
    %dma_wait3A_25 = arith.constant 0 : i32
    %dma_wait3A_26 = arith.constant 0 : i32
    %dma_wait3A_27 = tpu.memref_slice %arg10[%dma_wait3A_25, %dma_wait3A_26] : memref<10112x128xf32, #tpu.memory_space<vmem_shared>> -> memref<10112x128xf32, #tpu.memory_space<vmem_shared>>
    tpu.wait_indirect_dma semaphore(%arg14 : memref<!tpu.dma_semaphore, #tpu.memory_space<semaphore_mem>>) src(%arg9 : memref<128x128xf32, #tpu.memory_space<vmem>>) dst(%dma_wait3A_27 : memref<10112x128xf32, #tpu.memory_space<vmem_shared>>)
    %mul3A_28 = arith.constant 16 : i32
    %mul3A_29 = arith.muli %add3A_3, %mul3A_28 : i32
    %add3A_30 = arith.addi %mul3A_29, %arg1 : i32
    "tpu.region"() ({
      %run_scoped3A = tpu.sem_alloc : memref<!tpu.dma_semaphore, #tpu.memory_space<semaphore_mem>>
      %dma_start3A = arith.constant 40 : i32
      %dma_start3A_111 = arith.constant 0 : i32
      %dma_start3A_112 = tpu.memref_slice %arg3[%add3A_30, %dma_start3A, %dma_start3A_111] : memref<64x80x128xi32, #tpu.memory_space<hbm>> -> memref<1x40x128xi32, #tpu.memory_space<hbm>>
      %dma_start3A_113 = tpu.memref_squeeze %dma_start3A_112 : memref<1x40x128xi32, #tpu.memory_space<hbm>> -> memref<40x128xi32, #tpu.memory_space<hbm>>
      %dma_start3A_114 = arith.constant 40 : i32
      %dma_start3A_115 = arith.constant 0 : i32
      %dma_start3A_116 = tpu.memref_slice %arg3[%add3A_30, %dma_start3A_114, %dma_start3A_115] : memref<64x80x128xi32, #tpu.memory_space<hbm>> -> memref<1x40x128xi32, #tpu.memory_space<hbm>>
      %dma_start3A_117 = tpu.memref_squeeze %dma_start3A_116 : memref<1x40x128xi32, #tpu.memory_space<hbm>> -> memref<40x128xi32, #tpu.memory_space<hbm>>
      tpu.enqueue_dma source(%dma_start3A_117 : memref<40x128xi32, #tpu.memory_space<hbm>>) target(%arg6 : memref<40x128xi32, #tpu.memory_space<vmem>>) target_semaphore(%run_scoped3A : memref<!tpu.dma_semaphore, #tpu.memory_space<semaphore_mem>>)
      %dma_wait3A_118 = arith.constant 40 : i32
      %dma_wait3A_119 = arith.constant 0 : i32
      %dma_wait3A_120 = tpu.memref_slice %arg3[%add3A_30, %dma_wait3A_118, %dma_wait3A_119] : memref<64x80x128xi32, #tpu.memory_space<hbm>> -> memref<1x40x128xi32, #tpu.memory_space<hbm>>
      %dma_wait3A_121 = tpu.memref_squeeze %dma_wait3A_120 : memref<1x40x128xi32, #tpu.memory_space<hbm>> -> memref<40x128xi32, #tpu.memory_space<hbm>>
      %dma_wait3A_122 = arith.constant 40 : i32
      %dma_wait3A_123 = arith.constant 0 : i32
      %dma_wait3A_124 = tpu.memref_slice %arg3[%add3A_30, %dma_wait3A_122, %dma_wait3A_123] : memref<64x80x128xi32, #tpu.memory_space<hbm>> -> memref<1x40x128xi32, #tpu.memory_space<hbm>>
      %dma_wait3A_125 = tpu.memref_squeeze %dma_wait3A_124 : memref<1x40x128xi32, #tpu.memory_space<hbm>> -> memref<40x128xi32, #tpu.memory_space<hbm>>
      tpu.wait_dma2 semaphore(%run_scoped3A : memref<!tpu.dma_semaphore, #tpu.memory_space<semaphore_mem>>) src(%dma_wait3A_125 : memref<40x128xi32, #tpu.memory_space<hbm>>) dst(%arg6 : memref<40x128xi32, #tpu.memory_space<vmem>>)
      tpu.yield
    }) : () -> ()
    "tpu.region"() ({
      %run_scoped3A = tpu.sem_alloc : memref<!tpu.dma_semaphore, #tpu.memory_space<semaphore_mem>>
      %dma_start3A = arith.constant 40 : i32
      %dma_start3A_111 = arith.constant 0 : i32
      %dma_start3A_112 = tpu.memref_slice %arg4[%arg1, %dma_start3A, %dma_start3A_111] : memref<16x80x128xi32, #tpu.memory_space<hbm>> -> memref<1x40x128xi32, #tpu.memory_space<hbm>>
      %dma_start3A_113 = tpu.memref_squeeze %dma_start3A_112 : memref<1x40x128xi32, #tpu.memory_space<hbm>> -> memref<40x128xi32, #tpu.memory_space<hbm>>
      %dma_start3A_114 = arith.constant 40 : i32
      %dma_start3A_115 = arith.constant 0 : i32
      %dma_start3A_116 = tpu.memref_slice %arg4[%arg1, %dma_start3A_114, %dma_start3A_115] : memref<16x80x128xi32, #tpu.memory_space<hbm>> -> memref<1x40x128xi32, #tpu.memory_space<hbm>>
      %dma_start3A_117 = tpu.memref_squeeze %dma_start3A_116 : memref<1x40x128xi32, #tpu.memory_space<hbm>> -> memref<40x128xi32, #tpu.memory_space<hbm>>
      tpu.enqueue_dma source(%dma_start3A_117 : memref<40x128xi32, #tpu.memory_space<hbm>>) target(%arg7 : memref<40x128xi32, #tpu.memory_space<vmem>>) target_semaphore(%run_scoped3A : memref<!tpu.dma_semaphore, #tpu.memory_space<semaphore_mem>>)
      %dma_wait3A_118 = arith.constant 40 : i32
      %dma_wait3A_119 = arith.constant 0 : i32
      %dma_wait3A_120 = tpu.memref_slice %arg4[%arg1, %dma_wait3A_118, %dma_wait3A_119] : memref<16x80x128xi32, #tpu.memory_space<hbm>> -> memref<1x40x128xi32, #tpu.memory_space<hbm>>
      %dma_wait3A_121 = tpu.memref_squeeze %dma_wait3A_120 : memref<1x40x128xi32, #tpu.memory_space<hbm>> -> memref<40x128xi32, #tpu.memory_space<hbm>>
      %dma_wait3A_122 = arith.constant 40 : i32
      %dma_wait3A_123 = arith.constant 0 : i32
      %dma_wait3A_124 = tpu.memref_slice %arg4[%arg1, %dma_wait3A_122, %dma_wait3A_123] : memref<16x80x128xi32, #tpu.memory_space<hbm>> -> memref<1x40x128xi32, #tpu.memory_space<hbm>>
      %dma_wait3A_125 = tpu.memref_squeeze %dma_wait3A_124 : memref<1x40x128xi32, #tpu.memory_space<hbm>> -> memref<40x128xi32, #tpu.memory_space<hbm>>
      tpu.wait_dma2 semaphore(%run_scoped3A : memref<!tpu.dma_semaphore, #tpu.memory_space<semaphore_mem>>) src(%dma_wait3A_125 : memref<40x128xi32, #tpu.memory_space<hbm>>) dst(%arg7 : memref<40x128xi32, #tpu.memory_space<vmem>>)
      tpu.yield
    }) : () -> ()
    %scan3A_31 = arith.constant 0 : i32
    %scan3A_32 = arith.constant 0 : i32
    %scan3A_33 = arith.constant 21 : i32
    %scan3A_34 = arith.addi %scan3A_32, %scan3A_33 : i32
    %scan3A_35 = arith.constant 1 : i32
    scf.for %scan3A_111 = %scan3A_32 to %scan3A_34 step %scan3A_35  : i32 {
      %mul3A_112 = arith.constant 2 : i32
      %mul3A_113 = arith.muli %scan3A_111, %mul3A_112 : i32
      %add3A_114 = arith.constant 0 : i32
      %add3A_115 = arith.addi %mul3A_113, %add3A_114 : i32
      %lt3A = arith.constant 40 : i32
      %lt3A_116 = arith.cmpi slt, %add3A_115, %lt3A : i32
      %convert_element_type3A = arith.extui %lt3A_116 : i1 to i32
      %cond3A = arith.constant 0 : i32
      %cond3A_117 = arith.cmpi ne, %convert_element_type3A, %cond3A : i32
      scf.if %cond3A_117 {
        %ge3A_144 = arith.constant 2 : i32
        %ge3A_145 = arith.cmpi sge, %add3A_115, %ge3A_144 : i32
        %convert_element_type3A_146 = arith.extui %ge3A_145 : i1 to i32
        %cond3A_147 = arith.constant 0 : i32
        %cond3A_148 = arith.cmpi ne, %convert_element_type3A_146, %cond3A_147 : i32
        scf.if %cond3A_148 {
          %sub3A_154 = arith.constant 2 : i32
          %sub3A_155 = arith.subi %add3A_115, %sub3A_154 : i32
          %dma_wait3A_156 = arith.constant 0 : i32
          %dma_wait3A_157 = tpu.memref_slice %arg7[%sub3A_155, %dma_wait3A_156] : memref<40x128xi32, #tpu.memory_space<vmem>> -> memref<1x128xi32, #tpu.memory_space<vmem>>
          %dma_wait3A_158 = tpu.memref_squeeze %dma_wait3A_157 : memref<1x128xi32, #tpu.memory_space<vmem>> -> memref<128xi32, #tpu.memory_space<vmem>>
          %dma_wait3A_159 = arith.constant 0 : i32
          %dma_wait3A_160 = arith.constant 0 : i32
          %dma_wait3A_161 = tpu.memref_slice %arg10[%dma_wait3A_159, %dma_wait3A_160] : memref<10112x128xf32, #tpu.memory_space<vmem_shared>> -> memref<10112x128xf32, #tpu.memory_space<vmem_shared>>
          tpu.wait_indirect_dma semaphore(%arg13 : memref<!tpu.dma_semaphore, #tpu.memory_space<semaphore_mem>>) src(%arg8 : memref<128x128xf32, #tpu.memory_space<vmem>>) dst(%dma_wait3A_161 : memref<10112x128xf32, #tpu.memory_space<vmem_shared>>)
        } else {
        }
        %dma_start3A = arith.constant 0 : i32
        %dma_start3A_149 = tpu.memref_slice %arg6[%add3A_115, %dma_start3A] : memref<40x128xi32, #tpu.memory_space<vmem>> -> memref<1x128xi32, #tpu.memory_space<vmem>>
        %dma_start3A_150 = tpu.memref_squeeze %dma_start3A_149 : memref<1x128xi32, #tpu.memory_space<vmem>> -> memref<128xi32, #tpu.memory_space<vmem>>
        %dma_start3A_151 = arith.constant 0 : i32
        %dma_start3A_152 = arith.constant 0 : i32
        %dma_start3A_153 = tpu.memref_slice %arg2[%dma_start3A_151, %dma_start3A_152] : memref<40448x128xf32, #tpu.memory_space<hbm>> -> memref<40448x128xf32, #tpu.memory_space<hbm>>
        tpu.enqueue_indirect_dma source(%dma_start3A_153 : memref<40448x128xf32, #tpu.memory_space<hbm>>) target(%arg8 : memref<128x128xf32, #tpu.memory_space<vmem>>) offsets(%dma_start3A_150 : memref<128xi32, #tpu.memory_space<vmem>>) semaphore(%arg11 : memref<!tpu.dma_semaphore, #tpu.memory_space<semaphore_mem>>)
      } else {
      }
      %sub3A = arith.constant 1 : i32
      %sub3A_118 = arith.subi %add3A_115, %sub3A : i32
      %ge3A = arith.constant 0 : i32
      %ge3A_119 = arith.cmpi sge, %sub3A_118, %ge3A : i32
      %lt3A_120 = arith.constant 40 : i32
      %lt3A_121 = arith.cmpi slt, %sub3A_118, %lt3A_120 : i32
      %and3A = arith.andi %ge3A_119, %lt3A_121 : i1
      %convert_element_type3A_122 = arith.extui %and3A : i1 to i32
      %cond3A_123 = arith.constant 0 : i32
      %cond3A_124 = arith.cmpi ne, %convert_element_type3A_122, %cond3A_123 : i32
      scf.if %cond3A_124 {
        %dma_wait3A_144 = arith.constant 0 : i32
        %dma_wait3A_145 = tpu.memref_slice %arg6[%sub3A_118, %dma_wait3A_144] : memref<40x128xi32, #tpu.memory_space<vmem>> -> memref<1x128xi32, #tpu.memory_space<vmem>>
        %dma_wait3A_146 = tpu.memref_squeeze %dma_wait3A_145 : memref<1x128xi32, #tpu.memory_space<vmem>> -> memref<128xi32, #tpu.memory_space<vmem>>
        %dma_wait3A_147 = arith.constant 0 : i32
        %dma_wait3A_148 = arith.constant 0 : i32
        %dma_wait3A_149 = tpu.memref_slice %arg2[%dma_wait3A_147, %dma_wait3A_148] : memref<40448x128xf32, #tpu.memory_space<hbm>> -> memref<40448x128xf32, #tpu.memory_space<hbm>>
        tpu.wait_indirect_dma semaphore(%arg12 : memref<!tpu.dma_semaphore, #tpu.memory_space<semaphore_mem>>) src(%dma_wait3A_149 : memref<40448x128xf32, #tpu.memory_space<hbm>>) dst(%arg9 : memref<128x128xf32, #tpu.memory_space<vmem>>)
        %dma_start3A = arith.constant 0 : i32
        %dma_start3A_150 = tpu.memref_slice %arg7[%sub3A_118, %dma_start3A] : memref<40x128xi32, #tpu.memory_space<vmem>> -> memref<1x128xi32, #tpu.memory_space<vmem>>
        %dma_start3A_151 = tpu.memref_squeeze %dma_start3A_150 : memref<1x128xi32, #tpu.memory_space<vmem>> -> memref<128xi32, #tpu.memory_space<vmem>>
        %dma_start3A_152 = arith.constant 0 : i32
        %dma_start3A_153 = arith.constant 0 : i32
        %dma_start3A_154 = tpu.memref_slice %arg10[%dma_start3A_152, %dma_start3A_153] : memref<10112x128xf32, #tpu.memory_space<vmem_shared>> -> memref<10112x128xf32, #tpu.memory_space<vmem_shared>>
        tpu.enqueue_indirect_dma source(%arg9 : memref<128x128xf32, #tpu.memory_space<vmem>>) target(%dma_start3A_154 : memref<10112x128xf32, #tpu.memory_space<vmem_shared>>) offsets(%dma_start3A_151 : memref<128xi32, #tpu.memory_space<vmem>>) semaphore(%arg14 : memref<!tpu.dma_semaphore, #tpu.memory_space<semaphore_mem>>) {add = true}
      } else {
      }
      %mul3A_125 = arith.constant 2 : i32
      %mul3A_126 = arith.muli %scan3A_111, %mul3A_125 : i32
      %add3A_127 = arith.constant 1 : i32
      %add3A_128 = arith.addi %mul3A_126, %add3A_127 : i32
      %lt3A_129 = arith.constant 40 : i32
      %lt3A_130 = arith.cmpi slt, %add3A_128, %lt3A_129 : i32
      %convert_element_type3A_131 = arith.extui %lt3A_130 : i1 to i32
      %cond3A_132 = arith.constant 0 : i32
      %cond3A_133 = arith.cmpi ne, %convert_element_type3A_131, %cond3A_132 : i32
      scf.if %cond3A_133 {
        %ge3A_144 = arith.constant 2 : i32
        %ge3A_145 = arith.cmpi sge, %add3A_128, %ge3A_144 : i32
        %convert_element_type3A_146 = arith.extui %ge3A_145 : i1 to i32
        %cond3A_147 = arith.constant 0 : i32
        %cond3A_148 = arith.cmpi ne, %convert_element_type3A_146, %cond3A_147 : i32
        scf.if %cond3A_148 {
          %sub3A_154 = arith.constant 2 : i32
          %sub3A_155 = arith.subi %add3A_128, %sub3A_154 : i32
          %dma_wait3A_156 = arith.constant 0 : i32
          %dma_wait3A_157 = tpu.memref_slice %arg7[%sub3A_155, %dma_wait3A_156] : memref<40x128xi32, #tpu.memory_space<vmem>> -> memref<1x128xi32, #tpu.memory_space<vmem>>
          %dma_wait3A_158 = tpu.memref_squeeze %dma_wait3A_157 : memref<1x128xi32, #tpu.memory_space<vmem>> -> memref<128xi32, #tpu.memory_space<vmem>>
          %dma_wait3A_159 = arith.constant 0 : i32
          %dma_wait3A_160 = arith.constant 0 : i32
          %dma_wait3A_161 = tpu.memref_slice %arg10[%dma_wait3A_159, %dma_wait3A_160] : memref<10112x128xf32, #tpu.memory_space<vmem_shared>> -> memref<10112x128xf32, #tpu.memory_space<vmem_shared>>
          tpu.wait_indirect_dma semaphore(%arg14 : memref<!tpu.dma_semaphore, #tpu.memory_space<semaphore_mem>>) src(%arg9 : memref<128x128xf32, #tpu.memory_space<vmem>>) dst(%dma_wait3A_161 : memref<10112x128xf32, #tpu.memory_space<vmem_shared>>)
        } else {
        }
        %dma_start3A = arith.constant 0 : i32
        %dma_start3A_149 = tpu.memref_slice %arg6[%add3A_128, %dma_start3A] : memref<40x128xi32, #tpu.memory_space<vmem>> -> memref<1x128xi32, #tpu.memory_space<vmem>>
        %dma_start3A_150 = tpu.memref_squeeze %dma_start3A_149 : memref<1x128xi32, #tpu.memory_space<vmem>> -> memref<128xi32, #tpu.memory_space<vmem>>
        %dma_start3A_151 = arith.constant 0 : i32
        %dma_start3A_152 = arith.constant 0 : i32
        %dma_start3A_153 = tpu.memref_slice %arg2[%dma_start3A_151, %dma_start3A_152] : memref<40448x128xf32, #tpu.memory_space<hbm>> -> memref<40448x128xf32, #tpu.memory_space<hbm>>
        tpu.enqueue_indirect_dma source(%dma_start3A_153 : memref<40448x128xf32, #tpu.memory_space<hbm>>) target(%arg9 : memref<128x128xf32, #tpu.memory_space<vmem>>) offsets(%dma_start3A_150 : memref<128xi32, #tpu.memory_space<vmem>>) semaphore(%arg12 : memref<!tpu.dma_semaphore, #tpu.memory_space<semaphore_mem>>)
      } else {
      }
      %sub3A_134 = arith.constant 1 : i32
      %sub3A_135 = arith.subi %add3A_128, %sub3A_134 : i32
      %ge3A_136 = arith.constant 0 : i32
      %ge3A_137 = arith.cmpi sge, %sub3A_135, %ge3A_136 : i32
      %lt3A_138 = arith.constant 40 : i32
      %lt3A_139 = arith.cmpi slt, %sub3A_135, %lt3A_138 : i32
      %and3A_140 = arith.andi %ge3A_137, %lt3A_139 : i1
      %convert_element_type3A_141 = arith.extui %and3A_140 : i1 to i32
      %cond3A_142 = arith.constant 0 : i32
      %cond3A_143 = arith.cmpi ne, %convert_element_type3A_141, %cond3A_142 : i32
      scf.if %cond3A_143 {
        %dma_wait3A_144 = arith.constant 0 : i32
        %dma_wait3A_145 = tpu.memref_slice %arg6[%sub3A_135, %dma_wait3A_144] : memref<40x128xi32, #tpu.memory_space<vmem>> -> memref<1x128xi32, #tpu.memory_space<vmem>>
        %dma_wait3A_146 = tpu.memref_squeeze %dma_wait3A_145 : memref<1x128xi32, #tpu.memory_space<vmem>> -> memref<128xi32, #tpu.memory_space<vmem>>
        %dma_wait3A_147 = arith.constant 0 : i32
        %dma_wait3A_148 = arith.constant 0 : i32
        %dma_wait3A_149 = tpu.memref_slice %arg2[%dma_wait3A_147, %dma_wait3A_148] : memref<40448x128xf32, #tpu.memory_space<hbm>> -> memref<40448x128xf32, #tpu.memory_space<hbm>>
        tpu.wait_indirect_dma semaphore(%arg11 : memref<!tpu.dma_semaphore, #tpu.memory_space<semaphore_mem>>) src(%dma_wait3A_149 : memref<40448x128xf32, #tpu.memory_space<hbm>>) dst(%arg8 : memref<128x128xf32, #tpu.memory_space<vmem>>)
        %dma_start3A = arith.constant 0 : i32
        %dma_start3A_150 = tpu.memref_slice %arg7[%sub3A_135, %dma_start3A] : memref<40x128xi32, #tpu.memory_space<vmem>> -> memref<1x128xi32, #tpu.memory_space<vmem>>
        %dma_start3A_151 = tpu.memref_squeeze %dma_start3A_150 : memref<1x128xi32, #tpu.memory_space<vmem>> -> memref<128xi32, #tpu.memory_space<vmem>>
        %dma_start3A_152 = arith.constant 0 : i32
        %dma_start3A_153 = arith.constant 0 : i32
        %dma_start3A_154 = tpu.memref_slice %arg10[%dma_start3A_152, %dma_start3A_153] : memref<10112x128xf32, #tpu.memory_space<vmem_shared>> -> memref<10112x128xf32, #tpu.memory_space<vmem_shared>>
        tpu.enqueue_indirect_dma source(%arg8 : memref<128x128xf32, #tpu.memory_space<vmem>>) target(%dma_start3A_154 : memref<10112x128xf32, #tpu.memory_space<vmem_shared>>) offsets(%dma_start3A_151 : memref<128xi32, #tpu.memory_space<vmem>>) semaphore(%arg13 : memref<!tpu.dma_semaphore, #tpu.memory_space<semaphore_mem>>) {add = true}
      } else {
      }
    }
    %scan3A_36 = arith.constant 21 : i32
    %dma_wait3A_37 = arith.constant 38 : i32
    %dma_wait3A_38 = arith.constant 0 : i32
    %dma_wait3A_39 = tpu.memref_slice %arg7[%dma_wait3A_37, %dma_wait3A_38] : memref<40x128xi32, #tpu.memory_space<vmem>> -> memref<1x128xi32, #tpu.memory_space<vmem>>
    %dma_wait3A_40 = tpu.memref_squeeze %dma_wait3A_39 : memref<1x128xi32, #tpu.memory_space<vmem>> -> memref<128xi32, #tpu.memory_space<vmem>>
    %dma_wait3A_41 = arith.constant 0 : i32
    %dma_wait3A_42 = arith.constant 0 : i32
    %dma_wait3A_43 = tpu.memref_slice %arg10[%dma_wait3A_41, %dma_wait3A_42] : memref<10112x128xf32, #tpu.memory_space<vmem_shared>> -> memref<10112x128xf32, #tpu.memory_space<vmem_shared>>
    tpu.wait_indirect_dma semaphore(%arg13 : memref<!tpu.dma_semaphore, #tpu.memory_space<semaphore_mem>>) src(%arg8 : memref<128x128xf32, #tpu.memory_space<vmem>>) dst(%dma_wait3A_43 : memref<10112x128xf32, #tpu.memory_space<vmem_shared>>)
    %dma_wait3A_44 = arith.constant 39 : i32
    %dma_wait3A_45 = arith.constant 0 : i32
    %dma_wait3A_46 = tpu.memref_slice %arg7[%dma_wait3A_44, %dma_wait3A_45] : memref<40x128xi32, #tpu.memory_space<vmem>> -> memref<1x128xi32, #tpu.memory_space<vmem>>
    %dma_wait3A_47 = tpu.memref_squeeze %dma_wait3A_46 : memref<1x128xi32, #tpu.memory_space<vmem>> -> memref<128xi32, #tpu.memory_space<vmem>>
    %dma_wait3A_48 = arith.constant 0 : i32
    %dma_wait3A_49 = arith.constant 0 : i32
    %dma_wait3A_50 = tpu.memref_slice %arg10[%dma_wait3A_48, %dma_wait3A_49] : memref<10112x128xf32, #tpu.memory_space<vmem_shared>> -> memref<10112x128xf32, #tpu.memory_space<vmem_shared>>
    tpu.wait_indirect_dma semaphore(%arg14 : memref<!tpu.dma_semaphore, #tpu.memory_space<semaphore_mem>>) src(%arg9 : memref<128x128xf32, #tpu.memory_space<vmem>>) dst(%dma_wait3A_50 : memref<10112x128xf32, #tpu.memory_space<vmem_shared>>)
    %barrier3A_51 = arith.constant 0 : index
    tpu.barrier barrier_id(%barrier3A_51)
    %add3A_52 = arith.addi %mul3A_5, %mul3A_0 : i32
    "tpu.region"() ({
      %run_scoped3A = tpu.sem_alloc : memref<!tpu.dma_semaphore, #tpu.memory_space<semaphore_mem>>
      %dma_start3A = arith.constant 0 : i32
      %dma_start3A_111 = tpu.memref_slice %arg5[%add3A_52, %dma_start3A] : memref<40448x128xf32, #tpu.memory_space<hbm>> -> memref<632x128xf32, #tpu.memory_space<hbm>>
      %dma_start3A_112 = arith.constant 0 : i32
      %dma_start3A_113 = tpu.memref_slice %arg10[%mul3A_0, %dma_start3A_112] : memref<10112x128xf32, #tpu.memory_space<vmem_shared>> -> memref<632x128xf32, #tpu.memory_space<vmem_shared>>
      tpu.enqueue_dma source(%dma_start3A_113 : memref<632x128xf32, #tpu.memory_space<vmem_shared>>) target(%dma_start3A_111 : memref<632x128xf32, #tpu.memory_space<hbm>>) target_semaphore(%run_scoped3A : memref<!tpu.dma_semaphore, #tpu.memory_space<semaphore_mem>>)
      %dma_wait3A_114 = arith.constant 0 : i32
      %dma_wait3A_115 = tpu.memref_slice %arg5[%add3A_52, %dma_wait3A_114] : memref<40448x128xf32, #tpu.memory_space<hbm>> -> memref<632x128xf32, #tpu.memory_space<hbm>>
      %dma_wait3A_116 = arith.constant 0 : i32
      %dma_wait3A_117 = tpu.memref_slice %arg10[%mul3A_0, %dma_wait3A_116] : memref<10112x128xf32, #tpu.memory_space<vmem_shared>> -> memref<632x128xf32, #tpu.memory_space<vmem_shared>>
      tpu.wait_dma2 semaphore(%run_scoped3A : memref<!tpu.dma_semaphore, #tpu.memory_space<semaphore_mem>>) src(%dma_wait3A_117 : memref<632x128xf32, #tpu.memory_space<vmem_shared>>) dst(%dma_wait3A_115 : memref<632x128xf32, #tpu.memory_space<hbm>>)
      tpu.yield
    }) : () -> ()
    %barrier3A_53 = arith.constant 0 : index
    tpu.barrier barrier_id(%barrier3A_53)
    %mul3A_54 = arith.constant 2 : i32
    %mul3A_55 = arith.muli %arg0, %mul3A_54 : i32
    %add3A_56 = arith.constant 1 : i32
    %add3A_57 = arith.addi %mul3A_55, %add3A_56 : i32
    %mul3A_58 = arith.constant 10112 : i32
    %mul3A_59 = arith.muli %add3A_57, %mul3A_58 : i32
    %add3A_60 = arith.addi %mul3A_59, %mul3A_0 : i32
    "tpu.region"() ({
      %run_scoped3A = tpu.sem_alloc : memref<!tpu.dma_semaphore, #tpu.memory_space<semaphore_mem>>
      %dma_start3A = arith.constant 0 : i32
      %dma_start3A_111 = tpu.memref_slice %arg10[%mul3A_0, %dma_start3A] : memref<10112x128xf32, #tpu.memory_space<vmem_shared>> -> memref<632x128xf32, #tpu.memory_space<vmem_shared>>
      %dma_start3A_112 = arith.constant 0 : i32
      %dma_start3A_113 = tpu.memref_slice %arg2[%add3A_60, %dma_start3A_112] : memref<40448x128xf32, #tpu.memory_space<hbm>> -> memref<632x128xf32, #tpu.memory_space<hbm>>
      tpu.enqueue_dma source(%dma_start3A_113 : memref<632x128xf32, #tpu.memory_space<hbm>>) target(%dma_start3A_111 : memref<632x128xf32, #tpu.memory_space<vmem_shared>>) target_semaphore(%run_scoped3A : memref<!tpu.dma_semaphore, #tpu.memory_space<semaphore_mem>>)
      %dma_wait3A_114 = arith.constant 0 : i32
      %dma_wait3A_115 = tpu.memref_slice %arg10[%mul3A_0, %dma_wait3A_114] : memref<10112x128xf32, #tpu.memory_space<vmem_shared>> -> memref<632x128xf32, #tpu.memory_space<vmem_shared>>
      %dma_wait3A_116 = arith.constant 0 : i32
      %dma_wait3A_117 = tpu.memref_slice %arg2[%add3A_60, %dma_wait3A_116] : memref<40448x128xf32, #tpu.memory_space<hbm>> -> memref<632x128xf32, #tpu.memory_space<hbm>>
      tpu.wait_dma2 semaphore(%run_scoped3A : memref<!tpu.dma_semaphore, #tpu.memory_space<semaphore_mem>>) src(%dma_wait3A_117 : memref<632x128xf32, #tpu.memory_space<hbm>>) dst(%dma_wait3A_115 : memref<632x128xf32, #tpu.memory_space<vmem_shared>>)
      tpu.yield
    }) : () -> ()
    %barrier3A_61 = arith.constant 0 : index
    tpu.barrier barrier_id(%barrier3A_61)
    %mul3A_62 = arith.constant 16 : i32
    %mul3A_63 = arith.muli %add3A_57, %mul3A_62 : i32
    %add3A_64 = arith.addi %mul3A_63, %arg1 : i32
    "tpu.region"() ({
      %run_scoped3A = tpu.sem_alloc : memref<!tpu.dma_semaphore, #tpu.memory_space<semaphore_mem>>
      %dma_start3A = arith.constant 0 : i32
      %dma_start3A_111 = arith.constant 0 : i32
      %dma_start3A_112 = tpu.memref_slice %arg3[%add3A_64, %dma_start3A, %dma_start3A_111] : memref<64x80x128xi32, #tpu.memory_space<hbm>> -> memref<1x40x128xi32, #tpu.memory_space<hbm>>
      %dma_start3A_113 = tpu.memref_squeeze %dma_start3A_112 : memref<1x40x128xi32, #tpu.memory_space<hbm>> -> memref<40x128xi32, #tpu.memory_space<hbm>>
      %dma_start3A_114 = arith.constant 0 : i32
      %dma_start3A_115 = arith.constant 0 : i32
      %dma_start3A_116 = tpu.memref_slice %arg3[%add3A_64, %dma_start3A_114, %dma_start3A_115] : memref<64x80x128xi32, #tpu.memory_space<hbm>> -> memref<1x40x128xi32, #tpu.memory_space<hbm>>
      %dma_start3A_117 = tpu.memref_squeeze %dma_start3A_116 : memref<1x40x128xi32, #tpu.memory_space<hbm>> -> memref<40x128xi32, #tpu.memory_space<hbm>>
      tpu.enqueue_dma source(%dma_start3A_117 : memref<40x128xi32, #tpu.memory_space<hbm>>) target(%arg6 : memref<40x128xi32, #tpu.memory_space<vmem>>) target_semaphore(%run_scoped3A : memref<!tpu.dma_semaphore, #tpu.memory_space<semaphore_mem>>)
      %dma_wait3A_118 = arith.constant 0 : i32
      %dma_wait3A_119 = arith.constant 0 : i32
      %dma_wait3A_120 = tpu.memref_slice %arg3[%add3A_64, %dma_wait3A_118, %dma_wait3A_119] : memref<64x80x128xi32, #tpu.memory_space<hbm>> -> memref<1x40x128xi32, #tpu.memory_space<hbm>>
      %dma_wait3A_121 = tpu.memref_squeeze %dma_wait3A_120 : memref<1x40x128xi32, #tpu.memory_space<hbm>> -> memref<40x128xi32, #tpu.memory_space<hbm>>
      %dma_wait3A_122 = arith.constant 0 : i32
      %dma_wait3A_123 = arith.constant 0 : i32
      %dma_wait3A_124 = tpu.memref_slice %arg3[%add3A_64, %dma_wait3A_122, %dma_wait3A_123] : memref<64x80x128xi32, #tpu.memory_space<hbm>> -> memref<1x40x128xi32, #tpu.memory_space<hbm>>
      %dma_wait3A_125 = tpu.memref_squeeze %dma_wait3A_124 : memref<1x40x128xi32, #tpu.memory_space<hbm>> -> memref<40x128xi32, #tpu.memory_space<hbm>>
      tpu.wait_dma2 semaphore(%run_scoped3A : memref<!tpu.dma_semaphore, #tpu.memory_space<semaphore_mem>>) src(%dma_wait3A_125 : memref<40x128xi32, #tpu.memory_space<hbm>>) dst(%arg6 : memref<40x128xi32, #tpu.memory_space<vmem>>)
      tpu.yield
    }) : () -> ()
    "tpu.region"() ({
      %run_scoped3A = tpu.sem_alloc : memref<!tpu.dma_semaphore, #tpu.memory_space<semaphore_mem>>
      %dma_start3A = arith.constant 0 : i32
      %dma_start3A_111 = arith.constant 0 : i32
      %dma_start3A_112 = tpu.memref_slice %arg4[%arg1, %dma_start3A, %dma_start3A_111] : memref<16x80x128xi32, #tpu.memory_space<hbm>> -> memref<1x40x128xi32, #tpu.memory_space<hbm>>
      %dma_start3A_113 = tpu.memref_squeeze %dma_start3A_112 : memref<1x40x128xi32, #tpu.memory_space<hbm>> -> memref<40x128xi32, #tpu.memory_space<hbm>>
      %dma_start3A_114 = arith.constant 0 : i32
      %dma_start3A_115 = arith.constant 0 : i32
      %dma_start3A_116 = tpu.memref_slice %arg4[%arg1, %dma_start3A_114, %dma_start3A_115] : memref<16x80x128xi32, #tpu.memory_space<hbm>> -> memref<1x40x128xi32, #tpu.memory_space<hbm>>
      %dma_start3A_117 = tpu.memref_squeeze %dma_start3A_116 : memref<1x40x128xi32, #tpu.memory_space<hbm>> -> memref<40x128xi32, #tpu.memory_space<hbm>>
      tpu.enqueue_dma source(%dma_start3A_117 : memref<40x128xi32, #tpu.memory_space<hbm>>) target(%arg7 : memref<40x128xi32, #tpu.memory_space<vmem>>) target_semaphore(%run_scoped3A : memref<!tpu.dma_semaphore, #tpu.memory_space<semaphore_mem>>)
      %dma_wait3A_118 = arith.constant 0 : i32
      %dma_wait3A_119 = arith.constant 0 : i32
      %dma_wait3A_120 = tpu.memref_slice %arg4[%arg1, %dma_wait3A_118, %dma_wait3A_119] : memref<16x80x128xi32, #tpu.memory_space<hbm>> -> memref<1x40x128xi32, #tpu.memory_space<hbm>>
      %dma_wait3A_121 = tpu.memref_squeeze %dma_wait3A_120 : memref<1x40x128xi32, #tpu.memory_space<hbm>> -> memref<40x128xi32, #tpu.memory_space<hbm>>
      %dma_wait3A_122 = arith.constant 0 : i32
      %dma_wait3A_123 = arith.constant 0 : i32
      %dma_wait3A_124 = tpu.memref_slice %arg4[%arg1, %dma_wait3A_122, %dma_wait3A_123] : memref<16x80x128xi32, #tpu.memory_space<hbm>> -> memref<1x40x128xi32, #tpu.memory_space<hbm>>
      %dma_wait3A_125 = tpu.memref_squeeze %dma_wait3A_124 : memref<1x40x128xi32, #tpu.memory_space<hbm>> -> memref<40x128xi32, #tpu.memory_space<hbm>>
      tpu.wait_dma2 semaphore(%run_scoped3A : memref<!tpu.dma_semaphore, #tpu.memory_space<semaphore_mem>>) src(%dma_wait3A_125 : memref<40x128xi32, #tpu.memory_space<hbm>>) dst(%arg7 : memref<40x128xi32, #tpu.memory_space<vmem>>)
      tpu.yield
    }) : () -> ()
    %scan3A_65 = arith.constant 0 : i32
    %scan3A_66 = arith.constant 0 : i32
    %scan3A_67 = arith.constant 21 : i32
    %scan3A_68 = arith.addi %scan3A_66, %scan3A_67 : i32
    %scan3A_69 = arith.constant 1 : i32
    scf.for %scan3A_111 = %scan3A_66 to %scan3A_68 step %scan3A_69  : i32 {
      %mul3A_112 = arith.constant 2 : i32
      %mul3A_113 = arith.muli %scan3A_111, %mul3A_112 : i32
      %add3A_114 = arith.constant 0 : i32
      %add3A_115 = arith.addi %mul3A_113, %add3A_114 : i32
      %lt3A = arith.constant 40 : i32
      %lt3A_116 = arith.cmpi slt, %add3A_115, %lt3A : i32
      %convert_element_type3A = arith.extui %lt3A_116 : i1 to i32
      %cond3A = arith.constant 0 : i32
      %cond3A_117 = arith.cmpi ne, %convert_element_type3A, %cond3A : i32
      scf.if %cond3A_117 {
        %ge3A_144 = arith.constant 2 : i32
        %ge3A_145 = arith.cmpi sge, %add3A_115, %ge3A_144 : i32
        %convert_element_type3A_146 = arith.extui %ge3A_145 : i1 to i32
        %cond3A_147 = arith.constant 0 : i32
        %cond3A_148 = arith.cmpi ne, %convert_element_type3A_146, %cond3A_147 : i32
        scf.if %cond3A_148 {
          %sub3A_154 = arith.constant 2 : i32
          %sub3A_155 = arith.subi %add3A_115, %sub3A_154 : i32
          %dma_wait3A_156 = arith.constant 0 : i32
          %dma_wait3A_157 = tpu.memref_slice %arg7[%sub3A_155, %dma_wait3A_156] : memref<40x128xi32, #tpu.memory_space<vmem>> -> memref<1x128xi32, #tpu.memory_space<vmem>>
          %dma_wait3A_158 = tpu.memref_squeeze %dma_wait3A_157 : memref<1x128xi32, #tpu.memory_space<vmem>> -> memref<128xi32, #tpu.memory_space<vmem>>
          %dma_wait3A_159 = arith.constant 0 : i32
          %dma_wait3A_160 = arith.constant 0 : i32
          %dma_wait3A_161 = tpu.memref_slice %arg10[%dma_wait3A_159, %dma_wait3A_160] : memref<10112x128xf32, #tpu.memory_space<vmem_shared>> -> memref<10112x128xf32, #tpu.memory_space<vmem_shared>>
          tpu.wait_indirect_dma semaphore(%arg13 : memref<!tpu.dma_semaphore, #tpu.memory_space<semaphore_mem>>) src(%arg8 : memref<128x128xf32, #tpu.memory_space<vmem>>) dst(%dma_wait3A_161 : memref<10112x128xf32, #tpu.memory_space<vmem_shared>>)
        } else {
        }
        %dma_start3A = arith.constant 0 : i32
        %dma_start3A_149 = tpu.memref_slice %arg6[%add3A_115, %dma_start3A] : memref<40x128xi32, #tpu.memory_space<vmem>> -> memref<1x128xi32, #tpu.memory_space<vmem>>
        %dma_start3A_150 = tpu.memref_squeeze %dma_start3A_149 : memref<1x128xi32, #tpu.memory_space<vmem>> -> memref<128xi32, #tpu.memory_space<vmem>>
        %dma_start3A_151 = arith.constant 0 : i32
        %dma_start3A_152 = arith.constant 0 : i32
        %dma_start3A_153 = tpu.memref_slice %arg2[%dma_start3A_151, %dma_start3A_152] : memref<40448x128xf32, #tpu.memory_space<hbm>> -> memref<40448x128xf32, #tpu.memory_space<hbm>>
        tpu.enqueue_indirect_dma source(%dma_start3A_153 : memref<40448x128xf32, #tpu.memory_space<hbm>>) target(%arg8 : memref<128x128xf32, #tpu.memory_space<vmem>>) offsets(%dma_start3A_150 : memref<128xi32, #tpu.memory_space<vmem>>) semaphore(%arg11 : memref<!tpu.dma_semaphore, #tpu.memory_space<semaphore_mem>>)
      } else {
      }
      %sub3A = arith.constant 1 : i32
      %sub3A_118 = arith.subi %add3A_115, %sub3A : i32
      %ge3A = arith.constant 0 : i32
      %ge3A_119 = arith.cmpi sge, %sub3A_118, %ge3A : i32
      %lt3A_120 = arith.constant 40 : i32
      %lt3A_121 = arith.cmpi slt, %sub3A_118, %lt3A_120 : i32
      %and3A = arith.andi %ge3A_119, %lt3A_121 : i1
      %convert_element_type3A_122 = arith.extui %and3A : i1 to i32
      %cond3A_123 = arith.constant 0 : i32
      %cond3A_124 = arith.cmpi ne, %convert_element_type3A_122, %cond3A_123 : i32
      scf.if %cond3A_124 {
        %dma_wait3A_144 = arith.constant 0 : i32
        %dma_wait3A_145 = tpu.memref_slice %arg6[%sub3A_118, %dma_wait3A_144] : memref<40x128xi32, #tpu.memory_space<vmem>> -> memref<1x128xi32, #tpu.memory_space<vmem>>
        %dma_wait3A_146 = tpu.memref_squeeze %dma_wait3A_145 : memref<1x128xi32, #tpu.memory_space<vmem>> -> memref<128xi32, #tpu.memory_space<vmem>>
        %dma_wait3A_147 = arith.constant 0 : i32
        %dma_wait3A_148 = arith.constant 0 : i32
        %dma_wait3A_149 = tpu.memref_slice %arg2[%dma_wait3A_147, %dma_wait3A_148] : memref<40448x128xf32, #tpu.memory_space<hbm>> -> memref<40448x128xf32, #tpu.memory_space<hbm>>
        tpu.wait_indirect_dma semaphore(%arg12 : memref<!tpu.dma_semaphore, #tpu.memory_space<semaphore_mem>>) src(%dma_wait3A_149 : memref<40448x128xf32, #tpu.memory_space<hbm>>) dst(%arg9 : memref<128x128xf32, #tpu.memory_space<vmem>>)
        %dma_start3A = arith.constant 0 : i32
        %dma_start3A_150 = tpu.memref_slice %arg7[%sub3A_118, %dma_start3A] : memref<40x128xi32, #tpu.memory_space<vmem>> -> memref<1x128xi32, #tpu.memory_space<vmem>>
        %dma_start3A_151 = tpu.memref_squeeze %dma_start3A_150 : memref<1x128xi32, #tpu.memory_space<vmem>> -> memref<128xi32, #tpu.memory_space<vmem>>
        %dma_start3A_152 = arith.constant 0 : i32
        %dma_start3A_153 = arith.constant 0 : i32
        %dma_start3A_154 = tpu.memref_slice %arg10[%dma_start3A_152, %dma_start3A_153] : memref<10112x128xf32, #tpu.memory_space<vmem_shared>> -> memref<10112x128xf32, #tpu.memory_space<vmem_shared>>
        tpu.enqueue_indirect_dma source(%arg9 : memref<128x128xf32, #tpu.memory_space<vmem>>) target(%dma_start3A_154 : memref<10112x128xf32, #tpu.memory_space<vmem_shared>>) offsets(%dma_start3A_151 : memref<128xi32, #tpu.memory_space<vmem>>) semaphore(%arg14 : memref<!tpu.dma_semaphore, #tpu.memory_space<semaphore_mem>>) {add = true}
      } else {
      }
      %mul3A_125 = arith.constant 2 : i32
      %mul3A_126 = arith.muli %scan3A_111, %mul3A_125 : i32
      %add3A_127 = arith.constant 1 : i32
      %add3A_128 = arith.addi %mul3A_126, %add3A_127 : i32
      %lt3A_129 = arith.constant 40 : i32
      %lt3A_130 = arith.cmpi slt, %add3A_128, %lt3A_129 : i32
      %convert_element_type3A_131 = arith.extui %lt3A_130 : i1 to i32
      %cond3A_132 = arith.constant 0 : i32
      %cond3A_133 = arith.cmpi ne, %convert_element_type3A_131, %cond3A_132 : i32
      scf.if %cond3A_133 {
        %ge3A_144 = arith.constant 2 : i32
        %ge3A_145 = arith.cmpi sge, %add3A_128, %ge3A_144 : i32
        %convert_element_type3A_146 = arith.extui %ge3A_145 : i1 to i32
        %cond3A_147 = arith.constant 0 : i32
        %cond3A_148 = arith.cmpi ne, %convert_element_type3A_146, %cond3A_147 : i32
        scf.if %cond3A_148 {
          %sub3A_154 = arith.constant 2 : i32
          %sub3A_155 = arith.subi %add3A_128, %sub3A_154 : i32
          %dma_wait3A_156 = arith.constant 0 : i32
          %dma_wait3A_157 = tpu.memref_slice %arg7[%sub3A_155, %dma_wait3A_156] : memref<40x128xi32, #tpu.memory_space<vmem>> -> memref<1x128xi32, #tpu.memory_space<vmem>>
          %dma_wait3A_158 = tpu.memref_squeeze %dma_wait3A_157 : memref<1x128xi32, #tpu.memory_space<vmem>> -> memref<128xi32, #tpu.memory_space<vmem>>
          %dma_wait3A_159 = arith.constant 0 : i32
          %dma_wait3A_160 = arith.constant 0 : i32
          %dma_wait3A_161 = tpu.memref_slice %arg10[%dma_wait3A_159, %dma_wait3A_160] : memref<10112x128xf32, #tpu.memory_space<vmem_shared>> -> memref<10112x128xf32, #tpu.memory_space<vmem_shared>>
          tpu.wait_indirect_dma semaphore(%arg14 : memref<!tpu.dma_semaphore, #tpu.memory_space<semaphore_mem>>) src(%arg9 : memref<128x128xf32, #tpu.memory_space<vmem>>) dst(%dma_wait3A_161 : memref<10112x128xf32, #tpu.memory_space<vmem_shared>>)
        } else {
        }
        %dma_start3A = arith.constant 0 : i32
        %dma_start3A_149 = tpu.memref_slice %arg6[%add3A_128, %dma_start3A] : memref<40x128xi32, #tpu.memory_space<vmem>> -> memref<1x128xi32, #tpu.memory_space<vmem>>
        %dma_start3A_150 = tpu.memref_squeeze %dma_start3A_149 : memref<1x128xi32, #tpu.memory_space<vmem>> -> memref<128xi32, #tpu.memory_space<vmem>>
        %dma_start3A_151 = arith.constant 0 : i32
        %dma_start3A_152 = arith.constant 0 : i32
        %dma_start3A_153 = tpu.memref_slice %arg2[%dma_start3A_151, %dma_start3A_152] : memref<40448x128xf32, #tpu.memory_space<hbm>> -> memref<40448x128xf32, #tpu.memory_space<hbm>>
        tpu.enqueue_indirect_dma source(%dma_start3A_153 : memref<40448x128xf32, #tpu.memory_space<hbm>>) target(%arg9 : memref<128x128xf32, #tpu.memory_space<vmem>>) offsets(%dma_start3A_150 : memref<128xi32, #tpu.memory_space<vmem>>) semaphore(%arg12 : memref<!tpu.dma_semaphore, #tpu.memory_space<semaphore_mem>>)
      } else {
      }
      %sub3A_134 = arith.constant 1 : i32
      %sub3A_135 = arith.subi %add3A_128, %sub3A_134 : i32
      %ge3A_136 = arith.constant 0 : i32
      %ge3A_137 = arith.cmpi sge, %sub3A_135, %ge3A_136 : i32
      %lt3A_138 = arith.constant 40 : i32
      %lt3A_139 = arith.cmpi slt, %sub3A_135, %lt3A_138 : i32
      %and3A_140 = arith.andi %ge3A_137, %lt3A_139 : i1
      %convert_element_type3A_141 = arith.extui %and3A_140 : i1 to i32
      %cond3A_142 = arith.constant 0 : i32
      %cond3A_143 = arith.cmpi ne, %convert_element_type3A_141, %cond3A_142 : i32
      scf.if %cond3A_143 {
        %dma_wait3A_144 = arith.constant 0 : i32
        %dma_wait3A_145 = tpu.memref_slice %arg6[%sub3A_135, %dma_wait3A_144] : memref<40x128xi32, #tpu.memory_space<vmem>> -> memref<1x128xi32, #tpu.memory_space<vmem>>
        %dma_wait3A_146 = tpu.memref_squeeze %dma_wait3A_145 : memref<1x128xi32, #tpu.memory_space<vmem>> -> memref<128xi32, #tpu.memory_space<vmem>>
        %dma_wait3A_147 = arith.constant 0 : i32
        %dma_wait3A_148 = arith.constant 0 : i32
        %dma_wait3A_149 = tpu.memref_slice %arg2[%dma_wait3A_147, %dma_wait3A_148] : memref<40448x128xf32, #tpu.memory_space<hbm>> -> memref<40448x128xf32, #tpu.memory_space<hbm>>
        tpu.wait_indirect_dma semaphore(%arg11 : memref<!tpu.dma_semaphore, #tpu.memory_space<semaphore_mem>>) src(%dma_wait3A_149 : memref<40448x128xf32, #tpu.memory_space<hbm>>) dst(%arg8 : memref<128x128xf32, #tpu.memory_space<vmem>>)
        %dma_start3A = arith.constant 0 : i32
        %dma_start3A_150 = tpu.memref_slice %arg7[%sub3A_135, %dma_start3A] : memref<40x128xi32, #tpu.memory_space<vmem>> -> memref<1x128xi32, #tpu.memory_space<vmem>>
        %dma_start3A_151 = tpu.memref_squeeze %dma_start3A_150 : memref<1x128xi32, #tpu.memory_space<vmem>> -> memref<128xi32, #tpu.memory_space<vmem>>
        %dma_start3A_152 = arith.constant 0 : i32
        %dma_start3A_153 = arith.constant 0 : i32
        %dma_start3A_154 = tpu.memref_slice %arg10[%dma_start3A_152, %dma_start3A_153] : memref<10112x128xf32, #tpu.memory_space<vmem_shared>> -> memref<10112x128xf32, #tpu.memory_space<vmem_shared>>
        tpu.enqueue_indirect_dma source(%arg8 : memref<128x128xf32, #tpu.memory_space<vmem>>) target(%dma_start3A_154 : memref<10112x128xf32, #tpu.memory_space<vmem_shared>>) offsets(%dma_start3A_151 : memref<128xi32, #tpu.memory_space<vmem>>) semaphore(%arg13 : memref<!tpu.dma_semaphore, #tpu.memory_space<semaphore_mem>>) {add = true}
      } else {
      }
    }
    %scan3A_70 = arith.constant 21 : i32
    %dma_wait3A_71 = arith.constant 38 : i32
    %dma_wait3A_72 = arith.constant 0 : i32
    %dma_wait3A_73 = tpu.memref_slice %arg7[%dma_wait3A_71, %dma_wait3A_72] : memref<40x128xi32, #tpu.memory_space<vmem>> -> memref<1x128xi32, #tpu.memory_space<vmem>>
    %dma_wait3A_74 = tpu.memref_squeeze %dma_wait3A_73 : memref<1x128xi32, #tpu.memory_space<vmem>> -> memref<128xi32, #tpu.memory_space<vmem>>
    %dma_wait3A_75 = arith.constant 0 : i32
    %dma_wait3A_76 = arith.constant 0 : i32
    %dma_wait3A_77 = tpu.memref_slice %arg10[%dma_wait3A_75, %dma_wait3A_76] : memref<10112x128xf32, #tpu.memory_space<vmem_shared>> -> memref<10112x128xf32, #tpu.memory_space<vmem_shared>>
    tpu.wait_indirect_dma semaphore(%arg13 : memref<!tpu.dma_semaphore, #tpu.memory_space<semaphore_mem>>) src(%arg8 : memref<128x128xf32, #tpu.memory_space<vmem>>) dst(%dma_wait3A_77 : memref<10112x128xf32, #tpu.memory_space<vmem_shared>>)
    %dma_wait3A_78 = arith.constant 39 : i32
    %dma_wait3A_79 = arith.constant 0 : i32
    %dma_wait3A_80 = tpu.memref_slice %arg7[%dma_wait3A_78, %dma_wait3A_79] : memref<40x128xi32, #tpu.memory_space<vmem>> -> memref<1x128xi32, #tpu.memory_space<vmem>>
    %dma_wait3A_81 = tpu.memref_squeeze %dma_wait3A_80 : memref<1x128xi32, #tpu.memory_space<vmem>> -> memref<128xi32, #tpu.memory_space<vmem>>
    %dma_wait3A_82 = arith.constant 0 : i32
    %dma_wait3A_83 = arith.constant 0 : i32
    %dma_wait3A_84 = tpu.memref_slice %arg10[%dma_wait3A_82, %dma_wait3A_83] : memref<10112x128xf32, #tpu.memory_space<vmem_shared>> -> memref<10112x128xf32, #tpu.memory_space<vmem_shared>>
    tpu.wait_indirect_dma semaphore(%arg14 : memref<!tpu.dma_semaphore, #tpu.memory_space<semaphore_mem>>) src(%arg9 : memref<128x128xf32, #tpu.memory_space<vmem>>) dst(%dma_wait3A_84 : memref<10112x128xf32, #tpu.memory_space<vmem_shared>>)
    %mul3A_85 = arith.constant 16 : i32
    %mul3A_86 = arith.muli %add3A_57, %mul3A_85 : i32
    %add3A_87 = arith.addi %mul3A_86, %arg1 : i32
    "tpu.region"() ({
      %run_scoped3A = tpu.sem_alloc : memref<!tpu.dma_semaphore, #tpu.memory_space<semaphore_mem>>
      %dma_start3A = arith.constant 40 : i32
      %dma_start3A_111 = arith.constant 0 : i32
      %dma_start3A_112 = tpu.memref_slice %arg3[%add3A_87, %dma_start3A, %dma_start3A_111] : memref<64x80x128xi32, #tpu.memory_space<hbm>> -> memref<1x40x128xi32, #tpu.memory_space<hbm>>
      %dma_start3A_113 = tpu.memref_squeeze %dma_start3A_112 : memref<1x40x128xi32, #tpu.memory_space<hbm>> -> memref<40x128xi32, #tpu.memory_space<hbm>>
      %dma_start3A_114 = arith.constant 40 : i32
      %dma_start3A_115 = arith.constant 0 : i32
      %dma_start3A_116 = tpu.memref_slice %arg3[%add3A_87, %dma_start3A_114, %dma_start3A_115] : memref<64x80x128xi32, #tpu.memory_space<hbm>> -> memref<1x40x128xi32, #tpu.memory_space<hbm>>
      %dma_start3A_117 = tpu.memref_squeeze %dma_start3A_116 : memref<1x40x128xi32, #tpu.memory_space<hbm>> -> memref<40x128xi32, #tpu.memory_space<hbm>>
      tpu.enqueue_dma source(%dma_start3A_117 : memref<40x128xi32, #tpu.memory_space<hbm>>) target(%arg6 : memref<40x128xi32, #tpu.memory_space<vmem>>) target_semaphore(%run_scoped3A : memref<!tpu.dma_semaphore, #tpu.memory_space<semaphore_mem>>)
      %dma_wait3A_118 = arith.constant 40 : i32
      %dma_wait3A_119 = arith.constant 0 : i32
      %dma_wait3A_120 = tpu.memref_slice %arg3[%add3A_87, %dma_wait3A_118, %dma_wait3A_119] : memref<64x80x128xi32, #tpu.memory_space<hbm>> -> memref<1x40x128xi32, #tpu.memory_space<hbm>>
      %dma_wait3A_121 = tpu.memref_squeeze %dma_wait3A_120 : memref<1x40x128xi32, #tpu.memory_space<hbm>> -> memref<40x128xi32, #tpu.memory_space<hbm>>
      %dma_wait3A_122 = arith.constant 40 : i32
      %dma_wait3A_123 = arith.constant 0 : i32
      %dma_wait3A_124 = tpu.memref_slice %arg3[%add3A_87, %dma_wait3A_122, %dma_wait3A_123] : memref<64x80x128xi32, #tpu.memory_space<hbm>> -> memref<1x40x128xi32, #tpu.memory_space<hbm>>
      %dma_wait3A_125 = tpu.memref_squeeze %dma_wait3A_124 : memref<1x40x128xi32, #tpu.memory_space<hbm>> -> memref<40x128xi32, #tpu.memory_space<hbm>>
      tpu.wait_dma2 semaphore(%run_scoped3A : memref<!tpu.dma_semaphore, #tpu.memory_space<semaphore_mem>>) src(%dma_wait3A_125 : memref<40x128xi32, #tpu.memory_space<hbm>>) dst(%arg6 : memref<40x128xi32, #tpu.memory_space<vmem>>)
      tpu.yield
    }) : () -> ()
    "tpu.region"() ({
      %run_scoped3A = tpu.sem_alloc : memref<!tpu.dma_semaphore, #tpu.memory_space<semaphore_mem>>
      %dma_start3A = arith.constant 40 : i32
      %dma_start3A_111 = arith.constant 0 : i32
      %dma_start3A_112 = tpu.memref_slice %arg4[%arg1, %dma_start3A, %dma_start3A_111] : memref<16x80x128xi32, #tpu.memory_space<hbm>> -> memref<1x40x128xi32, #tpu.memory_space<hbm>>
      %dma_start3A_113 = tpu.memref_squeeze %dma_start3A_112 : memref<1x40x128xi32, #tpu.memory_space<hbm>> -> memref<40x128xi32, #tpu.memory_space<hbm>>
      %dma_start3A_114 = arith.constant 40 : i32
      %dma_start3A_115 = arith.constant 0 : i32
      %dma_start3A_116 = tpu.memref_slice %arg4[%arg1, %dma_start3A_114, %dma_start3A_115] : memref<16x80x128xi32, #tpu.memory_space<hbm>> -> memref<1x40x128xi32, #tpu.memory_space<hbm>>
      %dma_start3A_117 = tpu.memref_squeeze %dma_start3A_116 : memref<1x40x128xi32, #tpu.memory_space<hbm>> -> memref<40x128xi32, #tpu.memory_space<hbm>>
      tpu.enqueue_dma source(%dma_start3A_117 : memref<40x128xi32, #tpu.memory_space<hbm>>) target(%arg7 : memref<40x128xi32, #tpu.memory_space<vmem>>) target_semaphore(%run_scoped3A : memref<!tpu.dma_semaphore, #tpu.memory_space<semaphore_mem>>)
      %dma_wait3A_118 = arith.constant 40 : i32
      %dma_wait3A_119 = arith.constant 0 : i32
      %dma_wait3A_120 = tpu.memref_slice %arg4[%arg1, %dma_wait3A_118, %dma_wait3A_119] : memref<16x80x128xi32, #tpu.memory_space<hbm>> -> memref<1x40x128xi32, #tpu.memory_space<hbm>>
      %dma_wait3A_121 = tpu.memref_squeeze %dma_wait3A_120 : memref<1x40x128xi32, #tpu.memory_space<hbm>> -> memref<40x128xi32, #tpu.memory_space<hbm>>
      %dma_wait3A_122 = arith.constant 40 : i32
      %dma_wait3A_123 = arith.constant 0 : i32
      %dma_wait3A_124 = tpu.memref_slice %arg4[%arg1, %dma_wait3A_122, %dma_wait3A_123] : memref<16x80x128xi32, #tpu.memory_space<hbm>> -> memref<1x40x128xi32, #tpu.memory_space<hbm>>
      %dma_wait3A_125 = tpu.memref_squeeze %dma_wait3A_124 : memref<1x40x128xi32, #tpu.memory_space<hbm>> -> memref<40x128xi32, #tpu.memory_space<hbm>>
      tpu.wait_dma2 semaphore(%run_scoped3A : memref<!tpu.dma_semaphore, #tpu.memory_space<semaphore_mem>>) src(%dma_wait3A_125 : memref<40x128xi32, #tpu.memory_space<hbm>>) dst(%arg7 : memref<40x128xi32, #tpu.memory_space<vmem>>)
      tpu.yield
    }) : () -> ()
    %scan3A_88 = arith.constant 0 : i32
    %scan3A_89 = arith.constant 0 : i32
    %scan3A_90 = arith.constant 21 : i32
    %scan3A_91 = arith.addi %scan3A_89, %scan3A_90 : i32
    %scan3A_92 = arith.constant 1 : i32
    scf.for %scan3A_111 = %scan3A_89 to %scan3A_91 step %scan3A_92  : i32 {
      %mul3A_112 = arith.constant 2 : i32
      %mul3A_113 = arith.muli %scan3A_111, %mul3A_112 : i32
      %add3A_114 = arith.constant 0 : i32
      %add3A_115 = arith.addi %mul3A_113, %add3A_114 : i32
      %lt3A = arith.constant 40 : i32
      %lt3A_116 = arith.cmpi slt, %add3A_115, %lt3A : i32
      %convert_element_type3A = arith.extui %lt3A_116 : i1 to i32
      %cond3A = arith.constant 0 : i32
      %cond3A_117 = arith.cmpi ne, %convert_element_type3A, %cond3A : i32
      scf.if %cond3A_117 {
        %ge3A_144 = arith.constant 2 : i32
        %ge3A_145 = arith.cmpi sge, %add3A_115, %ge3A_144 : i32
        %convert_element_type3A_146 = arith.extui %ge3A_145 : i1 to i32
        %cond3A_147 = arith.constant 0 : i32
        %cond3A_148 = arith.cmpi ne, %convert_element_type3A_146, %cond3A_147 : i32
        scf.if %cond3A_148 {
          %sub3A_154 = arith.constant 2 : i32
          %sub3A_155 = arith.subi %add3A_115, %sub3A_154 : i32
          %dma_wait3A_156 = arith.constant 0 : i32
          %dma_wait3A_157 = tpu.memref_slice %arg7[%sub3A_155, %dma_wait3A_156] : memref<40x128xi32, #tpu.memory_space<vmem>> -> memref<1x128xi32, #tpu.memory_space<vmem>>
          %dma_wait3A_158 = tpu.memref_squeeze %dma_wait3A_157 : memref<1x128xi32, #tpu.memory_space<vmem>> -> memref<128xi32, #tpu.memory_space<vmem>>
          %dma_wait3A_159 = arith.constant 0 : i32
          %dma_wait3A_160 = arith.constant 0 : i32
          %dma_wait3A_161 = tpu.memref_slice %arg10[%dma_wait3A_159, %dma_wait3A_160] : memref<10112x128xf32, #tpu.memory_space<vmem_shared>> -> memref<10112x128xf32, #tpu.memory_space<vmem_shared>>
          tpu.wait_indirect_dma semaphore(%arg13 : memref<!tpu.dma_semaphore, #tpu.memory_space<semaphore_mem>>) src(%arg8 : memref<128x128xf32, #tpu.memory_space<vmem>>) dst(%dma_wait3A_161 : memref<10112x128xf32, #tpu.memory_space<vmem_shared>>)
        } else {
        }
        %dma_start3A = arith.constant 0 : i32
        %dma_start3A_149 = tpu.memref_slice %arg6[%add3A_115, %dma_start3A] : memref<40x128xi32, #tpu.memory_space<vmem>> -> memref<1x128xi32, #tpu.memory_space<vmem>>
        %dma_start3A_150 = tpu.memref_squeeze %dma_start3A_149 : memref<1x128xi32, #tpu.memory_space<vmem>> -> memref<128xi32, #tpu.memory_space<vmem>>
        %dma_start3A_151 = arith.constant 0 : i32
        %dma_start3A_152 = arith.constant 0 : i32
        %dma_start3A_153 = tpu.memref_slice %arg2[%dma_start3A_151, %dma_start3A_152] : memref<40448x128xf32, #tpu.memory_space<hbm>> -> memref<40448x128xf32, #tpu.memory_space<hbm>>
        tpu.enqueue_indirect_dma source(%dma_start3A_153 : memref<40448x128xf32, #tpu.memory_space<hbm>>) target(%arg8 : memref<128x128xf32, #tpu.memory_space<vmem>>) offsets(%dma_start3A_150 : memref<128xi32, #tpu.memory_space<vmem>>) semaphore(%arg11 : memref<!tpu.dma_semaphore, #tpu.memory_space<semaphore_mem>>)
      } else {
      }
      %sub3A = arith.constant 1 : i32
      %sub3A_118 = arith.subi %add3A_115, %sub3A : i32
      %ge3A = arith.constant 0 : i32
      %ge3A_119 = arith.cmpi sge, %sub3A_118, %ge3A : i32
      %lt3A_120 = arith.constant 40 : i32
      %lt3A_121 = arith.cmpi slt, %sub3A_118, %lt3A_120 : i32
      %and3A = arith.andi %ge3A_119, %lt3A_121 : i1
      %convert_element_type3A_122 = arith.extui %and3A : i1 to i32
      %cond3A_123 = arith.constant 0 : i32
      %cond3A_124 = arith.cmpi ne, %convert_element_type3A_122, %cond3A_123 : i32
      scf.if %cond3A_124 {
        %dma_wait3A_144 = arith.constant 0 : i32
        %dma_wait3A_145 = tpu.memref_slice %arg6[%sub3A_118, %dma_wait3A_144] : memref<40x128xi32, #tpu.memory_space<vmem>> -> memref<1x128xi32, #tpu.memory_space<vmem>>
        %dma_wait3A_146 = tpu.memref_squeeze %dma_wait3A_145 : memref<1x128xi32, #tpu.memory_space<vmem>> -> memref<128xi32, #tpu.memory_space<vmem>>
        %dma_wait3A_147 = arith.constant 0 : i32
        %dma_wait3A_148 = arith.constant 0 : i32
        %dma_wait3A_149 = tpu.memref_slice %arg2[%dma_wait3A_147, %dma_wait3A_148] : memref<40448x128xf32, #tpu.memory_space<hbm>> -> memref<40448x128xf32, #tpu.memory_space<hbm>>
        tpu.wait_indirect_dma semaphore(%arg12 : memref<!tpu.dma_semaphore, #tpu.memory_space<semaphore_mem>>) src(%dma_wait3A_149 : memref<40448x128xf32, #tpu.memory_space<hbm>>) dst(%arg9 : memref<128x128xf32, #tpu.memory_space<vmem>>)
        %dma_start3A = arith.constant 0 : i32
        %dma_start3A_150 = tpu.memref_slice %arg7[%sub3A_118, %dma_start3A] : memref<40x128xi32, #tpu.memory_space<vmem>> -> memref<1x128xi32, #tpu.memory_space<vmem>>
        %dma_start3A_151 = tpu.memref_squeeze %dma_start3A_150 : memref<1x128xi32, #tpu.memory_space<vmem>> -> memref<128xi32, #tpu.memory_space<vmem>>
        %dma_start3A_152 = arith.constant 0 : i32
        %dma_start3A_153 = arith.constant 0 : i32
        %dma_start3A_154 = tpu.memref_slice %arg10[%dma_start3A_152, %dma_start3A_153] : memref<10112x128xf32, #tpu.memory_space<vmem_shared>> -> memref<10112x128xf32, #tpu.memory_space<vmem_shared>>
        tpu.enqueue_indirect_dma source(%arg9 : memref<128x128xf32, #tpu.memory_space<vmem>>) target(%dma_start3A_154 : memref<10112x128xf32, #tpu.memory_space<vmem_shared>>) offsets(%dma_start3A_151 : memref<128xi32, #tpu.memory_space<vmem>>) semaphore(%arg14 : memref<!tpu.dma_semaphore, #tpu.memory_space<semaphore_mem>>) {add = true}
      } else {
      }
      %mul3A_125 = arith.constant 2 : i32
      %mul3A_126 = arith.muli %scan3A_111, %mul3A_125 : i32
      %add3A_127 = arith.constant 1 : i32
      %add3A_128 = arith.addi %mul3A_126, %add3A_127 : i32
      %lt3A_129 = arith.constant 40 : i32
      %lt3A_130 = arith.cmpi slt, %add3A_128, %lt3A_129 : i32
      %convert_element_type3A_131 = arith.extui %lt3A_130 : i1 to i32
      %cond3A_132 = arith.constant 0 : i32
      %cond3A_133 = arith.cmpi ne, %convert_element_type3A_131, %cond3A_132 : i32
      scf.if %cond3A_133 {
        %ge3A_144 = arith.constant 2 : i32
        %ge3A_145 = arith.cmpi sge, %add3A_128, %ge3A_144 : i32
        %convert_element_type3A_146 = arith.extui %ge3A_145 : i1 to i32
        %cond3A_147 = arith.constant 0 : i32
        %cond3A_148 = arith.cmpi ne, %convert_element_type3A_146, %cond3A_147 : i32
        scf.if %cond3A_148 {
          %sub3A_154 = arith.constant 2 : i32
          %sub3A_155 = arith.subi %add3A_128, %sub3A_154 : i32
          %dma_wait3A_156 = arith.constant 0 : i32
          %dma_wait3A_157 = tpu.memref_slice %arg7[%sub3A_155, %dma_wait3A_156] : memref<40x128xi32, #tpu.memory_space<vmem>> -> memref<1x128xi32, #tpu.memory_space<vmem>>
          %dma_wait3A_158 = tpu.memref_squeeze %dma_wait3A_157 : memref<1x128xi32, #tpu.memory_space<vmem>> -> memref<128xi32, #tpu.memory_space<vmem>>
          %dma_wait3A_159 = arith.constant 0 : i32
          %dma_wait3A_160 = arith.constant 0 : i32
          %dma_wait3A_161 = tpu.memref_slice %arg10[%dma_wait3A_159, %dma_wait3A_160] : memref<10112x128xf32, #tpu.memory_space<vmem_shared>> -> memref<10112x128xf32, #tpu.memory_space<vmem_shared>>
          tpu.wait_indirect_dma semaphore(%arg14 : memref<!tpu.dma_semaphore, #tpu.memory_space<semaphore_mem>>) src(%arg9 : memref<128x128xf32, #tpu.memory_space<vmem>>) dst(%dma_wait3A_161 : memref<10112x128xf32, #tpu.memory_space<vmem_shared>>)
        } else {
        }
        %dma_start3A = arith.constant 0 : i32
        %dma_start3A_149 = tpu.memref_slice %arg6[%add3A_128, %dma_start3A] : memref<40x128xi32, #tpu.memory_space<vmem>> -> memref<1x128xi32, #tpu.memory_space<vmem>>
        %dma_start3A_150 = tpu.memref_squeeze %dma_start3A_149 : memref<1x128xi32, #tpu.memory_space<vmem>> -> memref<128xi32, #tpu.memory_space<vmem>>
        %dma_start3A_151 = arith.constant 0 : i32
        %dma_start3A_152 = arith.constant 0 : i32
        %dma_start3A_153 = tpu.memref_slice %arg2[%dma_start3A_151, %dma_start3A_152] : memref<40448x128xf32, #tpu.memory_space<hbm>> -> memref<40448x128xf32, #tpu.memory_space<hbm>>
        tpu.enqueue_indirect_dma source(%dma_start3A_153 : memref<40448x128xf32, #tpu.memory_space<hbm>>) target(%arg9 : memref<128x128xf32, #tpu.memory_space<vmem>>) offsets(%dma_start3A_150 : memref<128xi32, #tpu.memory_space<vmem>>) semaphore(%arg12 : memref<!tpu.dma_semaphore, #tpu.memory_space<semaphore_mem>>)
      } else {
      }
      %sub3A_134 = arith.constant 1 : i32
      %sub3A_135 = arith.subi %add3A_128, %sub3A_134 : i32
      %ge3A_136 = arith.constant 0 : i32
      %ge3A_137 = arith.cmpi sge, %sub3A_135, %ge3A_136 : i32
      %lt3A_138 = arith.constant 40 : i32
      %lt3A_139 = arith.cmpi slt, %sub3A_135, %lt3A_138 : i32
      %and3A_140 = arith.andi %ge3A_137, %lt3A_139 : i1
      %convert_element_type3A_141 = arith.extui %and3A_140 : i1 to i32
      %cond3A_142 = arith.constant 0 : i32
      %cond3A_143 = arith.cmpi ne, %convert_element_type3A_141, %cond3A_142 : i32
      scf.if %cond3A_143 {
        %dma_wait3A_144 = arith.constant 0 : i32
        %dma_wait3A_145 = tpu.memref_slice %arg6[%sub3A_135, %dma_wait3A_144] : memref<40x128xi32, #tpu.memory_space<vmem>> -> memref<1x128xi32, #tpu.memory_space<vmem>>
        %dma_wait3A_146 = tpu.memref_squeeze %dma_wait3A_145 : memref<1x128xi32, #tpu.memory_space<vmem>> -> memref<128xi32, #tpu.memory_space<vmem>>
        %dma_wait3A_147 = arith.constant 0 : i32
        %dma_wait3A_148 = arith.constant 0 : i32
        %dma_wait3A_149 = tpu.memref_slice %arg2[%dma_wait3A_147, %dma_wait3A_148] : memref<40448x128xf32, #tpu.memory_space<hbm>> -> memref<40448x128xf32, #tpu.memory_space<hbm>>
        tpu.wait_indirect_dma semaphore(%arg11 : memref<!tpu.dma_semaphore, #tpu.memory_space<semaphore_mem>>) src(%dma_wait3A_149 : memref<40448x128xf32, #tpu.memory_space<hbm>>) dst(%arg8 : memref<128x128xf32, #tpu.memory_space<vmem>>)
        %dma_start3A = arith.constant 0 : i32
        %dma_start3A_150 = tpu.memref_slice %arg7[%sub3A_135, %dma_start3A] : memref<40x128xi32, #tpu.memory_space<vmem>> -> memref<1x128xi32, #tpu.memory_space<vmem>>
        %dma_start3A_151 = tpu.memref_squeeze %dma_start3A_150 : memref<1x128xi32, #tpu.memory_space<vmem>> -> memref<128xi32, #tpu.memory_space<vmem>>
        %dma_start3A_152 = arith.constant 0 : i32
        %dma_start3A_153 = arith.constant 0 : i32
        %dma_start3A_154 = tpu.memref_slice %arg10[%dma_start3A_152, %dma_start3A_153] : memref<10112x128xf32, #tpu.memory_space<vmem_shared>> -> memref<10112x128xf32, #tpu.memory_space<vmem_shared>>
        tpu.enqueue_indirect_dma source(%arg8 : memref<128x128xf32, #tpu.memory_space<vmem>>) target(%dma_start3A_154 : memref<10112x128xf32, #tpu.memory_space<vmem_shared>>) offsets(%dma_start3A_151 : memref<128xi32, #tpu.memory_space<vmem>>) semaphore(%arg13 : memref<!tpu.dma_semaphore, #tpu.memory_space<semaphore_mem>>) {add = true}
      } else {
      }
    }
    %scan3A_93 = arith.constant 21 : i32
    %dma_wait3A_94 = arith.constant 38 : i32
    %dma_wait3A_95 = arith.constant 0 : i32
    %dma_wait3A_96 = tpu.memref_slice %arg7[%dma_wait3A_94, %dma_wait3A_95] : memref<40x128xi32, #tpu.memory_space<vmem>> -> memref<1x128xi32, #tpu.memory_space<vmem>>
    %dma_wait3A_97 = tpu.memref_squeeze %dma_wait3A_96 : memref<1x128xi32, #tpu.memory_space<vmem>> -> memref<128xi32, #tpu.memory_space<vmem>>
    %dma_wait3A_98 = arith.constant 0 : i32
    %dma_wait3A_99 = arith.constant 0 : i32
    %dma_wait3A_100 = tpu.memref_slice %arg10[%dma_wait3A_98, %dma_wait3A_99] : memref<10112x128xf32, #tpu.memory_space<vmem_shared>> -> memref<10112x128xf32, #tpu.memory_space<vmem_shared>>
    tpu.wait_indirect_dma semaphore(%arg13 : memref<!tpu.dma_semaphore, #tpu.memory_space<semaphore_mem>>) src(%arg8 : memref<128x128xf32, #tpu.memory_space<vmem>>) dst(%dma_wait3A_100 : memref<10112x128xf32, #tpu.memory_space<vmem_shared>>)
    %dma_wait3A_101 = arith.constant 39 : i32
    %dma_wait3A_102 = arith.constant 0 : i32
    %dma_wait3A_103 = tpu.memref_slice %arg7[%dma_wait3A_101, %dma_wait3A_102] : memref<40x128xi32, #tpu.memory_space<vmem>> -> memref<1x128xi32, #tpu.memory_space<vmem>>
    %dma_wait3A_104 = tpu.memref_squeeze %dma_wait3A_103 : memref<1x128xi32, #tpu.memory_space<vmem>> -> memref<128xi32, #tpu.memory_space<vmem>>
    %dma_wait3A_105 = arith.constant 0 : i32
    %dma_wait3A_106 = arith.constant 0 : i32
    %dma_wait3A_107 = tpu.memref_slice %arg10[%dma_wait3A_105, %dma_wait3A_106] : memref<10112x128xf32, #tpu.memory_space<vmem_shared>> -> memref<10112x128xf32, #tpu.memory_space<vmem_shared>>
    tpu.wait_indirect_dma semaphore(%arg14 : memref<!tpu.dma_semaphore, #tpu.memory_space<semaphore_mem>>) src(%arg9 : memref<128x128xf32, #tpu.memory_space<vmem>>) dst(%dma_wait3A_107 : memref<10112x128xf32, #tpu.memory_space<vmem_shared>>)
    %barrier3A_108 = arith.constant 0 : index
    tpu.barrier barrier_id(%barrier3A_108)
    %add3A_109 = arith.addi %mul3A_59, %mul3A_0 : i32
    "tpu.region"() ({
      %run_scoped3A = tpu.sem_alloc : memref<!tpu.dma_semaphore, #tpu.memory_space<semaphore_mem>>
      %dma_start3A = arith.constant 0 : i32
      %dma_start3A_111 = tpu.memref_slice %arg5[%add3A_109, %dma_start3A] : memref<40448x128xf32, #tpu.memory_space<hbm>> -> memref<632x128xf32, #tpu.memory_space<hbm>>
      %dma_start3A_112 = arith.constant 0 : i32
      %dma_start3A_113 = tpu.memref_slice %arg10[%mul3A_0, %dma_start3A_112] : memref<10112x128xf32, #tpu.memory_space<vmem_shared>> -> memref<632x128xf32, #tpu.memory_space<vmem_shared>>
      tpu.enqueue_dma source(%dma_start3A_113 : memref<632x128xf32, #tpu.memory_space<vmem_shared>>) target(%dma_start3A_111 : memref<632x128xf32, #tpu.memory_space<hbm>>) target_semaphore(%run_scoped3A : memref<!tpu.dma_semaphore, #tpu.memory_space<semaphore_mem>>)
      %dma_wait3A_114 = arith.constant 0 : i32
      %dma_wait3A_115 = tpu.memref_slice %arg5[%add3A_109, %dma_wait3A_114] : memref<40448x128xf32, #tpu.memory_space<hbm>> -> memref<632x128xf32, #tpu.memory_space<hbm>>
      %dma_wait3A_116 = arith.constant 0 : i32
      %dma_wait3A_117 = tpu.memref_slice %arg10[%mul3A_0, %dma_wait3A_116] : memref<10112x128xf32, #tpu.memory_space<vmem_shared>> -> memref<632x128xf32, #tpu.memory_space<vmem_shared>>
      tpu.wait_dma2 semaphore(%run_scoped3A : memref<!tpu.dma_semaphore, #tpu.memory_space<semaphore_mem>>) src(%dma_wait3A_117 : memref<632x128xf32, #tpu.memory_space<vmem_shared>>) dst(%dma_wait3A_115 : memref<632x128xf32, #tpu.memory_space<hbm>>)
      tpu.yield
    }) : () -> ()
    %barrier3A_110 = arith.constant 0 : index
    tpu.barrier barrier_id(%barrier3A_110)
    return
  }
}

#map = affine_map<(d0, d1) -> (0, 0)>
#map1 = affine_map<(d0, d1) -> (0, 0, 0)>
module attributes {stable_mosaic.version = 14 : i64} {
  func.func @prop_kernel(%arg0: i32, %arg1: i32, %arg2: memref<40448x128xf32, #tpu.memory_space<hbm>>, %arg3: memref<64x80x128xi32, #tpu.memory_space<hbm>>, %arg4: memref<16x80x128xi32, #tpu.memory_space<hbm>>, %arg5: memref<40448x128xf32, #tpu.memory_space<hbm>>, %arg6: memref<40x128xi32, #tpu.memory_space<vmem>>, %arg7: memref<40x128xi32, #tpu.memory_space<vmem>>, %arg8: memref<128x128xf32, #tpu.memory_space<vmem>>, %arg9: memref<128x128xf32, #tpu.memory_space<vmem>>, %arg10: memref<10112x128xf32, #tpu.memory_space<vmem_shared>>, %arg11: memref<!tpu.dma_semaphore, #tpu.memory_space<semaphore_mem>>, %arg12: memref<!tpu.dma_semaphore, #tpu.memory_space<semaphore_mem>>, %arg13: memref<!tpu.dma_semaphore, #tpu.memory_space<semaphore_mem>>, %arg14: memref<!tpu.dma_semaphore, #tpu.memory_space<semaphore_mem>>) attributes {dimension_semantics = [#tpu.dimension_semantics<core_parallel>, #tpu.dimension_semantics<subcore_parallel>], iteration_bounds = array<i64: 2, 16>, scalar_prefetch = 0 : i64, scratch_operands = 9 : i64, tpu.core_type = #tpu.core_type<sc_vector_subcore>, window_params = [{transform_indices = #map}, {transform_indices = #map1}, {transform_indices = #map1}, {transform_indices = #map}]} {
    %mul3A = arith.constant 632 : i32
    %mul3A_0 = arith.muli %arg1, %mul3A : i32
    %mul3A_1 = arith.constant 2 : i32
    %mul3A_2 = arith.muli %arg0, %mul3A_1 : i32
    %add3A = arith.constant 0 : i32
    %add3A_3 = arith.addi %mul3A_2, %add3A : i32
    %mul3A_4 = arith.constant 10112 : i32
    %mul3A_5 = arith.muli %add3A_3, %mul3A_4 : i32
    %add3A_6 = arith.addi %mul3A_5, %mul3A_0 : i32
    "tpu.region"() ({
      %run_scoped3A = tpu.sem_alloc : memref<!tpu.dma_semaphore, #tpu.memory_space<semaphore_mem>>
      %dma_start3A = arith.constant 0 : i32
      %dma_start3A_111 = tpu.memref_slice %arg10[%mul3A_0, %dma_start3A] : memref<10112x128xf32, #tpu.memory_space<vmem_shared>> -> memref<632x128xf32, #tpu.memory_space<vmem_shared>>
      %dma_start3A_112 = arith.constant 0 : i32
      %dma_start3A_113 = tpu.memref_slice %arg2[%add3A_6, %dma_start3A_112] : memref<40448x128xf32, #tpu.memory_space<hbm>> -> memref<632x128xf32, #tpu.memory_space<hbm>>
      tpu.enqueue_dma source(%dma_start3A_113 : memref<632x128xf32, #tpu.memory_space<hbm>>) target(%dma_start3A_111 : memref<632x128xf32, #tpu.memory_space<vmem_shared>>) target_semaphore(%run_scoped3A : memref<!tpu.dma_semaphore, #tpu.memory_space<semaphore_mem>>)
      %dma_wait3A_114 = arith.constant 0 : i32
      %dma_wait3A_115 = tpu.memref_slice %arg10[%mul3A_0, %dma_wait3A_114] : memref<10112x128xf32, #tpu.memory_space<vmem_shared>> -> memref<632x128xf32, #tpu.memory_space<vmem_shared>>
      %dma_wait3A_116 = arith.constant 0 : i32
      %dma_wait3A_117 = tpu.memref_slice %arg2[%add3A_6, %dma_wait3A_116] : memref<40448x128xf32, #tpu.memory_space<hbm>> -> memref<632x128xf32, #tpu.memory_space<hbm>>
      tpu.wait_dma2 semaphore(%run_scoped3A : memref<!tpu.dma_semaphore, #tpu.memory_space<semaphore_mem>>) src(%dma_wait3A_117 : memref<632x128xf32, #tpu.memory_space<hbm>>) dst(%dma_wait3A_115 : memref<632x128xf32, #tpu.memory_space<vmem_shared>>)
      tpu.yield
    }) : () -> ()
    %barrier3A = arith.constant 0 : index
    tpu.barrier barrier_id(%barrier3A)
    %mul3A_7 = arith.constant 16 : i32
    %mul3A_8 = arith.muli %add3A_3, %mul3A_7 : i32
    %add3A_9 = arith.addi %mul3A_8, %arg1 : i32
    "tpu.region"() ({
      %run_scoped3A = tpu.sem_alloc : memref<!tpu.dma_semaphore, #tpu.memory_space<semaphore_mem>>
      %dma_start3A = arith.constant 0 : i32
      %dma_start3A_111 = arith.constant 0 : i32
      %dma_start3A_112 = tpu.memref_slice %arg3[%add3A_9, %dma_start3A, %dma_start3A_111] : memref<64x80x128xi32, #tpu.memory_space<hbm>> -> memref<1x40x128xi32, #tpu.memory_space<hbm>>
      %dma_start3A_113 = tpu.memref_squeeze %dma_start3A_112 : memref<1x40x128xi32, #tpu.memory_space<hbm>> -> memref<40x128xi32, #tpu.memory_space<hbm>>
      %dma_start3A_114 = arith.constant 0 : i32
      %dma_start3A_115 = arith.constant 0 : i32
      %dma_start3A_116 = tpu.memref_slice %arg3[%add3A_9, %dma_start3A_114, %dma_start3A_115] : memref<64x80x128xi32, #tpu.memory_space<hbm>> -> memref<1x40x128xi32, #tpu.memory_space<hbm>>
      %dma_start3A_117 = tpu.memref_squeeze %dma_start3A_116 : memref<1x40x128xi32, #tpu.memory_space<hbm>> -> memref<40x128xi32, #tpu.memory_space<hbm>>
      tpu.enqueue_dma source(%dma_start3A_117 : memref<40x128xi32, #tpu.memory_space<hbm>>) target(%arg6 : memref<40x128xi32, #tpu.memory_space<vmem>>) target_semaphore(%run_scoped3A : memref<!tpu.dma_semaphore, #tpu.memory_space<semaphore_mem>>)
      %dma_wait3A_118 = arith.constant 0 : i32
      %dma_wait3A_119 = arith.constant 0 : i32
      %dma_wait3A_120 = tpu.memref_slice %arg3[%add3A_9, %dma_wait3A_118, %dma_wait3A_119] : memref<64x80x128xi32, #tpu.memory_space<hbm>> -> memref<1x40x128xi32, #tpu.memory_space<hbm>>
      %dma_wait3A_121 = tpu.memref_squeeze %dma_wait3A_120 : memref<1x40x128xi32, #tpu.memory_space<hbm>> -> memref<40x128xi32, #tpu.memory_space<hbm>>
      %dma_wait3A_122 = arith.constant 0 : i32
      %dma_wait3A_123 = arith.constant 0 : i32
      %dma_wait3A_124 = tpu.memref_slice %arg3[%add3A_9, %dma_wait3A_122, %dma_wait3A_123] : memref<64x80x128xi32, #tpu.memory_space<hbm>> -> memref<1x40x128xi32, #tpu.memory_space<hbm>>
      %dma_wait3A_125 = tpu.memref_squeeze %dma_wait3A_124 : memref<1x40x128xi32, #tpu.memory_space<hbm>> -> memref<40x128xi32, #tpu.memory_space<hbm>>
      tpu.wait_dma2 semaphore(%run_scoped3A : memref<!tpu.dma_semaphore, #tpu.memory_space<semaphore_mem>>) src(%dma_wait3A_125 : memref<40x128xi32, #tpu.memory_space<hbm>>) dst(%arg6 : memref<40x128xi32, #tpu.memory_space<vmem>>)
      tpu.yield
    }) : () -> ()
    "tpu.region"() ({
      %run_scoped3A = tpu.sem_alloc : memref<!tpu.dma_semaphore, #tpu.memory_space<semaphore_mem>>
      %dma_start3A = arith.constant 0 : i32
      %dma_start3A_111 = arith.constant 0 : i32
      %dma_start3A_112 = tpu.memref_slice %arg4[%arg1, %dma_start3A, %dma_start3A_111] : memref<16x80x128xi32, #tpu.memory_space<hbm>> -> memref<1x40x128xi32, #tpu.memory_space<hbm>>
      %dma_start3A_113 = tpu.memref_squeeze %dma_start3A_112 : memref<1x40x128xi32, #tpu.memory_space<hbm>> -> memref<40x128xi32, #tpu.memory_space<hbm>>
      %dma_start3A_114 = arith.constant 0 : i32
      %dma_start3A_115 = arith.constant 0 : i32
      %dma_start3A_116 = tpu.memref_slice %arg4[%arg1, %dma_start3A_114, %dma_start3A_115] : memref<16x80x128xi32, #tpu.memory_space<hbm>> -> memref<1x40x128xi32, #tpu.memory_space<hbm>>
      %dma_start3A_117 = tpu.memref_squeeze %dma_start3A_116 : memref<1x40x128xi32, #tpu.memory_space<hbm>> -> memref<40x128xi32, #tpu.memory_space<hbm>>
      tpu.enqueue_dma source(%dma_start3A_117 : memref<40x128xi32, #tpu.memory_space<hbm>>) target(%arg7 : memref<40x128xi32, #tpu.memory_space<vmem>>) target_semaphore(%run_scoped3A : memref<!tpu.dma_semaphore, #tpu.memory_space<semaphore_mem>>)
      %dma_wait3A_118 = arith.constant 0 : i32
      %dma_wait3A_119 = arith.constant 0 : i32
      %dma_wait3A_120 = tpu.memref_slice %arg4[%arg1, %dma_wait3A_118, %dma_wait3A_119] : memref<16x80x128xi32, #tpu.memory_space<hbm>> -> memref<1x40x128xi32, #tpu.memory_space<hbm>>
      %dma_wait3A_121 = tpu.memref_squeeze %dma_wait3A_120 : memref<1x40x128xi32, #tpu.memory_space<hbm>> -> memref<40x128xi32, #tpu.memory_space<hbm>>
      %dma_wait3A_122 = arith.constant 0 : i32
      %dma_wait3A_123 = arith.constant 0 : i32
      %dma_wait3A_124 = tpu.memref_slice %arg4[%arg1, %dma_wait3A_122, %dma_wait3A_123] : memref<16x80x128xi32, #tpu.memory_space<hbm>> -> memref<1x40x128xi32, #tpu.memory_space<hbm>>
      %dma_wait3A_125 = tpu.memref_squeeze %dma_wait3A_124 : memref<1x40x128xi32, #tpu.memory_space<hbm>> -> memref<40x128xi32, #tpu.memory_space<hbm>>
      tpu.wait_dma2 semaphore(%run_scoped3A : memref<!tpu.dma_semaphore, #tpu.memory_space<semaphore_mem>>) src(%dma_wait3A_125 : memref<40x128xi32, #tpu.memory_space<hbm>>) dst(%arg7 : memref<40x128xi32, #tpu.memory_space<vmem>>)
      tpu.yield
    }) : () -> ()
    %scan3A = arith.constant 0 : i32
    %scan3A_10 = arith.constant 0 : i32
    %scan3A_11 = arith.constant 21 : i32
    %scan3A_12 = arith.addi %scan3A_10, %scan3A_11 : i32
    %scan3A_13 = arith.constant 1 : i32
    scf.for %scan3A_111 = %scan3A_10 to %scan3A_12 step %scan3A_13  : i32 {
      %mul3A_112 = arith.constant 2 : i32
      %mul3A_113 = arith.muli %scan3A_111, %mul3A_112 : i32
      %add3A_114 = arith.constant 0 : i32
      %add3A_115 = arith.addi %mul3A_113, %add3A_114 : i32
      %lt3A = arith.constant 40 : i32
      %lt3A_116 = arith.cmpi slt, %add3A_115, %lt3A : i32
      %convert_element_type3A = arith.extui %lt3A_116 : i1 to i32
      %cond3A = arith.constant 0 : i32
      %cond3A_117 = arith.cmpi ne, %convert_element_type3A, %cond3A : i32
      scf.if %cond3A_117 {
        %ge3A_144 = arith.constant 2 : i32
        %ge3A_145 = arith.cmpi sge, %add3A_115, %ge3A_144 : i32
        %convert_element_type3A_146 = arith.extui %ge3A_145 : i1 to i32
        %cond3A_147 = arith.constant 0 : i32
        %cond3A_148 = arith.cmpi ne, %convert_element_type3A_146, %cond3A_147 : i32
        scf.if %cond3A_148 {
          %sub3A_154 = arith.constant 2 : i32
          %sub3A_155 = arith.subi %add3A_115, %sub3A_154 : i32
          %dma_wait3A_156 = arith.constant 0 : i32
          %dma_wait3A_157 = tpu.memref_slice %arg7[%sub3A_155, %dma_wait3A_156] : memref<40x128xi32, #tpu.memory_space<vmem>> -> memref<1x128xi32, #tpu.memory_space<vmem>>
          %dma_wait3A_158 = tpu.memref_squeeze %dma_wait3A_157 : memref<1x128xi32, #tpu.memory_space<vmem>> -> memref<128xi32, #tpu.memory_space<vmem>>
          %dma_wait3A_159 = arith.constant 0 : i32
          %dma_wait3A_160 = arith.constant 0 : i32
          %dma_wait3A_161 = tpu.memref_slice %arg10[%dma_wait3A_159, %dma_wait3A_160] : memref<10112x128xf32, #tpu.memory_space<vmem_shared>> -> memref<10112x128xf32, #tpu.memory_space<vmem_shared>>
          tpu.wait_indirect_dma semaphore(%arg13 : memref<!tpu.dma_semaphore, #tpu.memory_space<semaphore_mem>>) src(%arg8 : memref<128x128xf32, #tpu.memory_space<vmem>>) dst(%dma_wait3A_161 : memref<10112x128xf32, #tpu.memory_space<vmem_shared>>)
        } else {
        }
        %dma_start3A = arith.constant 0 : i32
        %dma_start3A_149 = tpu.memref_slice %arg6[%add3A_115, %dma_start3A] : memref<40x128xi32, #tpu.memory_space<vmem>> -> memref<1x128xi32, #tpu.memory_space<vmem>>
        %dma_start3A_150 = tpu.memref_squeeze %dma_start3A_149 : memref<1x128xi32, #tpu.memory_space<vmem>> -> memref<128xi32, #tpu.memory_space<vmem>>
        %dma_start3A_151 = arith.constant 0 : i32
        %dma_start3A_152 = arith.constant 0 : i32
        %dma_start3A_153 = tpu.memref_slice %arg2[%dma_start3A_151, %dma_start3A_152] : memref<40448x128xf32, #tpu.memory_space<hbm>> -> memref<40448x128xf32, #tpu.memory_space<hbm>>
        tpu.enqueue_indirect_dma source(%dma_start3A_153 : memref<40448x128xf32, #tpu.memory_space<hbm>>) target(%arg8 : memref<128x128xf32, #tpu.memory_space<vmem>>) offsets(%dma_start3A_150 : memref<128xi32, #tpu.memory_space<vmem>>) semaphore(%arg11 : memref<!tpu.dma_semaphore, #tpu.memory_space<semaphore_mem>>)
      } else {
      }
      %sub3A = arith.constant 1 : i32
      %sub3A_118 = arith.subi %add3A_115, %sub3A : i32
      %ge3A = arith.constant 0 : i32
      %ge3A_119 = arith.cmpi sge, %sub3A_118, %ge3A : i32
      %lt3A_120 = arith.constant 40 : i32
      %lt3A_121 = arith.cmpi slt, %sub3A_118, %lt3A_120 : i32
      %and3A = arith.andi %ge3A_119, %lt3A_121 : i1
      %convert_element_type3A_122 = arith.extui %and3A : i1 to i32
      %cond3A_123 = arith.constant 0 : i32
      %cond3A_124 = arith.cmpi ne, %convert_element_type3A_122, %cond3A_123 : i32
      scf.if %cond3A_124 {
        %dma_wait3A_144 = arith.constant 0 : i32
        %dma_wait3A_145 = tpu.memref_slice %arg6[%sub3A_118, %dma_wait3A_144] : memref<40x128xi32, #tpu.memory_space<vmem>> -> memref<1x128xi32, #tpu.memory_space<vmem>>
        %dma_wait3A_146 = tpu.memref_squeeze %dma_wait3A_145 : memref<1x128xi32, #tpu.memory_space<vmem>> -> memref<128xi32, #tpu.memory_space<vmem>>
        %dma_wait3A_147 = arith.constant 0 : i32
        %dma_wait3A_148 = arith.constant 0 : i32
        %dma_wait3A_149 = tpu.memref_slice %arg2[%dma_wait3A_147, %dma_wait3A_148] : memref<40448x128xf32, #tpu.memory_space<hbm>> -> memref<40448x128xf32, #tpu.memory_space<hbm>>
        tpu.wait_indirect_dma semaphore(%arg12 : memref<!tpu.dma_semaphore, #tpu.memory_space<semaphore_mem>>) src(%dma_wait3A_149 : memref<40448x128xf32, #tpu.memory_space<hbm>>) dst(%arg9 : memref<128x128xf32, #tpu.memory_space<vmem>>)
        %dma_start3A = arith.constant 0 : i32
        %dma_start3A_150 = tpu.memref_slice %arg7[%sub3A_118, %dma_start3A] : memref<40x128xi32, #tpu.memory_space<vmem>> -> memref<1x128xi32, #tpu.memory_space<vmem>>
        %dma_start3A_151 = tpu.memref_squeeze %dma_start3A_150 : memref<1x128xi32, #tpu.memory_space<vmem>> -> memref<128xi32, #tpu.memory_space<vmem>>
        %dma_start3A_152 = arith.constant 0 : i32
        %dma_start3A_153 = arith.constant 0 : i32
        %dma_start3A_154 = tpu.memref_slice %arg10[%dma_start3A_152, %dma_start3A_153] : memref<10112x128xf32, #tpu.memory_space<vmem_shared>> -> memref<10112x128xf32, #tpu.memory_space<vmem_shared>>
        tpu.enqueue_indirect_dma source(%arg9 : memref<128x128xf32, #tpu.memory_space<vmem>>) target(%dma_start3A_154 : memref<10112x128xf32, #tpu.memory_space<vmem_shared>>) offsets(%dma_start3A_151 : memref<128xi32, #tpu.memory_space<vmem>>) semaphore(%arg14 : memref<!tpu.dma_semaphore, #tpu.memory_space<semaphore_mem>>) {add = true}
      } else {
      }
      %mul3A_125 = arith.constant 2 : i32
      %mul3A_126 = arith.muli %scan3A_111, %mul3A_125 : i32
      %add3A_127 = arith.constant 1 : i32
      %add3A_128 = arith.addi %mul3A_126, %add3A_127 : i32
      %lt3A_129 = arith.constant 40 : i32
      %lt3A_130 = arith.cmpi slt, %add3A_128, %lt3A_129 : i32
      %convert_element_type3A_131 = arith.extui %lt3A_130 : i1 to i32
      %cond3A_132 = arith.constant 0 : i32
      %cond3A_133 = arith.cmpi ne, %convert_element_type3A_131, %cond3A_132 : i32
      scf.if %cond3A_133 {
        %ge3A_144 = arith.constant 2 : i32
        %ge3A_145 = arith.cmpi sge, %add3A_128, %ge3A_144 : i32
        %convert_element_type3A_146 = arith.extui %ge3A_145 : i1 to i32
        %cond3A_147 = arith.constant 0 : i32
        %cond3A_148 = arith.cmpi ne, %convert_element_type3A_146, %cond3A_147 : i32
        scf.if %cond3A_148 {
          %sub3A_154 = arith.constant 2 : i32
          %sub3A_155 = arith.subi %add3A_128, %sub3A_154 : i32
          %dma_wait3A_156 = arith.constant 0 : i32
          %dma_wait3A_157 = tpu.memref_slice %arg7[%sub3A_155, %dma_wait3A_156] : memref<40x128xi32, #tpu.memory_space<vmem>> -> memref<1x128xi32, #tpu.memory_space<vmem>>
          %dma_wait3A_158 = tpu.memref_squeeze %dma_wait3A_157 : memref<1x128xi32, #tpu.memory_space<vmem>> -> memref<128xi32, #tpu.memory_space<vmem>>
          %dma_wait3A_159 = arith.constant 0 : i32
          %dma_wait3A_160 = arith.constant 0 : i32
          %dma_wait3A_161 = tpu.memref_slice %arg10[%dma_wait3A_159, %dma_wait3A_160] : memref<10112x128xf32, #tpu.memory_space<vmem_shared>> -> memref<10112x128xf32, #tpu.memory_space<vmem_shared>>
          tpu.wait_indirect_dma semaphore(%arg14 : memref<!tpu.dma_semaphore, #tpu.memory_space<semaphore_mem>>) src(%arg9 : memref<128x128xf32, #tpu.memory_space<vmem>>) dst(%dma_wait3A_161 : memref<10112x128xf32, #tpu.memory_space<vmem_shared>>)
        } else {
        }
        %dma_start3A = arith.constant 0 : i32
        %dma_start3A_149 = tpu.memref_slice %arg6[%add3A_128, %dma_start3A] : memref<40x128xi32, #tpu.memory_space<vmem>> -> memref<1x128xi32, #tpu.memory_space<vmem>>
        %dma_start3A_150 = tpu.memref_squeeze %dma_start3A_149 : memref<1x128xi32, #tpu.memory_space<vmem>> -> memref<128xi32, #tpu.memory_space<vmem>>
        %dma_start3A_151 = arith.constant 0 : i32
        %dma_start3A_152 = arith.constant 0 : i32
        %dma_start3A_153 = tpu.memref_slice %arg2[%dma_start3A_151, %dma_start3A_152] : memref<40448x128xf32, #tpu.memory_space<hbm>> -> memref<40448x128xf32, #tpu.memory_space<hbm>>
        tpu.enqueue_indirect_dma source(%dma_start3A_153 : memref<40448x128xf32, #tpu.memory_space<hbm>>) target(%arg9 : memref<128x128xf32, #tpu.memory_space<vmem>>) offsets(%dma_start3A_150 : memref<128xi32, #tpu.memory_space<vmem>>) semaphore(%arg12 : memref<!tpu.dma_semaphore, #tpu.memory_space<semaphore_mem>>)
      } else {
      }
      %sub3A_134 = arith.constant 1 : i32
      %sub3A_135 = arith.subi %add3A_128, %sub3A_134 : i32
      %ge3A_136 = arith.constant 0 : i32
      %ge3A_137 = arith.cmpi sge, %sub3A_135, %ge3A_136 : i32
      %lt3A_138 = arith.constant 40 : i32
      %lt3A_139 = arith.cmpi slt, %sub3A_135, %lt3A_138 : i32
      %and3A_140 = arith.andi %ge3A_137, %lt3A_139 : i1
      %convert_element_type3A_141 = arith.extui %and3A_140 : i1 to i32
      %cond3A_142 = arith.constant 0 : i32
      %cond3A_143 = arith.cmpi ne, %convert_element_type3A_141, %cond3A_142 : i32
      scf.if %cond3A_143 {
        %dma_wait3A_144 = arith.constant 0 : i32
        %dma_wait3A_145 = tpu.memref_slice %arg6[%sub3A_135, %dma_wait3A_144] : memref<40x128xi32, #tpu.memory_space<vmem>> -> memref<1x128xi32, #tpu.memory_space<vmem>>
        %dma_wait3A_146 = tpu.memref_squeeze %dma_wait3A_145 : memref<1x128xi32, #tpu.memory_space<vmem>> -> memref<128xi32, #tpu.memory_space<vmem>>
        %dma_wait3A_147 = arith.constant 0 : i32
        %dma_wait3A_148 = arith.constant 0 : i32
        %dma_wait3A_149 = tpu.memref_slice %arg2[%dma_wait3A_147, %dma_wait3A_148] : memref<40448x128xf32, #tpu.memory_space<hbm>> -> memref<40448x128xf32, #tpu.memory_space<hbm>>
        tpu.wait_indirect_dma semaphore(%arg11 : memref<!tpu.dma_semaphore, #tpu.memory_space<semaphore_mem>>) src(%dma_wait3A_149 : memref<40448x128xf32, #tpu.memory_space<hbm>>) dst(%arg8 : memref<128x128xf32, #tpu.memory_space<vmem>>)
        %dma_start3A = arith.constant 0 : i32
        %dma_start3A_150 = tpu.memref_slice %arg7[%sub3A_135, %dma_start3A] : memref<40x128xi32, #tpu.memory_space<vmem>> -> memref<1x128xi32, #tpu.memory_space<vmem>>
        %dma_start3A_151 = tpu.memref_squeeze %dma_start3A_150 : memref<1x128xi32, #tpu.memory_space<vmem>> -> memref<128xi32, #tpu.memory_space<vmem>>
        %dma_start3A_152 = arith.constant 0 : i32
        %dma_start3A_153 = arith.constant 0 : i32
        %dma_start3A_154 = tpu.memref_slice %arg10[%dma_start3A_152, %dma_start3A_153] : memref<10112x128xf32, #tpu.memory_space<vmem_shared>> -> memref<10112x128xf32, #tpu.memory_space<vmem_shared>>
        tpu.enqueue_indirect_dma source(%arg8 : memref<128x128xf32, #tpu.memory_space<vmem>>) target(%dma_start3A_154 : memref<10112x128xf32, #tpu.memory_space<vmem_shared>>) offsets(%dma_start3A_151 : memref<128xi32, #tpu.memory_space<vmem>>) semaphore(%arg13 : memref<!tpu.dma_semaphore, #tpu.memory_space<semaphore_mem>>) {add = true}
      } else {
      }
    }
    %scan3A_14 = arith.constant 21 : i32
    %dma_wait3A = arith.constant 38 : i32
    %dma_wait3A_15 = arith.constant 0 : i32
    %dma_wait3A_16 = tpu.memref_slice %arg7[%dma_wait3A, %dma_wait3A_15] : memref<40x128xi32, #tpu.memory_space<vmem>> -> memref<1x128xi32, #tpu.memory_space<vmem>>
    %dma_wait3A_17 = tpu.memref_squeeze %dma_wait3A_16 : memref<1x128xi32, #tpu.memory_space<vmem>> -> memref<128xi32, #tpu.memory_space<vmem>>
    %dma_wait3A_18 = arith.constant 0 : i32
    %dma_wait3A_19 = arith.constant 0 : i32
    %dma_wait3A_20 = tpu.memref_slice %arg10[%dma_wait3A_18, %dma_wait3A_19] : memref<10112x128xf32, #tpu.memory_space<vmem_shared>> -> memref<10112x128xf32, #tpu.memory_space<vmem_shared>>
    tpu.wait_indirect_dma semaphore(%arg13 : memref<!tpu.dma_semaphore, #tpu.memory_space<semaphore_mem>>) src(%arg8 : memref<128x128xf32, #tpu.memory_space<vmem>>) dst(%dma_wait3A_20 : memref<10112x128xf32, #tpu.memory_space<vmem_shared>>)
    %dma_wait3A_21 = arith.constant 39 : i32
    %dma_wait3A_22 = arith.constant 0 : i32
    %dma_wait3A_23 = tpu.memref_slice %arg7[%dma_wait3A_21, %dma_wait3A_22] : memref<40x128xi32, #tpu.memory_space<vmem>> -> memref<1x128xi32, #tpu.memory_space<vmem>>
    %dma_wait3A_24 = tpu.memref_squeeze %dma_wait3A_23 : memref<1x128xi32, #tpu.memory_space<vmem>> -> memref<128xi32, #tpu.memory_space<vmem>>
    %dma_wait3A_25 = arith.constant 0 : i32
    %dma_wait3A_26 = arith.constant 0 : i32
    %dma_wait3A_27 = tpu.memref_slice %arg10[%dma_wait3A_25, %dma_wait3A_26] : memref<10112x128xf32, #tpu.memory_space<vmem_shared>> -> memref<10112x128xf32, #tpu.memory_space<vmem_shared>>
    tpu.wait_indirect_dma semaphore(%arg14 : memref<!tpu.dma_semaphore, #tpu.memory_space<semaphore_mem>>) src(%arg9 : memref<128x128xf32, #tpu.memory_space<vmem>>) dst(%dma_wait3A_27 : memref<10112x128xf32, #tpu.memory_space<vmem_shared>>)
    %mul3A_28 = arith.constant 16 : i32
    %mul3A_29 = arith.muli %add3A_3, %mul3A_28 : i32
    %add3A_30 = arith.addi %mul3A_29, %arg1 : i32
    "tpu.region"() ({
      %run_scoped3A = tpu.sem_alloc : memref<!tpu.dma_semaphore, #tpu.memory_space<semaphore_mem>>
      %dma_start3A = arith.constant 40 : i32
      %dma_start3A_111 = arith.constant 0 : i32
      %dma_start3A_112 = tpu.memref_slice %arg3[%add3A_30, %dma_start3A, %dma_start3A_111] : memref<64x80x128xi32, #tpu.memory_space<hbm>> -> memref<1x40x128xi32, #tpu.memory_space<hbm>>
      %dma_start3A_113 = tpu.memref_squeeze %dma_start3A_112 : memref<1x40x128xi32, #tpu.memory_space<hbm>> -> memref<40x128xi32, #tpu.memory_space<hbm>>
      %dma_start3A_114 = arith.constant 40 : i32
      %dma_start3A_115 = arith.constant 0 : i32
      %dma_start3A_116 = tpu.memref_slice %arg3[%add3A_30, %dma_start3A_114, %dma_start3A_115] : memref<64x80x128xi32, #tpu.memory_space<hbm>> -> memref<1x40x128xi32, #tpu.memory_space<hbm>>
      %dma_start3A_117 = tpu.memref_squeeze %dma_start3A_116 : memref<1x40x128xi32, #tpu.memory_space<hbm>> -> memref<40x128xi32, #tpu.memory_space<hbm>>
      tpu.enqueue_dma source(%dma_start3A_117 : memref<40x128xi32, #tpu.memory_space<hbm>>) target(%arg6 : memref<40x128xi32, #tpu.memory_space<vmem>>) target_semaphore(%run_scoped3A : memref<!tpu.dma_semaphore, #tpu.memory_space<semaphore_mem>>)
      %dma_wait3A_118 = arith.constant 40 : i32
      %dma_wait3A_119 = arith.constant 0 : i32
      %dma_wait3A_120 = tpu.memref_slice %arg3[%add3A_30, %dma_wait3A_118, %dma_wait3A_119] : memref<64x80x128xi32, #tpu.memory_space<hbm>> -> memref<1x40x128xi32, #tpu.memory_space<hbm>>
      %dma_wait3A_121 = tpu.memref_squeeze %dma_wait3A_120 : memref<1x40x128xi32, #tpu.memory_space<hbm>> -> memref<40x128xi32, #tpu.memory_space<hbm>>
      %dma_wait3A_122 = arith.constant 40 : i32
      %dma_wait3A_123 = arith.constant 0 : i32
      %dma_wait3A_124 = tpu.memref_slice %arg3[%add3A_30, %dma_wait3A_122, %dma_wait3A_123] : memref<64x80x128xi32, #tpu.memory_space<hbm>> -> memref<1x40x128xi32, #tpu.memory_space<hbm>>
      %dma_wait3A_125 = tpu.memref_squeeze %dma_wait3A_124 : memref<1x40x128xi32, #tpu.memory_space<hbm>> -> memref<40x128xi32, #tpu.memory_space<hbm>>
      tpu.wait_dma2 semaphore(%run_scoped3A : memref<!tpu.dma_semaphore, #tpu.memory_space<semaphore_mem>>) src(%dma_wait3A_125 : memref<40x128xi32, #tpu.memory_space<hbm>>) dst(%arg6 : memref<40x128xi32, #tpu.memory_space<vmem>>)
      tpu.yield
    }) : () -> ()
    "tpu.region"() ({
      %run_scoped3A = tpu.sem_alloc : memref<!tpu.dma_semaphore, #tpu.memory_space<semaphore_mem>>
      %dma_start3A = arith.constant 40 : i32
      %dma_start3A_111 = arith.constant 0 : i32
      %dma_start3A_112 = tpu.memref_slice %arg4[%arg1, %dma_start3A, %dma_start3A_111] : memref<16x80x128xi32, #tpu.memory_space<hbm>> -> memref<1x40x128xi32, #tpu.memory_space<hbm>>
      %dma_start3A_113 = tpu.memref_squeeze %dma_start3A_112 : memref<1x40x128xi32, #tpu.memory_space<hbm>> -> memref<40x128xi32, #tpu.memory_space<hbm>>
      %dma_start3A_114 = arith.constant 40 : i32
      %dma_start3A_115 = arith.constant 0 : i32
      %dma_start3A_116 = tpu.memref_slice %arg4[%arg1, %dma_start3A_114, %dma_start3A_115] : memref<16x80x128xi32, #tpu.memory_space<hbm>> -> memref<1x40x128xi32, #tpu.memory_space<hbm>>
      %dma_start3A_117 = tpu.memref_squeeze %dma_start3A_116 : memref<1x40x128xi32, #tpu.memory_space<hbm>> -> memref<40x128xi32, #tpu.memory_space<hbm>>
      tpu.enqueue_dma source(%dma_start3A_117 : memref<40x128xi32, #tpu.memory_space<hbm>>) target(%arg7 : memref<40x128xi32, #tpu.memory_space<vmem>>) target_semaphore(%run_scoped3A : memref<!tpu.dma_semaphore, #tpu.memory_space<semaphore_mem>>)
      %dma_wait3A_118 = arith.constant 40 : i32
      %dma_wait3A_119 = arith.constant 0 : i32
      %dma_wait3A_120 = tpu.memref_slice %arg4[%arg1, %dma_wait3A_118, %dma_wait3A_119] : memref<16x80x128xi32, #tpu.memory_space<hbm>> -> memref<1x40x128xi32, #tpu.memory_space<hbm>>
      %dma_wait3A_121 = tpu.memref_squeeze %dma_wait3A_120 : memref<1x40x128xi32, #tpu.memory_space<hbm>> -> memref<40x128xi32, #tpu.memory_space<hbm>>
      %dma_wait3A_122 = arith.constant 40 : i32
      %dma_wait3A_123 = arith.constant 0 : i32
      %dma_wait3A_124 = tpu.memref_slice %arg4[%arg1, %dma_wait3A_122, %dma_wait3A_123] : memref<16x80x128xi32, #tpu.memory_space<hbm>> -> memref<1x40x128xi32, #tpu.memory_space<hbm>>
      %dma_wait3A_125 = tpu.memref_squeeze %dma_wait3A_124 : memref<1x40x128xi32, #tpu.memory_space<hbm>> -> memref<40x128xi32, #tpu.memory_space<hbm>>
      tpu.wait_dma2 semaphore(%run_scoped3A : memref<!tpu.dma_semaphore, #tpu.memory_space<semaphore_mem>>) src(%dma_wait3A_125 : memref<40x128xi32, #tpu.memory_space<hbm>>) dst(%arg7 : memref<40x128xi32, #tpu.memory_space<vmem>>)
      tpu.yield
    }) : () -> ()
    %scan3A_31 = arith.constant 0 : i32
    %scan3A_32 = arith.constant 0 : i32
    %scan3A_33 = arith.constant 21 : i32
    %scan3A_34 = arith.addi %scan3A_32, %scan3A_33 : i32
    %scan3A_35 = arith.constant 1 : i32
    scf.for %scan3A_111 = %scan3A_32 to %scan3A_34 step %scan3A_35  : i32 {
      %mul3A_112 = arith.constant 2 : i32
      %mul3A_113 = arith.muli %scan3A_111, %mul3A_112 : i32
      %add3A_114 = arith.constant 0 : i32
      %add3A_115 = arith.addi %mul3A_113, %add3A_114 : i32
      %lt3A = arith.constant 40 : i32
      %lt3A_116 = arith.cmpi slt, %add3A_115, %lt3A : i32
      %convert_element_type3A = arith.extui %lt3A_116 : i1 to i32
      %cond3A = arith.constant 0 : i32
      %cond3A_117 = arith.cmpi ne, %convert_element_type3A, %cond3A : i32
      scf.if %cond3A_117 {
        %ge3A_144 = arith.constant 2 : i32
        %ge3A_145 = arith.cmpi sge, %add3A_115, %ge3A_144 : i32
        %convert_element_type3A_146 = arith.extui %ge3A_145 : i1 to i32
        %cond3A_147 = arith.constant 0 : i32
        %cond3A_148 = arith.cmpi ne, %convert_element_type3A_146, %cond3A_147 : i32
        scf.if %cond3A_148 {
          %sub3A_154 = arith.constant 2 : i32
          %sub3A_155 = arith.subi %add3A_115, %sub3A_154 : i32
          %dma_wait3A_156 = arith.constant 0 : i32
          %dma_wait3A_157 = tpu.memref_slice %arg7[%sub3A_155, %dma_wait3A_156] : memref<40x128xi32, #tpu.memory_space<vmem>> -> memref<1x128xi32, #tpu.memory_space<vmem>>
          %dma_wait3A_158 = tpu.memref_squeeze %dma_wait3A_157 : memref<1x128xi32, #tpu.memory_space<vmem>> -> memref<128xi32, #tpu.memory_space<vmem>>
          %dma_wait3A_159 = arith.constant 0 : i32
          %dma_wait3A_160 = arith.constant 0 : i32
          %dma_wait3A_161 = tpu.memref_slice %arg10[%dma_wait3A_159, %dma_wait3A_160] : memref<10112x128xf32, #tpu.memory_space<vmem_shared>> -> memref<10112x128xf32, #tpu.memory_space<vmem_shared>>
          tpu.wait_indirect_dma semaphore(%arg13 : memref<!tpu.dma_semaphore, #tpu.memory_space<semaphore_mem>>) src(%arg8 : memref<128x128xf32, #tpu.memory_space<vmem>>) dst(%dma_wait3A_161 : memref<10112x128xf32, #tpu.memory_space<vmem_shared>>)
        } else {
        }
        %dma_start3A = arith.constant 0 : i32
        %dma_start3A_149 = tpu.memref_slice %arg6[%add3A_115, %dma_start3A] : memref<40x128xi32, #tpu.memory_space<vmem>> -> memref<1x128xi32, #tpu.memory_space<vmem>>
        %dma_start3A_150 = tpu.memref_squeeze %dma_start3A_149 : memref<1x128xi32, #tpu.memory_space<vmem>> -> memref<128xi32, #tpu.memory_space<vmem>>
        %dma_start3A_151 = arith.constant 0 : i32
        %dma_start3A_152 = arith.constant 0 : i32
        %dma_start3A_153 = tpu.memref_slice %arg2[%dma_start3A_151, %dma_start3A_152] : memref<40448x128xf32, #tpu.memory_space<hbm>> -> memref<40448x128xf32, #tpu.memory_space<hbm>>
        tpu.enqueue_indirect_dma source(%dma_start3A_153 : memref<40448x128xf32, #tpu.memory_space<hbm>>) target(%arg8 : memref<128x128xf32, #tpu.memory_space<vmem>>) offsets(%dma_start3A_150 : memref<128xi32, #tpu.memory_space<vmem>>) semaphore(%arg11 : memref<!tpu.dma_semaphore, #tpu.memory_space<semaphore_mem>>)
      } else {
      }
      %sub3A = arith.constant 1 : i32
      %sub3A_118 = arith.subi %add3A_115, %sub3A : i32
      %ge3A = arith.constant 0 : i32
      %ge3A_119 = arith.cmpi sge, %sub3A_118, %ge3A : i32
      %lt3A_120 = arith.constant 40 : i32
      %lt3A_121 = arith.cmpi slt, %sub3A_118, %lt3A_120 : i32
      %and3A = arith.andi %ge3A_119, %lt3A_121 : i1
      %convert_element_type3A_122 = arith.extui %and3A : i1 to i32
      %cond3A_123 = arith.constant 0 : i32
      %cond3A_124 = arith.cmpi ne, %convert_element_type3A_122, %cond3A_123 : i32
      scf.if %cond3A_124 {
        %dma_wait3A_144 = arith.constant 0 : i32
        %dma_wait3A_145 = tpu.memref_slice %arg6[%sub3A_118, %dma_wait3A_144] : memref<40x128xi32, #tpu.memory_space<vmem>> -> memref<1x128xi32, #tpu.memory_space<vmem>>
        %dma_wait3A_146 = tpu.memref_squeeze %dma_wait3A_145 : memref<1x128xi32, #tpu.memory_space<vmem>> -> memref<128xi32, #tpu.memory_space<vmem>>
        %dma_wait3A_147 = arith.constant 0 : i32
        %dma_wait3A_148 = arith.constant 0 : i32
        %dma_wait3A_149 = tpu.memref_slice %arg2[%dma_wait3A_147, %dma_wait3A_148] : memref<40448x128xf32, #tpu.memory_space<hbm>> -> memref<40448x128xf32, #tpu.memory_space<hbm>>
        tpu.wait_indirect_dma semaphore(%arg12 : memref<!tpu.dma_semaphore, #tpu.memory_space<semaphore_mem>>) src(%dma_wait3A_149 : memref<40448x128xf32, #tpu.memory_space<hbm>>) dst(%arg9 : memref<128x128xf32, #tpu.memory_space<vmem>>)
        %dma_start3A = arith.constant 0 : i32
        %dma_start3A_150 = tpu.memref_slice %arg7[%sub3A_118, %dma_start3A] : memref<40x128xi32, #tpu.memory_space<vmem>> -> memref<1x128xi32, #tpu.memory_space<vmem>>
        %dma_start3A_151 = tpu.memref_squeeze %dma_start3A_150 : memref<1x128xi32, #tpu.memory_space<vmem>> -> memref<128xi32, #tpu.memory_space<vmem>>
        %dma_start3A_152 = arith.constant 0 : i32
        %dma_start3A_153 = arith.constant 0 : i32
        %dma_start3A_154 = tpu.memref_slice %arg10[%dma_start3A_152, %dma_start3A_153] : memref<10112x128xf32, #tpu.memory_space<vmem_shared>> -> memref<10112x128xf32, #tpu.memory_space<vmem_shared>>
        tpu.enqueue_indirect_dma source(%arg9 : memref<128x128xf32, #tpu.memory_space<vmem>>) target(%dma_start3A_154 : memref<10112x128xf32, #tpu.memory_space<vmem_shared>>) offsets(%dma_start3A_151 : memref<128xi32, #tpu.memory_space<vmem>>) semaphore(%arg14 : memref<!tpu.dma_semaphore, #tpu.memory_space<semaphore_mem>>) {add = true}
      } else {
      }
      %mul3A_125 = arith.constant 2 : i32
      %mul3A_126 = arith.muli %scan3A_111, %mul3A_125 : i32
      %add3A_127 = arith.constant 1 : i32
      %add3A_128 = arith.addi %mul3A_126, %add3A_127 : i32
      %lt3A_129 = arith.constant 40 : i32
      %lt3A_130 = arith.cmpi slt, %add3A_128, %lt3A_129 : i32
      %convert_element_type3A_131 = arith.extui %lt3A_130 : i1 to i32
      %cond3A_132 = arith.constant 0 : i32
      %cond3A_133 = arith.cmpi ne, %convert_element_type3A_131, %cond3A_132 : i32
      scf.if %cond3A_133 {
        %ge3A_144 = arith.constant 2 : i32
        %ge3A_145 = arith.cmpi sge, %add3A_128, %ge3A_144 : i32
        %convert_element_type3A_146 = arith.extui %ge3A_145 : i1 to i32
        %cond3A_147 = arith.constant 0 : i32
        %cond3A_148 = arith.cmpi ne, %convert_element_type3A_146, %cond3A_147 : i32
        scf.if %cond3A_148 {
          %sub3A_154 = arith.constant 2 : i32
          %sub3A_155 = arith.subi %add3A_128, %sub3A_154 : i32
          %dma_wait3A_156 = arith.constant 0 : i32
          %dma_wait3A_157 = tpu.memref_slice %arg7[%sub3A_155, %dma_wait3A_156] : memref<40x128xi32, #tpu.memory_space<vmem>> -> memref<1x128xi32, #tpu.memory_space<vmem>>
          %dma_wait3A_158 = tpu.memref_squeeze %dma_wait3A_157 : memref<1x128xi32, #tpu.memory_space<vmem>> -> memref<128xi32, #tpu.memory_space<vmem>>
          %dma_wait3A_159 = arith.constant 0 : i32
          %dma_wait3A_160 = arith.constant 0 : i32
          %dma_wait3A_161 = tpu.memref_slice %arg10[%dma_wait3A_159, %dma_wait3A_160] : memref<10112x128xf32, #tpu.memory_space<vmem_shared>> -> memref<10112x128xf32, #tpu.memory_space<vmem_shared>>
          tpu.wait_indirect_dma semaphore(%arg14 : memref<!tpu.dma_semaphore, #tpu.memory_space<semaphore_mem>>) src(%arg9 : memref<128x128xf32, #tpu.memory_space<vmem>>) dst(%dma_wait3A_161 : memref<10112x128xf32, #tpu.memory_space<vmem_shared>>)
        } else {
        }
        %dma_start3A = arith.constant 0 : i32
        %dma_start3A_149 = tpu.memref_slice %arg6[%add3A_128, %dma_start3A] : memref<40x128xi32, #tpu.memory_space<vmem>> -> memref<1x128xi32, #tpu.memory_space<vmem>>
        %dma_start3A_150 = tpu.memref_squeeze %dma_start3A_149 : memref<1x128xi32, #tpu.memory_space<vmem>> -> memref<128xi32, #tpu.memory_space<vmem>>
        %dma_start3A_151 = arith.constant 0 : i32
        %dma_start3A_152 = arith.constant 0 : i32
        %dma_start3A_153 = tpu.memref_slice %arg2[%dma_start3A_151, %dma_start3A_152] : memref<40448x128xf32, #tpu.memory_space<hbm>> -> memref<40448x128xf32, #tpu.memory_space<hbm>>
        tpu.enqueue_indirect_dma source(%dma_start3A_153 : memref<40448x128xf32, #tpu.memory_space<hbm>>) target(%arg9 : memref<128x128xf32, #tpu.memory_space<vmem>>) offsets(%dma_start3A_150 : memref<128xi32, #tpu.memory_space<vmem>>) semaphore(%arg12 : memref<!tpu.dma_semaphore, #tpu.memory_space<semaphore_mem>>)
      } else {
      }
      %sub3A_134 = arith.constant 1 : i32
      %sub3A_135 = arith.subi %add3A_128, %sub3A_134 : i32
      %ge3A_136 = arith.constant 0 : i32
      %ge3A_137 = arith.cmpi sge, %sub3A_135, %ge3A_136 : i32
      %lt3A_138 = arith.constant 40 : i32
      %lt3A_139 = arith.cmpi slt, %sub3A_135, %lt3A_138 : i32
      %and3A_140 = arith.andi %ge3A_137, %lt3A_139 : i1
      %convert_element_type3A_141 = arith.extui %and3A_140 : i1 to i32
      %cond3A_142 = arith.constant 0 : i32
      %cond3A_143 = arith.cmpi ne, %convert_element_type3A_141, %cond3A_142 : i32
      scf.if %cond3A_143 {
        %dma_wait3A_144 = arith.constant 0 : i32
        %dma_wait3A_145 = tpu.memref_slice %arg6[%sub3A_135, %dma_wait3A_144] : memref<40x128xi32, #tpu.memory_space<vmem>> -> memref<1x128xi32, #tpu.memory_space<vmem>>
        %dma_wait3A_146 = tpu.memref_squeeze %dma_wait3A_145 : memref<1x128xi32, #tpu.memory_space<vmem>> -> memref<128xi32, #tpu.memory_space<vmem>>
        %dma_wait3A_147 = arith.constant 0 : i32
        %dma_wait3A_148 = arith.constant 0 : i32
        %dma_wait3A_149 = tpu.memref_slice %arg2[%dma_wait3A_147, %dma_wait3A_148] : memref<40448x128xf32, #tpu.memory_space<hbm>> -> memref<40448x128xf32, #tpu.memory_space<hbm>>
        tpu.wait_indirect_dma semaphore(%arg11 : memref<!tpu.dma_semaphore, #tpu.memory_space<semaphore_mem>>) src(%dma_wait3A_149 : memref<40448x128xf32, #tpu.memory_space<hbm>>) dst(%arg8 : memref<128x128xf32, #tpu.memory_space<vmem>>)
        %dma_start3A = arith.constant 0 : i32
        %dma_start3A_150 = tpu.memref_slice %arg7[%sub3A_135, %dma_start3A] : memref<40x128xi32, #tpu.memory_space<vmem>> -> memref<1x128xi32, #tpu.memory_space<vmem>>
        %dma_start3A_151 = tpu.memref_squeeze %dma_start3A_150 : memref<1x128xi32, #tpu.memory_space<vmem>> -> memref<128xi32, #tpu.memory_space<vmem>>
        %dma_start3A_152 = arith.constant 0 : i32
        %dma_start3A_153 = arith.constant 0 : i32
        %dma_start3A_154 = tpu.memref_slice %arg10[%dma_start3A_152, %dma_start3A_153] : memref<10112x128xf32, #tpu.memory_space<vmem_shared>> -> memref<10112x128xf32, #tpu.memory_space<vmem_shared>>
        tpu.enqueue_indirect_dma source(%arg8 : memref<128x128xf32, #tpu.memory_space<vmem>>) target(%dma_start3A_154 : memref<10112x128xf32, #tpu.memory_space<vmem_shared>>) offsets(%dma_start3A_151 : memref<128xi32, #tpu.memory_space<vmem>>) semaphore(%arg13 : memref<!tpu.dma_semaphore, #tpu.memory_space<semaphore_mem>>) {add = true}
      } else {
      }
    }
    %scan3A_36 = arith.constant 21 : i32
    %dma_wait3A_37 = arith.constant 38 : i32
    %dma_wait3A_38 = arith.constant 0 : i32
    %dma_wait3A_39 = tpu.memref_slice %arg7[%dma_wait3A_37, %dma_wait3A_38] : memref<40x128xi32, #tpu.memory_space<vmem>> -> memref<1x128xi32, #tpu.memory_space<vmem>>
    %dma_wait3A_40 = tpu.memref_squeeze %dma_wait3A_39 : memref<1x128xi32, #tpu.memory_space<vmem>> -> memref<128xi32, #tpu.memory_space<vmem>>
    %dma_wait3A_41 = arith.constant 0 : i32
    %dma_wait3A_42 = arith.constant 0 : i32
    %dma_wait3A_43 = tpu.memref_slice %arg10[%dma_wait3A_41, %dma_wait3A_42] : memref<10112x128xf32, #tpu.memory_space<vmem_shared>> -> memref<10112x128xf32, #tpu.memory_space<vmem_shared>>
    tpu.wait_indirect_dma semaphore(%arg13 : memref<!tpu.dma_semaphore, #tpu.memory_space<semaphore_mem>>) src(%arg8 : memref<128x128xf32, #tpu.memory_space<vmem>>) dst(%dma_wait3A_43 : memref<10112x128xf32, #tpu.memory_space<vmem_shared>>)
    %dma_wait3A_44 = arith.constant 39 : i32
    %dma_wait3A_45 = arith.constant 0 : i32
    %dma_wait3A_46 = tpu.memref_slice %arg7[%dma_wait3A_44, %dma_wait3A_45] : memref<40x128xi32, #tpu.memory_space<vmem>> -> memref<1x128xi32, #tpu.memory_space<vmem>>
    %dma_wait3A_47 = tpu.memref_squeeze %dma_wait3A_46 : memref<1x128xi32, #tpu.memory_space<vmem>> -> memref<128xi32, #tpu.memory_space<vmem>>
    %dma_wait3A_48 = arith.constant 0 : i32
    %dma_wait3A_49 = arith.constant 0 : i32
    %dma_wait3A_50 = tpu.memref_slice %arg10[%dma_wait3A_48, %dma_wait3A_49] : memref<10112x128xf32, #tpu.memory_space<vmem_shared>> -> memref<10112x128xf32, #tpu.memory_space<vmem_shared>>
    tpu.wait_indirect_dma semaphore(%arg14 : memref<!tpu.dma_semaphore, #tpu.memory_space<semaphore_mem>>) src(%arg9 : memref<128x128xf32, #tpu.memory_space<vmem>>) dst(%dma_wait3A_50 : memref<10112x128xf32, #tpu.memory_space<vmem_shared>>)
    %barrier3A_51 = arith.constant 0 : index
    tpu.barrier barrier_id(%barrier3A_51)
    %add3A_52 = arith.addi %mul3A_5, %mul3A_0 : i32
    "tpu.region"() ({
      %run_scoped3A = tpu.sem_alloc : memref<!tpu.dma_semaphore, #tpu.memory_space<semaphore_mem>>
      %dma_start3A = arith.constant 0 : i32
      %dma_start3A_111 = tpu.memref_slice %arg5[%add3A_52, %dma_start3A] : memref<40448x128xf32, #tpu.memory_space<hbm>> -> memref<632x128xf32, #tpu.memory_space<hbm>>
      %dma_start3A_112 = arith.constant 0 : i32
      %dma_start3A_113 = tpu.memref_slice %arg10[%mul3A_0, %dma_start3A_112] : memref<10112x128xf32, #tpu.memory_space<vmem_shared>> -> memref<632x128xf32, #tpu.memory_space<vmem_shared>>
      tpu.enqueue_dma source(%dma_start3A_113 : memref<632x128xf32, #tpu.memory_space<vmem_shared>>) target(%dma_start3A_111 : memref<632x128xf32, #tpu.memory_space<hbm>>) target_semaphore(%run_scoped3A : memref<!tpu.dma_semaphore, #tpu.memory_space<semaphore_mem>>)
      %dma_wait3A_114 = arith.constant 0 : i32
      %dma_wait3A_115 = tpu.memref_slice %arg5[%add3A_52, %dma_wait3A_114] : memref<40448x128xf32, #tpu.memory_space<hbm>> -> memref<632x128xf32, #tpu.memory_space<hbm>>
      %dma_wait3A_116 = arith.constant 0 : i32
      %dma_wait3A_117 = tpu.memref_slice %arg10[%mul3A_0, %dma_wait3A_116] : memref<10112x128xf32, #tpu.memory_space<vmem_shared>> -> memref<632x128xf32, #tpu.memory_space<vmem_shared>>
      tpu.wait_dma2 semaphore(%run_scoped3A : memref<!tpu.dma_semaphore, #tpu.memory_space<semaphore_mem>>) src(%dma_wait3A_117 : memref<632x128xf32, #tpu.memory_space<vmem_shared>>) dst(%dma_wait3A_115 : memref<632x128xf32, #tpu.memory_space<hbm>>)
      tpu.yield
    }) : () -> ()
    %barrier3A_53 = arith.constant 0 : index
    tpu.barrier barrier_id(%barrier3A_53)
    %mul3A_54 = arith.constant 2 : i32
    %mul3A_55 = arith.muli %arg0, %mul3A_54 : i32
    %add3A_56 = arith.constant 1 : i32
    %add3A_57 = arith.addi %mul3A_55, %add3A_56 : i32
    %mul3A_58 = arith.constant 10112 : i32
    %mul3A_59 = arith.muli %add3A_57, %mul3A_58 : i32
    %add3A_60 = arith.addi %mul3A_59, %mul3A_0 : i32
    "tpu.region"() ({
      %run_scoped3A = tpu.sem_alloc : memref<!tpu.dma_semaphore, #tpu.memory_space<semaphore_mem>>
      %dma_start3A = arith.constant 0 : i32
      %dma_start3A_111 = tpu.memref_slice %arg10[%mul3A_0, %dma_start3A] : memref<10112x128xf32, #tpu.memory_space<vmem_shared>> -> memref<632x128xf32, #tpu.memory_space<vmem_shared>>
      %dma_start3A_112 = arith.constant 0 : i32
      %dma_start3A_113 = tpu.memref_slice %arg2[%add3A_60, %dma_start3A_112] : memref<40448x128xf32, #tpu.memory_space<hbm>> -> memref<632x128xf32, #tpu.memory_space<hbm>>
      tpu.enqueue_dma source(%dma_start3A_113 : memref<632x128xf32, #tpu.memory_space<hbm>>) target(%dma_start3A_111 : memref<632x128xf32, #tpu.memory_space<vmem_shared>>) target_semaphore(%run_scoped3A : memref<!tpu.dma_semaphore, #tpu.memory_space<semaphore_mem>>)
      %dma_wait3A_114 = arith.constant 0 : i32
      %dma_wait3A_115 = tpu.memref_slice %arg10[%mul3A_0, %dma_wait3A_114] : memref<10112x128xf32, #tpu.memory_space<vmem_shared>> -> memref<632x128xf32, #tpu.memory_space<vmem_shared>>
      %dma_wait3A_116 = arith.constant 0 : i32
      %dma_wait3A_117 = tpu.memref_slice %arg2[%add3A_60, %dma_wait3A_116] : memref<40448x128xf32, #tpu.memory_space<hbm>> -> memref<632x128xf32, #tpu.memory_space<hbm>>
      tpu.wait_dma2 semaphore(%run_scoped3A : memref<!tpu.dma_semaphore, #tpu.memory_space<semaphore_mem>>) src(%dma_wait3A_117 : memref<632x128xf32, #tpu.memory_space<hbm>>) dst(%dma_wait3A_115 : memref<632x128xf32, #tpu.memory_space<vmem_shared>>)
      tpu.yield
    }) : () -> ()
    %barrier3A_61 = arith.constant 0 : index
    tpu.barrier barrier_id(%barrier3A_61)
    %mul3A_62 = arith.constant 16 : i32
    %mul3A_63 = arith.muli %add3A_57, %mul3A_62 : i32
    %add3A_64 = arith.addi %mul3A_63, %arg1 : i32
    "tpu.region"() ({
      %run_scoped3A = tpu.sem_alloc : memref<!tpu.dma_semaphore, #tpu.memory_space<semaphore_mem>>
      %dma_start3A = arith.constant 0 : i32
      %dma_start3A_111 = arith.constant 0 : i32
      %dma_start3A_112 = tpu.memref_slice %arg3[%add3A_64, %dma_start3A, %dma_start3A_111] : memref<64x80x128xi32, #tpu.memory_space<hbm>> -> memref<1x40x128xi32, #tpu.memory_space<hbm>>
      %dma_start3A_113 = tpu.memref_squeeze %dma_start3A_112 : memref<1x40x128xi32, #tpu.memory_space<hbm>> -> memref<40x128xi32, #tpu.memory_space<hbm>>
      %dma_start3A_114 = arith.constant 0 : i32
      %dma_start3A_115 = arith.constant 0 : i32
      %dma_start3A_116 = tpu.memref_slice %arg3[%add3A_64, %dma_start3A_114, %dma_start3A_115] : memref<64x80x128xi32, #tpu.memory_space<hbm>> -> memref<1x40x128xi32, #tpu.memory_space<hbm>>
      %dma_start3A_117 = tpu.memref_squeeze %dma_start3A_116 : memref<1x40x128xi32, #tpu.memory_space<hbm>> -> memref<40x128xi32, #tpu.memory_space<hbm>>
      tpu.enqueue_dma source(%dma_start3A_117 : memref<40x128xi32, #tpu.memory_space<hbm>>) target(%arg6 : memref<40x128xi32, #tpu.memory_space<vmem>>) target_semaphore(%run_scoped3A : memref<!tpu.dma_semaphore, #tpu.memory_space<semaphore_mem>>)
      %dma_wait3A_118 = arith.constant 0 : i32
      %dma_wait3A_119 = arith.constant 0 : i32
      %dma_wait3A_120 = tpu.memref_slice %arg3[%add3A_64, %dma_wait3A_118, %dma_wait3A_119] : memref<64x80x128xi32, #tpu.memory_space<hbm>> -> memref<1x40x128xi32, #tpu.memory_space<hbm>>
      %dma_wait3A_121 = tpu.memref_squeeze %dma_wait3A_120 : memref<1x40x128xi32, #tpu.memory_space<hbm>> -> memref<40x128xi32, #tpu.memory_space<hbm>>
      %dma_wait3A_122 = arith.constant 0 : i32
      %dma_wait3A_123 = arith.constant 0 : i32
      %dma_wait3A_124 = tpu.memref_slice %arg3[%add3A_64, %dma_wait3A_122, %dma_wait3A_123] : memref<64x80x128xi32, #tpu.memory_space<hbm>> -> memref<1x40x128xi32, #tpu.memory_space<hbm>>
      %dma_wait3A_125 = tpu.memref_squeeze %dma_wait3A_124 : memref<1x40x128xi32, #tpu.memory_space<hbm>> -> memref<40x128xi32, #tpu.memory_space<hbm>>
      tpu.wait_dma2 semaphore(%run_scoped3A : memref<!tpu.dma_semaphore, #tpu.memory_space<semaphore_mem>>) src(%dma_wait3A_125 : memref<40x128xi32, #tpu.memory_space<hbm>>) dst(%arg6 : memref<40x128xi32, #tpu.memory_space<vmem>>)
      tpu.yield
    }) : () -> ()
    "tpu.region"() ({
      %run_scoped3A = tpu.sem_alloc : memref<!tpu.dma_semaphore, #tpu.memory_space<semaphore_mem>>
      %dma_start3A = arith.constant 0 : i32
      %dma_start3A_111 = arith.constant 0 : i32
      %dma_start3A_112 = tpu.memref_slice %arg4[%arg1, %dma_start3A, %dma_start3A_111] : memref<16x80x128xi32, #tpu.memory_space<hbm>> -> memref<1x40x128xi32, #tpu.memory_space<hbm>>
      %dma_start3A_113 = tpu.memref_squeeze %dma_start3A_112 : memref<1x40x128xi32, #tpu.memory_space<hbm>> -> memref<40x128xi32, #tpu.memory_space<hbm>>
      %dma_start3A_114 = arith.constant 0 : i32
      %dma_start3A_115 = arith.constant 0 : i32
      %dma_start3A_116 = tpu.memref_slice %arg4[%arg1, %dma_start3A_114, %dma_start3A_115] : memref<16x80x128xi32, #tpu.memory_space<hbm>> -> memref<1x40x128xi32, #tpu.memory_space<hbm>>
      %dma_start3A_117 = tpu.memref_squeeze %dma_start3A_116 : memref<1x40x128xi32, #tpu.memory_space<hbm>> -> memref<40x128xi32, #tpu.memory_space<hbm>>
      tpu.enqueue_dma source(%dma_start3A_117 : memref<40x128xi32, #tpu.memory_space<hbm>>) target(%arg7 : memref<40x128xi32, #tpu.memory_space<vmem>>) target_semaphore(%run_scoped3A : memref<!tpu.dma_semaphore, #tpu.memory_space<semaphore_mem>>)
      %dma_wait3A_118 = arith.constant 0 : i32
      %dma_wait3A_119 = arith.constant 0 : i32
      %dma_wait3A_120 = tpu.memref_slice %arg4[%arg1, %dma_wait3A_118, %dma_wait3A_119] : memref<16x80x128xi32, #tpu.memory_space<hbm>> -> memref<1x40x128xi32, #tpu.memory_space<hbm>>
      %dma_wait3A_121 = tpu.memref_squeeze %dma_wait3A_120 : memref<1x40x128xi32, #tpu.memory_space<hbm>> -> memref<40x128xi32, #tpu.memory_space<hbm>>
      %dma_wait3A_122 = arith.constant 0 : i32
      %dma_wait3A_123 = arith.constant 0 : i32
      %dma_wait3A_124 = tpu.memref_slice %arg4[%arg1, %dma_wait3A_122, %dma_wait3A_123] : memref<16x80x128xi32, #tpu.memory_space<hbm>> -> memref<1x40x128xi32, #tpu.memory_space<hbm>>
      %dma_wait3A_125 = tpu.memref_squeeze %dma_wait3A_124 : memref<1x40x128xi32, #tpu.memory_space<hbm>> -> memref<40x128xi32, #tpu.memory_space<hbm>>
      tpu.wait_dma2 semaphore(%run_scoped3A : memref<!tpu.dma_semaphore, #tpu.memory_space<semaphore_mem>>) src(%dma_wait3A_125 : memref<40x128xi32, #tpu.memory_space<hbm>>) dst(%arg7 : memref<40x128xi32, #tpu.memory_space<vmem>>)
      tpu.yield
    }) : () -> ()
    %scan3A_65 = arith.constant 0 : i32
    %scan3A_66 = arith.constant 0 : i32
    %scan3A_67 = arith.constant 21 : i32
    %scan3A_68 = arith.addi %scan3A_66, %scan3A_67 : i32
    %scan3A_69 = arith.constant 1 : i32
    scf.for %scan3A_111 = %scan3A_66 to %scan3A_68 step %scan3A_69  : i32 {
      %mul3A_112 = arith.constant 2 : i32
      %mul3A_113 = arith.muli %scan3A_111, %mul3A_112 : i32
      %add3A_114 = arith.constant 0 : i32
      %add3A_115 = arith.addi %mul3A_113, %add3A_114 : i32
      %lt3A = arith.constant 40 : i32
      %lt3A_116 = arith.cmpi slt, %add3A_115, %lt3A : i32
      %convert_element_type3A = arith.extui %lt3A_116 : i1 to i32
      %cond3A = arith.constant 0 : i32
      %cond3A_117 = arith.cmpi ne, %convert_element_type3A, %cond3A : i32
      scf.if %cond3A_117 {
        %ge3A_144 = arith.constant 2 : i32
        %ge3A_145 = arith.cmpi sge, %add3A_115, %ge3A_144 : i32
        %convert_element_type3A_146 = arith.extui %ge3A_145 : i1 to i32
        %cond3A_147 = arith.constant 0 : i32
        %cond3A_148 = arith.cmpi ne, %convert_element_type3A_146, %cond3A_147 : i32
        scf.if %cond3A_148 {
          %sub3A_154 = arith.constant 2 : i32
          %sub3A_155 = arith.subi %add3A_115, %sub3A_154 : i32
          %dma_wait3A_156 = arith.constant 0 : i32
          %dma_wait3A_157 = tpu.memref_slice %arg7[%sub3A_155, %dma_wait3A_156] : memref<40x128xi32, #tpu.memory_space<vmem>> -> memref<1x128xi32, #tpu.memory_space<vmem>>
          %dma_wait3A_158 = tpu.memref_squeeze %dma_wait3A_157 : memref<1x128xi32, #tpu.memory_space<vmem>> -> memref<128xi32, #tpu.memory_space<vmem>>
          %dma_wait3A_159 = arith.constant 0 : i32
          %dma_wait3A_160 = arith.constant 0 : i32
          %dma_wait3A_161 = tpu.memref_slice %arg10[%dma_wait3A_159, %dma_wait3A_160] : memref<10112x128xf32, #tpu.memory_space<vmem_shared>> -> memref<10112x128xf32, #tpu.memory_space<vmem_shared>>
          tpu.wait_indirect_dma semaphore(%arg13 : memref<!tpu.dma_semaphore, #tpu.memory_space<semaphore_mem>>) src(%arg8 : memref<128x128xf32, #tpu.memory_space<vmem>>) dst(%dma_wait3A_161 : memref<10112x128xf32, #tpu.memory_space<vmem_shared>>)
        } else {
        }
        %dma_start3A = arith.constant 0 : i32
        %dma_start3A_149 = tpu.memref_slice %arg6[%add3A_115, %dma_start3A] : memref<40x128xi32, #tpu.memory_space<vmem>> -> memref<1x128xi32, #tpu.memory_space<vmem>>
        %dma_start3A_150 = tpu.memref_squeeze %dma_start3A_149 : memref<1x128xi32, #tpu.memory_space<vmem>> -> memref<128xi32, #tpu.memory_space<vmem>>
        %dma_start3A_151 = arith.constant 0 : i32
        %dma_start3A_152 = arith.constant 0 : i32
        %dma_start3A_153 = tpu.memref_slice %arg2[%dma_start3A_151, %dma_start3A_152] : memref<40448x128xf32, #tpu.memory_space<hbm>> -> memref<40448x128xf32, #tpu.memory_space<hbm>>
        tpu.enqueue_indirect_dma source(%dma_start3A_153 : memref<40448x128xf32, #tpu.memory_space<hbm>>) target(%arg8 : memref<128x128xf32, #tpu.memory_space<vmem>>) offsets(%dma_start3A_150 : memref<128xi32, #tpu.memory_space<vmem>>) semaphore(%arg11 : memref<!tpu.dma_semaphore, #tpu.memory_space<semaphore_mem>>)
      } else {
      }
      %sub3A = arith.constant 1 : i32
      %sub3A_118 = arith.subi %add3A_115, %sub3A : i32
      %ge3A = arith.constant 0 : i32
      %ge3A_119 = arith.cmpi sge, %sub3A_118, %ge3A : i32
      %lt3A_120 = arith.constant 40 : i32
      %lt3A_121 = arith.cmpi slt, %sub3A_118, %lt3A_120 : i32
      %and3A = arith.andi %ge3A_119, %lt3A_121 : i1
      %convert_element_type3A_122 = arith.extui %and3A : i1 to i32
      %cond3A_123 = arith.constant 0 : i32
      %cond3A_124 = arith.cmpi ne, %convert_element_type3A_122, %cond3A_123 : i32
      scf.if %cond3A_124 {
        %dma_wait3A_144 = arith.constant 0 : i32
        %dma_wait3A_145 = tpu.memref_slice %arg6[%sub3A_118, %dma_wait3A_144] : memref<40x128xi32, #tpu.memory_space<vmem>> -> memref<1x128xi32, #tpu.memory_space<vmem>>
        %dma_wait3A_146 = tpu.memref_squeeze %dma_wait3A_145 : memref<1x128xi32, #tpu.memory_space<vmem>> -> memref<128xi32, #tpu.memory_space<vmem>>
        %dma_wait3A_147 = arith.constant 0 : i32
        %dma_wait3A_148 = arith.constant 0 : i32
        %dma_wait3A_149 = tpu.memref_slice %arg2[%dma_wait3A_147, %dma_wait3A_148] : memref<40448x128xf32, #tpu.memory_space<hbm>> -> memref<40448x128xf32, #tpu.memory_space<hbm>>
        tpu.wait_indirect_dma semaphore(%arg12 : memref<!tpu.dma_semaphore, #tpu.memory_space<semaphore_mem>>) src(%dma_wait3A_149 : memref<40448x128xf32, #tpu.memory_space<hbm>>) dst(%arg9 : memref<128x128xf32, #tpu.memory_space<vmem>>)
        %dma_start3A = arith.constant 0 : i32
        %dma_start3A_150 = tpu.memref_slice %arg7[%sub3A_118, %dma_start3A] : memref<40x128xi32, #tpu.memory_space<vmem>> -> memref<1x128xi32, #tpu.memory_space<vmem>>
        %dma_start3A_151 = tpu.memref_squeeze %dma_start3A_150 : memref<1x128xi32, #tpu.memory_space<vmem>> -> memref<128xi32, #tpu.memory_space<vmem>>
        %dma_start3A_152 = arith.constant 0 : i32
        %dma_start3A_153 = arith.constant 0 : i32
        %dma_start3A_154 = tpu.memref_slice %arg10[%dma_start3A_152, %dma_start3A_153] : memref<10112x128xf32, #tpu.memory_space<vmem_shared>> -> memref<10112x128xf32, #tpu.memory_space<vmem_shared>>
        tpu.enqueue_indirect_dma source(%arg9 : memref<128x128xf32, #tpu.memory_space<vmem>>) target(%dma_start3A_154 : memref<10112x128xf32, #tpu.memory_space<vmem_shared>>) offsets(%dma_start3A_151 : memref<128xi32, #tpu.memory_space<vmem>>) semaphore(%arg14 : memref<!tpu.dma_semaphore, #tpu.memory_space<semaphore_mem>>) {add = true}
      } else {
      }
      %mul3A_125 = arith.constant 2 : i32
      %mul3A_126 = arith.muli %scan3A_111, %mul3A_125 : i32
      %add3A_127 = arith.constant 1 : i32
      %add3A_128 = arith.addi %mul3A_126, %add3A_127 : i32
      %lt3A_129 = arith.constant 40 : i32
      %lt3A_130 = arith.cmpi slt, %add3A_128, %lt3A_129 : i32
      %convert_element_type3A_131 = arith.extui %lt3A_130 : i1 to i32
      %cond3A_132 = arith.constant 0 : i32
      %cond3A_133 = arith.cmpi ne, %convert_element_type3A_131, %cond3A_132 : i32
      scf.if %cond3A_133 {
        %ge3A_144 = arith.constant 2 : i32
        %ge3A_145 = arith.cmpi sge, %add3A_128, %ge3A_144 : i32
        %convert_element_type3A_146 = arith.extui %ge3A_145 : i1 to i32
        %cond3A_147 = arith.constant 0 : i32
        %cond3A_148 = arith.cmpi ne, %convert_element_type3A_146, %cond3A_147 : i32
        scf.if %cond3A_148 {
          %sub3A_154 = arith.constant 2 : i32
          %sub3A_155 = arith.subi %add3A_128, %sub3A_154 : i32
          %dma_wait3A_156 = arith.constant 0 : i32
          %dma_wait3A_157 = tpu.memref_slice %arg7[%sub3A_155, %dma_wait3A_156] : memref<40x128xi32, #tpu.memory_space<vmem>> -> memref<1x128xi32, #tpu.memory_space<vmem>>
          %dma_wait3A_158 = tpu.memref_squeeze %dma_wait3A_157 : memref<1x128xi32, #tpu.memory_space<vmem>> -> memref<128xi32, #tpu.memory_space<vmem>>
          %dma_wait3A_159 = arith.constant 0 : i32
          %dma_wait3A_160 = arith.constant 0 : i32
          %dma_wait3A_161 = tpu.memref_slice %arg10[%dma_wait3A_159, %dma_wait3A_160] : memref<10112x128xf32, #tpu.memory_space<vmem_shared>> -> memref<10112x128xf32, #tpu.memory_space<vmem_shared>>
          tpu.wait_indirect_dma semaphore(%arg14 : memref<!tpu.dma_semaphore, #tpu.memory_space<semaphore_mem>>) src(%arg9 : memref<128x128xf32, #tpu.memory_space<vmem>>) dst(%dma_wait3A_161 : memref<10112x128xf32, #tpu.memory_space<vmem_shared>>)
        } else {
        }
        %dma_start3A = arith.constant 0 : i32
        %dma_start3A_149 = tpu.memref_slice %arg6[%add3A_128, %dma_start3A] : memref<40x128xi32, #tpu.memory_space<vmem>> -> memref<1x128xi32, #tpu.memory_space<vmem>>
        %dma_start3A_150 = tpu.memref_squeeze %dma_start3A_149 : memref<1x128xi32, #tpu.memory_space<vmem>> -> memref<128xi32, #tpu.memory_space<vmem>>
        %dma_start3A_151 = arith.constant 0 : i32
        %dma_start3A_152 = arith.constant 0 : i32
        %dma_start3A_153 = tpu.memref_slice %arg2[%dma_start3A_151, %dma_start3A_152] : memref<40448x128xf32, #tpu.memory_space<hbm>> -> memref<40448x128xf32, #tpu.memory_space<hbm>>
        tpu.enqueue_indirect_dma source(%dma_start3A_153 : memref<40448x128xf32, #tpu.memory_space<hbm>>) target(%arg9 : memref<128x128xf32, #tpu.memory_space<vmem>>) offsets(%dma_start3A_150 : memref<128xi32, #tpu.memory_space<vmem>>) semaphore(%arg12 : memref<!tpu.dma_semaphore, #tpu.memory_space<semaphore_mem>>)
      } else {
      }
      %sub3A_134 = arith.constant 1 : i32
      %sub3A_135 = arith.subi %add3A_128, %sub3A_134 : i32
      %ge3A_136 = arith.constant 0 : i32
      %ge3A_137 = arith.cmpi sge, %sub3A_135, %ge3A_136 : i32
      %lt3A_138 = arith.constant 40 : i32
      %lt3A_139 = arith.cmpi slt, %sub3A_135, %lt3A_138 : i32
      %and3A_140 = arith.andi %ge3A_137, %lt3A_139 : i1
      %convert_element_type3A_141 = arith.extui %and3A_140 : i1 to i32
      %cond3A_142 = arith.constant 0 : i32
      %cond3A_143 = arith.cmpi ne, %convert_element_type3A_141, %cond3A_142 : i32
      scf.if %cond3A_143 {
        %dma_wait3A_144 = arith.constant 0 : i32
        %dma_wait3A_145 = tpu.memref_slice %arg6[%sub3A_135, %dma_wait3A_144] : memref<40x128xi32, #tpu.memory_space<vmem>> -> memref<1x128xi32, #tpu.memory_space<vmem>>
        %dma_wait3A_146 = tpu.memref_squeeze %dma_wait3A_145 : memref<1x128xi32, #tpu.memory_space<vmem>> -> memref<128xi32, #tpu.memory_space<vmem>>
        %dma_wait3A_147 = arith.constant 0 : i32
        %dma_wait3A_148 = arith.constant 0 : i32
        %dma_wait3A_149 = tpu.memref_slice %arg2[%dma_wait3A_147, %dma_wait3A_148] : memref<40448x128xf32, #tpu.memory_space<hbm>> -> memref<40448x128xf32, #tpu.memory_space<hbm>>
        tpu.wait_indirect_dma semaphore(%arg11 : memref<!tpu.dma_semaphore, #tpu.memory_space<semaphore_mem>>) src(%dma_wait3A_149 : memref<40448x128xf32, #tpu.memory_space<hbm>>) dst(%arg8 : memref<128x128xf32, #tpu.memory_space<vmem>>)
        %dma_start3A = arith.constant 0 : i32
        %dma_start3A_150 = tpu.memref_slice %arg7[%sub3A_135, %dma_start3A] : memref<40x128xi32, #tpu.memory_space<vmem>> -> memref<1x128xi32, #tpu.memory_space<vmem>>
        %dma_start3A_151 = tpu.memref_squeeze %dma_start3A_150 : memref<1x128xi32, #tpu.memory_space<vmem>> -> memref<128xi32, #tpu.memory_space<vmem>>
        %dma_start3A_152 = arith.constant 0 : i32
        %dma_start3A_153 = arith.constant 0 : i32
        %dma_start3A_154 = tpu.memref_slice %arg10[%dma_start3A_152, %dma_start3A_153] : memref<10112x128xf32, #tpu.memory_space<vmem_shared>> -> memref<10112x128xf32, #tpu.memory_space<vmem_shared>>
        tpu.enqueue_indirect_dma source(%arg8 : memref<128x128xf32, #tpu.memory_space<vmem>>) target(%dma_start3A_154 : memref<10112x128xf32, #tpu.memory_space<vmem_shared>>) offsets(%dma_start3A_151 : memref<128xi32, #tpu.memory_space<vmem>>) semaphore(%arg13 : memref<!tpu.dma_semaphore, #tpu.memory_space<semaphore_mem>>) {add = true}
      } else {
      }
    }
    %scan3A_70 = arith.constant 21 : i32
    %dma_wait3A_71 = arith.constant 38 : i32
    %dma_wait3A_72 = arith.constant 0 : i32
    %dma_wait3A_73 = tpu.memref_slice %arg7[%dma_wait3A_71, %dma_wait3A_72] : memref<40x128xi32, #tpu.memory_space<vmem>> -> memref<1x128xi32, #tpu.memory_space<vmem>>
    %dma_wait3A_74 = tpu.memref_squeeze %dma_wait3A_73 : memref<1x128xi32, #tpu.memory_space<vmem>> -> memref<128xi32, #tpu.memory_space<vmem>>
    %dma_wait3A_75 = arith.constant 0 : i32
    %dma_wait3A_76 = arith.constant 0 : i32
    %dma_wait3A_77 = tpu.memref_slice %arg10[%dma_wait3A_75, %dma_wait3A_76] : memref<10112x128xf32, #tpu.memory_space<vmem_shared>> -> memref<10112x128xf32, #tpu.memory_space<vmem_shared>>
    tpu.wait_indirect_dma semaphore(%arg13 : memref<!tpu.dma_semaphore, #tpu.memory_space<semaphore_mem>>) src(%arg8 : memref<128x128xf32, #tpu.memory_space<vmem>>) dst(%dma_wait3A_77 : memref<10112x128xf32, #tpu.memory_space<vmem_shared>>)
    %dma_wait3A_78 = arith.constant 39 : i32
    %dma_wait3A_79 = arith.constant 0 : i32
    %dma_wait3A_80 = tpu.memref_slice %arg7[%dma_wait3A_78, %dma_wait3A_79] : memref<40x128xi32, #tpu.memory_space<vmem>> -> memref<1x128xi32, #tpu.memory_space<vmem>>
    %dma_wait3A_81 = tpu.memref_squeeze %dma_wait3A_80 : memref<1x128xi32, #tpu.memory_space<vmem>> -> memref<128xi32, #tpu.memory_space<vmem>>
    %dma_wait3A_82 = arith.constant 0 : i32
    %dma_wait3A_83 = arith.constant 0 : i32
    %dma_wait3A_84 = tpu.memref_slice %arg10[%dma_wait3A_82, %dma_wait3A_83] : memref<10112x128xf32, #tpu.memory_space<vmem_shared>> -> memref<10112x128xf32, #tpu.memory_space<vmem_shared>>
    tpu.wait_indirect_dma semaphore(%arg14 : memref<!tpu.dma_semaphore, #tpu.memory_space<semaphore_mem>>) src(%arg9 : memref<128x128xf32, #tpu.memory_space<vmem>>) dst(%dma_wait3A_84 : memref<10112x128xf32, #tpu.memory_space<vmem_shared>>)
    %mul3A_85 = arith.constant 16 : i32
    %mul3A_86 = arith.muli %add3A_57, %mul3A_85 : i32
    %add3A_87 = arith.addi %mul3A_86, %arg1 : i32
    "tpu.region"() ({
      %run_scoped3A = tpu.sem_alloc : memref<!tpu.dma_semaphore, #tpu.memory_space<semaphore_mem>>
      %dma_start3A = arith.constant 40 : i32
      %dma_start3A_111 = arith.constant 0 : i32
      %dma_start3A_112 = tpu.memref_slice %arg3[%add3A_87, %dma_start3A, %dma_start3A_111] : memref<64x80x128xi32, #tpu.memory_space<hbm>> -> memref<1x40x128xi32, #tpu.memory_space<hbm>>
      %dma_start3A_113 = tpu.memref_squeeze %dma_start3A_112 : memref<1x40x128xi32, #tpu.memory_space<hbm>> -> memref<40x128xi32, #tpu.memory_space<hbm>>
      %dma_start3A_114 = arith.constant 40 : i32
      %dma_start3A_115 = arith.constant 0 : i32
      %dma_start3A_116 = tpu.memref_slice %arg3[%add3A_87, %dma_start3A_114, %dma_start3A_115] : memref<64x80x128xi32, #tpu.memory_space<hbm>> -> memref<1x40x128xi32, #tpu.memory_space<hbm>>
      %dma_start3A_117 = tpu.memref_squeeze %dma_start3A_116 : memref<1x40x128xi32, #tpu.memory_space<hbm>> -> memref<40x128xi32, #tpu.memory_space<hbm>>
      tpu.enqueue_dma source(%dma_start3A_117 : memref<40x128xi32, #tpu.memory_space<hbm>>) target(%arg6 : memref<40x128xi32, #tpu.memory_space<vmem>>) target_semaphore(%run_scoped3A : memref<!tpu.dma_semaphore, #tpu.memory_space<semaphore_mem>>)
      %dma_wait3A_118 = arith.constant 40 : i32
      %dma_wait3A_119 = arith.constant 0 : i32
      %dma_wait3A_120 = tpu.memref_slice %arg3[%add3A_87, %dma_wait3A_118, %dma_wait3A_119] : memref<64x80x128xi32, #tpu.memory_space<hbm>> -> memref<1x40x128xi32, #tpu.memory_space<hbm>>
      %dma_wait3A_121 = tpu.memref_squeeze %dma_wait3A_120 : memref<1x40x128xi32, #tpu.memory_space<hbm>> -> memref<40x128xi32, #tpu.memory_space<hbm>>
      %dma_wait3A_122 = arith.constant 40 : i32
      %dma_wait3A_123 = arith.constant 0 : i32
      %dma_wait3A_124 = tpu.memref_slice %arg3[%add3A_87, %dma_wait3A_122, %dma_wait3A_123] : memref<64x80x128xi32, #tpu.memory_space<hbm>> -> memref<1x40x128xi32, #tpu.memory_space<hbm>>
      %dma_wait3A_125 = tpu.memref_squeeze %dma_wait3A_124 : memref<1x40x128xi32, #tpu.memory_space<hbm>> -> memref<40x128xi32, #tpu.memory_space<hbm>>
      tpu.wait_dma2 semaphore(%run_scoped3A : memref<!tpu.dma_semaphore, #tpu.memory_space<semaphore_mem>>) src(%dma_wait3A_125 : memref<40x128xi32, #tpu.memory_space<hbm>>) dst(%arg6 : memref<40x128xi32, #tpu.memory_space<vmem>>)
      tpu.yield
    }) : () -> ()
    "tpu.region"() ({
      %run_scoped3A = tpu.sem_alloc : memref<!tpu.dma_semaphore, #tpu.memory_space<semaphore_mem>>
      %dma_start3A = arith.constant 40 : i32
      %dma_start3A_111 = arith.constant 0 : i32
      %dma_start3A_112 = tpu.memref_slice %arg4[%arg1, %dma_start3A, %dma_start3A_111] : memref<16x80x128xi32, #tpu.memory_space<hbm>> -> memref<1x40x128xi32, #tpu.memory_space<hbm>>
      %dma_start3A_113 = tpu.memref_squeeze %dma_start3A_112 : memref<1x40x128xi32, #tpu.memory_space<hbm>> -> memref<40x128xi32, #tpu.memory_space<hbm>>
      %dma_start3A_114 = arith.constant 40 : i32
      %dma_start3A_115 = arith.constant 0 : i32
      %dma_start3A_116 = tpu.memref_slice %arg4[%arg1, %dma_start3A_114, %dma_start3A_115] : memref<16x80x128xi32, #tpu.memory_space<hbm>> -> memref<1x40x128xi32, #tpu.memory_space<hbm>>
      %dma_start3A_117 = tpu.memref_squeeze %dma_start3A_116 : memref<1x40x128xi32, #tpu.memory_space<hbm>> -> memref<40x128xi32, #tpu.memory_space<hbm>>
      tpu.enqueue_dma source(%dma_start3A_117 : memref<40x128xi32, #tpu.memory_space<hbm>>) target(%arg7 : memref<40x128xi32, #tpu.memory_space<vmem>>) target_semaphore(%run_scoped3A : memref<!tpu.dma_semaphore, #tpu.memory_space<semaphore_mem>>)
      %dma_wait3A_118 = arith.constant 40 : i32
      %dma_wait3A_119 = arith.constant 0 : i32
      %dma_wait3A_120 = tpu.memref_slice %arg4[%arg1, %dma_wait3A_118, %dma_wait3A_119] : memref<16x80x128xi32, #tpu.memory_space<hbm>> -> memref<1x40x128xi32, #tpu.memory_space<hbm>>
      %dma_wait3A_121 = tpu.memref_squeeze %dma_wait3A_120 : memref<1x40x128xi32, #tpu.memory_space<hbm>> -> memref<40x128xi32, #tpu.memory_space<hbm>>
      %dma_wait3A_122 = arith.constant 40 : i32
      %dma_wait3A_123 = arith.constant 0 : i32
      %dma_wait3A_124 = tpu.memref_slice %arg4[%arg1, %dma_wait3A_122, %dma_wait3A_123] : memref<16x80x128xi32, #tpu.memory_space<hbm>> -> memref<1x40x128xi32, #tpu.memory_space<hbm>>
      %dma_wait3A_125 = tpu.memref_squeeze %dma_wait3A_124 : memref<1x40x128xi32, #tpu.memory_space<hbm>> -> memref<40x128xi32, #tpu.memory_space<hbm>>
      tpu.wait_dma2 semaphore(%run_scoped3A : memref<!tpu.dma_semaphore, #tpu.memory_space<semaphore_mem>>) src(%dma_wait3A_125 : memref<40x128xi32, #tpu.memory_space<hbm>>) dst(%arg7 : memref<40x128xi32, #tpu.memory_space<vmem>>)
      tpu.yield
    }) : () -> ()
    %scan3A_88 = arith.constant 0 : i32
    %scan3A_89 = arith.constant 0 : i32
    %scan3A_90 = arith.constant 21 : i32
    %scan3A_91 = arith.addi %scan3A_89, %scan3A_90 : i32
    %scan3A_92 = arith.constant 1 : i32
    scf.for %scan3A_111 = %scan3A_89 to %scan3A_91 step %scan3A_92  : i32 {
      %mul3A_112 = arith.constant 2 : i32
      %mul3A_113 = arith.muli %scan3A_111, %mul3A_112 : i32
      %add3A_114 = arith.constant 0 : i32
      %add3A_115 = arith.addi %mul3A_113, %add3A_114 : i32
      %lt3A = arith.constant 40 : i32
      %lt3A_116 = arith.cmpi slt, %add3A_115, %lt3A : i32
      %convert_element_type3A = arith.extui %lt3A_116 : i1 to i32
      %cond3A = arith.constant 0 : i32
      %cond3A_117 = arith.cmpi ne, %convert_element_type3A, %cond3A : i32
      scf.if %cond3A_117 {
        %ge3A_144 = arith.constant 2 : i32
        %ge3A_145 = arith.cmpi sge, %add3A_115, %ge3A_144 : i32
        %convert_element_type3A_146 = arith.extui %ge3A_145 : i1 to i32
        %cond3A_147 = arith.constant 0 : i32
        %cond3A_148 = arith.cmpi ne, %convert_element_type3A_146, %cond3A_147 : i32
        scf.if %cond3A_148 {
          %sub3A_154 = arith.constant 2 : i32
          %sub3A_155 = arith.subi %add3A_115, %sub3A_154 : i32
          %dma_wait3A_156 = arith.constant 0 : i32
          %dma_wait3A_157 = tpu.memref_slice %arg7[%sub3A_155, %dma_wait3A_156] : memref<40x128xi32, #tpu.memory_space<vmem>> -> memref<1x128xi32, #tpu.memory_space<vmem>>
          %dma_wait3A_158 = tpu.memref_squeeze %dma_wait3A_157 : memref<1x128xi32, #tpu.memory_space<vmem>> -> memref<128xi32, #tpu.memory_space<vmem>>
          %dma_wait3A_159 = arith.constant 0 : i32
          %dma_wait3A_160 = arith.constant 0 : i32
          %dma_wait3A_161 = tpu.memref_slice %arg10[%dma_wait3A_159, %dma_wait3A_160] : memref<10112x128xf32, #tpu.memory_space<vmem_shared>> -> memref<10112x128xf32, #tpu.memory_space<vmem_shared>>
          tpu.wait_indirect_dma semaphore(%arg13 : memref<!tpu.dma_semaphore, #tpu.memory_space<semaphore_mem>>) src(%arg8 : memref<128x128xf32, #tpu.memory_space<vmem>>) dst(%dma_wait3A_161 : memref<10112x128xf32, #tpu.memory_space<vmem_shared>>)
        } else {
        }
        %dma_start3A = arith.constant 0 : i32
        %dma_start3A_149 = tpu.memref_slice %arg6[%add3A_115, %dma_start3A] : memref<40x128xi32, #tpu.memory_space<vmem>> -> memref<1x128xi32, #tpu.memory_space<vmem>>
        %dma_start3A_150 = tpu.memref_squeeze %dma_start3A_149 : memref<1x128xi32, #tpu.memory_space<vmem>> -> memref<128xi32, #tpu.memory_space<vmem>>
        %dma_start3A_151 = arith.constant 0 : i32
        %dma_start3A_152 = arith.constant 0 : i32
        %dma_start3A_153 = tpu.memref_slice %arg2[%dma_start3A_151, %dma_start3A_152] : memref<40448x128xf32, #tpu.memory_space<hbm>> -> memref<40448x128xf32, #tpu.memory_space<hbm>>
        tpu.enqueue_indirect_dma source(%dma_start3A_153 : memref<40448x128xf32, #tpu.memory_space<hbm>>) target(%arg8 : memref<128x128xf32, #tpu.memory_space<vmem>>) offsets(%dma_start3A_150 : memref<128xi32, #tpu.memory_space<vmem>>) semaphore(%arg11 : memref<!tpu.dma_semaphore, #tpu.memory_space<semaphore_mem>>)
      } else {
      }
      %sub3A = arith.constant 1 : i32
      %sub3A_118 = arith.subi %add3A_115, %sub3A : i32
      %ge3A = arith.constant 0 : i32
      %ge3A_119 = arith.cmpi sge, %sub3A_118, %ge3A : i32
      %lt3A_120 = arith.constant 40 : i32
      %lt3A_121 = arith.cmpi slt, %sub3A_118, %lt3A_120 : i32
      %and3A = arith.andi %ge3A_119, %lt3A_121 : i1
      %convert_element_type3A_122 = arith.extui %and3A : i1 to i32
      %cond3A_123 = arith.constant 0 : i32
      %cond3A_124 = arith.cmpi ne, %convert_element_type3A_122, %cond3A_123 : i32
      scf.if %cond3A_124 {
        %dma_wait3A_144 = arith.constant 0 : i32
        %dma_wait3A_145 = tpu.memref_slice %arg6[%sub3A_118, %dma_wait3A_144] : memref<40x128xi32, #tpu.memory_space<vmem>> -> memref<1x128xi32, #tpu.memory_space<vmem>>
        %dma_wait3A_146 = tpu.memref_squeeze %dma_wait3A_145 : memref<1x128xi32, #tpu.memory_space<vmem>> -> memref<128xi32, #tpu.memory_space<vmem>>
        %dma_wait3A_147 = arith.constant 0 : i32
        %dma_wait3A_148 = arith.constant 0 : i32
        %dma_wait3A_149 = tpu.memref_slice %arg2[%dma_wait3A_147, %dma_wait3A_148] : memref<40448x128xf32, #tpu.memory_space<hbm>> -> memref<40448x128xf32, #tpu.memory_space<hbm>>
        tpu.wait_indirect_dma semaphore(%arg12 : memref<!tpu.dma_semaphore, #tpu.memory_space<semaphore_mem>>) src(%dma_wait3A_149 : memref<40448x128xf32, #tpu.memory_space<hbm>>) dst(%arg9 : memref<128x128xf32, #tpu.memory_space<vmem>>)
        %dma_start3A = arith.constant 0 : i32
        %dma_start3A_150 = tpu.memref_slice %arg7[%sub3A_118, %dma_start3A] : memref<40x128xi32, #tpu.memory_space<vmem>> -> memref<1x128xi32, #tpu.memory_space<vmem>>
        %dma_start3A_151 = tpu.memref_squeeze %dma_start3A_150 : memref<1x128xi32, #tpu.memory_space<vmem>> -> memref<128xi32, #tpu.memory_space<vmem>>
        %dma_start3A_152 = arith.constant 0 : i32
        %dma_start3A_153 = arith.constant 0 : i32
        %dma_start3A_154 = tpu.memref_slice %arg10[%dma_start3A_152, %dma_start3A_153] : memref<10112x128xf32, #tpu.memory_space<vmem_shared>> -> memref<10112x128xf32, #tpu.memory_space<vmem_shared>>
        tpu.enqueue_indirect_dma source(%arg9 : memref<128x128xf32, #tpu.memory_space<vmem>>) target(%dma_start3A_154 : memref<10112x128xf32, #tpu.memory_space<vmem_shared>>) offsets(%dma_start3A_151 : memref<128xi32, #tpu.memory_space<vmem>>) semaphore(%arg14 : memref<!tpu.dma_semaphore, #tpu.memory_space<semaphore_mem>>) {add = true}
      } else {
      }
      %mul3A_125 = arith.constant 2 : i32
      %mul3A_126 = arith.muli %scan3A_111, %mul3A_125 : i32
      %add3A_127 = arith.constant 1 : i32
      %add3A_128 = arith.addi %mul3A_126, %add3A_127 : i32
      %lt3A_129 = arith.constant 40 : i32
      %lt3A_130 = arith.cmpi slt, %add3A_128, %lt3A_129 : i32
      %convert_element_type3A_131 = arith.extui %lt3A_130 : i1 to i32
      %cond3A_132 = arith.constant 0 : i32
      %cond3A_133 = arith.cmpi ne, %convert_element_type3A_131, %cond3A_132 : i32
      scf.if %cond3A_133 {
        %ge3A_144 = arith.constant 2 : i32
        %ge3A_145 = arith.cmpi sge, %add3A_128, %ge3A_144 : i32
        %convert_element_type3A_146 = arith.extui %ge3A_145 : i1 to i32
        %cond3A_147 = arith.constant 0 : i32
        %cond3A_148 = arith.cmpi ne, %convert_element_type3A_146, %cond3A_147 : i32
        scf.if %cond3A_148 {
          %sub3A_154 = arith.constant 2 : i32
          %sub3A_155 = arith.subi %add3A_128, %sub3A_154 : i32
          %dma_wait3A_156 = arith.constant 0 : i32
          %dma_wait3A_157 = tpu.memref_slice %arg7[%sub3A_155, %dma_wait3A_156] : memref<40x128xi32, #tpu.memory_space<vmem>> -> memref<1x128xi32, #tpu.memory_space<vmem>>
          %dma_wait3A_158 = tpu.memref_squeeze %dma_wait3A_157 : memref<1x128xi32, #tpu.memory_space<vmem>> -> memref<128xi32, #tpu.memory_space<vmem>>
          %dma_wait3A_159 = arith.constant 0 : i32
          %dma_wait3A_160 = arith.constant 0 : i32
          %dma_wait3A_161 = tpu.memref_slice %arg10[%dma_wait3A_159, %dma_wait3A_160] : memref<10112x128xf32, #tpu.memory_space<vmem_shared>> -> memref<10112x128xf32, #tpu.memory_space<vmem_shared>>
          tpu.wait_indirect_dma semaphore(%arg14 : memref<!tpu.dma_semaphore, #tpu.memory_space<semaphore_mem>>) src(%arg9 : memref<128x128xf32, #tpu.memory_space<vmem>>) dst(%dma_wait3A_161 : memref<10112x128xf32, #tpu.memory_space<vmem_shared>>)
        } else {
        }
        %dma_start3A = arith.constant 0 : i32
        %dma_start3A_149 = tpu.memref_slice %arg6[%add3A_128, %dma_start3A] : memref<40x128xi32, #tpu.memory_space<vmem>> -> memref<1x128xi32, #tpu.memory_space<vmem>>
        %dma_start3A_150 = tpu.memref_squeeze %dma_start3A_149 : memref<1x128xi32, #tpu.memory_space<vmem>> -> memref<128xi32, #tpu.memory_space<vmem>>
        %dma_start3A_151 = arith.constant 0 : i32
        %dma_start3A_152 = arith.constant 0 : i32
        %dma_start3A_153 = tpu.memref_slice %arg2[%dma_start3A_151, %dma_start3A_152] : memref<40448x128xf32, #tpu.memory_space<hbm>> -> memref<40448x128xf32, #tpu.memory_space<hbm>>
        tpu.enqueue_indirect_dma source(%dma_start3A_153 : memref<40448x128xf32, #tpu.memory_space<hbm>>) target(%arg9 : memref<128x128xf32, #tpu.memory_space<vmem>>) offsets(%dma_start3A_150 : memref<128xi32, #tpu.memory_space<vmem>>) semaphore(%arg12 : memref<!tpu.dma_semaphore, #tpu.memory_space<semaphore_mem>>)
      } else {
      }
      %sub3A_134 = arith.constant 1 : i32
      %sub3A_135 = arith.subi %add3A_128, %sub3A_134 : i32
      %ge3A_136 = arith.constant 0 : i32
      %ge3A_137 = arith.cmpi sge, %sub3A_135, %ge3A_136 : i32
      %lt3A_138 = arith.constant 40 : i32
      %lt3A_139 = arith.cmpi slt, %sub3A_135, %lt3A_138 : i32
      %and3A_140 = arith.andi %ge3A_137, %lt3A_139 : i1
      %convert_element_type3A_141 = arith.extui %and3A_140 : i1 to i32
      %cond3A_142 = arith.constant 0 : i32
      %cond3A_143 = arith.cmpi ne, %convert_element_type3A_141, %cond3A_142 : i32
      scf.if %cond3A_143 {
        %dma_wait3A_144 = arith.constant 0 : i32
        %dma_wait3A_145 = tpu.memref_slice %arg6[%sub3A_135, %dma_wait3A_144] : memref<40x128xi32, #tpu.memory_space<vmem>> -> memref<1x128xi32, #tpu.memory_space<vmem>>
        %dma_wait3A_146 = tpu.memref_squeeze %dma_wait3A_145 : memref<1x128xi32, #tpu.memory_space<vmem>> -> memref<128xi32, #tpu.memory_space<vmem>>
        %dma_wait3A_147 = arith.constant 0 : i32
        %dma_wait3A_148 = arith.constant 0 : i32
        %dma_wait3A_149 = tpu.memref_slice %arg2[%dma_wait3A_147, %dma_wait3A_148] : memref<40448x128xf32, #tpu.memory_space<hbm>> -> memref<40448x128xf32, #tpu.memory_space<hbm>>
        tpu.wait_indirect_dma semaphore(%arg11 : memref<!tpu.dma_semaphore, #tpu.memory_space<semaphore_mem>>) src(%dma_wait3A_149 : memref<40448x128xf32, #tpu.memory_space<hbm>>) dst(%arg8 : memref<128x128xf32, #tpu.memory_space<vmem>>)
        %dma_start3A = arith.constant 0 : i32
        %dma_start3A_150 = tpu.memref_slice %arg7[%sub3A_135, %dma_start3A] : memref<40x128xi32, #tpu.memory_space<vmem>> -> memref<1x128xi32, #tpu.memory_space<vmem>>
        %dma_start3A_151 = tpu.memref_squeeze %dma_start3A_150 : memref<1x128xi32, #tpu.memory_space<vmem>> -> memref<128xi32, #tpu.memory_space<vmem>>
        %dma_start3A_152 = arith.constant 0 : i32
        %dma_start3A_153 = arith.constant 0 : i32
        %dma_start3A_154 = tpu.memref_slice %arg10[%dma_start3A_152, %dma_start3A_153] : memref<10112x128xf32, #tpu.memory_space<vmem_shared>> -> memref<10112x128xf32, #tpu.memory_space<vmem_shared>>
        tpu.enqueue_indirect_dma source(%arg8 : memref<128x128xf32, #tpu.memory_space<vmem>>) target(%dma_start3A_154 : memref<10112x128xf32, #tpu.memory_space<vmem_shared>>) offsets(%dma_start3A_151 : memref<128xi32, #tpu.memory_space<vmem>>) semaphore(%arg13 : memref<!tpu.dma_semaphore, #tpu.memory_space<semaphore_mem>>) {add = true}
      } else {
      }
    }
    %scan3A_93 = arith.constant 21 : i32
    %dma_wait3A_94 = arith.constant 38 : i32
    %dma_wait3A_95 = arith.constant 0 : i32
    %dma_wait3A_96 = tpu.memref_slice %arg7[%dma_wait3A_94, %dma_wait3A_95] : memref<40x128xi32, #tpu.memory_space<vmem>> -> memref<1x128xi32, #tpu.memory_space<vmem>>
    %dma_wait3A_97 = tpu.memref_squeeze %dma_wait3A_96 : memref<1x128xi32, #tpu.memory_space<vmem>> -> memref<128xi32, #tpu.memory_space<vmem>>
    %dma_wait3A_98 = arith.constant 0 : i32
    %dma_wait3A_99 = arith.constant 0 : i32
    %dma_wait3A_100 = tpu.memref_slice %arg10[%dma_wait3A_98, %dma_wait3A_99] : memref<10112x128xf32, #tpu.memory_space<vmem_shared>> -> memref<10112x128xf32, #tpu.memory_space<vmem_shared>>
    tpu.wait_indirect_dma semaphore(%arg13 : memref<!tpu.dma_semaphore, #tpu.memory_space<semaphore_mem>>) src(%arg8 : memref<128x128xf32, #tpu.memory_space<vmem>>) dst(%dma_wait3A_100 : memref<10112x128xf32, #tpu.memory_space<vmem_shared>>)
    %dma_wait3A_101 = arith.constant 39 : i32
    %dma_wait3A_102 = arith.constant 0 : i32
    %dma_wait3A_103 = tpu.memref_slice %arg7[%dma_wait3A_101, %dma_wait3A_102] : memref<40x128xi32, #tpu.memory_space<vmem>> -> memref<1x128xi32, #tpu.memory_space<vmem>>
    %dma_wait3A_104 = tpu.memref_squeeze %dma_wait3A_103 : memref<1x128xi32, #tpu.memory_space<vmem>> -> memref<128xi32, #tpu.memory_space<vmem>>
    %dma_wait3A_105 = arith.constant 0 : i32
    %dma_wait3A_106 = arith.constant 0 : i32
    %dma_wait3A_107 = tpu.memref_slice %arg10[%dma_wait3A_105, %dma_wait3A_106] : memref<10112x128xf32, #tpu.memory_space<vmem_shared>> -> memref<10112x128xf32, #tpu.memory_space<vmem_shared>>
    tpu.wait_indirect_dma semaphore(%arg14 : memref<!tpu.dma_semaphore, #tpu.memory_space<semaphore_mem>>) src(%arg9 : memref<128x128xf32, #tpu.memory_space<vmem>>) dst(%dma_wait3A_107 : memref<10112x128xf32, #tpu.memory_space<vmem_shared>>)
    %barrier3A_108 = arith.constant 0 : index
    tpu.barrier barrier_id(%barrier3A_108)
    %add3A_109 = arith.addi %mul3A_59, %mul3A_0 : i32
    "tpu.region"() ({
      %run_scoped3A = tpu.sem_alloc : memref<!tpu.dma_semaphore, #tpu.memory_space<semaphore_mem>>
      %dma_start3A = arith.constant 0 : i32
      %dma_start3A_111 = tpu.memref_slice %arg5[%add3A_109, %dma_start3A] : memref<40448x128xf32, #tpu.memory_space<hbm>> -> memref<632x128xf32, #tpu.memory_space<hbm>>
      %dma_start3A_112 = arith.constant 0 : i32
      %dma_start3A_113 = tpu.memref_slice %arg10[%mul3A_0, %dma_start3A_112] : memref<10112x128xf32, #tpu.memory_space<vmem_shared>> -> memref<632x128xf32, #tpu.memory_space<vmem_shared>>
      tpu.enqueue_dma source(%dma_start3A_113 : memref<632x128xf32, #tpu.memory_space<vmem_shared>>) target(%dma_start3A_111 : memref<632x128xf32, #tpu.memory_space<hbm>>) target_semaphore(%run_scoped3A : memref<!tpu.dma_semaphore, #tpu.memory_space<semaphore_mem>>)
      %dma_wait3A_114 = arith.constant 0 : i32
      %dma_wait3A_115 = tpu.memref_slice %arg5[%add3A_109, %dma_wait3A_114] : memref<40448x128xf32, #tpu.memory_space<hbm>> -> memref<632x128xf32, #tpu.memory_space<hbm>>
      %dma_wait3A_116 = arith.constant 0 : i32
      %dma_wait3A_117 = tpu.memref_slice %arg10[%mul3A_0, %dma_wait3A_116] : memref<10112x128xf32, #tpu.memory_space<vmem_shared>> -> memref<632x128xf32, #tpu.memory_space<vmem_shared>>
      tpu.wait_dma2 semaphore(%run_scoped3A : memref<!tpu.dma_semaphore, #tpu.memory_space<semaphore_mem>>) src(%dma_wait3A_117 : memref<632x128xf32, #tpu.memory_space<vmem_shared>>) dst(%dma_wait3A_115 : memref<632x128xf32, #tpu.memory_space<hbm>>)
      tpu.yield
    }) : () -> ()
    %barrier3A_110 = arith.constant 0 : index
    tpu.barrier barrier_id(%barrier3A_110)
    return
  }
}

#map = affine_map<(d0, d1) -> (0, 0, 0)>
#map1 = affine_map<(d0, d1) -> (0, 0)>
module attributes {stable_mosaic.version = 14 : i64} {
  func.func @deg_kernel(%arg0: i32, %arg1: i32, %arg2: memref<32x40x128xi32, #tpu.memory_space<hbm>>, %arg3: memref<632x16xf32, #tpu.memory_space<hbm>>, %arg4: memref<128x16xf32, #tpu.memory_space<hbm>>, %arg5: memref<20224x16xf32, #tpu.memory_space<hbm>>, %arg6: memref<40x128xi32, #tpu.memory_space<vmem>>, %arg7: memref<128x16xf32, #tpu.memory_space<vmem>>, %arg8: memref<10112x16xf32, #tpu.memory_space<vmem_shared>>) attributes {dimension_semantics = [#tpu.dimension_semantics<core_parallel>, #tpu.dimension_semantics<subcore_parallel>], iteration_bounds = array<i64: 2, 16>, scalar_prefetch = 0 : i64, scratch_operands = 3 : i64, tpu.core_type = #tpu.core_type<sc_vector_subcore>, window_params = [{transform_indices = #map}, {transform_indices = #map1}, {transform_indices = #map1}, {transform_indices = #map1}]} {
    %mul3A = arith.constant 632 : i32
    %mul3A_0 = arith.muli %arg1, %mul3A : i32
    "tpu.region"() ({
      %run_scoped3A = tpu.sem_alloc : memref<!tpu.dma_semaphore, #tpu.memory_space<semaphore_mem>>
      %dma_start3A = arith.constant 0 : i32
      %dma_start3A_12 = tpu.memref_slice %arg8[%mul3A_0, %dma_start3A] : memref<10112x16xf32, #tpu.memory_space<vmem_shared>> -> memref<632x16xf32, #tpu.memory_space<vmem_shared>>
      tpu.enqueue_dma source(%arg3 : memref<632x16xf32, #tpu.memory_space<hbm>>) target(%dma_start3A_12 : memref<632x16xf32, #tpu.memory_space<vmem_shared>>) target_semaphore(%run_scoped3A : memref<!tpu.dma_semaphore, #tpu.memory_space<semaphore_mem>>)
      %dma_wait3A = arith.constant 0 : i32
      %dma_wait3A_13 = tpu.memref_slice %arg8[%mul3A_0, %dma_wait3A] : memref<10112x16xf32, #tpu.memory_space<vmem_shared>> -> memref<632x16xf32, #tpu.memory_space<vmem_shared>>
      tpu.wait_dma2 semaphore(%run_scoped3A : memref<!tpu.dma_semaphore, #tpu.memory_space<semaphore_mem>>) src(%arg3 : memref<632x16xf32, #tpu.memory_space<hbm>>) dst(%dma_wait3A_13 : memref<632x16xf32, #tpu.memory_space<vmem_shared>>)
      tpu.yield
    }) : () -> ()
    "tpu.region"() ({
      %run_scoped3A = tpu.sem_alloc : memref<!tpu.dma_semaphore, #tpu.memory_space<semaphore_mem>>
      tpu.enqueue_dma source(%arg4 : memref<128x16xf32, #tpu.memory_space<hbm>>) target(%arg7 : memref<128x16xf32, #tpu.memory_space<vmem>>) target_semaphore(%run_scoped3A : memref<!tpu.dma_semaphore, #tpu.memory_space<semaphore_mem>>)
      tpu.wait_dma2 semaphore(%run_scoped3A : memref<!tpu.dma_semaphore, #tpu.memory_space<semaphore_mem>>) src(%arg4 : memref<128x16xf32, #tpu.memory_space<hbm>>) dst(%arg7 : memref<128x16xf32, #tpu.memory_space<vmem>>)
      tpu.yield
    }) : () -> ()
    %mul3A_1 = arith.constant 16 : i32
    %mul3A_2 = arith.muli %arg0, %mul3A_1 : i32
    %add3A = arith.addi %mul3A_2, %arg1 : i32
    "tpu.region"() ({
      %run_scoped3A = tpu.sem_alloc : memref<!tpu.dma_semaphore, #tpu.memory_space<semaphore_mem>>
      %dma_start3A = arith.constant 0 : i32
      %dma_start3A_12 = arith.constant 0 : i32
      %dma_start3A_13 = tpu.memref_slice %arg2[%add3A, %dma_start3A, %dma_start3A_12] : memref<32x40x128xi32, #tpu.memory_space<hbm>> -> memref<1x40x128xi32, #tpu.memory_space<hbm>>
      %dma_start3A_14 = tpu.memref_squeeze %dma_start3A_13 : memref<1x40x128xi32, #tpu.memory_space<hbm>> -> memref<40x128xi32, #tpu.memory_space<hbm>>
      %dma_start3A_15 = arith.constant 0 : i32
      %dma_start3A_16 = arith.constant 0 : i32
      %dma_start3A_17 = tpu.memref_slice %arg2[%add3A, %dma_start3A_15, %dma_start3A_16] : memref<32x40x128xi32, #tpu.memory_space<hbm>> -> memref<1x40x128xi32, #tpu.memory_space<hbm>>
      %dma_start3A_18 = tpu.memref_squeeze %dma_start3A_17 : memref<1x40x128xi32, #tpu.memory_space<hbm>> -> memref<40x128xi32, #tpu.memory_space<hbm>>
      tpu.enqueue_dma source(%dma_start3A_18 : memref<40x128xi32, #tpu.memory_space<hbm>>) target(%arg6 : memref<40x128xi32, #tpu.memory_space<vmem>>) target_semaphore(%run_scoped3A : memref<!tpu.dma_semaphore, #tpu.memory_space<semaphore_mem>>)
      %dma_wait3A = arith.constant 0 : i32
      %dma_wait3A_19 = arith.constant 0 : i32
      %dma_wait3A_20 = tpu.memref_slice %arg2[%add3A, %dma_wait3A, %dma_wait3A_19] : memref<32x40x128xi32, #tpu.memory_space<hbm>> -> memref<1x40x128xi32, #tpu.memory_space<hbm>>
      %dma_wait3A_21 = tpu.memref_squeeze %dma_wait3A_20 : memref<1x40x128xi32, #tpu.memory_space<hbm>> -> memref<40x128xi32, #tpu.memory_space<hbm>>
      %dma_wait3A_22 = arith.constant 0 : i32
      %dma_wait3A_23 = arith.constant 0 : i32
      %dma_wait3A_24 = tpu.memref_slice %arg2[%add3A, %dma_wait3A_22, %dma_wait3A_23] : memref<32x40x128xi32, #tpu.memory_space<hbm>> -> memref<1x40x128xi32, #tpu.memory_space<hbm>>
      %dma_wait3A_25 = tpu.memref_squeeze %dma_wait3A_24 : memref<1x40x128xi32, #tpu.memory_space<hbm>> -> memref<40x128xi32, #tpu.memory_space<hbm>>
      tpu.wait_dma2 semaphore(%run_scoped3A : memref<!tpu.dma_semaphore, #tpu.memory_space<semaphore_mem>>) src(%dma_wait3A_25 : memref<40x128xi32, #tpu.memory_space<hbm>>) dst(%arg6 : memref<40x128xi32, #tpu.memory_space<vmem>>)
      tpu.yield
    }) : () -> ()
    %barrier3A = arith.constant 0 : index
    tpu.barrier barrier_id(%barrier3A)
    %scan3A = arith.constant 0 : i32
    %scan3A_3 = arith.constant 0 : i32
    %scan3A_4 = arith.constant 40 : i32
    %scan3A_5 = arith.addi %scan3A_3, %scan3A_4 : i32
    %scan3A_6 = arith.constant 1 : i32
    scf.for %scan3A_12 = %scan3A_3 to %scan3A_5 step %scan3A_6  : i32 {
      "tpu.region"() ({
        %run_scoped3A = tpu.sem_alloc : memref<!tpu.dma_semaphore, #tpu.memory_space<semaphore_mem>>
        %dma_start3A = arith.constant 0 : i32
        %dma_start3A_13 = tpu.memref_slice %arg6[%scan3A_12, %dma_start3A] : memref<40x128xi32, #tpu.memory_space<vmem>> -> memref<1x128xi32, #tpu.memory_space<vmem>>
        %dma_start3A_14 = tpu.memref_squeeze %dma_start3A_13 : memref<1x128xi32, #tpu.memory_space<vmem>> -> memref<128xi32, #tpu.memory_space<vmem>>
        %dma_start3A_15 = arith.constant 0 : i32
        %dma_start3A_16 = arith.constant 0 : i32
        %dma_start3A_17 = tpu.memref_slice %arg8[%dma_start3A_15, %dma_start3A_16] : memref<10112x16xf32, #tpu.memory_space<vmem_shared>> -> memref<10112x16xf32, #tpu.memory_space<vmem_shared>>
        tpu.enqueue_indirect_dma source(%arg7 : memref<128x16xf32, #tpu.memory_space<vmem>>) target(%dma_start3A_17 : memref<10112x16xf32, #tpu.memory_space<vmem_shared>>) offsets(%dma_start3A_14 : memref<128xi32, #tpu.memory_space<vmem>>) semaphore(%run_scoped3A : memref<!tpu.dma_semaphore, #tpu.memory_space<semaphore_mem>>) {add = true}
        %dma_wait3A = arith.constant 0 : i32
        %dma_wait3A_18 = tpu.memref_slice %arg6[%scan3A_12, %dma_wait3A] : memref<40x128xi32, #tpu.memory_space<vmem>> -> memref<1x128xi32, #tpu.memory_space<vmem>>
        %dma_wait3A_19 = tpu.memref_squeeze %dma_wait3A_18 : memref<1x128xi32, #tpu.memory_space<vmem>> -> memref<128xi32, #tpu.memory_space<vmem>>
        %dma_wait3A_20 = arith.constant 0 : i32
        %dma_wait3A_21 = arith.constant 0 : i32
        %dma_wait3A_22 = tpu.memref_slice %arg8[%dma_wait3A_20, %dma_wait3A_21] : memref<10112x16xf32, #tpu.memory_space<vmem_shared>> -> memref<10112x16xf32, #tpu.memory_space<vmem_shared>>
        tpu.wait_indirect_dma semaphore(%run_scoped3A : memref<!tpu.dma_semaphore, #tpu.memory_space<semaphore_mem>>) src(%arg7 : memref<128x16xf32, #tpu.memory_space<vmem>>) dst(%dma_wait3A_22 : memref<10112x16xf32, #tpu.memory_space<vmem_shared>>)
        tpu.yield
      }) : () -> ()
    }
    %scan3A_7 = arith.constant 40 : i32
    %barrier3A_8 = arith.constant 0 : index
    tpu.barrier barrier_id(%barrier3A_8)
    %mul3A_9 = arith.constant 10112 : i32
    %mul3A_10 = arith.muli %arg0, %mul3A_9 : i32
    %add3A_11 = arith.addi %mul3A_10, %mul3A_0 : i32
    "tpu.region"() ({
      %run_scoped3A = tpu.sem_alloc : memref<!tpu.dma_semaphore, #tpu.memory_space<semaphore_mem>>
      %dma_start3A = arith.constant 0 : i32
      %dma_start3A_12 = tpu.memref_slice %arg5[%add3A_11, %dma_start3A] : memref<20224x16xf32, #tpu.memory_space<hbm>> -> memref<632x16xf32, #tpu.memory_space<hbm>>
      %dma_start3A_13 = arith.constant 0 : i32
      %dma_start3A_14 = tpu.memref_slice %arg8[%mul3A_0, %dma_start3A_13] : memref<10112x16xf32, #tpu.memory_space<vmem_shared>> -> memref<632x16xf32, #tpu.memory_space<vmem_shared>>
      tpu.enqueue_dma source(%dma_start3A_14 : memref<632x16xf32, #tpu.memory_space<vmem_shared>>) target(%dma_start3A_12 : memref<632x16xf32, #tpu.memory_space<hbm>>) target_semaphore(%run_scoped3A : memref<!tpu.dma_semaphore, #tpu.memory_space<semaphore_mem>>)
      %dma_wait3A = arith.constant 0 : i32
      %dma_wait3A_15 = tpu.memref_slice %arg5[%add3A_11, %dma_wait3A] : memref<20224x16xf32, #tpu.memory_space<hbm>> -> memref<632x16xf32, #tpu.memory_space<hbm>>
      %dma_wait3A_16 = arith.constant 0 : i32
      %dma_wait3A_17 = tpu.memref_slice %arg8[%mul3A_0, %dma_wait3A_16] : memref<10112x16xf32, #tpu.memory_space<vmem_shared>> -> memref<632x16xf32, #tpu.memory_space<vmem_shared>>
      tpu.wait_dma2 semaphore(%run_scoped3A : memref<!tpu.dma_semaphore, #tpu.memory_space<semaphore_mem>>) src(%dma_wait3A_17 : memref<632x16xf32, #tpu.memory_space<vmem_shared>>) dst(%dma_wait3A_15 : memref<632x16xf32, #tpu.memory_space<hbm>>)
      tpu.yield
    }) : () -> ()
    return
  }
}

#map = affine_map<(d0, d1) -> (0, 0)>
#map1 = affine_map<(d0, d1) -> (0, 0, 0)>
module attributes {stable_mosaic.version = 14 : i64} {
  func.func @prop_kernel(%arg0: i32, %arg1: i32, %arg2: memref<40448x128xf32, #tpu.memory_space<hbm>>, %arg3: memref<64x80x128xi32, #tpu.memory_space<hbm>>, %arg4: memref<16x80x128xi32, #tpu.memory_space<hbm>>, %arg5: memref<40448x128xf32, #tpu.memory_space<hbm>>, %arg6: memref<40x128xi32, #tpu.memory_space<vmem>>, %arg7: memref<40x128xi32, #tpu.memory_space<vmem>>, %arg8: memref<128x128xf32, #tpu.memory_space<vmem>>, %arg9: memref<128x128xf32, #tpu.memory_space<vmem>>, %arg10: memref<10112x128xf32, #tpu.memory_space<vmem_shared>>, %arg11: memref<!tpu.dma_semaphore, #tpu.memory_space<semaphore_mem>>, %arg12: memref<!tpu.dma_semaphore, #tpu.memory_space<semaphore_mem>>, %arg13: memref<!tpu.dma_semaphore, #tpu.memory_space<semaphore_mem>>, %arg14: memref<!tpu.dma_semaphore, #tpu.memory_space<semaphore_mem>>) attributes {dimension_semantics = [#tpu.dimension_semantics<core_parallel>, #tpu.dimension_semantics<subcore_parallel>], iteration_bounds = array<i64: 2, 16>, scalar_prefetch = 0 : i64, scratch_operands = 9 : i64, tpu.core_type = #tpu.core_type<sc_vector_subcore>, window_params = [{transform_indices = #map}, {transform_indices = #map1}, {transform_indices = #map1}, {transform_indices = #map}]} {
    %mul3A = arith.constant 632 : i32
    %mul3A_0 = arith.muli %arg1, %mul3A : i32
    %mul3A_1 = arith.constant 2 : i32
    %mul3A_2 = arith.muli %arg0, %mul3A_1 : i32
    %add3A = arith.constant 0 : i32
    %add3A_3 = arith.addi %mul3A_2, %add3A : i32
    %mul3A_4 = arith.constant 10112 : i32
    %mul3A_5 = arith.muli %add3A_3, %mul3A_4 : i32
    %add3A_6 = arith.addi %mul3A_5, %mul3A_0 : i32
    "tpu.region"() ({
      %run_scoped3A = tpu.sem_alloc : memref<!tpu.dma_semaphore, #tpu.memory_space<semaphore_mem>>
      %dma_start3A = arith.constant 0 : i32
      %dma_start3A_111 = tpu.memref_slice %arg10[%mul3A_0, %dma_start3A] : memref<10112x128xf32, #tpu.memory_space<vmem_shared>> -> memref<632x128xf32, #tpu.memory_space<vmem_shared>>
      %dma_start3A_112 = arith.constant 0 : i32
      %dma_start3A_113 = tpu.memref_slice %arg2[%add3A_6, %dma_start3A_112] : memref<40448x128xf32, #tpu.memory_space<hbm>> -> memref<632x128xf32, #tpu.memory_space<hbm>>
      tpu.enqueue_dma source(%dma_start3A_113 : memref<632x128xf32, #tpu.memory_space<hbm>>) target(%dma_start3A_111 : memref<632x128xf32, #tpu.memory_space<vmem_shared>>) target_semaphore(%run_scoped3A : memref<!tpu.dma_semaphore, #tpu.memory_space<semaphore_mem>>)
      %dma_wait3A_114 = arith.constant 0 : i32
      %dma_wait3A_115 = tpu.memref_slice %arg10[%mul3A_0, %dma_wait3A_114] : memref<10112x128xf32, #tpu.memory_space<vmem_shared>> -> memref<632x128xf32, #tpu.memory_space<vmem_shared>>
      %dma_wait3A_116 = arith.constant 0 : i32
      %dma_wait3A_117 = tpu.memref_slice %arg2[%add3A_6, %dma_wait3A_116] : memref<40448x128xf32, #tpu.memory_space<hbm>> -> memref<632x128xf32, #tpu.memory_space<hbm>>
      tpu.wait_dma2 semaphore(%run_scoped3A : memref<!tpu.dma_semaphore, #tpu.memory_space<semaphore_mem>>) src(%dma_wait3A_117 : memref<632x128xf32, #tpu.memory_space<hbm>>) dst(%dma_wait3A_115 : memref<632x128xf32, #tpu.memory_space<vmem_shared>>)
      tpu.yield
    }) : () -> ()
    %barrier3A = arith.constant 0 : index
    tpu.barrier barrier_id(%barrier3A)
    %mul3A_7 = arith.constant 16 : i32
    %mul3A_8 = arith.muli %add3A_3, %mul3A_7 : i32
    %add3A_9 = arith.addi %mul3A_8, %arg1 : i32
    "tpu.region"() ({
      %run_scoped3A = tpu.sem_alloc : memref<!tpu.dma_semaphore, #tpu.memory_space<semaphore_mem>>
      %dma_start3A = arith.constant 0 : i32
      %dma_start3A_111 = arith.constant 0 : i32
      %dma_start3A_112 = tpu.memref_slice %arg3[%add3A_9, %dma_start3A, %dma_start3A_111] : memref<64x80x128xi32, #tpu.memory_space<hbm>> -> memref<1x40x128xi32, #tpu.memory_space<hbm>>
      %dma_start3A_113 = tpu.memref_squeeze %dma_start3A_112 : memref<1x40x128xi32, #tpu.memory_space<hbm>> -> memref<40x128xi32, #tpu.memory_space<hbm>>
      %dma_start3A_114 = arith.constant 0 : i32
      %dma_start3A_115 = arith.constant 0 : i32
      %dma_start3A_116 = tpu.memref_slice %arg3[%add3A_9, %dma_start3A_114, %dma_start3A_115] : memref<64x80x128xi32, #tpu.memory_space<hbm>> -> memref<1x40x128xi32, #tpu.memory_space<hbm>>
      %dma_start3A_117 = tpu.memref_squeeze %dma_start3A_116 : memref<1x40x128xi32, #tpu.memory_space<hbm>> -> memref<40x128xi32, #tpu.memory_space<hbm>>
      tpu.enqueue_dma source(%dma_start3A_117 : memref<40x128xi32, #tpu.memory_space<hbm>>) target(%arg6 : memref<40x128xi32, #tpu.memory_space<vmem>>) target_semaphore(%run_scoped3A : memref<!tpu.dma_semaphore, #tpu.memory_space<semaphore_mem>>)
      %dma_wait3A_118 = arith.constant 0 : i32
      %dma_wait3A_119 = arith.constant 0 : i32
      %dma_wait3A_120 = tpu.memref_slice %arg3[%add3A_9, %dma_wait3A_118, %dma_wait3A_119] : memref<64x80x128xi32, #tpu.memory_space<hbm>> -> memref<1x40x128xi32, #tpu.memory_space<hbm>>
      %dma_wait3A_121 = tpu.memref_squeeze %dma_wait3A_120 : memref<1x40x128xi32, #tpu.memory_space<hbm>> -> memref<40x128xi32, #tpu.memory_space<hbm>>
      %dma_wait3A_122 = arith.constant 0 : i32
      %dma_wait3A_123 = arith.constant 0 : i32
      %dma_wait3A_124 = tpu.memref_slice %arg3[%add3A_9, %dma_wait3A_122, %dma_wait3A_123] : memref<64x80x128xi32, #tpu.memory_space<hbm>> -> memref<1x40x128xi32, #tpu.memory_space<hbm>>
      %dma_wait3A_125 = tpu.memref_squeeze %dma_wait3A_124 : memref<1x40x128xi32, #tpu.memory_space<hbm>> -> memref<40x128xi32, #tpu.memory_space<hbm>>
      tpu.wait_dma2 semaphore(%run_scoped3A : memref<!tpu.dma_semaphore, #tpu.memory_space<semaphore_mem>>) src(%dma_wait3A_125 : memref<40x128xi32, #tpu.memory_space<hbm>>) dst(%arg6 : memref<40x128xi32, #tpu.memory_space<vmem>>)
      tpu.yield
    }) : () -> ()
    "tpu.region"() ({
      %run_scoped3A = tpu.sem_alloc : memref<!tpu.dma_semaphore, #tpu.memory_space<semaphore_mem>>
      %dma_start3A = arith.constant 0 : i32
      %dma_start3A_111 = arith.constant 0 : i32
      %dma_start3A_112 = tpu.memref_slice %arg4[%arg1, %dma_start3A, %dma_start3A_111] : memref<16x80x128xi32, #tpu.memory_space<hbm>> -> memref<1x40x128xi32, #tpu.memory_space<hbm>>
      %dma_start3A_113 = tpu.memref_squeeze %dma_start3A_112 : memref<1x40x128xi32, #tpu.memory_space<hbm>> -> memref<40x128xi32, #tpu.memory_space<hbm>>
      %dma_start3A_114 = arith.constant 0 : i32
      %dma_start3A_115 = arith.constant 0 : i32
      %dma_start3A_116 = tpu.memref_slice %arg4[%arg1, %dma_start3A_114, %dma_start3A_115] : memref<16x80x128xi32, #tpu.memory_space<hbm>> -> memref<1x40x128xi32, #tpu.memory_space<hbm>>
      %dma_start3A_117 = tpu.memref_squeeze %dma_start3A_116 : memref<1x40x128xi32, #tpu.memory_space<hbm>> -> memref<40x128xi32, #tpu.memory_space<hbm>>
      tpu.enqueue_dma source(%dma_start3A_117 : memref<40x128xi32, #tpu.memory_space<hbm>>) target(%arg7 : memref<40x128xi32, #tpu.memory_space<vmem>>) target_semaphore(%run_scoped3A : memref<!tpu.dma_semaphore, #tpu.memory_space<semaphore_mem>>)
      %dma_wait3A_118 = arith.constant 0 : i32
      %dma_wait3A_119 = arith.constant 0 : i32
      %dma_wait3A_120 = tpu.memref_slice %arg4[%arg1, %dma_wait3A_118, %dma_wait3A_119] : memref<16x80x128xi32, #tpu.memory_space<hbm>> -> memref<1x40x128xi32, #tpu.memory_space<hbm>>
      %dma_wait3A_121 = tpu.memref_squeeze %dma_wait3A_120 : memref<1x40x128xi32, #tpu.memory_space<hbm>> -> memref<40x128xi32, #tpu.memory_space<hbm>>
      %dma_wait3A_122 = arith.constant 0 : i32
      %dma_wait3A_123 = arith.constant 0 : i32
      %dma_wait3A_124 = tpu.memref_slice %arg4[%arg1, %dma_wait3A_122, %dma_wait3A_123] : memref<16x80x128xi32, #tpu.memory_space<hbm>> -> memref<1x40x128xi32, #tpu.memory_space<hbm>>
      %dma_wait3A_125 = tpu.memref_squeeze %dma_wait3A_124 : memref<1x40x128xi32, #tpu.memory_space<hbm>> -> memref<40x128xi32, #tpu.memory_space<hbm>>
      tpu.wait_dma2 semaphore(%run_scoped3A : memref<!tpu.dma_semaphore, #tpu.memory_space<semaphore_mem>>) src(%dma_wait3A_125 : memref<40x128xi32, #tpu.memory_space<hbm>>) dst(%arg7 : memref<40x128xi32, #tpu.memory_space<vmem>>)
      tpu.yield
    }) : () -> ()
    %scan3A = arith.constant 0 : i32
    %scan3A_10 = arith.constant 0 : i32
    %scan3A_11 = arith.constant 21 : i32
    %scan3A_12 = arith.addi %scan3A_10, %scan3A_11 : i32
    %scan3A_13 = arith.constant 1 : i32
    scf.for %scan3A_111 = %scan3A_10 to %scan3A_12 step %scan3A_13  : i32 {
      %mul3A_112 = arith.constant 2 : i32
      %mul3A_113 = arith.muli %scan3A_111, %mul3A_112 : i32
      %add3A_114 = arith.constant 0 : i32
      %add3A_115 = arith.addi %mul3A_113, %add3A_114 : i32
      %lt3A = arith.constant 40 : i32
      %lt3A_116 = arith.cmpi slt, %add3A_115, %lt3A : i32
      %convert_element_type3A = arith.extui %lt3A_116 : i1 to i32
      %cond3A = arith.constant 0 : i32
      %cond3A_117 = arith.cmpi ne, %convert_element_type3A, %cond3A : i32
      scf.if %cond3A_117 {
        %ge3A_144 = arith.constant 2 : i32
        %ge3A_145 = arith.cmpi sge, %add3A_115, %ge3A_144 : i32
        %convert_element_type3A_146 = arith.extui %ge3A_145 : i1 to i32
        %cond3A_147 = arith.constant 0 : i32
        %cond3A_148 = arith.cmpi ne, %convert_element_type3A_146, %cond3A_147 : i32
        scf.if %cond3A_148 {
          %sub3A_154 = arith.constant 2 : i32
          %sub3A_155 = arith.subi %add3A_115, %sub3A_154 : i32
          %dma_wait3A_156 = arith.constant 0 : i32
          %dma_wait3A_157 = tpu.memref_slice %arg7[%sub3A_155, %dma_wait3A_156] : memref<40x128xi32, #tpu.memory_space<vmem>> -> memref<1x128xi32, #tpu.memory_space<vmem>>
          %dma_wait3A_158 = tpu.memref_squeeze %dma_wait3A_157 : memref<1x128xi32, #tpu.memory_space<vmem>> -> memref<128xi32, #tpu.memory_space<vmem>>
          %dma_wait3A_159 = arith.constant 0 : i32
          %dma_wait3A_160 = arith.constant 0 : i32
          %dma_wait3A_161 = tpu.memref_slice %arg10[%dma_wait3A_159, %dma_wait3A_160] : memref<10112x128xf32, #tpu.memory_space<vmem_shared>> -> memref<10112x128xf32, #tpu.memory_space<vmem_shared>>
          tpu.wait_indirect_dma semaphore(%arg13 : memref<!tpu.dma_semaphore, #tpu.memory_space<semaphore_mem>>) src(%arg8 : memref<128x128xf32, #tpu.memory_space<vmem>>) dst(%dma_wait3A_161 : memref<10112x128xf32, #tpu.memory_space<vmem_shared>>)
        } else {
        }
        %dma_start3A = arith.constant 0 : i32
        %dma_start3A_149 = tpu.memref_slice %arg6[%add3A_115, %dma_start3A] : memref<40x128xi32, #tpu.memory_space<vmem>> -> memref<1x128xi32, #tpu.memory_space<vmem>>
        %dma_start3A_150 = tpu.memref_squeeze %dma_start3A_149 : memref<1x128xi32, #tpu.memory_space<vmem>> -> memref<128xi32, #tpu.memory_space<vmem>>
        %dma_start3A_151 = arith.constant 0 : i32
        %dma_start3A_152 = arith.constant 0 : i32
        %dma_start3A_153 = tpu.memref_slice %arg2[%dma_start3A_151, %dma_start3A_152] : memref<40448x128xf32, #tpu.memory_space<hbm>> -> memref<40448x128xf32, #tpu.memory_space<hbm>>
        tpu.enqueue_indirect_dma source(%dma_start3A_153 : memref<40448x128xf32, #tpu.memory_space<hbm>>) target(%arg8 : memref<128x128xf32, #tpu.memory_space<vmem>>) offsets(%dma_start3A_150 : memref<128xi32, #tpu.memory_space<vmem>>) semaphore(%arg11 : memref<!tpu.dma_semaphore, #tpu.memory_space<semaphore_mem>>)
      } else {
      }
      %sub3A = arith.constant 1 : i32
      %sub3A_118 = arith.subi %add3A_115, %sub3A : i32
      %ge3A = arith.constant 0 : i32
      %ge3A_119 = arith.cmpi sge, %sub3A_118, %ge3A : i32
      %lt3A_120 = arith.constant 40 : i32
      %lt3A_121 = arith.cmpi slt, %sub3A_118, %lt3A_120 : i32
      %and3A = arith.andi %ge3A_119, %lt3A_121 : i1
      %convert_element_type3A_122 = arith.extui %and3A : i1 to i32
      %cond3A_123 = arith.constant 0 : i32
      %cond3A_124 = arith.cmpi ne, %convert_element_type3A_122, %cond3A_123 : i32
      scf.if %cond3A_124 {
        %dma_wait3A_144 = arith.constant 0 : i32
        %dma_wait3A_145 = tpu.memref_slice %arg6[%sub3A_118, %dma_wait3A_144] : memref<40x128xi32, #tpu.memory_space<vmem>> -> memref<1x128xi32, #tpu.memory_space<vmem>>
        %dma_wait3A_146 = tpu.memref_squeeze %dma_wait3A_145 : memref<1x128xi32, #tpu.memory_space<vmem>> -> memref<128xi32, #tpu.memory_space<vmem>>
        %dma_wait3A_147 = arith.constant 0 : i32
        %dma_wait3A_148 = arith.constant 0 : i32
        %dma_wait3A_149 = tpu.memref_slice %arg2[%dma_wait3A_147, %dma_wait3A_148] : memref<40448x128xf32, #tpu.memory_space<hbm>> -> memref<40448x128xf32, #tpu.memory_space<hbm>>
        tpu.wait_indirect_dma semaphore(%arg12 : memref<!tpu.dma_semaphore, #tpu.memory_space<semaphore_mem>>) src(%dma_wait3A_149 : memref<40448x128xf32, #tpu.memory_space<hbm>>) dst(%arg9 : memref<128x128xf32, #tpu.memory_space<vmem>>)
        %dma_start3A = arith.constant 0 : i32
        %dma_start3A_150 = tpu.memref_slice %arg7[%sub3A_118, %dma_start3A] : memref<40x128xi32, #tpu.memory_space<vmem>> -> memref<1x128xi32, #tpu.memory_space<vmem>>
        %dma_start3A_151 = tpu.memref_squeeze %dma_start3A_150 : memref<1x128xi32, #tpu.memory_space<vmem>> -> memref<128xi32, #tpu.memory_space<vmem>>
        %dma_start3A_152 = arith.constant 0 : i32
        %dma_start3A_153 = arith.constant 0 : i32
        %dma_start3A_154 = tpu.memref_slice %arg10[%dma_start3A_152, %dma_start3A_153] : memref<10112x128xf32, #tpu.memory_space<vmem_shared>> -> memref<10112x128xf32, #tpu.memory_space<vmem_shared>>
        tpu.enqueue_indirect_dma source(%arg9 : memref<128x128xf32, #tpu.memory_space<vmem>>) target(%dma_start3A_154 : memref<10112x128xf32, #tpu.memory_space<vmem_shared>>) offsets(%dma_start3A_151 : memref<128xi32, #tpu.memory_space<vmem>>) semaphore(%arg14 : memref<!tpu.dma_semaphore, #tpu.memory_space<semaphore_mem>>) {add = true}
      } else {
      }
      %mul3A_125 = arith.constant 2 : i32
      %mul3A_126 = arith.muli %scan3A_111, %mul3A_125 : i32
      %add3A_127 = arith.constant 1 : i32
      %add3A_128 = arith.addi %mul3A_126, %add3A_127 : i32
      %lt3A_129 = arith.constant 40 : i32
      %lt3A_130 = arith.cmpi slt, %add3A_128, %lt3A_129 : i32
      %convert_element_type3A_131 = arith.extui %lt3A_130 : i1 to i32
      %cond3A_132 = arith.constant 0 : i32
      %cond3A_133 = arith.cmpi ne, %convert_element_type3A_131, %cond3A_132 : i32
      scf.if %cond3A_133 {
        %ge3A_144 = arith.constant 2 : i32
        %ge3A_145 = arith.cmpi sge, %add3A_128, %ge3A_144 : i32
        %convert_element_type3A_146 = arith.extui %ge3A_145 : i1 to i32
        %cond3A_147 = arith.constant 0 : i32
        %cond3A_148 = arith.cmpi ne, %convert_element_type3A_146, %cond3A_147 : i32
        scf.if %cond3A_148 {
          %sub3A_154 = arith.constant 2 : i32
          %sub3A_155 = arith.subi %add3A_128, %sub3A_154 : i32
          %dma_wait3A_156 = arith.constant 0 : i32
          %dma_wait3A_157 = tpu.memref_slice %arg7[%sub3A_155, %dma_wait3A_156] : memref<40x128xi32, #tpu.memory_space<vmem>> -> memref<1x128xi32, #tpu.memory_space<vmem>>
          %dma_wait3A_158 = tpu.memref_squeeze %dma_wait3A_157 : memref<1x128xi32, #tpu.memory_space<vmem>> -> memref<128xi32, #tpu.memory_space<vmem>>
          %dma_wait3A_159 = arith.constant 0 : i32
          %dma_wait3A_160 = arith.constant 0 : i32
          %dma_wait3A_161 = tpu.memref_slice %arg10[%dma_wait3A_159, %dma_wait3A_160] : memref<10112x128xf32, #tpu.memory_space<vmem_shared>> -> memref<10112x128xf32, #tpu.memory_space<vmem_shared>>
          tpu.wait_indirect_dma semaphore(%arg14 : memref<!tpu.dma_semaphore, #tpu.memory_space<semaphore_mem>>) src(%arg9 : memref<128x128xf32, #tpu.memory_space<vmem>>) dst(%dma_wait3A_161 : memref<10112x128xf32, #tpu.memory_space<vmem_shared>>)
        } else {
        }
        %dma_start3A = arith.constant 0 : i32
        %dma_start3A_149 = tpu.memref_slice %arg6[%add3A_128, %dma_start3A] : memref<40x128xi32, #tpu.memory_space<vmem>> -> memref<1x128xi32, #tpu.memory_space<vmem>>
        %dma_start3A_150 = tpu.memref_squeeze %dma_start3A_149 : memref<1x128xi32, #tpu.memory_space<vmem>> -> memref<128xi32, #tpu.memory_space<vmem>>
        %dma_start3A_151 = arith.constant 0 : i32
        %dma_start3A_152 = arith.constant 0 : i32
        %dma_start3A_153 = tpu.memref_slice %arg2[%dma_start3A_151, %dma_start3A_152] : memref<40448x128xf32, #tpu.memory_space<hbm>> -> memref<40448x128xf32, #tpu.memory_space<hbm>>
        tpu.enqueue_indirect_dma source(%dma_start3A_153 : memref<40448x128xf32, #tpu.memory_space<hbm>>) target(%arg9 : memref<128x128xf32, #tpu.memory_space<vmem>>) offsets(%dma_start3A_150 : memref<128xi32, #tpu.memory_space<vmem>>) semaphore(%arg12 : memref<!tpu.dma_semaphore, #tpu.memory_space<semaphore_mem>>)
      } else {
      }
      %sub3A_134 = arith.constant 1 : i32
      %sub3A_135 = arith.subi %add3A_128, %sub3A_134 : i32
      %ge3A_136 = arith.constant 0 : i32
      %ge3A_137 = arith.cmpi sge, %sub3A_135, %ge3A_136 : i32
      %lt3A_138 = arith.constant 40 : i32
      %lt3A_139 = arith.cmpi slt, %sub3A_135, %lt3A_138 : i32
      %and3A_140 = arith.andi %ge3A_137, %lt3A_139 : i1
      %convert_element_type3A_141 = arith.extui %and3A_140 : i1 to i32
      %cond3A_142 = arith.constant 0 : i32
      %cond3A_143 = arith.cmpi ne, %convert_element_type3A_141, %cond3A_142 : i32
      scf.if %cond3A_143 {
        %dma_wait3A_144 = arith.constant 0 : i32
        %dma_wait3A_145 = tpu.memref_slice %arg6[%sub3A_135, %dma_wait3A_144] : memref<40x128xi32, #tpu.memory_space<vmem>> -> memref<1x128xi32, #tpu.memory_space<vmem>>
        %dma_wait3A_146 = tpu.memref_squeeze %dma_wait3A_145 : memref<1x128xi32, #tpu.memory_space<vmem>> -> memref<128xi32, #tpu.memory_space<vmem>>
        %dma_wait3A_147 = arith.constant 0 : i32
        %dma_wait3A_148 = arith.constant 0 : i32
        %dma_wait3A_149 = tpu.memref_slice %arg2[%dma_wait3A_147, %dma_wait3A_148] : memref<40448x128xf32, #tpu.memory_space<hbm>> -> memref<40448x128xf32, #tpu.memory_space<hbm>>
        tpu.wait_indirect_dma semaphore(%arg11 : memref<!tpu.dma_semaphore, #tpu.memory_space<semaphore_mem>>) src(%dma_wait3A_149 : memref<40448x128xf32, #tpu.memory_space<hbm>>) dst(%arg8 : memref<128x128xf32, #tpu.memory_space<vmem>>)
        %dma_start3A = arith.constant 0 : i32
        %dma_start3A_150 = tpu.memref_slice %arg7[%sub3A_135, %dma_start3A] : memref<40x128xi32, #tpu.memory_space<vmem>> -> memref<1x128xi32, #tpu.memory_space<vmem>>
        %dma_start3A_151 = tpu.memref_squeeze %dma_start3A_150 : memref<1x128xi32, #tpu.memory_space<vmem>> -> memref<128xi32, #tpu.memory_space<vmem>>
        %dma_start3A_152 = arith.constant 0 : i32
        %dma_start3A_153 = arith.constant 0 : i32
        %dma_start3A_154 = tpu.memref_slice %arg10[%dma_start3A_152, %dma_start3A_153] : memref<10112x128xf32, #tpu.memory_space<vmem_shared>> -> memref<10112x128xf32, #tpu.memory_space<vmem_shared>>
        tpu.enqueue_indirect_dma source(%arg8 : memref<128x128xf32, #tpu.memory_space<vmem>>) target(%dma_start3A_154 : memref<10112x128xf32, #tpu.memory_space<vmem_shared>>) offsets(%dma_start3A_151 : memref<128xi32, #tpu.memory_space<vmem>>) semaphore(%arg13 : memref<!tpu.dma_semaphore, #tpu.memory_space<semaphore_mem>>) {add = true}
      } else {
      }
    }
    %scan3A_14 = arith.constant 21 : i32
    %dma_wait3A = arith.constant 38 : i32
    %dma_wait3A_15 = arith.constant 0 : i32
    %dma_wait3A_16 = tpu.memref_slice %arg7[%dma_wait3A, %dma_wait3A_15] : memref<40x128xi32, #tpu.memory_space<vmem>> -> memref<1x128xi32, #tpu.memory_space<vmem>>
    %dma_wait3A_17 = tpu.memref_squeeze %dma_wait3A_16 : memref<1x128xi32, #tpu.memory_space<vmem>> -> memref<128xi32, #tpu.memory_space<vmem>>
    %dma_wait3A_18 = arith.constant 0 : i32
    %dma_wait3A_19 = arith.constant 0 : i32
    %dma_wait3A_20 = tpu.memref_slice %arg10[%dma_wait3A_18, %dma_wait3A_19] : memref<10112x128xf32, #tpu.memory_space<vmem_shared>> -> memref<10112x128xf32, #tpu.memory_space<vmem_shared>>
    tpu.wait_indirect_dma semaphore(%arg13 : memref<!tpu.dma_semaphore, #tpu.memory_space<semaphore_mem>>) src(%arg8 : memref<128x128xf32, #tpu.memory_space<vmem>>) dst(%dma_wait3A_20 : memref<10112x128xf32, #tpu.memory_space<vmem_shared>>)
    %dma_wait3A_21 = arith.constant 39 : i32
    %dma_wait3A_22 = arith.constant 0 : i32
    %dma_wait3A_23 = tpu.memref_slice %arg7[%dma_wait3A_21, %dma_wait3A_22] : memref<40x128xi32, #tpu.memory_space<vmem>> -> memref<1x128xi32, #tpu.memory_space<vmem>>
    %dma_wait3A_24 = tpu.memref_squeeze %dma_wait3A_23 : memref<1x128xi32, #tpu.memory_space<vmem>> -> memref<128xi32, #tpu.memory_space<vmem>>
    %dma_wait3A_25 = arith.constant 0 : i32
    %dma_wait3A_26 = arith.constant 0 : i32
    %dma_wait3A_27 = tpu.memref_slice %arg10[%dma_wait3A_25, %dma_wait3A_26] : memref<10112x128xf32, #tpu.memory_space<vmem_shared>> -> memref<10112x128xf32, #tpu.memory_space<vmem_shared>>
    tpu.wait_indirect_dma semaphore(%arg14 : memref<!tpu.dma_semaphore, #tpu.memory_space<semaphore_mem>>) src(%arg9 : memref<128x128xf32, #tpu.memory_space<vmem>>) dst(%dma_wait3A_27 : memref<10112x128xf32, #tpu.memory_space<vmem_shared>>)
    %mul3A_28 = arith.constant 16 : i32
    %mul3A_29 = arith.muli %add3A_3, %mul3A_28 : i32
    %add3A_30 = arith.addi %mul3A_29, %arg1 : i32
    "tpu.region"() ({
      %run_scoped3A = tpu.sem_alloc : memref<!tpu.dma_semaphore, #tpu.memory_space<semaphore_mem>>
      %dma_start3A = arith.constant 40 : i32
      %dma_start3A_111 = arith.constant 0 : i32
      %dma_start3A_112 = tpu.memref_slice %arg3[%add3A_30, %dma_start3A, %dma_start3A_111] : memref<64x80x128xi32, #tpu.memory_space<hbm>> -> memref<1x40x128xi32, #tpu.memory_space<hbm>>
      %dma_start3A_113 = tpu.memref_squeeze %dma_start3A_112 : memref<1x40x128xi32, #tpu.memory_space<hbm>> -> memref<40x128xi32, #tpu.memory_space<hbm>>
      %dma_start3A_114 = arith.constant 40 : i32
      %dma_start3A_115 = arith.constant 0 : i32
      %dma_start3A_116 = tpu.memref_slice %arg3[%add3A_30, %dma_start3A_114, %dma_start3A_115] : memref<64x80x128xi32, #tpu.memory_space<hbm>> -> memref<1x40x128xi32, #tpu.memory_space<hbm>>
      %dma_start3A_117 = tpu.memref_squeeze %dma_start3A_116 : memref<1x40x128xi32, #tpu.memory_space<hbm>> -> memref<40x128xi32, #tpu.memory_space<hbm>>
      tpu.enqueue_dma source(%dma_start3A_117 : memref<40x128xi32, #tpu.memory_space<hbm>>) target(%arg6 : memref<40x128xi32, #tpu.memory_space<vmem>>) target_semaphore(%run_scoped3A : memref<!tpu.dma_semaphore, #tpu.memory_space<semaphore_mem>>)
      %dma_wait3A_118 = arith.constant 40 : i32
      %dma_wait3A_119 = arith.constant 0 : i32
      %dma_wait3A_120 = tpu.memref_slice %arg3[%add3A_30, %dma_wait3A_118, %dma_wait3A_119] : memref<64x80x128xi32, #tpu.memory_space<hbm>> -> memref<1x40x128xi32, #tpu.memory_space<hbm>>
      %dma_wait3A_121 = tpu.memref_squeeze %dma_wait3A_120 : memref<1x40x128xi32, #tpu.memory_space<hbm>> -> memref<40x128xi32, #tpu.memory_space<hbm>>
      %dma_wait3A_122 = arith.constant 40 : i32
      %dma_wait3A_123 = arith.constant 0 : i32
      %dma_wait3A_124 = tpu.memref_slice %arg3[%add3A_30, %dma_wait3A_122, %dma_wait3A_123] : memref<64x80x128xi32, #tpu.memory_space<hbm>> -> memref<1x40x128xi32, #tpu.memory_space<hbm>>
      %dma_wait3A_125 = tpu.memref_squeeze %dma_wait3A_124 : memref<1x40x128xi32, #tpu.memory_space<hbm>> -> memref<40x128xi32, #tpu.memory_space<hbm>>
      tpu.wait_dma2 semaphore(%run_scoped3A : memref<!tpu.dma_semaphore, #tpu.memory_space<semaphore_mem>>) src(%dma_wait3A_125 : memref<40x128xi32, #tpu.memory_space<hbm>>) dst(%arg6 : memref<40x128xi32, #tpu.memory_space<vmem>>)
      tpu.yield
    }) : () -> ()
    "tpu.region"() ({
      %run_scoped3A = tpu.sem_alloc : memref<!tpu.dma_semaphore, #tpu.memory_space<semaphore_mem>>
      %dma_start3A = arith.constant 40 : i32
      %dma_start3A_111 = arith.constant 0 : i32
      %dma_start3A_112 = tpu.memref_slice %arg4[%arg1, %dma_start3A, %dma_start3A_111] : memref<16x80x128xi32, #tpu.memory_space<hbm>> -> memref<1x40x128xi32, #tpu.memory_space<hbm>>
      %dma_start3A_113 = tpu.memref_squeeze %dma_start3A_112 : memref<1x40x128xi32, #tpu.memory_space<hbm>> -> memref<40x128xi32, #tpu.memory_space<hbm>>
      %dma_start3A_114 = arith.constant 40 : i32
      %dma_start3A_115 = arith.constant 0 : i32
      %dma_start3A_116 = tpu.memref_slice %arg4[%arg1, %dma_start3A_114, %dma_start3A_115] : memref<16x80x128xi32, #tpu.memory_space<hbm>> -> memref<1x40x128xi32, #tpu.memory_space<hbm>>
      %dma_start3A_117 = tpu.memref_squeeze %dma_start3A_116 : memref<1x40x128xi32, #tpu.memory_space<hbm>> -> memref<40x128xi32, #tpu.memory_space<hbm>>
      tpu.enqueue_dma source(%dma_start3A_117 : memref<40x128xi32, #tpu.memory_space<hbm>>) target(%arg7 : memref<40x128xi32, #tpu.memory_space<vmem>>) target_semaphore(%run_scoped3A : memref<!tpu.dma_semaphore, #tpu.memory_space<semaphore_mem>>)
      %dma_wait3A_118 = arith.constant 40 : i32
      %dma_wait3A_119 = arith.constant 0 : i32
      %dma_wait3A_120 = tpu.memref_slice %arg4[%arg1, %dma_wait3A_118, %dma_wait3A_119] : memref<16x80x128xi32, #tpu.memory_space<hbm>> -> memref<1x40x128xi32, #tpu.memory_space<hbm>>
      %dma_wait3A_121 = tpu.memref_squeeze %dma_wait3A_120 : memref<1x40x128xi32, #tpu.memory_space<hbm>> -> memref<40x128xi32, #tpu.memory_space<hbm>>
      %dma_wait3A_122 = arith.constant 40 : i32
      %dma_wait3A_123 = arith.constant 0 : i32
      %dma_wait3A_124 = tpu.memref_slice %arg4[%arg1, %dma_wait3A_122, %dma_wait3A_123] : memref<16x80x128xi32, #tpu.memory_space<hbm>> -> memref<1x40x128xi32, #tpu.memory_space<hbm>>
      %dma_wait3A_125 = tpu.memref_squeeze %dma_wait3A_124 : memref<1x40x128xi32, #tpu.memory_space<hbm>> -> memref<40x128xi32, #tpu.memory_space<hbm>>
      tpu.wait_dma2 semaphore(%run_scoped3A : memref<!tpu.dma_semaphore, #tpu.memory_space<semaphore_mem>>) src(%dma_wait3A_125 : memref<40x128xi32, #tpu.memory_space<hbm>>) dst(%arg7 : memref<40x128xi32, #tpu.memory_space<vmem>>)
      tpu.yield
    }) : () -> ()
    %scan3A_31 = arith.constant 0 : i32
    %scan3A_32 = arith.constant 0 : i32
    %scan3A_33 = arith.constant 21 : i32
    %scan3A_34 = arith.addi %scan3A_32, %scan3A_33 : i32
    %scan3A_35 = arith.constant 1 : i32
    scf.for %scan3A_111 = %scan3A_32 to %scan3A_34 step %scan3A_35  : i32 {
      %mul3A_112 = arith.constant 2 : i32
      %mul3A_113 = arith.muli %scan3A_111, %mul3A_112 : i32
      %add3A_114 = arith.constant 0 : i32
      %add3A_115 = arith.addi %mul3A_113, %add3A_114 : i32
      %lt3A = arith.constant 40 : i32
      %lt3A_116 = arith.cmpi slt, %add3A_115, %lt3A : i32
      %convert_element_type3A = arith.extui %lt3A_116 : i1 to i32
      %cond3A = arith.constant 0 : i32
      %cond3A_117 = arith.cmpi ne, %convert_element_type3A, %cond3A : i32
      scf.if %cond3A_117 {
        %ge3A_144 = arith.constant 2 : i32
        %ge3A_145 = arith.cmpi sge, %add3A_115, %ge3A_144 : i32
        %convert_element_type3A_146 = arith.extui %ge3A_145 : i1 to i32
        %cond3A_147 = arith.constant 0 : i32
        %cond3A_148 = arith.cmpi ne, %convert_element_type3A_146, %cond3A_147 : i32
        scf.if %cond3A_148 {
          %sub3A_154 = arith.constant 2 : i32
          %sub3A_155 = arith.subi %add3A_115, %sub3A_154 : i32
          %dma_wait3A_156 = arith.constant 0 : i32
          %dma_wait3A_157 = tpu.memref_slice %arg7[%sub3A_155, %dma_wait3A_156] : memref<40x128xi32, #tpu.memory_space<vmem>> -> memref<1x128xi32, #tpu.memory_space<vmem>>
          %dma_wait3A_158 = tpu.memref_squeeze %dma_wait3A_157 : memref<1x128xi32, #tpu.memory_space<vmem>> -> memref<128xi32, #tpu.memory_space<vmem>>
          %dma_wait3A_159 = arith.constant 0 : i32
          %dma_wait3A_160 = arith.constant 0 : i32
          %dma_wait3A_161 = tpu.memref_slice %arg10[%dma_wait3A_159, %dma_wait3A_160] : memref<10112x128xf32, #tpu.memory_space<vmem_shared>> -> memref<10112x128xf32, #tpu.memory_space<vmem_shared>>
          tpu.wait_indirect_dma semaphore(%arg13 : memref<!tpu.dma_semaphore, #tpu.memory_space<semaphore_mem>>) src(%arg8 : memref<128x128xf32, #tpu.memory_space<vmem>>) dst(%dma_wait3A_161 : memref<10112x128xf32, #tpu.memory_space<vmem_shared>>)
        } else {
        }
        %dma_start3A = arith.constant 0 : i32
        %dma_start3A_149 = tpu.memref_slice %arg6[%add3A_115, %dma_start3A] : memref<40x128xi32, #tpu.memory_space<vmem>> -> memref<1x128xi32, #tpu.memory_space<vmem>>
        %dma_start3A_150 = tpu.memref_squeeze %dma_start3A_149 : memref<1x128xi32, #tpu.memory_space<vmem>> -> memref<128xi32, #tpu.memory_space<vmem>>
        %dma_start3A_151 = arith.constant 0 : i32
        %dma_start3A_152 = arith.constant 0 : i32
        %dma_start3A_153 = tpu.memref_slice %arg2[%dma_start3A_151, %dma_start3A_152] : memref<40448x128xf32, #tpu.memory_space<hbm>> -> memref<40448x128xf32, #tpu.memory_space<hbm>>
        tpu.enqueue_indirect_dma source(%dma_start3A_153 : memref<40448x128xf32, #tpu.memory_space<hbm>>) target(%arg8 : memref<128x128xf32, #tpu.memory_space<vmem>>) offsets(%dma_start3A_150 : memref<128xi32, #tpu.memory_space<vmem>>) semaphore(%arg11 : memref<!tpu.dma_semaphore, #tpu.memory_space<semaphore_mem>>)
      } else {
      }
      %sub3A = arith.constant 1 : i32
      %sub3A_118 = arith.subi %add3A_115, %sub3A : i32
      %ge3A = arith.constant 0 : i32
      %ge3A_119 = arith.cmpi sge, %sub3A_118, %ge3A : i32
      %lt3A_120 = arith.constant 40 : i32
      %lt3A_121 = arith.cmpi slt, %sub3A_118, %lt3A_120 : i32
      %and3A = arith.andi %ge3A_119, %lt3A_121 : i1
      %convert_element_type3A_122 = arith.extui %and3A : i1 to i32
      %cond3A_123 = arith.constant 0 : i32
      %cond3A_124 = arith.cmpi ne, %convert_element_type3A_122, %cond3A_123 : i32
      scf.if %cond3A_124 {
        %dma_wait3A_144 = arith.constant 0 : i32
        %dma_wait3A_145 = tpu.memref_slice %arg6[%sub3A_118, %dma_wait3A_144] : memref<40x128xi32, #tpu.memory_space<vmem>> -> memref<1x128xi32, #tpu.memory_space<vmem>>
        %dma_wait3A_146 = tpu.memref_squeeze %dma_wait3A_145 : memref<1x128xi32, #tpu.memory_space<vmem>> -> memref<128xi32, #tpu.memory_space<vmem>>
        %dma_wait3A_147 = arith.constant 0 : i32
        %dma_wait3A_148 = arith.constant 0 : i32
        %dma_wait3A_149 = tpu.memref_slice %arg2[%dma_wait3A_147, %dma_wait3A_148] : memref<40448x128xf32, #tpu.memory_space<hbm>> -> memref<40448x128xf32, #tpu.memory_space<hbm>>
        tpu.wait_indirect_dma semaphore(%arg12 : memref<!tpu.dma_semaphore, #tpu.memory_space<semaphore_mem>>) src(%dma_wait3A_149 : memref<40448x128xf32, #tpu.memory_space<hbm>>) dst(%arg9 : memref<128x128xf32, #tpu.memory_space<vmem>>)
        %dma_start3A = arith.constant 0 : i32
        %dma_start3A_150 = tpu.memref_slice %arg7[%sub3A_118, %dma_start3A] : memref<40x128xi32, #tpu.memory_space<vmem>> -> memref<1x128xi32, #tpu.memory_space<vmem>>
        %dma_start3A_151 = tpu.memref_squeeze %dma_start3A_150 : memref<1x128xi32, #tpu.memory_space<vmem>> -> memref<128xi32, #tpu.memory_space<vmem>>
        %dma_start3A_152 = arith.constant 0 : i32
        %dma_start3A_153 = arith.constant 0 : i32
        %dma_start3A_154 = tpu.memref_slice %arg10[%dma_start3A_152, %dma_start3A_153] : memref<10112x128xf32, #tpu.memory_space<vmem_shared>> -> memref<10112x128xf32, #tpu.memory_space<vmem_shared>>
        tpu.enqueue_indirect_dma source(%arg9 : memref<128x128xf32, #tpu.memory_space<vmem>>) target(%dma_start3A_154 : memref<10112x128xf32, #tpu.memory_space<vmem_shared>>) offsets(%dma_start3A_151 : memref<128xi32, #tpu.memory_space<vmem>>) semaphore(%arg14 : memref<!tpu.dma_semaphore, #tpu.memory_space<semaphore_mem>>) {add = true}
      } else {
      }
      %mul3A_125 = arith.constant 2 : i32
      %mul3A_126 = arith.muli %scan3A_111, %mul3A_125 : i32
      %add3A_127 = arith.constant 1 : i32
      %add3A_128 = arith.addi %mul3A_126, %add3A_127 : i32
      %lt3A_129 = arith.constant 40 : i32
      %lt3A_130 = arith.cmpi slt, %add3A_128, %lt3A_129 : i32
      %convert_element_type3A_131 = arith.extui %lt3A_130 : i1 to i32
      %cond3A_132 = arith.constant 0 : i32
      %cond3A_133 = arith.cmpi ne, %convert_element_type3A_131, %cond3A_132 : i32
      scf.if %cond3A_133 {
        %ge3A_144 = arith.constant 2 : i32
        %ge3A_145 = arith.cmpi sge, %add3A_128, %ge3A_144 : i32
        %convert_element_type3A_146 = arith.extui %ge3A_145 : i1 to i32
        %cond3A_147 = arith.constant 0 : i32
        %cond3A_148 = arith.cmpi ne, %convert_element_type3A_146, %cond3A_147 : i32
        scf.if %cond3A_148 {
          %sub3A_154 = arith.constant 2 : i32
          %sub3A_155 = arith.subi %add3A_128, %sub3A_154 : i32
          %dma_wait3A_156 = arith.constant 0 : i32
          %dma_wait3A_157 = tpu.memref_slice %arg7[%sub3A_155, %dma_wait3A_156] : memref<40x128xi32, #tpu.memory_space<vmem>> -> memref<1x128xi32, #tpu.memory_space<vmem>>
          %dma_wait3A_158 = tpu.memref_squeeze %dma_wait3A_157 : memref<1x128xi32, #tpu.memory_space<vmem>> -> memref<128xi32, #tpu.memory_space<vmem>>
          %dma_wait3A_159 = arith.constant 0 : i32
          %dma_wait3A_160 = arith.constant 0 : i32
          %dma_wait3A_161 = tpu.memref_slice %arg10[%dma_wait3A_159, %dma_wait3A_160] : memref<10112x128xf32, #tpu.memory_space<vmem_shared>> -> memref<10112x128xf32, #tpu.memory_space<vmem_shared>>
          tpu.wait_indirect_dma semaphore(%arg14 : memref<!tpu.dma_semaphore, #tpu.memory_space<semaphore_mem>>) src(%arg9 : memref<128x128xf32, #tpu.memory_space<vmem>>) dst(%dma_wait3A_161 : memref<10112x128xf32, #tpu.memory_space<vmem_shared>>)
        } else {
        }
        %dma_start3A = arith.constant 0 : i32
        %dma_start3A_149 = tpu.memref_slice %arg6[%add3A_128, %dma_start3A] : memref<40x128xi32, #tpu.memory_space<vmem>> -> memref<1x128xi32, #tpu.memory_space<vmem>>
        %dma_start3A_150 = tpu.memref_squeeze %dma_start3A_149 : memref<1x128xi32, #tpu.memory_space<vmem>> -> memref<128xi32, #tpu.memory_space<vmem>>
        %dma_start3A_151 = arith.constant 0 : i32
        %dma_start3A_152 = arith.constant 0 : i32
        %dma_start3A_153 = tpu.memref_slice %arg2[%dma_start3A_151, %dma_start3A_152] : memref<40448x128xf32, #tpu.memory_space<hbm>> -> memref<40448x128xf32, #tpu.memory_space<hbm>>
        tpu.enqueue_indirect_dma source(%dma_start3A_153 : memref<40448x128xf32, #tpu.memory_space<hbm>>) target(%arg9 : memref<128x128xf32, #tpu.memory_space<vmem>>) offsets(%dma_start3A_150 : memref<128xi32, #tpu.memory_space<vmem>>) semaphore(%arg12 : memref<!tpu.dma_semaphore, #tpu.memory_space<semaphore_mem>>)
      } else {
      }
      %sub3A_134 = arith.constant 1 : i32
      %sub3A_135 = arith.subi %add3A_128, %sub3A_134 : i32
      %ge3A_136 = arith.constant 0 : i32
      %ge3A_137 = arith.cmpi sge, %sub3A_135, %ge3A_136 : i32
      %lt3A_138 = arith.constant 40 : i32
      %lt3A_139 = arith.cmpi slt, %sub3A_135, %lt3A_138 : i32
      %and3A_140 = arith.andi %ge3A_137, %lt3A_139 : i1
      %convert_element_type3A_141 = arith.extui %and3A_140 : i1 to i32
      %cond3A_142 = arith.constant 0 : i32
      %cond3A_143 = arith.cmpi ne, %convert_element_type3A_141, %cond3A_142 : i32
      scf.if %cond3A_143 {
        %dma_wait3A_144 = arith.constant 0 : i32
        %dma_wait3A_145 = tpu.memref_slice %arg6[%sub3A_135, %dma_wait3A_144] : memref<40x128xi32, #tpu.memory_space<vmem>> -> memref<1x128xi32, #tpu.memory_space<vmem>>
        %dma_wait3A_146 = tpu.memref_squeeze %dma_wait3A_145 : memref<1x128xi32, #tpu.memory_space<vmem>> -> memref<128xi32, #tpu.memory_space<vmem>>
        %dma_wait3A_147 = arith.constant 0 : i32
        %dma_wait3A_148 = arith.constant 0 : i32
        %dma_wait3A_149 = tpu.memref_slice %arg2[%dma_wait3A_147, %dma_wait3A_148] : memref<40448x128xf32, #tpu.memory_space<hbm>> -> memref<40448x128xf32, #tpu.memory_space<hbm>>
        tpu.wait_indirect_dma semaphore(%arg11 : memref<!tpu.dma_semaphore, #tpu.memory_space<semaphore_mem>>) src(%dma_wait3A_149 : memref<40448x128xf32, #tpu.memory_space<hbm>>) dst(%arg8 : memref<128x128xf32, #tpu.memory_space<vmem>>)
        %dma_start3A = arith.constant 0 : i32
        %dma_start3A_150 = tpu.memref_slice %arg7[%sub3A_135, %dma_start3A] : memref<40x128xi32, #tpu.memory_space<vmem>> -> memref<1x128xi32, #tpu.memory_space<vmem>>
        %dma_start3A_151 = tpu.memref_squeeze %dma_start3A_150 : memref<1x128xi32, #tpu.memory_space<vmem>> -> memref<128xi32, #tpu.memory_space<vmem>>
        %dma_start3A_152 = arith.constant 0 : i32
        %dma_start3A_153 = arith.constant 0 : i32
        %dma_start3A_154 = tpu.memref_slice %arg10[%dma_start3A_152, %dma_start3A_153] : memref<10112x128xf32, #tpu.memory_space<vmem_shared>> -> memref<10112x128xf32, #tpu.memory_space<vmem_shared>>
        tpu.enqueue_indirect_dma source(%arg8 : memref<128x128xf32, #tpu.memory_space<vmem>>) target(%dma_start3A_154 : memref<10112x128xf32, #tpu.memory_space<vmem_shared>>) offsets(%dma_start3A_151 : memref<128xi32, #tpu.memory_space<vmem>>) semaphore(%arg13 : memref<!tpu.dma_semaphore, #tpu.memory_space<semaphore_mem>>) {add = true}
      } else {
      }
    }
    %scan3A_36 = arith.constant 21 : i32
    %dma_wait3A_37 = arith.constant 38 : i32
    %dma_wait3A_38 = arith.constant 0 : i32
    %dma_wait3A_39 = tpu.memref_slice %arg7[%dma_wait3A_37, %dma_wait3A_38] : memref<40x128xi32, #tpu.memory_space<vmem>> -> memref<1x128xi32, #tpu.memory_space<vmem>>
    %dma_wait3A_40 = tpu.memref_squeeze %dma_wait3A_39 : memref<1x128xi32, #tpu.memory_space<vmem>> -> memref<128xi32, #tpu.memory_space<vmem>>
    %dma_wait3A_41 = arith.constant 0 : i32
    %dma_wait3A_42 = arith.constant 0 : i32
    %dma_wait3A_43 = tpu.memref_slice %arg10[%dma_wait3A_41, %dma_wait3A_42] : memref<10112x128xf32, #tpu.memory_space<vmem_shared>> -> memref<10112x128xf32, #tpu.memory_space<vmem_shared>>
    tpu.wait_indirect_dma semaphore(%arg13 : memref<!tpu.dma_semaphore, #tpu.memory_space<semaphore_mem>>) src(%arg8 : memref<128x128xf32, #tpu.memory_space<vmem>>) dst(%dma_wait3A_43 : memref<10112x128xf32, #tpu.memory_space<vmem_shared>>)
    %dma_wait3A_44 = arith.constant 39 : i32
    %dma_wait3A_45 = arith.constant 0 : i32
    %dma_wait3A_46 = tpu.memref_slice %arg7[%dma_wait3A_44, %dma_wait3A_45] : memref<40x128xi32, #tpu.memory_space<vmem>> -> memref<1x128xi32, #tpu.memory_space<vmem>>
    %dma_wait3A_47 = tpu.memref_squeeze %dma_wait3A_46 : memref<1x128xi32, #tpu.memory_space<vmem>> -> memref<128xi32, #tpu.memory_space<vmem>>
    %dma_wait3A_48 = arith.constant 0 : i32
    %dma_wait3A_49 = arith.constant 0 : i32
    %dma_wait3A_50 = tpu.memref_slice %arg10[%dma_wait3A_48, %dma_wait3A_49] : memref<10112x128xf32, #tpu.memory_space<vmem_shared>> -> memref<10112x128xf32, #tpu.memory_space<vmem_shared>>
    tpu.wait_indirect_dma semaphore(%arg14 : memref<!tpu.dma_semaphore, #tpu.memory_space<semaphore_mem>>) src(%arg9 : memref<128x128xf32, #tpu.memory_space<vmem>>) dst(%dma_wait3A_50 : memref<10112x128xf32, #tpu.memory_space<vmem_shared>>)
    %barrier3A_51 = arith.constant 0 : index
    tpu.barrier barrier_id(%barrier3A_51)
    %add3A_52 = arith.addi %mul3A_5, %mul3A_0 : i32
    "tpu.region"() ({
      %run_scoped3A = tpu.sem_alloc : memref<!tpu.dma_semaphore, #tpu.memory_space<semaphore_mem>>
      %dma_start3A = arith.constant 0 : i32
      %dma_start3A_111 = tpu.memref_slice %arg5[%add3A_52, %dma_start3A] : memref<40448x128xf32, #tpu.memory_space<hbm>> -> memref<632x128xf32, #tpu.memory_space<hbm>>
      %dma_start3A_112 = arith.constant 0 : i32
      %dma_start3A_113 = tpu.memref_slice %arg10[%mul3A_0, %dma_start3A_112] : memref<10112x128xf32, #tpu.memory_space<vmem_shared>> -> memref<632x128xf32, #tpu.memory_space<vmem_shared>>
      tpu.enqueue_dma source(%dma_start3A_113 : memref<632x128xf32, #tpu.memory_space<vmem_shared>>) target(%dma_start3A_111 : memref<632x128xf32, #tpu.memory_space<hbm>>) target_semaphore(%run_scoped3A : memref<!tpu.dma_semaphore, #tpu.memory_space<semaphore_mem>>)
      %dma_wait3A_114 = arith.constant 0 : i32
      %dma_wait3A_115 = tpu.memref_slice %arg5[%add3A_52, %dma_wait3A_114] : memref<40448x128xf32, #tpu.memory_space<hbm>> -> memref<632x128xf32, #tpu.memory_space<hbm>>
      %dma_wait3A_116 = arith.constant 0 : i32
      %dma_wait3A_117 = tpu.memref_slice %arg10[%mul3A_0, %dma_wait3A_116] : memref<10112x128xf32, #tpu.memory_space<vmem_shared>> -> memref<632x128xf32, #tpu.memory_space<vmem_shared>>
      tpu.wait_dma2 semaphore(%run_scoped3A : memref<!tpu.dma_semaphore, #tpu.memory_space<semaphore_mem>>) src(%dma_wait3A_117 : memref<632x128xf32, #tpu.memory_space<vmem_shared>>) dst(%dma_wait3A_115 : memref<632x128xf32, #tpu.memory_space<hbm>>)
      tpu.yield
    }) : () -> ()
    %barrier3A_53 = arith.constant 0 : index
    tpu.barrier barrier_id(%barrier3A_53)
    %mul3A_54 = arith.constant 2 : i32
    %mul3A_55 = arith.muli %arg0, %mul3A_54 : i32
    %add3A_56 = arith.constant 1 : i32
    %add3A_57 = arith.addi %mul3A_55, %add3A_56 : i32
    %mul3A_58 = arith.constant 10112 : i32
    %mul3A_59 = arith.muli %add3A_57, %mul3A_58 : i32
    %add3A_60 = arith.addi %mul3A_59, %mul3A_0 : i32
    "tpu.region"() ({
      %run_scoped3A = tpu.sem_alloc : memref<!tpu.dma_semaphore, #tpu.memory_space<semaphore_mem>>
      %dma_start3A = arith.constant 0 : i32
      %dma_start3A_111 = tpu.memref_slice %arg10[%mul3A_0, %dma_start3A] : memref<10112x128xf32, #tpu.memory_space<vmem_shared>> -> memref<632x128xf32, #tpu.memory_space<vmem_shared>>
      %dma_start3A_112 = arith.constant 0 : i32
      %dma_start3A_113 = tpu.memref_slice %arg2[%add3A_60, %dma_start3A_112] : memref<40448x128xf32, #tpu.memory_space<hbm>> -> memref<632x128xf32, #tpu.memory_space<hbm>>
      tpu.enqueue_dma source(%dma_start3A_113 : memref<632x128xf32, #tpu.memory_space<hbm>>) target(%dma_start3A_111 : memref<632x128xf32, #tpu.memory_space<vmem_shared>>) target_semaphore(%run_scoped3A : memref<!tpu.dma_semaphore, #tpu.memory_space<semaphore_mem>>)
      %dma_wait3A_114 = arith.constant 0 : i32
      %dma_wait3A_115 = tpu.memref_slice %arg10[%mul3A_0, %dma_wait3A_114] : memref<10112x128xf32, #tpu.memory_space<vmem_shared>> -> memref<632x128xf32, #tpu.memory_space<vmem_shared>>
      %dma_wait3A_116 = arith.constant 0 : i32
      %dma_wait3A_117 = tpu.memref_slice %arg2[%add3A_60, %dma_wait3A_116] : memref<40448x128xf32, #tpu.memory_space<hbm>> -> memref<632x128xf32, #tpu.memory_space<hbm>>
      tpu.wait_dma2 semaphore(%run_scoped3A : memref<!tpu.dma_semaphore, #tpu.memory_space<semaphore_mem>>) src(%dma_wait3A_117 : memref<632x128xf32, #tpu.memory_space<hbm>>) dst(%dma_wait3A_115 : memref<632x128xf32, #tpu.memory_space<vmem_shared>>)
      tpu.yield
    }) : () -> ()
    %barrier3A_61 = arith.constant 0 : index
    tpu.barrier barrier_id(%barrier3A_61)
    %mul3A_62 = arith.constant 16 : i32
    %mul3A_63 = arith.muli %add3A_57, %mul3A_62 : i32
    %add3A_64 = arith.addi %mul3A_63, %arg1 : i32
    "tpu.region"() ({
      %run_scoped3A = tpu.sem_alloc : memref<!tpu.dma_semaphore, #tpu.memory_space<semaphore_mem>>
      %dma_start3A = arith.constant 0 : i32
      %dma_start3A_111 = arith.constant 0 : i32
      %dma_start3A_112 = tpu.memref_slice %arg3[%add3A_64, %dma_start3A, %dma_start3A_111] : memref<64x80x128xi32, #tpu.memory_space<hbm>> -> memref<1x40x128xi32, #tpu.memory_space<hbm>>
      %dma_start3A_113 = tpu.memref_squeeze %dma_start3A_112 : memref<1x40x128xi32, #tpu.memory_space<hbm>> -> memref<40x128xi32, #tpu.memory_space<hbm>>
      %dma_start3A_114 = arith.constant 0 : i32
      %dma_start3A_115 = arith.constant 0 : i32
      %dma_start3A_116 = tpu.memref_slice %arg3[%add3A_64, %dma_start3A_114, %dma_start3A_115] : memref<64x80x128xi32, #tpu.memory_space<hbm>> -> memref<1x40x128xi32, #tpu.memory_space<hbm>>
      %dma_start3A_117 = tpu.memref_squeeze %dma_start3A_116 : memref<1x40x128xi32, #tpu.memory_space<hbm>> -> memref<40x128xi32, #tpu.memory_space<hbm>>
      tpu.enqueue_dma source(%dma_start3A_117 : memref<40x128xi32, #tpu.memory_space<hbm>>) target(%arg6 : memref<40x128xi32, #tpu.memory_space<vmem>>) target_semaphore(%run_scoped3A : memref<!tpu.dma_semaphore, #tpu.memory_space<semaphore_mem>>)
      %dma_wait3A_118 = arith.constant 0 : i32
      %dma_wait3A_119 = arith.constant 0 : i32
      %dma_wait3A_120 = tpu.memref_slice %arg3[%add3A_64, %dma_wait3A_118, %dma_wait3A_119] : memref<64x80x128xi32, #tpu.memory_space<hbm>> -> memref<1x40x128xi32, #tpu.memory_space<hbm>>
      %dma_wait3A_121 = tpu.memref_squeeze %dma_wait3A_120 : memref<1x40x128xi32, #tpu.memory_space<hbm>> -> memref<40x128xi32, #tpu.memory_space<hbm>>
      %dma_wait3A_122 = arith.constant 0 : i32
      %dma_wait3A_123 = arith.constant 0 : i32
      %dma_wait3A_124 = tpu.memref_slice %arg3[%add3A_64, %dma_wait3A_122, %dma_wait3A_123] : memref<64x80x128xi32, #tpu.memory_space<hbm>> -> memref<1x40x128xi32, #tpu.memory_space<hbm>>
      %dma_wait3A_125 = tpu.memref_squeeze %dma_wait3A_124 : memref<1x40x128xi32, #tpu.memory_space<hbm>> -> memref<40x128xi32, #tpu.memory_space<hbm>>
      tpu.wait_dma2 semaphore(%run_scoped3A : memref<!tpu.dma_semaphore, #tpu.memory_space<semaphore_mem>>) src(%dma_wait3A_125 : memref<40x128xi32, #tpu.memory_space<hbm>>) dst(%arg6 : memref<40x128xi32, #tpu.memory_space<vmem>>)
      tpu.yield
    }) : () -> ()
    "tpu.region"() ({
      %run_scoped3A = tpu.sem_alloc : memref<!tpu.dma_semaphore, #tpu.memory_space<semaphore_mem>>
      %dma_start3A = arith.constant 0 : i32
      %dma_start3A_111 = arith.constant 0 : i32
      %dma_start3A_112 = tpu.memref_slice %arg4[%arg1, %dma_start3A, %dma_start3A_111] : memref<16x80x128xi32, #tpu.memory_space<hbm>> -> memref<1x40x128xi32, #tpu.memory_space<hbm>>
      %dma_start3A_113 = tpu.memref_squeeze %dma_start3A_112 : memref<1x40x128xi32, #tpu.memory_space<hbm>> -> memref<40x128xi32, #tpu.memory_space<hbm>>
      %dma_start3A_114 = arith.constant 0 : i32
      %dma_start3A_115 = arith.constant 0 : i32
      %dma_start3A_116 = tpu.memref_slice %arg4[%arg1, %dma_start3A_114, %dma_start3A_115] : memref<16x80x128xi32, #tpu.memory_space<hbm>> -> memref<1x40x128xi32, #tpu.memory_space<hbm>>
      %dma_start3A_117 = tpu.memref_squeeze %dma_start3A_116 : memref<1x40x128xi32, #tpu.memory_space<hbm>> -> memref<40x128xi32, #tpu.memory_space<hbm>>
      tpu.enqueue_dma source(%dma_start3A_117 : memref<40x128xi32, #tpu.memory_space<hbm>>) target(%arg7 : memref<40x128xi32, #tpu.memory_space<vmem>>) target_semaphore(%run_scoped3A : memref<!tpu.dma_semaphore, #tpu.memory_space<semaphore_mem>>)
      %dma_wait3A_118 = arith.constant 0 : i32
      %dma_wait3A_119 = arith.constant 0 : i32
      %dma_wait3A_120 = tpu.memref_slice %arg4[%arg1, %dma_wait3A_118, %dma_wait3A_119] : memref<16x80x128xi32, #tpu.memory_space<hbm>> -> memref<1x40x128xi32, #tpu.memory_space<hbm>>
      %dma_wait3A_121 = tpu.memref_squeeze %dma_wait3A_120 : memref<1x40x128xi32, #tpu.memory_space<hbm>> -> memref<40x128xi32, #tpu.memory_space<hbm>>
      %dma_wait3A_122 = arith.constant 0 : i32
      %dma_wait3A_123 = arith.constant 0 : i32
      %dma_wait3A_124 = tpu.memref_slice %arg4[%arg1, %dma_wait3A_122, %dma_wait3A_123] : memref<16x80x128xi32, #tpu.memory_space<hbm>> -> memref<1x40x128xi32, #tpu.memory_space<hbm>>
      %dma_wait3A_125 = tpu.memref_squeeze %dma_wait3A_124 : memref<1x40x128xi32, #tpu.memory_space<hbm>> -> memref<40x128xi32, #tpu.memory_space<hbm>>
      tpu.wait_dma2 semaphore(%run_scoped3A : memref<!tpu.dma_semaphore, #tpu.memory_space<semaphore_mem>>) src(%dma_wait3A_125 : memref<40x128xi32, #tpu.memory_space<hbm>>) dst(%arg7 : memref<40x128xi32, #tpu.memory_space<vmem>>)
      tpu.yield
    }) : () -> ()
    %scan3A_65 = arith.constant 0 : i32
    %scan3A_66 = arith.constant 0 : i32
    %scan3A_67 = arith.constant 21 : i32
    %scan3A_68 = arith.addi %scan3A_66, %scan3A_67 : i32
    %scan3A_69 = arith.constant 1 : i32
    scf.for %scan3A_111 = %scan3A_66 to %scan3A_68 step %scan3A_69  : i32 {
      %mul3A_112 = arith.constant 2 : i32
      %mul3A_113 = arith.muli %scan3A_111, %mul3A_112 : i32
      %add3A_114 = arith.constant 0 : i32
      %add3A_115 = arith.addi %mul3A_113, %add3A_114 : i32
      %lt3A = arith.constant 40 : i32
      %lt3A_116 = arith.cmpi slt, %add3A_115, %lt3A : i32
      %convert_element_type3A = arith.extui %lt3A_116 : i1 to i32
      %cond3A = arith.constant 0 : i32
      %cond3A_117 = arith.cmpi ne, %convert_element_type3A, %cond3A : i32
      scf.if %cond3A_117 {
        %ge3A_144 = arith.constant 2 : i32
        %ge3A_145 = arith.cmpi sge, %add3A_115, %ge3A_144 : i32
        %convert_element_type3A_146 = arith.extui %ge3A_145 : i1 to i32
        %cond3A_147 = arith.constant 0 : i32
        %cond3A_148 = arith.cmpi ne, %convert_element_type3A_146, %cond3A_147 : i32
        scf.if %cond3A_148 {
          %sub3A_154 = arith.constant 2 : i32
          %sub3A_155 = arith.subi %add3A_115, %sub3A_154 : i32
          %dma_wait3A_156 = arith.constant 0 : i32
          %dma_wait3A_157 = tpu.memref_slice %arg7[%sub3A_155, %dma_wait3A_156] : memref<40x128xi32, #tpu.memory_space<vmem>> -> memref<1x128xi32, #tpu.memory_space<vmem>>
          %dma_wait3A_158 = tpu.memref_squeeze %dma_wait3A_157 : memref<1x128xi32, #tpu.memory_space<vmem>> -> memref<128xi32, #tpu.memory_space<vmem>>
          %dma_wait3A_159 = arith.constant 0 : i32
          %dma_wait3A_160 = arith.constant 0 : i32
          %dma_wait3A_161 = tpu.memref_slice %arg10[%dma_wait3A_159, %dma_wait3A_160] : memref<10112x128xf32, #tpu.memory_space<vmem_shared>> -> memref<10112x128xf32, #tpu.memory_space<vmem_shared>>
          tpu.wait_indirect_dma semaphore(%arg13 : memref<!tpu.dma_semaphore, #tpu.memory_space<semaphore_mem>>) src(%arg8 : memref<128x128xf32, #tpu.memory_space<vmem>>) dst(%dma_wait3A_161 : memref<10112x128xf32, #tpu.memory_space<vmem_shared>>)
        } else {
        }
        %dma_start3A = arith.constant 0 : i32
        %dma_start3A_149 = tpu.memref_slice %arg6[%add3A_115, %dma_start3A] : memref<40x128xi32, #tpu.memory_space<vmem>> -> memref<1x128xi32, #tpu.memory_space<vmem>>
        %dma_start3A_150 = tpu.memref_squeeze %dma_start3A_149 : memref<1x128xi32, #tpu.memory_space<vmem>> -> memref<128xi32, #tpu.memory_space<vmem>>
        %dma_start3A_151 = arith.constant 0 : i32
        %dma_start3A_152 = arith.constant 0 : i32
        %dma_start3A_153 = tpu.memref_slice %arg2[%dma_start3A_151, %dma_start3A_152] : memref<40448x128xf32, #tpu.memory_space<hbm>> -> memref<40448x128xf32, #tpu.memory_space<hbm>>
        tpu.enqueue_indirect_dma source(%dma_start3A_153 : memref<40448x128xf32, #tpu.memory_space<hbm>>) target(%arg8 : memref<128x128xf32, #tpu.memory_space<vmem>>) offsets(%dma_start3A_150 : memref<128xi32, #tpu.memory_space<vmem>>) semaphore(%arg11 : memref<!tpu.dma_semaphore, #tpu.memory_space<semaphore_mem>>)
      } else {
      }
      %sub3A = arith.constant 1 : i32
      %sub3A_118 = arith.subi %add3A_115, %sub3A : i32
      %ge3A = arith.constant 0 : i32
      %ge3A_119 = arith.cmpi sge, %sub3A_118, %ge3A : i32
      %lt3A_120 = arith.constant 40 : i32
      %lt3A_121 = arith.cmpi slt, %sub3A_118, %lt3A_120 : i32
      %and3A = arith.andi %ge3A_119, %lt3A_121 : i1
      %convert_element_type3A_122 = arith.extui %and3A : i1 to i32
      %cond3A_123 = arith.constant 0 : i32
      %cond3A_124 = arith.cmpi ne, %convert_element_type3A_122, %cond3A_123 : i32
      scf.if %cond3A_124 {
        %dma_wait3A_144 = arith.constant 0 : i32
        %dma_wait3A_145 = tpu.memref_slice %arg6[%sub3A_118, %dma_wait3A_144] : memref<40x128xi32, #tpu.memory_space<vmem>> -> memref<1x128xi32, #tpu.memory_space<vmem>>
        %dma_wait3A_146 = tpu.memref_squeeze %dma_wait3A_145 : memref<1x128xi32, #tpu.memory_space<vmem>> -> memref<128xi32, #tpu.memory_space<vmem>>
        %dma_wait3A_147 = arith.constant 0 : i32
        %dma_wait3A_148 = arith.constant 0 : i32
        %dma_wait3A_149 = tpu.memref_slice %arg2[%dma_wait3A_147, %dma_wait3A_148] : memref<40448x128xf32, #tpu.memory_space<hbm>> -> memref<40448x128xf32, #tpu.memory_space<hbm>>
        tpu.wait_indirect_dma semaphore(%arg12 : memref<!tpu.dma_semaphore, #tpu.memory_space<semaphore_mem>>) src(%dma_wait3A_149 : memref<40448x128xf32, #tpu.memory_space<hbm>>) dst(%arg9 : memref<128x128xf32, #tpu.memory_space<vmem>>)
        %dma_start3A = arith.constant 0 : i32
        %dma_start3A_150 = tpu.memref_slice %arg7[%sub3A_118, %dma_start3A] : memref<40x128xi32, #tpu.memory_space<vmem>> -> memref<1x128xi32, #tpu.memory_space<vmem>>
        %dma_start3A_151 = tpu.memref_squeeze %dma_start3A_150 : memref<1x128xi32, #tpu.memory_space<vmem>> -> memref<128xi32, #tpu.memory_space<vmem>>
        %dma_start3A_152 = arith.constant 0 : i32
        %dma_start3A_153 = arith.constant 0 : i32
        %dma_start3A_154 = tpu.memref_slice %arg10[%dma_start3A_152, %dma_start3A_153] : memref<10112x128xf32, #tpu.memory_space<vmem_shared>> -> memref<10112x128xf32, #tpu.memory_space<vmem_shared>>
        tpu.enqueue_indirect_dma source(%arg9 : memref<128x128xf32, #tpu.memory_space<vmem>>) target(%dma_start3A_154 : memref<10112x128xf32, #tpu.memory_space<vmem_shared>>) offsets(%dma_start3A_151 : memref<128xi32, #tpu.memory_space<vmem>>) semaphore(%arg14 : memref<!tpu.dma_semaphore, #tpu.memory_space<semaphore_mem>>) {add = true}
      } else {
      }
      %mul3A_125 = arith.constant 2 : i32
      %mul3A_126 = arith.muli %scan3A_111, %mul3A_125 : i32
      %add3A_127 = arith.constant 1 : i32
      %add3A_128 = arith.addi %mul3A_126, %add3A_127 : i32
      %lt3A_129 = arith.constant 40 : i32
      %lt3A_130 = arith.cmpi slt, %add3A_128, %lt3A_129 : i32
      %convert_element_type3A_131 = arith.extui %lt3A_130 : i1 to i32
      %cond3A_132 = arith.constant 0 : i32
      %cond3A_133 = arith.cmpi ne, %convert_element_type3A_131, %cond3A_132 : i32
      scf.if %cond3A_133 {
        %ge3A_144 = arith.constant 2 : i32
        %ge3A_145 = arith.cmpi sge, %add3A_128, %ge3A_144 : i32
        %convert_element_type3A_146 = arith.extui %ge3A_145 : i1 to i32
        %cond3A_147 = arith.constant 0 : i32
        %cond3A_148 = arith.cmpi ne, %convert_element_type3A_146, %cond3A_147 : i32
        scf.if %cond3A_148 {
          %sub3A_154 = arith.constant 2 : i32
          %sub3A_155 = arith.subi %add3A_128, %sub3A_154 : i32
          %dma_wait3A_156 = arith.constant 0 : i32
          %dma_wait3A_157 = tpu.memref_slice %arg7[%sub3A_155, %dma_wait3A_156] : memref<40x128xi32, #tpu.memory_space<vmem>> -> memref<1x128xi32, #tpu.memory_space<vmem>>
          %dma_wait3A_158 = tpu.memref_squeeze %dma_wait3A_157 : memref<1x128xi32, #tpu.memory_space<vmem>> -> memref<128xi32, #tpu.memory_space<vmem>>
          %dma_wait3A_159 = arith.constant 0 : i32
          %dma_wait3A_160 = arith.constant 0 : i32
          %dma_wait3A_161 = tpu.memref_slice %arg10[%dma_wait3A_159, %dma_wait3A_160] : memref<10112x128xf32, #tpu.memory_space<vmem_shared>> -> memref<10112x128xf32, #tpu.memory_space<vmem_shared>>
          tpu.wait_indirect_dma semaphore(%arg14 : memref<!tpu.dma_semaphore, #tpu.memory_space<semaphore_mem>>) src(%arg9 : memref<128x128xf32, #tpu.memory_space<vmem>>) dst(%dma_wait3A_161 : memref<10112x128xf32, #tpu.memory_space<vmem_shared>>)
        } else {
        }
        %dma_start3A = arith.constant 0 : i32
        %dma_start3A_149 = tpu.memref_slice %arg6[%add3A_128, %dma_start3A] : memref<40x128xi32, #tpu.memory_space<vmem>> -> memref<1x128xi32, #tpu.memory_space<vmem>>
        %dma_start3A_150 = tpu.memref_squeeze %dma_start3A_149 : memref<1x128xi32, #tpu.memory_space<vmem>> -> memref<128xi32, #tpu.memory_space<vmem>>
        %dma_start3A_151 = arith.constant 0 : i32
        %dma_start3A_152 = arith.constant 0 : i32
        %dma_start3A_153 = tpu.memref_slice %arg2[%dma_start3A_151, %dma_start3A_152] : memref<40448x128xf32, #tpu.memory_space<hbm>> -> memref<40448x128xf32, #tpu.memory_space<hbm>>
        tpu.enqueue_indirect_dma source(%dma_start3A_153 : memref<40448x128xf32, #tpu.memory_space<hbm>>) target(%arg9 : memref<128x128xf32, #tpu.memory_space<vmem>>) offsets(%dma_start3A_150 : memref<128xi32, #tpu.memory_space<vmem>>) semaphore(%arg12 : memref<!tpu.dma_semaphore, #tpu.memory_space<semaphore_mem>>)
      } else {
      }
      %sub3A_134 = arith.constant 1 : i32
      %sub3A_135 = arith.subi %add3A_128, %sub3A_134 : i32
      %ge3A_136 = arith.constant 0 : i32
      %ge3A_137 = arith.cmpi sge, %sub3A_135, %ge3A_136 : i32
      %lt3A_138 = arith.constant 40 : i32
      %lt3A_139 = arith.cmpi slt, %sub3A_135, %lt3A_138 : i32
      %and3A_140 = arith.andi %ge3A_137, %lt3A_139 : i1
      %convert_element_type3A_141 = arith.extui %and3A_140 : i1 to i32
      %cond3A_142 = arith.constant 0 : i32
      %cond3A_143 = arith.cmpi ne, %convert_element_type3A_141, %cond3A_142 : i32
      scf.if %cond3A_143 {
        %dma_wait3A_144 = arith.constant 0 : i32
        %dma_wait3A_145 = tpu.memref_slice %arg6[%sub3A_135, %dma_wait3A_144] : memref<40x128xi32, #tpu.memory_space<vmem>> -> memref<1x128xi32, #tpu.memory_space<vmem>>
        %dma_wait3A_146 = tpu.memref_squeeze %dma_wait3A_145 : memref<1x128xi32, #tpu.memory_space<vmem>> -> memref<128xi32, #tpu.memory_space<vmem>>
        %dma_wait3A_147 = arith.constant 0 : i32
        %dma_wait3A_148 = arith.constant 0 : i32
        %dma_wait3A_149 = tpu.memref_slice %arg2[%dma_wait3A_147, %dma_wait3A_148] : memref<40448x128xf32, #tpu.memory_space<hbm>> -> memref<40448x128xf32, #tpu.memory_space<hbm>>
        tpu.wait_indirect_dma semaphore(%arg11 : memref<!tpu.dma_semaphore, #tpu.memory_space<semaphore_mem>>) src(%dma_wait3A_149 : memref<40448x128xf32, #tpu.memory_space<hbm>>) dst(%arg8 : memref<128x128xf32, #tpu.memory_space<vmem>>)
        %dma_start3A = arith.constant 0 : i32
        %dma_start3A_150 = tpu.memref_slice %arg7[%sub3A_135, %dma_start3A] : memref<40x128xi32, #tpu.memory_space<vmem>> -> memref<1x128xi32, #tpu.memory_space<vmem>>
        %dma_start3A_151 = tpu.memref_squeeze %dma_start3A_150 : memref<1x128xi32, #tpu.memory_space<vmem>> -> memref<128xi32, #tpu.memory_space<vmem>>
        %dma_start3A_152 = arith.constant 0 : i32
        %dma_start3A_153 = arith.constant 0 : i32
        %dma_start3A_154 = tpu.memref_slice %arg10[%dma_start3A_152, %dma_start3A_153] : memref<10112x128xf32, #tpu.memory_space<vmem_shared>> -> memref<10112x128xf32, #tpu.memory_space<vmem_shared>>
        tpu.enqueue_indirect_dma source(%arg8 : memref<128x128xf32, #tpu.memory_space<vmem>>) target(%dma_start3A_154 : memref<10112x128xf32, #tpu.memory_space<vmem_shared>>) offsets(%dma_start3A_151 : memref<128xi32, #tpu.memory_space<vmem>>) semaphore(%arg13 : memref<!tpu.dma_semaphore, #tpu.memory_space<semaphore_mem>>) {add = true}
      } else {
      }
    }
    %scan3A_70 = arith.constant 21 : i32
    %dma_wait3A_71 = arith.constant 38 : i32
    %dma_wait3A_72 = arith.constant 0 : i32
    %dma_wait3A_73 = tpu.memref_slice %arg7[%dma_wait3A_71, %dma_wait3A_72] : memref<40x128xi32, #tpu.memory_space<vmem>> -> memref<1x128xi32, #tpu.memory_space<vmem>>
    %dma_wait3A_74 = tpu.memref_squeeze %dma_wait3A_73 : memref<1x128xi32, #tpu.memory_space<vmem>> -> memref<128xi32, #tpu.memory_space<vmem>>
    %dma_wait3A_75 = arith.constant 0 : i32
    %dma_wait3A_76 = arith.constant 0 : i32
    %dma_wait3A_77 = tpu.memref_slice %arg10[%dma_wait3A_75, %dma_wait3A_76] : memref<10112x128xf32, #tpu.memory_space<vmem_shared>> -> memref<10112x128xf32, #tpu.memory_space<vmem_shared>>
    tpu.wait_indirect_dma semaphore(%arg13 : memref<!tpu.dma_semaphore, #tpu.memory_space<semaphore_mem>>) src(%arg8 : memref<128x128xf32, #tpu.memory_space<vmem>>) dst(%dma_wait3A_77 : memref<10112x128xf32, #tpu.memory_space<vmem_shared>>)
    %dma_wait3A_78 = arith.constant 39 : i32
    %dma_wait3A_79 = arith.constant 0 : i32
    %dma_wait3A_80 = tpu.memref_slice %arg7[%dma_wait3A_78, %dma_wait3A_79] : memref<40x128xi32, #tpu.memory_space<vmem>> -> memref<1x128xi32, #tpu.memory_space<vmem>>
    %dma_wait3A_81 = tpu.memref_squeeze %dma_wait3A_80 : memref<1x128xi32, #tpu.memory_space<vmem>> -> memref<128xi32, #tpu.memory_space<vmem>>
    %dma_wait3A_82 = arith.constant 0 : i32
    %dma_wait3A_83 = arith.constant 0 : i32
    %dma_wait3A_84 = tpu.memref_slice %arg10[%dma_wait3A_82, %dma_wait3A_83] : memref<10112x128xf32, #tpu.memory_space<vmem_shared>> -> memref<10112x128xf32, #tpu.memory_space<vmem_shared>>
    tpu.wait_indirect_dma semaphore(%arg14 : memref<!tpu.dma_semaphore, #tpu.memory_space<semaphore_mem>>) src(%arg9 : memref<128x128xf32, #tpu.memory_space<vmem>>) dst(%dma_wait3A_84 : memref<10112x128xf32, #tpu.memory_space<vmem_shared>>)
    %mul3A_85 = arith.constant 16 : i32
    %mul3A_86 = arith.muli %add3A_57, %mul3A_85 : i32
    %add3A_87 = arith.addi %mul3A_86, %arg1 : i32
    "tpu.region"() ({
      %run_scoped3A = tpu.sem_alloc : memref<!tpu.dma_semaphore, #tpu.memory_space<semaphore_mem>>
      %dma_start3A = arith.constant 40 : i32
      %dma_start3A_111 = arith.constant 0 : i32
      %dma_start3A_112 = tpu.memref_slice %arg3[%add3A_87, %dma_start3A, %dma_start3A_111] : memref<64x80x128xi32, #tpu.memory_space<hbm>> -> memref<1x40x128xi32, #tpu.memory_space<hbm>>
      %dma_start3A_113 = tpu.memref_squeeze %dma_start3A_112 : memref<1x40x128xi32, #tpu.memory_space<hbm>> -> memref<40x128xi32, #tpu.memory_space<hbm>>
      %dma_start3A_114 = arith.constant 40 : i32
      %dma_start3A_115 = arith.constant 0 : i32
      %dma_start3A_116 = tpu.memref_slice %arg3[%add3A_87, %dma_start3A_114, %dma_start3A_115] : memref<64x80x128xi32, #tpu.memory_space<hbm>> -> memref<1x40x128xi32, #tpu.memory_space<hbm>>
      %dma_start3A_117 = tpu.memref_squeeze %dma_start3A_116 : memref<1x40x128xi32, #tpu.memory_space<hbm>> -> memref<40x128xi32, #tpu.memory_space<hbm>>
      tpu.enqueue_dma source(%dma_start3A_117 : memref<40x128xi32, #tpu.memory_space<hbm>>) target(%arg6 : memref<40x128xi32, #tpu.memory_space<vmem>>) target_semaphore(%run_scoped3A : memref<!tpu.dma_semaphore, #tpu.memory_space<semaphore_mem>>)
      %dma_wait3A_118 = arith.constant 40 : i32
      %dma_wait3A_119 = arith.constant 0 : i32
      %dma_wait3A_120 = tpu.memref_slice %arg3[%add3A_87, %dma_wait3A_118, %dma_wait3A_119] : memref<64x80x128xi32, #tpu.memory_space<hbm>> -> memref<1x40x128xi32, #tpu.memory_space<hbm>>
      %dma_wait3A_121 = tpu.memref_squeeze %dma_wait3A_120 : memref<1x40x128xi32, #tpu.memory_space<hbm>> -> memref<40x128xi32, #tpu.memory_space<hbm>>
      %dma_wait3A_122 = arith.constant 40 : i32
      %dma_wait3A_123 = arith.constant 0 : i32
      %dma_wait3A_124 = tpu.memref_slice %arg3[%add3A_87, %dma_wait3A_122, %dma_wait3A_123] : memref<64x80x128xi32, #tpu.memory_space<hbm>> -> memref<1x40x128xi32, #tpu.memory_space<hbm>>
      %dma_wait3A_125 = tpu.memref_squeeze %dma_wait3A_124 : memref<1x40x128xi32, #tpu.memory_space<hbm>> -> memref<40x128xi32, #tpu.memory_space<hbm>>
      tpu.wait_dma2 semaphore(%run_scoped3A : memref<!tpu.dma_semaphore, #tpu.memory_space<semaphore_mem>>) src(%dma_wait3A_125 : memref<40x128xi32, #tpu.memory_space<hbm>>) dst(%arg6 : memref<40x128xi32, #tpu.memory_space<vmem>>)
      tpu.yield
    }) : () -> ()
    "tpu.region"() ({
      %run_scoped3A = tpu.sem_alloc : memref<!tpu.dma_semaphore, #tpu.memory_space<semaphore_mem>>
      %dma_start3A = arith.constant 40 : i32
      %dma_start3A_111 = arith.constant 0 : i32
      %dma_start3A_112 = tpu.memref_slice %arg4[%arg1, %dma_start3A, %dma_start3A_111] : memref<16x80x128xi32, #tpu.memory_space<hbm>> -> memref<1x40x128xi32, #tpu.memory_space<hbm>>
      %dma_start3A_113 = tpu.memref_squeeze %dma_start3A_112 : memref<1x40x128xi32, #tpu.memory_space<hbm>> -> memref<40x128xi32, #tpu.memory_space<hbm>>
      %dma_start3A_114 = arith.constant 40 : i32
      %dma_start3A_115 = arith.constant 0 : i32
      %dma_start3A_116 = tpu.memref_slice %arg4[%arg1, %dma_start3A_114, %dma_start3A_115] : memref<16x80x128xi32, #tpu.memory_space<hbm>> -> memref<1x40x128xi32, #tpu.memory_space<hbm>>
      %dma_start3A_117 = tpu.memref_squeeze %dma_start3A_116 : memref<1x40x128xi32, #tpu.memory_space<hbm>> -> memref<40x128xi32, #tpu.memory_space<hbm>>
      tpu.enqueue_dma source(%dma_start3A_117 : memref<40x128xi32, #tpu.memory_space<hbm>>) target(%arg7 : memref<40x128xi32, #tpu.memory_space<vmem>>) target_semaphore(%run_scoped3A : memref<!tpu.dma_semaphore, #tpu.memory_space<semaphore_mem>>)
      %dma_wait3A_118 = arith.constant 40 : i32
      %dma_wait3A_119 = arith.constant 0 : i32
      %dma_wait3A_120 = tpu.memref_slice %arg4[%arg1, %dma_wait3A_118, %dma_wait3A_119] : memref<16x80x128xi32, #tpu.memory_space<hbm>> -> memref<1x40x128xi32, #tpu.memory_space<hbm>>
      %dma_wait3A_121 = tpu.memref_squeeze %dma_wait3A_120 : memref<1x40x128xi32, #tpu.memory_space<hbm>> -> memref<40x128xi32, #tpu.memory_space<hbm>>
      %dma_wait3A_122 = arith.constant 40 : i32
      %dma_wait3A_123 = arith.constant 0 : i32
      %dma_wait3A_124 = tpu.memref_slice %arg4[%arg1, %dma_wait3A_122, %dma_wait3A_123] : memref<16x80x128xi32, #tpu.memory_space<hbm>> -> memref<1x40x128xi32, #tpu.memory_space<hbm>>
      %dma_wait3A_125 = tpu.memref_squeeze %dma_wait3A_124 : memref<1x40x128xi32, #tpu.memory_space<hbm>> -> memref<40x128xi32, #tpu.memory_space<hbm>>
      tpu.wait_dma2 semaphore(%run_scoped3A : memref<!tpu.dma_semaphore, #tpu.memory_space<semaphore_mem>>) src(%dma_wait3A_125 : memref<40x128xi32, #tpu.memory_space<hbm>>) dst(%arg7 : memref<40x128xi32, #tpu.memory_space<vmem>>)
      tpu.yield
    }) : () -> ()
    %scan3A_88 = arith.constant 0 : i32
    %scan3A_89 = arith.constant 0 : i32
    %scan3A_90 = arith.constant 21 : i32
    %scan3A_91 = arith.addi %scan3A_89, %scan3A_90 : i32
    %scan3A_92 = arith.constant 1 : i32
    scf.for %scan3A_111 = %scan3A_89 to %scan3A_91 step %scan3A_92  : i32 {
      %mul3A_112 = arith.constant 2 : i32
      %mul3A_113 = arith.muli %scan3A_111, %mul3A_112 : i32
      %add3A_114 = arith.constant 0 : i32
      %add3A_115 = arith.addi %mul3A_113, %add3A_114 : i32
      %lt3A = arith.constant 40 : i32
      %lt3A_116 = arith.cmpi slt, %add3A_115, %lt3A : i32
      %convert_element_type3A = arith.extui %lt3A_116 : i1 to i32
      %cond3A = arith.constant 0 : i32
      %cond3A_117 = arith.cmpi ne, %convert_element_type3A, %cond3A : i32
      scf.if %cond3A_117 {
        %ge3A_144 = arith.constant 2 : i32
        %ge3A_145 = arith.cmpi sge, %add3A_115, %ge3A_144 : i32
        %convert_element_type3A_146 = arith.extui %ge3A_145 : i1 to i32
        %cond3A_147 = arith.constant 0 : i32
        %cond3A_148 = arith.cmpi ne, %convert_element_type3A_146, %cond3A_147 : i32
        scf.if %cond3A_148 {
          %sub3A_154 = arith.constant 2 : i32
          %sub3A_155 = arith.subi %add3A_115, %sub3A_154 : i32
          %dma_wait3A_156 = arith.constant 0 : i32
          %dma_wait3A_157 = tpu.memref_slice %arg7[%sub3A_155, %dma_wait3A_156] : memref<40x128xi32, #tpu.memory_space<vmem>> -> memref<1x128xi32, #tpu.memory_space<vmem>>
          %dma_wait3A_158 = tpu.memref_squeeze %dma_wait3A_157 : memref<1x128xi32, #tpu.memory_space<vmem>> -> memref<128xi32, #tpu.memory_space<vmem>>
          %dma_wait3A_159 = arith.constant 0 : i32
          %dma_wait3A_160 = arith.constant 0 : i32
          %dma_wait3A_161 = tpu.memref_slice %arg10[%dma_wait3A_159, %dma_wait3A_160] : memref<10112x128xf32, #tpu.memory_space<vmem_shared>> -> memref<10112x128xf32, #tpu.memory_space<vmem_shared>>
          tpu.wait_indirect_dma semaphore(%arg13 : memref<!tpu.dma_semaphore, #tpu.memory_space<semaphore_mem>>) src(%arg8 : memref<128x128xf32, #tpu.memory_space<vmem>>) dst(%dma_wait3A_161 : memref<10112x128xf32, #tpu.memory_space<vmem_shared>>)
        } else {
        }
        %dma_start3A = arith.constant 0 : i32
        %dma_start3A_149 = tpu.memref_slice %arg6[%add3A_115, %dma_start3A] : memref<40x128xi32, #tpu.memory_space<vmem>> -> memref<1x128xi32, #tpu.memory_space<vmem>>
        %dma_start3A_150 = tpu.memref_squeeze %dma_start3A_149 : memref<1x128xi32, #tpu.memory_space<vmem>> -> memref<128xi32, #tpu.memory_space<vmem>>
        %dma_start3A_151 = arith.constant 0 : i32
        %dma_start3A_152 = arith.constant 0 : i32
        %dma_start3A_153 = tpu.memref_slice %arg2[%dma_start3A_151, %dma_start3A_152] : memref<40448x128xf32, #tpu.memory_space<hbm>> -> memref<40448x128xf32, #tpu.memory_space<hbm>>
        tpu.enqueue_indirect_dma source(%dma_start3A_153 : memref<40448x128xf32, #tpu.memory_space<hbm>>) target(%arg8 : memref<128x128xf32, #tpu.memory_space<vmem>>) offsets(%dma_start3A_150 : memref<128xi32, #tpu.memory_space<vmem>>) semaphore(%arg11 : memref<!tpu.dma_semaphore, #tpu.memory_space<semaphore_mem>>)
      } else {
      }
      %sub3A = arith.constant 1 : i32
      %sub3A_118 = arith.subi %add3A_115, %sub3A : i32
      %ge3A = arith.constant 0 : i32
      %ge3A_119 = arith.cmpi sge, %sub3A_118, %ge3A : i32
      %lt3A_120 = arith.constant 40 : i32
      %lt3A_121 = arith.cmpi slt, %sub3A_118, %lt3A_120 : i32
      %and3A = arith.andi %ge3A_119, %lt3A_121 : i1
      %convert_element_type3A_122 = arith.extui %and3A : i1 to i32
      %cond3A_123 = arith.constant 0 : i32
      %cond3A_124 = arith.cmpi ne, %convert_element_type3A_122, %cond3A_123 : i32
      scf.if %cond3A_124 {
        %dma_wait3A_144 = arith.constant 0 : i32
        %dma_wait3A_145 = tpu.memref_slice %arg6[%sub3A_118, %dma_wait3A_144] : memref<40x128xi32, #tpu.memory_space<vmem>> -> memref<1x128xi32, #tpu.memory_space<vmem>>
        %dma_wait3A_146 = tpu.memref_squeeze %dma_wait3A_145 : memref<1x128xi32, #tpu.memory_space<vmem>> -> memref<128xi32, #tpu.memory_space<vmem>>
        %dma_wait3A_147 = arith.constant 0 : i32
        %dma_wait3A_148 = arith.constant 0 : i32
        %dma_wait3A_149 = tpu.memref_slice %arg2[%dma_wait3A_147, %dma_wait3A_148] : memref<40448x128xf32, #tpu.memory_space<hbm>> -> memref<40448x128xf32, #tpu.memory_space<hbm>>
        tpu.wait_indirect_dma semaphore(%arg12 : memref<!tpu.dma_semaphore, #tpu.memory_space<semaphore_mem>>) src(%dma_wait3A_149 : memref<40448x128xf32, #tpu.memory_space<hbm>>) dst(%arg9 : memref<128x128xf32, #tpu.memory_space<vmem>>)
        %dma_start3A = arith.constant 0 : i32
        %dma_start3A_150 = tpu.memref_slice %arg7[%sub3A_118, %dma_start3A] : memref<40x128xi32, #tpu.memory_space<vmem>> -> memref<1x128xi32, #tpu.memory_space<vmem>>
        %dma_start3A_151 = tpu.memref_squeeze %dma_start3A_150 : memref<1x128xi32, #tpu.memory_space<vmem>> -> memref<128xi32, #tpu.memory_space<vmem>>
        %dma_start3A_152 = arith.constant 0 : i32
        %dma_start3A_153 = arith.constant 0 : i32
        %dma_start3A_154 = tpu.memref_slice %arg10[%dma_start3A_152, %dma_start3A_153] : memref<10112x128xf32, #tpu.memory_space<vmem_shared>> -> memref<10112x128xf32, #tpu.memory_space<vmem_shared>>
        tpu.enqueue_indirect_dma source(%arg9 : memref<128x128xf32, #tpu.memory_space<vmem>>) target(%dma_start3A_154 : memref<10112x128xf32, #tpu.memory_space<vmem_shared>>) offsets(%dma_start3A_151 : memref<128xi32, #tpu.memory_space<vmem>>) semaphore(%arg14 : memref<!tpu.dma_semaphore, #tpu.memory_space<semaphore_mem>>) {add = true}
      } else {
      }
      %mul3A_125 = arith.constant 2 : i32
      %mul3A_126 = arith.muli %scan3A_111, %mul3A_125 : i32
      %add3A_127 = arith.constant 1 : i32
      %add3A_128 = arith.addi %mul3A_126, %add3A_127 : i32
      %lt3A_129 = arith.constant 40 : i32
      %lt3A_130 = arith.cmpi slt, %add3A_128, %lt3A_129 : i32
      %convert_element_type3A_131 = arith.extui %lt3A_130 : i1 to i32
      %cond3A_132 = arith.constant 0 : i32
      %cond3A_133 = arith.cmpi ne, %convert_element_type3A_131, %cond3A_132 : i32
      scf.if %cond3A_133 {
        %ge3A_144 = arith.constant 2 : i32
        %ge3A_145 = arith.cmpi sge, %add3A_128, %ge3A_144 : i32
        %convert_element_type3A_146 = arith.extui %ge3A_145 : i1 to i32
        %cond3A_147 = arith.constant 0 : i32
        %cond3A_148 = arith.cmpi ne, %convert_element_type3A_146, %cond3A_147 : i32
        scf.if %cond3A_148 {
          %sub3A_154 = arith.constant 2 : i32
          %sub3A_155 = arith.subi %add3A_128, %sub3A_154 : i32
          %dma_wait3A_156 = arith.constant 0 : i32
          %dma_wait3A_157 = tpu.memref_slice %arg7[%sub3A_155, %dma_wait3A_156] : memref<40x128xi32, #tpu.memory_space<vmem>> -> memref<1x128xi32, #tpu.memory_space<vmem>>
          %dma_wait3A_158 = tpu.memref_squeeze %dma_wait3A_157 : memref<1x128xi32, #tpu.memory_space<vmem>> -> memref<128xi32, #tpu.memory_space<vmem>>
          %dma_wait3A_159 = arith.constant 0 : i32
          %dma_wait3A_160 = arith.constant 0 : i32
          %dma_wait3A_161 = tpu.memref_slice %arg10[%dma_wait3A_159, %dma_wait3A_160] : memref<10112x128xf32, #tpu.memory_space<vmem_shared>> -> memref<10112x128xf32, #tpu.memory_space<vmem_shared>>
          tpu.wait_indirect_dma semaphore(%arg14 : memref<!tpu.dma_semaphore, #tpu.memory_space<semaphore_mem>>) src(%arg9 : memref<128x128xf32, #tpu.memory_space<vmem>>) dst(%dma_wait3A_161 : memref<10112x128xf32, #tpu.memory_space<vmem_shared>>)
        } else {
        }
        %dma_start3A = arith.constant 0 : i32
        %dma_start3A_149 = tpu.memref_slice %arg6[%add3A_128, %dma_start3A] : memref<40x128xi32, #tpu.memory_space<vmem>> -> memref<1x128xi32, #tpu.memory_space<vmem>>
        %dma_start3A_150 = tpu.memref_squeeze %dma_start3A_149 : memref<1x128xi32, #tpu.memory_space<vmem>> -> memref<128xi32, #tpu.memory_space<vmem>>
        %dma_start3A_151 = arith.constant 0 : i32
        %dma_start3A_152 = arith.constant 0 : i32
        %dma_start3A_153 = tpu.memref_slice %arg2[%dma_start3A_151, %dma_start3A_152] : memref<40448x128xf32, #tpu.memory_space<hbm>> -> memref<40448x128xf32, #tpu.memory_space<hbm>>
        tpu.enqueue_indirect_dma source(%dma_start3A_153 : memref<40448x128xf32, #tpu.memory_space<hbm>>) target(%arg9 : memref<128x128xf32, #tpu.memory_space<vmem>>) offsets(%dma_start3A_150 : memref<128xi32, #tpu.memory_space<vmem>>) semaphore(%arg12 : memref<!tpu.dma_semaphore, #tpu.memory_space<semaphore_mem>>)
      } else {
      }
      %sub3A_134 = arith.constant 1 : i32
      %sub3A_135 = arith.subi %add3A_128, %sub3A_134 : i32
      %ge3A_136 = arith.constant 0 : i32
      %ge3A_137 = arith.cmpi sge, %sub3A_135, %ge3A_136 : i32
      %lt3A_138 = arith.constant 40 : i32
      %lt3A_139 = arith.cmpi slt, %sub3A_135, %lt3A_138 : i32
      %and3A_140 = arith.andi %ge3A_137, %lt3A_139 : i1
      %convert_element_type3A_141 = arith.extui %and3A_140 : i1 to i32
      %cond3A_142 = arith.constant 0 : i32
      %cond3A_143 = arith.cmpi ne, %convert_element_type3A_141, %cond3A_142 : i32
      scf.if %cond3A_143 {
        %dma_wait3A_144 = arith.constant 0 : i32
        %dma_wait3A_145 = tpu.memref_slice %arg6[%sub3A_135, %dma_wait3A_144] : memref<40x128xi32, #tpu.memory_space<vmem>> -> memref<1x128xi32, #tpu.memory_space<vmem>>
        %dma_wait3A_146 = tpu.memref_squeeze %dma_wait3A_145 : memref<1x128xi32, #tpu.memory_space<vmem>> -> memref<128xi32, #tpu.memory_space<vmem>>
        %dma_wait3A_147 = arith.constant 0 : i32
        %dma_wait3A_148 = arith.constant 0 : i32
        %dma_wait3A_149 = tpu.memref_slice %arg2[%dma_wait3A_147, %dma_wait3A_148] : memref<40448x128xf32, #tpu.memory_space<hbm>> -> memref<40448x128xf32, #tpu.memory_space<hbm>>
        tpu.wait_indirect_dma semaphore(%arg11 : memref<!tpu.dma_semaphore, #tpu.memory_space<semaphore_mem>>) src(%dma_wait3A_149 : memref<40448x128xf32, #tpu.memory_space<hbm>>) dst(%arg8 : memref<128x128xf32, #tpu.memory_space<vmem>>)
        %dma_start3A = arith.constant 0 : i32
        %dma_start3A_150 = tpu.memref_slice %arg7[%sub3A_135, %dma_start3A] : memref<40x128xi32, #tpu.memory_space<vmem>> -> memref<1x128xi32, #tpu.memory_space<vmem>>
        %dma_start3A_151 = tpu.memref_squeeze %dma_start3A_150 : memref<1x128xi32, #tpu.memory_space<vmem>> -> memref<128xi32, #tpu.memory_space<vmem>>
        %dma_start3A_152 = arith.constant 0 : i32
        %dma_start3A_153 = arith.constant 0 : i32
        %dma_start3A_154 = tpu.memref_slice %arg10[%dma_start3A_152, %dma_start3A_153] : memref<10112x128xf32, #tpu.memory_space<vmem_shared>> -> memref<10112x128xf32, #tpu.memory_space<vmem_shared>>
        tpu.enqueue_indirect_dma source(%arg8 : memref<128x128xf32, #tpu.memory_space<vmem>>) target(%dma_start3A_154 : memref<10112x128xf32, #tpu.memory_space<vmem_shared>>) offsets(%dma_start3A_151 : memref<128xi32, #tpu.memory_space<vmem>>) semaphore(%arg13 : memref<!tpu.dma_semaphore, #tpu.memory_space<semaphore_mem>>) {add = true}
      } else {
      }
    }
    %scan3A_93 = arith.constant 21 : i32
    %dma_wait3A_94 = arith.constant 38 : i32
    %dma_wait3A_95 = arith.constant 0 : i32
    %dma_wait3A_96 = tpu.memref_slice %arg7[%dma_wait3A_94, %dma_wait3A_95] : memref<40x128xi32, #tpu.memory_space<vmem>> -> memref<1x128xi32, #tpu.memory_space<vmem>>
    %dma_wait3A_97 = tpu.memref_squeeze %dma_wait3A_96 : memref<1x128xi32, #tpu.memory_space<vmem>> -> memref<128xi32, #tpu.memory_space<vmem>>
    %dma_wait3A_98 = arith.constant 0 : i32
    %dma_wait3A_99 = arith.constant 0 : i32
    %dma_wait3A_100 = tpu.memref_slice %arg10[%dma_wait3A_98, %dma_wait3A_99] : memref<10112x128xf32, #tpu.memory_space<vmem_shared>> -> memref<10112x128xf32, #tpu.memory_space<vmem_shared>>
    tpu.wait_indirect_dma semaphore(%arg13 : memref<!tpu.dma_semaphore, #tpu.memory_space<semaphore_mem>>) src(%arg8 : memref<128x128xf32, #tpu.memory_space<vmem>>) dst(%dma_wait3A_100 : memref<10112x128xf32, #tpu.memory_space<vmem_shared>>)
    %dma_wait3A_101 = arith.constant 39 : i32
    %dma_wait3A_102 = arith.constant 0 : i32
    %dma_wait3A_103 = tpu.memref_slice %arg7[%dma_wait3A_101, %dma_wait3A_102] : memref<40x128xi32, #tpu.memory_space<vmem>> -> memref<1x128xi32, #tpu.memory_space<vmem>>
    %dma_wait3A_104 = tpu.memref_squeeze %dma_wait3A_103 : memref<1x128xi32, #tpu.memory_space<vmem>> -> memref<128xi32, #tpu.memory_space<vmem>>
    %dma_wait3A_105 = arith.constant 0 : i32
    %dma_wait3A_106 = arith.constant 0 : i32
    %dma_wait3A_107 = tpu.memref_slice %arg10[%dma_wait3A_105, %dma_wait3A_106] : memref<10112x128xf32, #tpu.memory_space<vmem_shared>> -> memref<10112x128xf32, #tpu.memory_space<vmem_shared>>
    tpu.wait_indirect_dma semaphore(%arg14 : memref<!tpu.dma_semaphore, #tpu.memory_space<semaphore_mem>>) src(%arg9 : memref<128x128xf32, #tpu.memory_space<vmem>>) dst(%dma_wait3A_107 : memref<10112x128xf32, #tpu.memory_space<vmem_shared>>)
    %barrier3A_108 = arith.constant 0 : index
    tpu.barrier barrier_id(%barrier3A_108)
    %add3A_109 = arith.addi %mul3A_59, %mul3A_0 : i32
    "tpu.region"() ({
      %run_scoped3A = tpu.sem_alloc : memref<!tpu.dma_semaphore, #tpu.memory_space<semaphore_mem>>
      %dma_start3A = arith.constant 0 : i32
      %dma_start3A_111 = tpu.memref_slice %arg5[%add3A_109, %dma_start3A] : memref<40448x128xf32, #tpu.memory_space<hbm>> -> memref<632x128xf32, #tpu.memory_space<hbm>>
      %dma_start3A_112 = arith.constant 0 : i32
      %dma_start3A_113 = tpu.memref_slice %arg10[%mul3A_0, %dma_start3A_112] : memref<10112x128xf32, #tpu.memory_space<vmem_shared>> -> memref<632x128xf32, #tpu.memory_space<vmem_shared>>
      tpu.enqueue_dma source(%dma_start3A_113 : memref<632x128xf32, #tpu.memory_space<vmem_shared>>) target(%dma_start3A_111 : memref<632x128xf32, #tpu.memory_space<hbm>>) target_semaphore(%run_scoped3A : memref<!tpu.dma_semaphore, #tpu.memory_space<semaphore_mem>>)
      %dma_wait3A_114 = arith.constant 0 : i32
      %dma_wait3A_115 = tpu.memref_slice %arg5[%add3A_109, %dma_wait3A_114] : memref<40448x128xf32, #tpu.memory_space<hbm>> -> memref<632x128xf32, #tpu.memory_space<hbm>>
      %dma_wait3A_116 = arith.constant 0 : i32
      %dma_wait3A_117 = tpu.memref_slice %arg10[%mul3A_0, %dma_wait3A_116] : memref<10112x128xf32, #tpu.memory_space<vmem_shared>> -> memref<632x128xf32, #tpu.memory_space<vmem_shared>>
      tpu.wait_dma2 semaphore(%run_scoped3A : memref<!tpu.dma_semaphore, #tpu.memory_space<semaphore_mem>>) src(%dma_wait3A_117 : memref<632x128xf32, #tpu.memory_space<vmem_shared>>) dst(%dma_wait3A_115 : memref<632x128xf32, #tpu.memory_space<hbm>>)
      tpu.yield
    }) : () -> ()
    %barrier3A_110 = arith.constant 0 : index
    tpu.barrier barrier_id(%barrier3A_110)
    return
  }
}

#map = affine_map<(d0, d1) -> (0, 0)>
#map1 = affine_map<(d0, d1) -> (0, 0, 0)>
module attributes {stable_mosaic.version = 14 : i64} {
  func.func @prop_kernel(%arg0: i32, %arg1: i32, %arg2: memref<20224x128xf32, #tpu.memory_space<hbm>>, %arg3: memref<32x80x128xi32, #tpu.memory_space<hbm>>, %arg4: memref<16x80x128xi32, #tpu.memory_space<hbm>>, %arg5: memref<20224x128xf32, #tpu.memory_space<hbm>>, %arg6: memref<40x128xi32, #tpu.memory_space<vmem>>, %arg7: memref<40x128xi32, #tpu.memory_space<vmem>>, %arg8: memref<128x128xf32, #tpu.memory_space<vmem>>, %arg9: memref<128x128xf32, #tpu.memory_space<vmem>>, %arg10: memref<10112x128xf32, #tpu.memory_space<vmem_shared>>, %arg11: memref<!tpu.dma_semaphore, #tpu.memory_space<semaphore_mem>>, %arg12: memref<!tpu.dma_semaphore, #tpu.memory_space<semaphore_mem>>, %arg13: memref<!tpu.dma_semaphore, #tpu.memory_space<semaphore_mem>>, %arg14: memref<!tpu.dma_semaphore, #tpu.memory_space<semaphore_mem>>) attributes {dimension_semantics = [#tpu.dimension_semantics<core_parallel>, #tpu.dimension_semantics<subcore_parallel>], iteration_bounds = array<i64: 2, 16>, scalar_prefetch = 0 : i64, scratch_operands = 9 : i64, tpu.core_type = #tpu.core_type<sc_vector_subcore>, window_params = [{transform_indices = #map}, {transform_indices = #map1}, {transform_indices = #map1}, {transform_indices = #map}]} {
    %mul3A = arith.constant 632 : i32
    %mul3A_0 = arith.muli %arg1, %mul3A : i32
    %mul3A_1 = arith.constant 1 : i32
    %mul3A_2 = arith.muli %arg0, %mul3A_1 : i32
    %add3A = arith.constant 0 : i32
    %add3A_3 = arith.addi %mul3A_2, %add3A : i32
    %mul3A_4 = arith.constant 10112 : i32
    %mul3A_5 = arith.muli %add3A_3, %mul3A_4 : i32
    %add3A_6 = arith.addi %mul3A_5, %mul3A_0 : i32
    "tpu.region"() ({
      %run_scoped3A = tpu.sem_alloc : memref<!tpu.dma_semaphore, #tpu.memory_space<semaphore_mem>>
      %dma_start3A = arith.constant 0 : i32
      %dma_start3A_54 = tpu.memref_slice %arg10[%mul3A_0, %dma_start3A] : memref<10112x128xf32, #tpu.memory_space<vmem_shared>> -> memref<632x128xf32, #tpu.memory_space<vmem_shared>>
      %dma_start3A_55 = arith.constant 0 : i32
      %dma_start3A_56 = tpu.memref_slice %arg2[%add3A_6, %dma_start3A_55] : memref<20224x128xf32, #tpu.memory_space<hbm>> -> memref<632x128xf32, #tpu.memory_space<hbm>>
      tpu.enqueue_dma source(%dma_start3A_56 : memref<632x128xf32, #tpu.memory_space<hbm>>) target(%dma_start3A_54 : memref<632x128xf32, #tpu.memory_space<vmem_shared>>) target_semaphore(%run_scoped3A : memref<!tpu.dma_semaphore, #tpu.memory_space<semaphore_mem>>)
      %dma_wait3A_57 = arith.constant 0 : i32
      %dma_wait3A_58 = tpu.memref_slice %arg10[%mul3A_0, %dma_wait3A_57] : memref<10112x128xf32, #tpu.memory_space<vmem_shared>> -> memref<632x128xf32, #tpu.memory_space<vmem_shared>>
      %dma_wait3A_59 = arith.constant 0 : i32
      %dma_wait3A_60 = tpu.memref_slice %arg2[%add3A_6, %dma_wait3A_59] : memref<20224x128xf32, #tpu.memory_space<hbm>> -> memref<632x128xf32, #tpu.memory_space<hbm>>
      tpu.wait_dma2 semaphore(%run_scoped3A : memref<!tpu.dma_semaphore, #tpu.memory_space<semaphore_mem>>) src(%dma_wait3A_60 : memref<632x128xf32, #tpu.memory_space<hbm>>) dst(%dma_wait3A_58 : memref<632x128xf32, #tpu.memory_space<vmem_shared>>)
      tpu.yield
    }) : () -> ()
    %barrier3A = arith.constant 0 : index
    tpu.barrier barrier_id(%barrier3A)
    %mul3A_7 = arith.constant 16 : i32
    %mul3A_8 = arith.muli %add3A_3, %mul3A_7 : i32
    %add3A_9 = arith.addi %mul3A_8, %arg1 : i32
    "tpu.region"() ({
      %run_scoped3A = tpu.sem_alloc : memref<!tpu.dma_semaphore, #tpu.memory_space<semaphore_mem>>
      %dma_start3A = arith.constant 0 : i32
      %dma_start3A_54 = arith.constant 0 : i32
      %dma_start3A_55 = tpu.memref_slice %arg3[%add3A_9, %dma_start3A, %dma_start3A_54] : memref<32x80x128xi32, #tpu.memory_space<hbm>> -> memref<1x40x128xi32, #tpu.memory_space<hbm>>
      %dma_start3A_56 = tpu.memref_squeeze %dma_start3A_55 : memref<1x40x128xi32, #tpu.memory_space<hbm>> -> memref<40x128xi32, #tpu.memory_space<hbm>>
      %dma_start3A_57 = arith.constant 0 : i32
      %dma_start3A_58 = arith.constant 0 : i32
      %dma_start3A_59 = tpu.memref_slice %arg3[%add3A_9, %dma_start3A_57, %dma_start3A_58] : memref<32x80x128xi32, #tpu.memory_space<hbm>> -> memref<1x40x128xi32, #tpu.memory_space<hbm>>
      %dma_start3A_60 = tpu.memref_squeeze %dma_start3A_59 : memref<1x40x128xi32, #tpu.memory_space<hbm>> -> memref<40x128xi32, #tpu.memory_space<hbm>>
      tpu.enqueue_dma source(%dma_start3A_60 : memref<40x128xi32, #tpu.memory_space<hbm>>) target(%arg6 : memref<40x128xi32, #tpu.memory_space<vmem>>) target_semaphore(%run_scoped3A : memref<!tpu.dma_semaphore, #tpu.memory_space<semaphore_mem>>)
      %dma_wait3A_61 = arith.constant 0 : i32
      %dma_wait3A_62 = arith.constant 0 : i32
      %dma_wait3A_63 = tpu.memref_slice %arg3[%add3A_9, %dma_wait3A_61, %dma_wait3A_62] : memref<32x80x128xi32, #tpu.memory_space<hbm>> -> memref<1x40x128xi32, #tpu.memory_space<hbm>>
      %dma_wait3A_64 = tpu.memref_squeeze %dma_wait3A_63 : memref<1x40x128xi32, #tpu.memory_space<hbm>> -> memref<40x128xi32, #tpu.memory_space<hbm>>
      %dma_wait3A_65 = arith.constant 0 : i32
      %dma_wait3A_66 = arith.constant 0 : i32
      %dma_wait3A_67 = tpu.memref_slice %arg3[%add3A_9, %dma_wait3A_65, %dma_wait3A_66] : memref<32x80x128xi32, #tpu.memory_space<hbm>> -> memref<1x40x128xi32, #tpu.memory_space<hbm>>
      %dma_wait3A_68 = tpu.memref_squeeze %dma_wait3A_67 : memref<1x40x128xi32, #tpu.memory_space<hbm>> -> memref<40x128xi32, #tpu.memory_space<hbm>>
      tpu.wait_dma2 semaphore(%run_scoped3A : memref<!tpu.dma_semaphore, #tpu.memory_space<semaphore_mem>>) src(%dma_wait3A_68 : memref<40x128xi32, #tpu.memory_space<hbm>>) dst(%arg6 : memref<40x128xi32, #tpu.memory_space<vmem>>)
      tpu.yield
    }) : () -> ()
    "tpu.region"() ({
      %run_scoped3A = tpu.sem_alloc : memref<!tpu.dma_semaphore, #tpu.memory_space<semaphore_mem>>
      %dma_start3A = arith.constant 0 : i32
      %dma_start3A_54 = arith.constant 0 : i32
      %dma_start3A_55 = tpu.memref_slice %arg4[%arg1, %dma_start3A, %dma_start3A_54] : memref<16x80x128xi32, #tpu.memory_space<hbm>> -> memref<1x40x128xi32, #tpu.memory_space<hbm>>
      %dma_start3A_56 = tpu.memref_squeeze %dma_start3A_55 : memref<1x40x128xi32, #tpu.memory_space<hbm>> -> memref<40x128xi32, #tpu.memory_space<hbm>>
      %dma_start3A_57 = arith.constant 0 : i32
      %dma_start3A_58 = arith.constant 0 : i32
      %dma_start3A_59 = tpu.memref_slice %arg4[%arg1, %dma_start3A_57, %dma_start3A_58] : memref<16x80x128xi32, #tpu.memory_space<hbm>> -> memref<1x40x128xi32, #tpu.memory_space<hbm>>
      %dma_start3A_60 = tpu.memref_squeeze %dma_start3A_59 : memref<1x40x128xi32, #tpu.memory_space<hbm>> -> memref<40x128xi32, #tpu.memory_space<hbm>>
      tpu.enqueue_dma source(%dma_start3A_60 : memref<40x128xi32, #tpu.memory_space<hbm>>) target(%arg7 : memref<40x128xi32, #tpu.memory_space<vmem>>) target_semaphore(%run_scoped3A : memref<!tpu.dma_semaphore, #tpu.memory_space<semaphore_mem>>)
      %dma_wait3A_61 = arith.constant 0 : i32
      %dma_wait3A_62 = arith.constant 0 : i32
      %dma_wait3A_63 = tpu.memref_slice %arg4[%arg1, %dma_wait3A_61, %dma_wait3A_62] : memref<16x80x128xi32, #tpu.memory_space<hbm>> -> memref<1x40x128xi32, #tpu.memory_space<hbm>>
      %dma_wait3A_64 = tpu.memref_squeeze %dma_wait3A_63 : memref<1x40x128xi32, #tpu.memory_space<hbm>> -> memref<40x128xi32, #tpu.memory_space<hbm>>
      %dma_wait3A_65 = arith.constant 0 : i32
      %dma_wait3A_66 = arith.constant 0 : i32
      %dma_wait3A_67 = tpu.memref_slice %arg4[%arg1, %dma_wait3A_65, %dma_wait3A_66] : memref<16x80x128xi32, #tpu.memory_space<hbm>> -> memref<1x40x128xi32, #tpu.memory_space<hbm>>
      %dma_wait3A_68 = tpu.memref_squeeze %dma_wait3A_67 : memref<1x40x128xi32, #tpu.memory_space<hbm>> -> memref<40x128xi32, #tpu.memory_space<hbm>>
      tpu.wait_dma2 semaphore(%run_scoped3A : memref<!tpu.dma_semaphore, #tpu.memory_space<semaphore_mem>>) src(%dma_wait3A_68 : memref<40x128xi32, #tpu.memory_space<hbm>>) dst(%arg7 : memref<40x128xi32, #tpu.memory_space<vmem>>)
      tpu.yield
    }) : () -> ()
    %scan3A = arith.constant 0 : i32
    %scan3A_10 = arith.constant 0 : i32
    %scan3A_11 = arith.constant 21 : i32
    %scan3A_12 = arith.addi %scan3A_10, %scan3A_11 : i32
    %scan3A_13 = arith.constant 1 : i32
    scf.for %scan3A_54 = %scan3A_10 to %scan3A_12 step %scan3A_13  : i32 {
      %mul3A_55 = arith.constant 2 : i32
      %mul3A_56 = arith.muli %scan3A_54, %mul3A_55 : i32
      %add3A_57 = arith.constant 0 : i32
      %add3A_58 = arith.addi %mul3A_56, %add3A_57 : i32
      %lt3A = arith.constant 40 : i32
      %lt3A_59 = arith.cmpi slt, %add3A_58, %lt3A : i32
      %convert_element_type3A = arith.extui %lt3A_59 : i1 to i32
      %cond3A = arith.constant 0 : i32
      %cond3A_60 = arith.cmpi ne, %convert_element_type3A, %cond3A : i32
      scf.if %cond3A_60 {
        %ge3A_87 = arith.constant 2 : i32
        %ge3A_88 = arith.cmpi sge, %add3A_58, %ge3A_87 : i32
        %convert_element_type3A_89 = arith.extui %ge3A_88 : i1 to i32
        %cond3A_90 = arith.constant 0 : i32
        %cond3A_91 = arith.cmpi ne, %convert_element_type3A_89, %cond3A_90 : i32
        scf.if %cond3A_91 {
          %sub3A_97 = arith.constant 2 : i32
          %sub3A_98 = arith.subi %add3A_58, %sub3A_97 : i32
          %dma_wait3A_99 = arith.constant 0 : i32
          %dma_wait3A_100 = tpu.memref_slice %arg7[%sub3A_98, %dma_wait3A_99] : memref<40x128xi32, #tpu.memory_space<vmem>> -> memref<1x128xi32, #tpu.memory_space<vmem>>
          %dma_wait3A_101 = tpu.memref_squeeze %dma_wait3A_100 : memref<1x128xi32, #tpu.memory_space<vmem>> -> memref<128xi32, #tpu.memory_space<vmem>>
          %dma_wait3A_102 = arith.constant 0 : i32
          %dma_wait3A_103 = arith.constant 0 : i32
          %dma_wait3A_104 = tpu.memref_slice %arg10[%dma_wait3A_102, %dma_wait3A_103] : memref<10112x128xf32, #tpu.memory_space<vmem_shared>> -> memref<10112x128xf32, #tpu.memory_space<vmem_shared>>
          tpu.wait_indirect_dma semaphore(%arg13 : memref<!tpu.dma_semaphore, #tpu.memory_space<semaphore_mem>>) src(%arg8 : memref<128x128xf32, #tpu.memory_space<vmem>>) dst(%dma_wait3A_104 : memref<10112x128xf32, #tpu.memory_space<vmem_shared>>)
        } else {
        }
        %dma_start3A = arith.constant 0 : i32
        %dma_start3A_92 = tpu.memref_slice %arg6[%add3A_58, %dma_start3A] : memref<40x128xi32, #tpu.memory_space<vmem>> -> memref<1x128xi32, #tpu.memory_space<vmem>>
        %dma_start3A_93 = tpu.memref_squeeze %dma_start3A_92 : memref<1x128xi32, #tpu.memory_space<vmem>> -> memref<128xi32, #tpu.memory_space<vmem>>
        %dma_start3A_94 = arith.constant 0 : i32
        %dma_start3A_95 = arith.constant 0 : i32
        %dma_start3A_96 = tpu.memref_slice %arg2[%dma_start3A_94, %dma_start3A_95] : memref<20224x128xf32, #tpu.memory_space<hbm>> -> memref<20224x128xf32, #tpu.memory_space<hbm>>
        tpu.enqueue_indirect_dma source(%dma_start3A_96 : memref<20224x128xf32, #tpu.memory_space<hbm>>) target(%arg8 : memref<128x128xf32, #tpu.memory_space<vmem>>) offsets(%dma_start3A_93 : memref<128xi32, #tpu.memory_space<vmem>>) semaphore(%arg11 : memref<!tpu.dma_semaphore, #tpu.memory_space<semaphore_mem>>)
      } else {
      }
      %sub3A = arith.constant 1 : i32
      %sub3A_61 = arith.subi %add3A_58, %sub3A : i32
      %ge3A = arith.constant 0 : i32
      %ge3A_62 = arith.cmpi sge, %sub3A_61, %ge3A : i32
      %lt3A_63 = arith.constant 40 : i32
      %lt3A_64 = arith.cmpi slt, %sub3A_61, %lt3A_63 : i32
      %and3A = arith.andi %ge3A_62, %lt3A_64 : i1
      %convert_element_type3A_65 = arith.extui %and3A : i1 to i32
      %cond3A_66 = arith.constant 0 : i32
      %cond3A_67 = arith.cmpi ne, %convert_element_type3A_65, %cond3A_66 : i32
      scf.if %cond3A_67 {
        %dma_wait3A_87 = arith.constant 0 : i32
        %dma_wait3A_88 = tpu.memref_slice %arg6[%sub3A_61, %dma_wait3A_87] : memref<40x128xi32, #tpu.memory_space<vmem>> -> memref<1x128xi32, #tpu.memory_space<vmem>>
        %dma_wait3A_89 = tpu.memref_squeeze %dma_wait3A_88 : memref<1x128xi32, #tpu.memory_space<vmem>> -> memref<128xi32, #tpu.memory_space<vmem>>
        %dma_wait3A_90 = arith.constant 0 : i32
        %dma_wait3A_91 = arith.constant 0 : i32
        %dma_wait3A_92 = tpu.memref_slice %arg2[%dma_wait3A_90, %dma_wait3A_91] : memref<20224x128xf32, #tpu.memory_space<hbm>> -> memref<20224x128xf32, #tpu.memory_space<hbm>>
        tpu.wait_indirect_dma semaphore(%arg12 : memref<!tpu.dma_semaphore, #tpu.memory_space<semaphore_mem>>) src(%dma_wait3A_92 : memref<20224x128xf32, #tpu.memory_space<hbm>>) dst(%arg9 : memref<128x128xf32, #tpu.memory_space<vmem>>)
        %dma_start3A = arith.constant 0 : i32
        %dma_start3A_93 = tpu.memref_slice %arg7[%sub3A_61, %dma_start3A] : memref<40x128xi32, #tpu.memory_space<vmem>> -> memref<1x128xi32, #tpu.memory_space<vmem>>
        %dma_start3A_94 = tpu.memref_squeeze %dma_start3A_93 : memref<1x128xi32, #tpu.memory_space<vmem>> -> memref<128xi32, #tpu.memory_space<vmem>>
        %dma_start3A_95 = arith.constant 0 : i32
        %dma_start3A_96 = arith.constant 0 : i32
        %dma_start3A_97 = tpu.memref_slice %arg10[%dma_start3A_95, %dma_start3A_96] : memref<10112x128xf32, #tpu.memory_space<vmem_shared>> -> memref<10112x128xf32, #tpu.memory_space<vmem_shared>>
        tpu.enqueue_indirect_dma source(%arg9 : memref<128x128xf32, #tpu.memory_space<vmem>>) target(%dma_start3A_97 : memref<10112x128xf32, #tpu.memory_space<vmem_shared>>) offsets(%dma_start3A_94 : memref<128xi32, #tpu.memory_space<vmem>>) semaphore(%arg14 : memref<!tpu.dma_semaphore, #tpu.memory_space<semaphore_mem>>) {add = true}
      } else {
      }
      %mul3A_68 = arith.constant 2 : i32
      %mul3A_69 = arith.muli %scan3A_54, %mul3A_68 : i32
      %add3A_70 = arith.constant 1 : i32
      %add3A_71 = arith.addi %mul3A_69, %add3A_70 : i32
      %lt3A_72 = arith.constant 40 : i32
      %lt3A_73 = arith.cmpi slt, %add3A_71, %lt3A_72 : i32
      %convert_element_type3A_74 = arith.extui %lt3A_73 : i1 to i32
      %cond3A_75 = arith.constant 0 : i32
      %cond3A_76 = arith.cmpi ne, %convert_element_type3A_74, %cond3A_75 : i32
      scf.if %cond3A_76 {
        %ge3A_87 = arith.constant 2 : i32
        %ge3A_88 = arith.cmpi sge, %add3A_71, %ge3A_87 : i32
        %convert_element_type3A_89 = arith.extui %ge3A_88 : i1 to i32
        %cond3A_90 = arith.constant 0 : i32
        %cond3A_91 = arith.cmpi ne, %convert_element_type3A_89, %cond3A_90 : i32
        scf.if %cond3A_91 {
          %sub3A_97 = arith.constant 2 : i32
          %sub3A_98 = arith.subi %add3A_71, %sub3A_97 : i32
          %dma_wait3A_99 = arith.constant 0 : i32
          %dma_wait3A_100 = tpu.memref_slice %arg7[%sub3A_98, %dma_wait3A_99] : memref<40x128xi32, #tpu.memory_space<vmem>> -> memref<1x128xi32, #tpu.memory_space<vmem>>
          %dma_wait3A_101 = tpu.memref_squeeze %dma_wait3A_100 : memref<1x128xi32, #tpu.memory_space<vmem>> -> memref<128xi32, #tpu.memory_space<vmem>>
          %dma_wait3A_102 = arith.constant 0 : i32
          %dma_wait3A_103 = arith.constant 0 : i32
          %dma_wait3A_104 = tpu.memref_slice %arg10[%dma_wait3A_102, %dma_wait3A_103] : memref<10112x128xf32, #tpu.memory_space<vmem_shared>> -> memref<10112x128xf32, #tpu.memory_space<vmem_shared>>
          tpu.wait_indirect_dma semaphore(%arg14 : memref<!tpu.dma_semaphore, #tpu.memory_space<semaphore_mem>>) src(%arg9 : memref<128x128xf32, #tpu.memory_space<vmem>>) dst(%dma_wait3A_104 : memref<10112x128xf32, #tpu.memory_space<vmem_shared>>)
        } else {
        }
        %dma_start3A = arith.constant 0 : i32
        %dma_start3A_92 = tpu.memref_slice %arg6[%add3A_71, %dma_start3A] : memref<40x128xi32, #tpu.memory_space<vmem>> -> memref<1x128xi32, #tpu.memory_space<vmem>>
        %dma_start3A_93 = tpu.memref_squeeze %dma_start3A_92 : memref<1x128xi32, #tpu.memory_space<vmem>> -> memref<128xi32, #tpu.memory_space<vmem>>
        %dma_start3A_94 = arith.constant 0 : i32
        %dma_start3A_95 = arith.constant 0 : i32
        %dma_start3A_96 = tpu.memref_slice %arg2[%dma_start3A_94, %dma_start3A_95] : memref<20224x128xf32, #tpu.memory_space<hbm>> -> memref<20224x128xf32, #tpu.memory_space<hbm>>
        tpu.enqueue_indirect_dma source(%dma_start3A_96 : memref<20224x128xf32, #tpu.memory_space<hbm>>) target(%arg9 : memref<128x128xf32, #tpu.memory_space<vmem>>) offsets(%dma_start3A_93 : memref<128xi32, #tpu.memory_space<vmem>>) semaphore(%arg12 : memref<!tpu.dma_semaphore, #tpu.memory_space<semaphore_mem>>)
      } else {
      }
      %sub3A_77 = arith.constant 1 : i32
      %sub3A_78 = arith.subi %add3A_71, %sub3A_77 : i32
      %ge3A_79 = arith.constant 0 : i32
      %ge3A_80 = arith.cmpi sge, %sub3A_78, %ge3A_79 : i32
      %lt3A_81 = arith.constant 40 : i32
      %lt3A_82 = arith.cmpi slt, %sub3A_78, %lt3A_81 : i32
      %and3A_83 = arith.andi %ge3A_80, %lt3A_82 : i1
      %convert_element_type3A_84 = arith.extui %and3A_83 : i1 to i32
      %cond3A_85 = arith.constant 0 : i32
      %cond3A_86 = arith.cmpi ne, %convert_element_type3A_84, %cond3A_85 : i32
      scf.if %cond3A_86 {
        %dma_wait3A_87 = arith.constant 0 : i32
        %dma_wait3A_88 = tpu.memref_slice %arg6[%sub3A_78, %dma_wait3A_87] : memref<40x128xi32, #tpu.memory_space<vmem>> -> memref<1x128xi32, #tpu.memory_space<vmem>>
        %dma_wait3A_89 = tpu.memref_squeeze %dma_wait3A_88 : memref<1x128xi32, #tpu.memory_space<vmem>> -> memref<128xi32, #tpu.memory_space<vmem>>
        %dma_wait3A_90 = arith.constant 0 : i32
        %dma_wait3A_91 = arith.constant 0 : i32
        %dma_wait3A_92 = tpu.memref_slice %arg2[%dma_wait3A_90, %dma_wait3A_91] : memref<20224x128xf32, #tpu.memory_space<hbm>> -> memref<20224x128xf32, #tpu.memory_space<hbm>>
        tpu.wait_indirect_dma semaphore(%arg11 : memref<!tpu.dma_semaphore, #tpu.memory_space<semaphore_mem>>) src(%dma_wait3A_92 : memref<20224x128xf32, #tpu.memory_space<hbm>>) dst(%arg8 : memref<128x128xf32, #tpu.memory_space<vmem>>)
        %dma_start3A = arith.constant 0 : i32
        %dma_start3A_93 = tpu.memref_slice %arg7[%sub3A_78, %dma_start3A] : memref<40x128xi32, #tpu.memory_space<vmem>> -> memref<1x128xi32, #tpu.memory_space<vmem>>
        %dma_start3A_94 = tpu.memref_squeeze %dma_start3A_93 : memref<1x128xi32, #tpu.memory_space<vmem>> -> memref<128xi32, #tpu.memory_space<vmem>>
        %dma_start3A_95 = arith.constant 0 : i32
        %dma_start3A_96 = arith.constant 0 : i32
        %dma_start3A_97 = tpu.memref_slice %arg10[%dma_start3A_95, %dma_start3A_96] : memref<10112x128xf32, #tpu.memory_space<vmem_shared>> -> memref<10112x128xf32, #tpu.memory_space<vmem_shared>>
        tpu.enqueue_indirect_dma source(%arg8 : memref<128x128xf32, #tpu.memory_space<vmem>>) target(%dma_start3A_97 : memref<10112x128xf32, #tpu.memory_space<vmem_shared>>) offsets(%dma_start3A_94 : memref<128xi32, #tpu.memory_space<vmem>>) semaphore(%arg13 : memref<!tpu.dma_semaphore, #tpu.memory_space<semaphore_mem>>) {add = true}
      } else {
      }
    }
    %scan3A_14 = arith.constant 21 : i32
    %dma_wait3A = arith.constant 38 : i32
    %dma_wait3A_15 = arith.constant 0 : i32
    %dma_wait3A_16 = tpu.memref_slice %arg7[%dma_wait3A, %dma_wait3A_15] : memref<40x128xi32, #tpu.memory_space<vmem>> -> memref<1x128xi32, #tpu.memory_space<vmem>>
    %dma_wait3A_17 = tpu.memref_squeeze %dma_wait3A_16 : memref<1x128xi32, #tpu.memory_space<vmem>> -> memref<128xi32, #tpu.memory_space<vmem>>
    %dma_wait3A_18 = arith.constant 0 : i32
    %dma_wait3A_19 = arith.constant 0 : i32
    %dma_wait3A_20 = tpu.memref_slice %arg10[%dma_wait3A_18, %dma_wait3A_19] : memref<10112x128xf32, #tpu.memory_space<vmem_shared>> -> memref<10112x128xf32, #tpu.memory_space<vmem_shared>>
    tpu.wait_indirect_dma semaphore(%arg13 : memref<!tpu.dma_semaphore, #tpu.memory_space<semaphore_mem>>) src(%arg8 : memref<128x128xf32, #tpu.memory_space<vmem>>) dst(%dma_wait3A_20 : memref<10112x128xf32, #tpu.memory_space<vmem_shared>>)
    %dma_wait3A_21 = arith.constant 39 : i32
    %dma_wait3A_22 = arith.constant 0 : i32
    %dma_wait3A_23 = tpu.memref_slice %arg7[%dma_wait3A_21, %dma_wait3A_22] : memref<40x128xi32, #tpu.memory_space<vmem>> -> memref<1x128xi32, #tpu.memory_space<vmem>>
    %dma_wait3A_24 = tpu.memref_squeeze %dma_wait3A_23 : memref<1x128xi32, #tpu.memory_space<vmem>> -> memref<128xi32, #tpu.memory_space<vmem>>
    %dma_wait3A_25 = arith.constant 0 : i32
    %dma_wait3A_26 = arith.constant 0 : i32
    %dma_wait3A_27 = tpu.memref_slice %arg10[%dma_wait3A_25, %dma_wait3A_26] : memref<10112x128xf32, #tpu.memory_space<vmem_shared>> -> memref<10112x128xf32, #tpu.memory_space<vmem_shared>>
    tpu.wait_indirect_dma semaphore(%arg14 : memref<!tpu.dma_semaphore, #tpu.memory_space<semaphore_mem>>) src(%arg9 : memref<128x128xf32, #tpu.memory_space<vmem>>) dst(%dma_wait3A_27 : memref<10112x128xf32, #tpu.memory_space<vmem_shared>>)
    %mul3A_28 = arith.constant 16 : i32
    %mul3A_29 = arith.muli %add3A_3, %mul3A_28 : i32
    %add3A_30 = arith.addi %mul3A_29, %arg1 : i32
    "tpu.region"() ({
      %run_scoped3A = tpu.sem_alloc : memref<!tpu.dma_semaphore, #tpu.memory_space<semaphore_mem>>
      %dma_start3A = arith.constant 40 : i32
      %dma_start3A_54 = arith.constant 0 : i32
      %dma_start3A_55 = tpu.memref_slice %arg3[%add3A_30, %dma_start3A, %dma_start3A_54] : memref<32x80x128xi32, #tpu.memory_space<hbm>> -> memref<1x40x128xi32, #tpu.memory_space<hbm>>
      %dma_start3A_56 = tpu.memref_squeeze %dma_start3A_55 : memref<1x40x128xi32, #tpu.memory_space<hbm>> -> memref<40x128xi32, #tpu.memory_space<hbm>>
      %dma_start3A_57 = arith.constant 40 : i32
      %dma_start3A_58 = arith.constant 0 : i32
      %dma_start3A_59 = tpu.memref_slice %arg3[%add3A_30, %dma_start3A_57, %dma_start3A_58] : memref<32x80x128xi32, #tpu.memory_space<hbm>> -> memref<1x40x128xi32, #tpu.memory_space<hbm>>
      %dma_start3A_60 = tpu.memref_squeeze %dma_start3A_59 : memref<1x40x128xi32, #tpu.memory_space<hbm>> -> memref<40x128xi32, #tpu.memory_space<hbm>>
      tpu.enqueue_dma source(%dma_start3A_60 : memref<40x128xi32, #tpu.memory_space<hbm>>) target(%arg6 : memref<40x128xi32, #tpu.memory_space<vmem>>) target_semaphore(%run_scoped3A : memref<!tpu.dma_semaphore, #tpu.memory_space<semaphore_mem>>)
      %dma_wait3A_61 = arith.constant 40 : i32
      %dma_wait3A_62 = arith.constant 0 : i32
      %dma_wait3A_63 = tpu.memref_slice %arg3[%add3A_30, %dma_wait3A_61, %dma_wait3A_62] : memref<32x80x128xi32, #tpu.memory_space<hbm>> -> memref<1x40x128xi32, #tpu.memory_space<hbm>>
      %dma_wait3A_64 = tpu.memref_squeeze %dma_wait3A_63 : memref<1x40x128xi32, #tpu.memory_space<hbm>> -> memref<40x128xi32, #tpu.memory_space<hbm>>
      %dma_wait3A_65 = arith.constant 40 : i32
      %dma_wait3A_66 = arith.constant 0 : i32
      %dma_wait3A_67 = tpu.memref_slice %arg3[%add3A_30, %dma_wait3A_65, %dma_wait3A_66] : memref<32x80x128xi32, #tpu.memory_space<hbm>> -> memref<1x40x128xi32, #tpu.memory_space<hbm>>
      %dma_wait3A_68 = tpu.memref_squeeze %dma_wait3A_67 : memref<1x40x128xi32, #tpu.memory_space<hbm>> -> memref<40x128xi32, #tpu.memory_space<hbm>>
      tpu.wait_dma2 semaphore(%run_scoped3A : memref<!tpu.dma_semaphore, #tpu.memory_space<semaphore_mem>>) src(%dma_wait3A_68 : memref<40x128xi32, #tpu.memory_space<hbm>>) dst(%arg6 : memref<40x128xi32, #tpu.memory_space<vmem>>)
      tpu.yield
    }) : () -> ()
    "tpu.region"() ({
      %run_scoped3A = tpu.sem_alloc : memref<!tpu.dma_semaphore, #tpu.memory_space<semaphore_mem>>
      %dma_start3A = arith.constant 40 : i32
      %dma_start3A_54 = arith.constant 0 : i32
      %dma_start3A_55 = tpu.memref_slice %arg4[%arg1, %dma_start3A, %dma_start3A_54] : memref<16x80x128xi32, #tpu.memory_space<hbm>> -> memref<1x40x128xi32, #tpu.memory_space<hbm>>
      %dma_start3A_56 = tpu.memref_squeeze %dma_start3A_55 : memref<1x40x128xi32, #tpu.memory_space<hbm>> -> memref<40x128xi32, #tpu.memory_space<hbm>>
      %dma_start3A_57 = arith.constant 40 : i32
      %dma_start3A_58 = arith.constant 0 : i32
      %dma_start3A_59 = tpu.memref_slice %arg4[%arg1, %dma_start3A_57, %dma_start3A_58] : memref<16x80x128xi32, #tpu.memory_space<hbm>> -> memref<1x40x128xi32, #tpu.memory_space<hbm>>
      %dma_start3A_60 = tpu.memref_squeeze %dma_start3A_59 : memref<1x40x128xi32, #tpu.memory_space<hbm>> -> memref<40x128xi32, #tpu.memory_space<hbm>>
      tpu.enqueue_dma source(%dma_start3A_60 : memref<40x128xi32, #tpu.memory_space<hbm>>) target(%arg7 : memref<40x128xi32, #tpu.memory_space<vmem>>) target_semaphore(%run_scoped3A : memref<!tpu.dma_semaphore, #tpu.memory_space<semaphore_mem>>)
      %dma_wait3A_61 = arith.constant 40 : i32
      %dma_wait3A_62 = arith.constant 0 : i32
      %dma_wait3A_63 = tpu.memref_slice %arg4[%arg1, %dma_wait3A_61, %dma_wait3A_62] : memref<16x80x128xi32, #tpu.memory_space<hbm>> -> memref<1x40x128xi32, #tpu.memory_space<hbm>>
      %dma_wait3A_64 = tpu.memref_squeeze %dma_wait3A_63 : memref<1x40x128xi32, #tpu.memory_space<hbm>> -> memref<40x128xi32, #tpu.memory_space<hbm>>
      %dma_wait3A_65 = arith.constant 40 : i32
      %dma_wait3A_66 = arith.constant 0 : i32
      %dma_wait3A_67 = tpu.memref_slice %arg4[%arg1, %dma_wait3A_65, %dma_wait3A_66] : memref<16x80x128xi32, #tpu.memory_space<hbm>> -> memref<1x40x128xi32, #tpu.memory_space<hbm>>
      %dma_wait3A_68 = tpu.memref_squeeze %dma_wait3A_67 : memref<1x40x128xi32, #tpu.memory_space<hbm>> -> memref<40x128xi32, #tpu.memory_space<hbm>>
      tpu.wait_dma2 semaphore(%run_scoped3A : memref<!tpu.dma_semaphore, #tpu.memory_space<semaphore_mem>>) src(%dma_wait3A_68 : memref<40x128xi32, #tpu.memory_space<hbm>>) dst(%arg7 : memref<40x128xi32, #tpu.memory_space<vmem>>)
      tpu.yield
    }) : () -> ()
    %scan3A_31 = arith.constant 0 : i32
    %scan3A_32 = arith.constant 0 : i32
    %scan3A_33 = arith.constant 21 : i32
    %scan3A_34 = arith.addi %scan3A_32, %scan3A_33 : i32
    %scan3A_35 = arith.constant 1 : i32
    scf.for %scan3A_54 = %scan3A_32 to %scan3A_34 step %scan3A_35  : i32 {
      %mul3A_55 = arith.constant 2 : i32
      %mul3A_56 = arith.muli %scan3A_54, %mul3A_55 : i32
      %add3A_57 = arith.constant 0 : i32
      %add3A_58 = arith.addi %mul3A_56, %add3A_57 : i32
      %lt3A = arith.constant 40 : i32
      %lt3A_59 = arith.cmpi slt, %add3A_58, %lt3A : i32
      %convert_element_type3A = arith.extui %lt3A_59 : i1 to i32
      %cond3A = arith.constant 0 : i32
      %cond3A_60 = arith.cmpi ne, %convert_element_type3A, %cond3A : i32
      scf.if %cond3A_60 {
        %ge3A_87 = arith.constant 2 : i32
        %ge3A_88 = arith.cmpi sge, %add3A_58, %ge3A_87 : i32
        %convert_element_type3A_89 = arith.extui %ge3A_88 : i1 to i32
        %cond3A_90 = arith.constant 0 : i32
        %cond3A_91 = arith.cmpi ne, %convert_element_type3A_89, %cond3A_90 : i32
        scf.if %cond3A_91 {
          %sub3A_97 = arith.constant 2 : i32
          %sub3A_98 = arith.subi %add3A_58, %sub3A_97 : i32
          %dma_wait3A_99 = arith.constant 0 : i32
          %dma_wait3A_100 = tpu.memref_slice %arg7[%sub3A_98, %dma_wait3A_99] : memref<40x128xi32, #tpu.memory_space<vmem>> -> memref<1x128xi32, #tpu.memory_space<vmem>>
          %dma_wait3A_101 = tpu.memref_squeeze %dma_wait3A_100 : memref<1x128xi32, #tpu.memory_space<vmem>> -> memref<128xi32, #tpu.memory_space<vmem>>
          %dma_wait3A_102 = arith.constant 0 : i32
          %dma_wait3A_103 = arith.constant 0 : i32
          %dma_wait3A_104 = tpu.memref_slice %arg10[%dma_wait3A_102, %dma_wait3A_103] : memref<10112x128xf32, #tpu.memory_space<vmem_shared>> -> memref<10112x128xf32, #tpu.memory_space<vmem_shared>>
          tpu.wait_indirect_dma semaphore(%arg13 : memref<!tpu.dma_semaphore, #tpu.memory_space<semaphore_mem>>) src(%arg8 : memref<128x128xf32, #tpu.memory_space<vmem>>) dst(%dma_wait3A_104 : memref<10112x128xf32, #tpu.memory_space<vmem_shared>>)
        } else {
        }
        %dma_start3A = arith.constant 0 : i32
        %dma_start3A_92 = tpu.memref_slice %arg6[%add3A_58, %dma_start3A] : memref<40x128xi32, #tpu.memory_space<vmem>> -> memref<1x128xi32, #tpu.memory_space<vmem>>
        %dma_start3A_93 = tpu.memref_squeeze %dma_start3A_92 : memref<1x128xi32, #tpu.memory_space<vmem>> -> memref<128xi32, #tpu.memory_space<vmem>>
        %dma_start3A_94 = arith.constant 0 : i32
        %dma_start3A_95 = arith.constant 0 : i32
        %dma_start3A_96 = tpu.memref_slice %arg2[%dma_start3A_94, %dma_start3A_95] : memref<20224x128xf32, #tpu.memory_space<hbm>> -> memref<20224x128xf32, #tpu.memory_space<hbm>>
        tpu.enqueue_indirect_dma source(%dma_start3A_96 : memref<20224x128xf32, #tpu.memory_space<hbm>>) target(%arg8 : memref<128x128xf32, #tpu.memory_space<vmem>>) offsets(%dma_start3A_93 : memref<128xi32, #tpu.memory_space<vmem>>) semaphore(%arg11 : memref<!tpu.dma_semaphore, #tpu.memory_space<semaphore_mem>>)
      } else {
      }
      %sub3A = arith.constant 1 : i32
      %sub3A_61 = arith.subi %add3A_58, %sub3A : i32
      %ge3A = arith.constant 0 : i32
      %ge3A_62 = arith.cmpi sge, %sub3A_61, %ge3A : i32
      %lt3A_63 = arith.constant 40 : i32
      %lt3A_64 = arith.cmpi slt, %sub3A_61, %lt3A_63 : i32
      %and3A = arith.andi %ge3A_62, %lt3A_64 : i1
      %convert_element_type3A_65 = arith.extui %and3A : i1 to i32
      %cond3A_66 = arith.constant 0 : i32
      %cond3A_67 = arith.cmpi ne, %convert_element_type3A_65, %cond3A_66 : i32
      scf.if %cond3A_67 {
        %dma_wait3A_87 = arith.constant 0 : i32
        %dma_wait3A_88 = tpu.memref_slice %arg6[%sub3A_61, %dma_wait3A_87] : memref<40x128xi32, #tpu.memory_space<vmem>> -> memref<1x128xi32, #tpu.memory_space<vmem>>
        %dma_wait3A_89 = tpu.memref_squeeze %dma_wait3A_88 : memref<1x128xi32, #tpu.memory_space<vmem>> -> memref<128xi32, #tpu.memory_space<vmem>>
        %dma_wait3A_90 = arith.constant 0 : i32
        %dma_wait3A_91 = arith.constant 0 : i32
        %dma_wait3A_92 = tpu.memref_slice %arg2[%dma_wait3A_90, %dma_wait3A_91] : memref<20224x128xf32, #tpu.memory_space<hbm>> -> memref<20224x128xf32, #tpu.memory_space<hbm>>
        tpu.wait_indirect_dma semaphore(%arg12 : memref<!tpu.dma_semaphore, #tpu.memory_space<semaphore_mem>>) src(%dma_wait3A_92 : memref<20224x128xf32, #tpu.memory_space<hbm>>) dst(%arg9 : memref<128x128xf32, #tpu.memory_space<vmem>>)
        %dma_start3A = arith.constant 0 : i32
        %dma_start3A_93 = tpu.memref_slice %arg7[%sub3A_61, %dma_start3A] : memref<40x128xi32, #tpu.memory_space<vmem>> -> memref<1x128xi32, #tpu.memory_space<vmem>>
        %dma_start3A_94 = tpu.memref_squeeze %dma_start3A_93 : memref<1x128xi32, #tpu.memory_space<vmem>> -> memref<128xi32, #tpu.memory_space<vmem>>
        %dma_start3A_95 = arith.constant 0 : i32
        %dma_start3A_96 = arith.constant 0 : i32
        %dma_start3A_97 = tpu.memref_slice %arg10[%dma_start3A_95, %dma_start3A_96] : memref<10112x128xf32, #tpu.memory_space<vmem_shared>> -> memref<10112x128xf32, #tpu.memory_space<vmem_shared>>
        tpu.enqueue_indirect_dma source(%arg9 : memref<128x128xf32, #tpu.memory_space<vmem>>) target(%dma_start3A_97 : memref<10112x128xf32, #tpu.memory_space<vmem_shared>>) offsets(%dma_start3A_94 : memref<128xi32, #tpu.memory_space<vmem>>) semaphore(%arg14 : memref<!tpu.dma_semaphore, #tpu.memory_space<semaphore_mem>>) {add = true}
      } else {
      }
      %mul3A_68 = arith.constant 2 : i32
      %mul3A_69 = arith.muli %scan3A_54, %mul3A_68 : i32
      %add3A_70 = arith.constant 1 : i32
      %add3A_71 = arith.addi %mul3A_69, %add3A_70 : i32
      %lt3A_72 = arith.constant 40 : i32
      %lt3A_73 = arith.cmpi slt, %add3A_71, %lt3A_72 : i32
      %convert_element_type3A_74 = arith.extui %lt3A_73 : i1 to i32
      %cond3A_75 = arith.constant 0 : i32
      %cond3A_76 = arith.cmpi ne, %convert_element_type3A_74, %cond3A_75 : i32
      scf.if %cond3A_76 {
        %ge3A_87 = arith.constant 2 : i32
        %ge3A_88 = arith.cmpi sge, %add3A_71, %ge3A_87 : i32
        %convert_element_type3A_89 = arith.extui %ge3A_88 : i1 to i32
        %cond3A_90 = arith.constant 0 : i32
        %cond3A_91 = arith.cmpi ne, %convert_element_type3A_89, %cond3A_90 : i32
        scf.if %cond3A_91 {
          %sub3A_97 = arith.constant 2 : i32
          %sub3A_98 = arith.subi %add3A_71, %sub3A_97 : i32
          %dma_wait3A_99 = arith.constant 0 : i32
          %dma_wait3A_100 = tpu.memref_slice %arg7[%sub3A_98, %dma_wait3A_99] : memref<40x128xi32, #tpu.memory_space<vmem>> -> memref<1x128xi32, #tpu.memory_space<vmem>>
          %dma_wait3A_101 = tpu.memref_squeeze %dma_wait3A_100 : memref<1x128xi32, #tpu.memory_space<vmem>> -> memref<128xi32, #tpu.memory_space<vmem>>
          %dma_wait3A_102 = arith.constant 0 : i32
          %dma_wait3A_103 = arith.constant 0 : i32
          %dma_wait3A_104 = tpu.memref_slice %arg10[%dma_wait3A_102, %dma_wait3A_103] : memref<10112x128xf32, #tpu.memory_space<vmem_shared>> -> memref<10112x128xf32, #tpu.memory_space<vmem_shared>>
          tpu.wait_indirect_dma semaphore(%arg14 : memref<!tpu.dma_semaphore, #tpu.memory_space<semaphore_mem>>) src(%arg9 : memref<128x128xf32, #tpu.memory_space<vmem>>) dst(%dma_wait3A_104 : memref<10112x128xf32, #tpu.memory_space<vmem_shared>>)
        } else {
        }
        %dma_start3A = arith.constant 0 : i32
        %dma_start3A_92 = tpu.memref_slice %arg6[%add3A_71, %dma_start3A] : memref<40x128xi32, #tpu.memory_space<vmem>> -> memref<1x128xi32, #tpu.memory_space<vmem>>
        %dma_start3A_93 = tpu.memref_squeeze %dma_start3A_92 : memref<1x128xi32, #tpu.memory_space<vmem>> -> memref<128xi32, #tpu.memory_space<vmem>>
        %dma_start3A_94 = arith.constant 0 : i32
        %dma_start3A_95 = arith.constant 0 : i32
        %dma_start3A_96 = tpu.memref_slice %arg2[%dma_start3A_94, %dma_start3A_95] : memref<20224x128xf32, #tpu.memory_space<hbm>> -> memref<20224x128xf32, #tpu.memory_space<hbm>>
        tpu.enqueue_indirect_dma source(%dma_start3A_96 : memref<20224x128xf32, #tpu.memory_space<hbm>>) target(%arg9 : memref<128x128xf32, #tpu.memory_space<vmem>>) offsets(%dma_start3A_93 : memref<128xi32, #tpu.memory_space<vmem>>) semaphore(%arg12 : memref<!tpu.dma_semaphore, #tpu.memory_space<semaphore_mem>>)
      } else {
      }
      %sub3A_77 = arith.constant 1 : i32
      %sub3A_78 = arith.subi %add3A_71, %sub3A_77 : i32
      %ge3A_79 = arith.constant 0 : i32
      %ge3A_80 = arith.cmpi sge, %sub3A_78, %ge3A_79 : i32
      %lt3A_81 = arith.constant 40 : i32
      %lt3A_82 = arith.cmpi slt, %sub3A_78, %lt3A_81 : i32
      %and3A_83 = arith.andi %ge3A_80, %lt3A_82 : i1
      %convert_element_type3A_84 = arith.extui %and3A_83 : i1 to i32
      %cond3A_85 = arith.constant 0 : i32
      %cond3A_86 = arith.cmpi ne, %convert_element_type3A_84, %cond3A_85 : i32
      scf.if %cond3A_86 {
        %dma_wait3A_87 = arith.constant 0 : i32
        %dma_wait3A_88 = tpu.memref_slice %arg6[%sub3A_78, %dma_wait3A_87] : memref<40x128xi32, #tpu.memory_space<vmem>> -> memref<1x128xi32, #tpu.memory_space<vmem>>
        %dma_wait3A_89 = tpu.memref_squeeze %dma_wait3A_88 : memref<1x128xi32, #tpu.memory_space<vmem>> -> memref<128xi32, #tpu.memory_space<vmem>>
        %dma_wait3A_90 = arith.constant 0 : i32
        %dma_wait3A_91 = arith.constant 0 : i32
        %dma_wait3A_92 = tpu.memref_slice %arg2[%dma_wait3A_90, %dma_wait3A_91] : memref<20224x128xf32, #tpu.memory_space<hbm>> -> memref<20224x128xf32, #tpu.memory_space<hbm>>
        tpu.wait_indirect_dma semaphore(%arg11 : memref<!tpu.dma_semaphore, #tpu.memory_space<semaphore_mem>>) src(%dma_wait3A_92 : memref<20224x128xf32, #tpu.memory_space<hbm>>) dst(%arg8 : memref<128x128xf32, #tpu.memory_space<vmem>>)
        %dma_start3A = arith.constant 0 : i32
        %dma_start3A_93 = tpu.memref_slice %arg7[%sub3A_78, %dma_start3A] : memref<40x128xi32, #tpu.memory_space<vmem>> -> memref<1x128xi32, #tpu.memory_space<vmem>>
        %dma_start3A_94 = tpu.memref_squeeze %dma_start3A_93 : memref<1x128xi32, #tpu.memory_space<vmem>> -> memref<128xi32, #tpu.memory_space<vmem>>
        %dma_start3A_95 = arith.constant 0 : i32
        %dma_start3A_96 = arith.constant 0 : i32
        %dma_start3A_97 = tpu.memref_slice %arg10[%dma_start3A_95, %dma_start3A_96] : memref<10112x128xf32, #tpu.memory_space<vmem_shared>> -> memref<10112x128xf32, #tpu.memory_space<vmem_shared>>
        tpu.enqueue_indirect_dma source(%arg8 : memref<128x128xf32, #tpu.memory_space<vmem>>) target(%dma_start3A_97 : memref<10112x128xf32, #tpu.memory_space<vmem_shared>>) offsets(%dma_start3A_94 : memref<128xi32, #tpu.memory_space<vmem>>) semaphore(%arg13 : memref<!tpu.dma_semaphore, #tpu.memory_space<semaphore_mem>>) {add = true}
      } else {
      }
    }
    %scan3A_36 = arith.constant 21 : i32
    %dma_wait3A_37 = arith.constant 38 : i32
    %dma_wait3A_38 = arith.constant 0 : i32
    %dma_wait3A_39 = tpu.memref_slice %arg7[%dma_wait3A_37, %dma_wait3A_38] : memref<40x128xi32, #tpu.memory_space<vmem>> -> memref<1x128xi32, #tpu.memory_space<vmem>>
    %dma_wait3A_40 = tpu.memref_squeeze %dma_wait3A_39 : memref<1x128xi32, #tpu.memory_space<vmem>> -> memref<128xi32, #tpu.memory_space<vmem>>
    %dma_wait3A_41 = arith.constant 0 : i32
    %dma_wait3A_42 = arith.constant 0 : i32
    %dma_wait3A_43 = tpu.memref_slice %arg10[%dma_wait3A_41, %dma_wait3A_42] : memref<10112x128xf32, #tpu.memory_space<vmem_shared>> -> memref<10112x128xf32, #tpu.memory_space<vmem_shared>>
    tpu.wait_indirect_dma semaphore(%arg13 : memref<!tpu.dma_semaphore, #tpu.memory_space<semaphore_mem>>) src(%arg8 : memref<128x128xf32, #tpu.memory_space<vmem>>) dst(%dma_wait3A_43 : memref<10112x128xf32, #tpu.memory_space<vmem_shared>>)
    %dma_wait3A_44 = arith.constant 39 : i32
    %dma_wait3A_45 = arith.constant 0 : i32
    %dma_wait3A_46 = tpu.memref_slice %arg7[%dma_wait3A_44, %dma_wait3A_45] : memref<40x128xi32, #tpu.memory_space<vmem>> -> memref<1x128xi32, #tpu.memory_space<vmem>>
    %dma_wait3A_47 = tpu.memref_squeeze %dma_wait3A_46 : memref<1x128xi32, #tpu.memory_space<vmem>> -> memref<128xi32, #tpu.memory_space<vmem>>
    %dma_wait3A_48 = arith.constant 0 : i32
    %dma_wait3A_49 = arith.constant 0 : i32
    %dma_wait3A_50 = tpu.memref_slice %arg10[%dma_wait3A_48, %dma_wait3A_49] : memref<10112x128xf32, #tpu.memory_space<vmem_shared>> -> memref<10112x128xf32, #tpu.memory_space<vmem_shared>>
    tpu.wait_indirect_dma semaphore(%arg14 : memref<!tpu.dma_semaphore, #tpu.memory_space<semaphore_mem>>) src(%arg9 : memref<128x128xf32, #tpu.memory_space<vmem>>) dst(%dma_wait3A_50 : memref<10112x128xf32, #tpu.memory_space<vmem_shared>>)
    %barrier3A_51 = arith.constant 0 : index
    tpu.barrier barrier_id(%barrier3A_51)
    %add3A_52 = arith.addi %mul3A_5, %mul3A_0 : i32
    "tpu.region"() ({
      %run_scoped3A = tpu.sem_alloc : memref<!tpu.dma_semaphore, #tpu.memory_space<semaphore_mem>>
      %dma_start3A = arith.constant 0 : i32
      %dma_start3A_54 = tpu.memref_slice %arg5[%add3A_52, %dma_start3A] : memref<20224x128xf32, #tpu.memory_space<hbm>> -> memref<632x128xf32, #tpu.memory_space<hbm>>
      %dma_start3A_55 = arith.constant 0 : i32
      %dma_start3A_56 = tpu.memref_slice %arg10[%mul3A_0, %dma_start3A_55] : memref<10112x128xf32, #tpu.memory_space<vmem_shared>> -> memref<632x128xf32, #tpu.memory_space<vmem_shared>>
      tpu.enqueue_dma source(%dma_start3A_56 : memref<632x128xf32, #tpu.memory_space<vmem_shared>>) target(%dma_start3A_54 : memref<632x128xf32, #tpu.memory_space<hbm>>) target_semaphore(%run_scoped3A : memref<!tpu.dma_semaphore, #tpu.memory_space<semaphore_mem>>)
      %dma_wait3A_57 = arith.constant 0 : i32
      %dma_wait3A_58 = tpu.memref_slice %arg5[%add3A_52, %dma_wait3A_57] : memref<20224x128xf32, #tpu.memory_space<hbm>> -> memref<632x128xf32, #tpu.memory_space<hbm>>
      %dma_wait3A_59 = arith.constant 0 : i32
      %dma_wait3A_60 = tpu.memref_slice %arg10[%mul3A_0, %dma_wait3A_59] : memref<10112x128xf32, #tpu.memory_space<vmem_shared>> -> memref<632x128xf32, #tpu.memory_space<vmem_shared>>
      tpu.wait_dma2 semaphore(%run_scoped3A : memref<!tpu.dma_semaphore, #tpu.memory_space<semaphore_mem>>) src(%dma_wait3A_60 : memref<632x128xf32, #tpu.memory_space<vmem_shared>>) dst(%dma_wait3A_58 : memref<632x128xf32, #tpu.memory_space<hbm>>)
      tpu.yield
    }) : () -> ()
    %barrier3A_53 = arith.constant 0 : index
    tpu.barrier barrier_id(%barrier3A_53)
    return
  }
}

module attributes {stable_mosaic.version = 14 : i64} {
  func.func @body(%arg0: i32, %arg1: memref<4x1000x128xf32, #tpu.memory_space<vmem>>, %arg2: memref<2x1000x16xf32, #tpu.memory_space<vmem>>, %arg3: memref<1x512xf32, #tpu.memory_space<vmem>>, %arg4: memref<512x512xf32, #tpu.memory_space<vmem>>, %arg5: memref<4x1000x128xf32, #tpu.memory_space<vmem>>) attributes {dimension_semantics = [#tpu.dimension_semantics<arbitrary>], iteration_bounds = array<i64: 10>, scalar_prefetch = 0 : i64, scratch_operands = 0 : i64, tpu.core_type = #tpu.core_type<tc>, window_params = [{transform_indices = @transform_0, window_bounds = array<i64: 4, 1000, 128>}, {transform_indices = @transform_1, window_bounds = array<i64: 2, 1000, 16>}, {pipeline_mode = #tpu.pipeline_mode<synchronous>, transform_indices = @transform_2, window_bounds = array<i64: 1, 512>}, {pipeline_mode = #tpu.pipeline_mode<synchronous>, transform_indices = @transform_3, window_bounds = array<i64: 512, 512>}, {transform_indices = @transform_4, window_bounds = array<i64: 4, 1000, 128>}]} {
    %get3A = arith.constant 0 : index
    %get3A_0 = arith.constant 0 : index
    %get3A_1 = arith.constant 0 : index
    %get3A_2 = vector.load %arg2[%get3A, %get3A_0, %get3A_1] : memref<2x1000x16xf32, #tpu.memory_space<vmem>>, vector<1x1000x1xf32>
    %get3A_3 = vector.shape_cast %get3A_2 : vector<1x1000x1xf32> to vector<1000x1xf32>
    %get3A_4 = arith.constant 1 : index
    %get3A_5 = arith.constant 0 : index
    %get3A_6 = arith.constant 0 : index
    %get3A_7 = vector.load %arg2[%get3A_4, %get3A_5, %get3A_6] : memref<2x1000x16xf32, #tpu.memory_space<vmem>>, vector<1x1000x1xf32>
    %get3A_8 = vector.shape_cast %get3A_7 : vector<1x1000x1xf32> to vector<1000x1xf32>
    %add3A = arith.addf %get3A_3, %get3A_8 : vector<1000x1xf32>
    %add3A_9 = arith.constant 1.000000e+00 : f32
    %add3A_10 = vector.broadcast %add3A_9 : f32 to vector<1000x1xf32>
    %add3A_11 = arith.addf %add3A, %add3A_10 : vector<1000x1xf32>
    %rsqrt3A = math.rsqrt %add3A_11 : vector<1000x1xf32>
    %get3A_12 = arith.constant 0 : index
    %get3A_13 = arith.constant 0 : index
    %get3A_14 = arith.constant 0 : index
    %get3A_15 = vector.load %arg1[%get3A_12, %get3A_13, %get3A_14] : memref<4x1000x128xf32, #tpu.memory_space<vmem>>, vector<1x1000x128xf32>
    %get3A_16 = vector.shape_cast %get3A_15 : vector<1x1000x128xf32> to vector<1000x128xf32>
    %get3A_17 = arith.constant 1 : index
    %get3A_18 = arith.constant 0 : index
    %get3A_19 = arith.constant 0 : index
    %get3A_20 = vector.load %arg1[%get3A_17, %get3A_18, %get3A_19] : memref<4x1000x128xf32, #tpu.memory_space<vmem>>, vector<1x1000x128xf32>
    %get3A_21 = vector.shape_cast %get3A_20 : vector<1x1000x128xf32> to vector<1000x128xf32>
    %get3A_22 = arith.constant 2 : index
    %get3A_23 = arith.constant 0 : index
    %get3A_24 = arith.constant 0 : index
    %get3A_25 = vector.load %arg1[%get3A_22, %get3A_23, %get3A_24] : memref<4x1000x128xf32, #tpu.memory_space<vmem>>, vector<1x1000x128xf32>
    %get3A_26 = vector.shape_cast %get3A_25 : vector<1x1000x128xf32> to vector<1000x128xf32>
    %get3A_27 = arith.constant 3 : index
    %get3A_28 = arith.constant 0 : index
    %get3A_29 = arith.constant 0 : index
    %get3A_30 = vector.load %arg1[%get3A_27, %get3A_28, %get3A_29] : memref<4x1000x128xf32, #tpu.memory_space<vmem>>, vector<1x1000x128xf32>
    %get3A_31 = vector.shape_cast %get3A_30 : vector<1x1000x128xf32> to vector<1000x128xf32>
    %concatenate3A = tpu.concatenate %get3A_16, %get3A_21, %get3A_26, %get3A_31 in 1 : vector<1000x128xf32>, vector<1000x128xf32>, vector<1000x128xf32>, vector<1000x128xf32> -> vector<1000x512xf32>
    %mul3A = vector.broadcast %rsqrt3A : vector<1000x1xf32> to vector<1000x512xf32>
    %mul3A_32 = arith.mulf %concatenate3A, %mul3A : vector<1000x512xf32>
    %get3A_33 = arith.constant 0 : index
    %get3A_34 = arith.constant 0 : index
    %get3A_35 = vector.load %arg3[%get3A_33, %get3A_34] : memref<1x512xf32, #tpu.memory_space<vmem>>, vector<1x512xf32>
    %get3A_36 = vector.shape_cast %get3A_35 : vector<1x512xf32> to vector<512xf32>
    %broadcast_in_dim3A = vector.shape_cast %get3A_36 : vector<512xf32> to vector<1x512xf32>
    %add3A_37 = vector.broadcast %broadcast_in_dim3A : vector<1x512xf32> to vector<1000x512xf32>
    %add3A_38 = arith.addf %mul3A_32, %add3A_37 : vector<1000x512xf32>
    %max3A = arith.constant 0.000000e+00 : f32
    %max3A_39 = vector.broadcast %max3A : f32 to vector<1000x512xf32>
    %max3A_40 = arith.maximumf %add3A_38, %max3A_39 : vector<1000x512xf32>
    %get3A_41 = arith.constant 0 : index
    %get3A_42 = arith.constant 0 : index
    %get3A_43 = vector.load %arg4[%get3A_41, %get3A_42] : memref<512x512xf32, #tpu.memory_space<vmem>>, vector<512x512xf32>
    %dot_general3A = arith.constant dense<0.000000e+00> : vector<1000x512xf32>
    %dot_general3A_44 = tpu.matmul %max3A_40, %get3A_43, %dot_general3A {dimension_numbers = #tpu.dot_dimension_numbers<[1], [0], [0], [1], [0, 0, 1, 1], [], []>, transpose_lhs_hint = false} : vector<1000x512xf32>, vector<512x512xf32>, vector<1000x512xf32> -> vector<1000x512xf32>
    %mul3A_45 = vector.broadcast %rsqrt3A : vector<1000x1xf32> to vector<1000x512xf32>
    %mul3A_46 = arith.mulf %dot_general3A_44, %mul3A_45 : vector<1000x512xf32>
    %slice3A = vector.extract_strided_slice %mul3A_46 {offsets = [0, 0], sizes = [1000, 128], strides = [1, 1]} : vector<1000x512xf32> to vector<1000x128xf32>
    %swap3A = arith.constant 0 : index
    %swap3A_47 = arith.constant 0 : index
    %swap3A_48 = arith.constant 0 : index
    %swap3A_49 = vector.load %arg5[%swap3A, %swap3A_47, %swap3A_48] : memref<4x1000x128xf32, #tpu.memory_space<vmem>>, vector<1x1000x128xf32>
    %swap3A_50 = vector.shape_cast %swap3A_49 : vector<1x1000x128xf32> to vector<1000x128xf32>
    %swap3A_51 = vector.shape_cast %slice3A : vector<1000x128xf32> to vector<1x1000x128xf32>
    tpu.vector_store %arg5[%swap3A, %swap3A_47, %swap3A_48], %swap3A_51 {strides = array<i32>} : memref<4x1000x128xf32, #tpu.memory_space<vmem>>, vector<1x1000x128xf32>,
    %slice3A_52 = vector.extract_strided_slice %mul3A_46 {offsets = [0, 128], sizes = [1000, 128], strides = [1, 1]} : vector<1000x512xf32> to vector<1000x128xf32>
    %swap3A_53 = arith.constant 1 : index
    %swap3A_54 = arith.constant 0 : index
    %swap3A_55 = arith.constant 0 : index
    %swap3A_56 = vector.load %arg5[%swap3A_53, %swap3A_54, %swap3A_55] : memref<4x1000x128xf32, #tpu.memory_space<vmem>>, vector<1x1000x128xf32>
    %swap3A_57 = vector.shape_cast %swap3A_56 : vector<1x1000x128xf32> to vector<1000x128xf32>
    %swap3A_58 = vector.shape_cast %slice3A_52 : vector<1000x128xf32> to vector<1x1000x128xf32>
    tpu.vector_store %arg5[%swap3A_53, %swap3A_54, %swap3A_55], %swap3A_58 {strides = array<i32>} : memref<4x1000x128xf32, #tpu.memory_space<vmem>>, vector<1x1000x128xf32>,
    %slice3A_59 = vector.extract_strided_slice %mul3A_46 {offsets = [0, 256], sizes = [1000, 128], strides = [1, 1]} : vector<1000x512xf32> to vector<1000x128xf32>
    %swap3A_60 = arith.constant 2 : index
    %swap3A_61 = arith.constant 0 : index
    %swap3A_62 = arith.constant 0 : index
    %swap3A_63 = vector.load %arg5[%swap3A_60, %swap3A_61, %swap3A_62] : memref<4x1000x128xf32, #tpu.memory_space<vmem>>, vector<1x1000x128xf32>
    %swap3A_64 = vector.shape_cast %swap3A_63 : vector<1x1000x128xf32> to vector<1000x128xf32>
    %swap3A_65 = vector.shape_cast %slice3A_59 : vector<1000x128xf32> to vector<1x1000x128xf32>
    tpu.vector_store %arg5[%swap3A_60, %swap3A_61, %swap3A_62], %swap3A_65 {strides = array<i32>} : memref<4x1000x128xf32, #tpu.memory_space<vmem>>, vector<1x1000x128xf32>,
    %slice3A_66 = vector.extract_strided_slice %mul3A_46 {offsets = [0, 384], sizes = [1000, 128], strides = [1, 1]} : vector<1000x512xf32> to vector<1000x128xf32>
    %swap3A_67 = arith.constant 3 : index
    %swap3A_68 = arith.constant 0 : index
    %swap3A_69 = arith.constant 0 : index
    %swap3A_70 = vector.load %arg5[%swap3A_67, %swap3A_68, %swap3A_69] : memref<4x1000x128xf32, #tpu.memory_space<vmem>>, vector<1x1000x128xf32>
    %swap3A_71 = vector.shape_cast %swap3A_70 : vector<1x1000x128xf32> to vector<1000x128xf32>
    %swap3A_72 = vector.shape_cast %slice3A_66 : vector<1000x128xf32> to vector<1x1000x128xf32>
    tpu.vector_store %arg5[%swap3A_67, %swap3A_68, %swap3A_69], %swap3A_72 {strides = array<i32>} : memref<4x1000x128xf32, #tpu.memory_space<vmem>>, vector<1x1000x128xf32>,
    return
  }
  func.func @transform_0(%arg0: i32) -> (i32, i32, i32) {
    %c0_i32 = arith.constant 0 : i32
    %c0_i32_0 = arith.constant 0 : i32
    %c0_i32_1 = arith.constant 0 : i32
    return %c0_i32, %arg0, %c0_i32_0 : i32, i32, i32
  }
  func.func @transform_1(%arg0: i32) -> (i32, i32, i32) {
    %c0_i32 = arith.constant 0 : i32
    %c0_i32_0 = arith.constant 0 : i32
    %c0_i32_1 = arith.constant 0 : i32
    return %c0_i32, %arg0, %c0_i32_0 : i32, i32, i32
  }
  func.func @transform_2(%arg0: i32) -> (i32, i32) {
    %c0_i32 = arith.constant 0 : i32
    %c0_i32_0 = arith.constant 0 : i32
    %c0_i32_1 = arith.constant 0 : i32
    return %c0_i32, %c0_i32_0 : i32, i32
  }
  func.func @transform_3(%arg0: i32) -> (i32, i32) {
    %c0_i32 = arith.constant 0 : i32
    %c0_i32_0 = arith.constant 0 : i32
    %c0_i32_1 = arith.constant 0 : i32
    return %c0_i32, %c0_i32_0 : i32, i32
  }
  func.func @transform_4(%arg0: i32) -> (i32, i32, i32) {
    %c0_i32 = arith.constant 0 : i32
    %c0_i32_0 = arith.constant 0 : i32
    %c0_i32_1 = arith.constant 0 : i32
    return %c0_i32, %arg0, %c0_i32_0 : i32, i32, i32
  }
}

module attributes {stable_mosaic.version = 14 : i64} {
  func.func @body(%arg0: i32, %arg1: memref<1000x1280xf32, #tpu.memory_space<vmem>>, %arg2: memref<2x1000x16xf32, #tpu.memory_space<vmem>>, %arg3: memref<1280x512xf32, #tpu.memory_space<vmem>>, %arg4: memref<4x1000x128xf32, #tpu.memory_space<vmem>>) attributes {dimension_semantics = [#tpu.dimension_semantics<arbitrary>], iteration_bounds = array<i64: 10>, scalar_prefetch = 0 : i64, scratch_operands = 0 : i64, tpu.core_type = #tpu.core_type<tc>, window_params = [{transform_indices = @transform_0, window_bounds = array<i64: 1000, 1280>}, {transform_indices = @transform_1, window_bounds = array<i64: 2, 1000, 16>}, {pipeline_mode = #tpu.pipeline_mode<synchronous>, transform_indices = @transform_2, window_bounds = array<i64: 1280, 512>}, {transform_indices = @transform_3, window_bounds = array<i64: 4, 1000, 128>}]} {
    %get3A = arith.constant 0 : index
    %get3A_0 = arith.constant 0 : index
    %get3A_1 = arith.constant 0 : index
    %get3A_2 = vector.load %arg2[%get3A, %get3A_0, %get3A_1] : memref<2x1000x16xf32, #tpu.memory_space<vmem>>, vector<1x1000x1xf32>
    %get3A_3 = vector.shape_cast %get3A_2 : vector<1x1000x1xf32> to vector<1000x1xf32>
    %get3A_4 = arith.constant 1 : index
    %get3A_5 = arith.constant 0 : index
    %get3A_6 = arith.constant 0 : index
    %get3A_7 = vector.load %arg2[%get3A_4, %get3A_5, %get3A_6] : memref<2x1000x16xf32, #tpu.memory_space<vmem>>, vector<1x1000x1xf32>
    %get3A_8 = vector.shape_cast %get3A_7 : vector<1x1000x1xf32> to vector<1000x1xf32>
    %add3A = arith.addf %get3A_3, %get3A_8 : vector<1000x1xf32>
    %add3A_9 = arith.constant 1.000000e+00 : f32
    %add3A_10 = vector.broadcast %add3A_9 : f32 to vector<1000x1xf32>
    %add3A_11 = arith.addf %add3A, %add3A_10 : vector<1000x1xf32>
    %rsqrt3A = math.rsqrt %add3A_11 : vector<1000x1xf32>
    %get3A_12 = arith.constant 0 : index
    %get3A_13 = arith.constant 0 : index
    %get3A_14 = vector.load %arg1[%get3A_12, %get3A_13] : memref<1000x1280xf32, #tpu.memory_space<vmem>>, vector<1000x1280xf32>
    %get3A_15 = arith.constant 0 : index
    %get3A_16 = arith.constant 0 : index
    %get3A_17 = vector.load %arg3[%get3A_15, %get3A_16] : memref<1280x512xf32, #tpu.memory_space<vmem>>, vector<1280x512xf32>
    %dot_general3A = arith.constant dense<0.000000e+00> : vector<1000x512xf32>
    %dot_general3A_18 = tpu.matmul %get3A_14, %get3A_17, %dot_general3A {dimension_numbers = #tpu.dot_dimension_numbers<[1], [0], [0], [1], [0, 0, 1, 1], [], []>, transpose_lhs_hint = false} : vector<1000x1280xf32>, vector<1280x512xf32>, vector<1000x512xf32> -> vector<1000x512xf32>
    %mul3A = vector.broadcast %rsqrt3A : vector<1000x1xf32> to vector<1000x512xf32>
    %mul3A_19 = arith.mulf %dot_general3A_18, %mul3A : vector<1000x512xf32>
    %slice3A = vector.extract_strided_slice %mul3A_19 {offsets = [0, 0], sizes = [1000, 128], strides = [1, 1]} : vector<1000x512xf32> to vector<1000x128xf32>
    %swap3A = arith.constant 0 : index
    %swap3A_20 = arith.constant 0 : index
    %swap3A_21 = arith.constant 0 : index
    %swap3A_22 = vector.load %arg4[%swap3A, %swap3A_20, %swap3A_21] : memref<4x1000x128xf32, #tpu.memory_space<vmem>>, vector<1x1000x128xf32>
    %swap3A_23 = vector.shape_cast %swap3A_22 : vector<1x1000x128xf32> to vector<1000x128xf32>
    %swap3A_24 = vector.shape_cast %slice3A : vector<1000x128xf32> to vector<1x1000x128xf32>
    tpu.vector_store %arg4[%swap3A, %swap3A_20, %swap3A_21], %swap3A_24 {strides = array<i32>} : memref<4x1000x128xf32, #tpu.memory_space<vmem>>, vector<1x1000x128xf32>,
    %slice3A_25 = vector.extract_strided_slice %mul3A_19 {offsets = [0, 128], sizes = [1000, 128], strides = [1, 1]} : vector<1000x512xf32> to vector<1000x128xf32>
    %swap3A_26 = arith.constant 1 : index
    %swap3A_27 = arith.constant 0 : index
    %swap3A_28 = arith.constant 0 : index
    %swap3A_29 = vector.load %arg4[%swap3A_26, %swap3A_27, %swap3A_28] : memref<4x1000x128xf32, #tpu.memory_space<vmem>>, vector<1x1000x128xf32>
    %swap3A_30 = vector.shape_cast %swap3A_29 : vector<1x1000x128xf32> to vector<1000x128xf32>
    %swap3A_31 = vector.shape_cast %slice3A_25 : vector<1000x128xf32> to vector<1x1000x128xf32>
    tpu.vector_store %arg4[%swap3A_26, %swap3A_27, %swap3A_28], %swap3A_31 {strides = array<i32>} : memref<4x1000x128xf32, #tpu.memory_space<vmem>>, vector<1x1000x128xf32>,
    %slice3A_32 = vector.extract_strided_slice %mul3A_19 {offsets = [0, 256], sizes = [1000, 128], strides = [1, 1]} : vector<1000x512xf32> to vector<1000x128xf32>
    %swap3A_33 = arith.constant 2 : index
    %swap3A_34 = arith.constant 0 : index
    %swap3A_35 = arith.constant 0 : index
    %swap3A_36 = vector.load %arg4[%swap3A_33, %swap3A_34, %swap3A_35] : memref<4x1000x128xf32, #tpu.memory_space<vmem>>, vector<1x1000x128xf32>
    %swap3A_37 = vector.shape_cast %swap3A_36 : vector<1x1000x128xf32> to vector<1000x128xf32>
    %swap3A_38 = vector.shape_cast %slice3A_32 : vector<1000x128xf32> to vector<1x1000x128xf32>
    tpu.vector_store %arg4[%swap3A_33, %swap3A_34, %swap3A_35], %swap3A_38 {strides = array<i32>} : memref<4x1000x128xf32, #tpu.memory_space<vmem>>, vector<1x1000x128xf32>,
    %slice3A_39 = vector.extract_strided_slice %mul3A_19 {offsets = [0, 384], sizes = [1000, 128], strides = [1, 1]} : vector<1000x512xf32> to vector<1000x128xf32>
    %swap3A_40 = arith.constant 3 : index
    %swap3A_41 = arith.constant 0 : index
    %swap3A_42 = arith.constant 0 : index
    %swap3A_43 = vector.load %arg4[%swap3A_40, %swap3A_41, %swap3A_42] : memref<4x1000x128xf32, #tpu.memory_space<vmem>>, vector<1x1000x128xf32>
    %swap3A_44 = vector.shape_cast %swap3A_43 : vector<1x1000x128xf32> to vector<1000x128xf32>
    %swap3A_45 = vector.shape_cast %slice3A_39 : vector<1000x128xf32> to vector<1x1000x128xf32>
    tpu.vector_store %arg4[%swap3A_40, %swap3A_41, %swap3A_42], %swap3A_45 {strides = array<i32>} : memref<4x1000x128xf32, #tpu.memory_space<vmem>>, vector<1x1000x128xf32>,
    return
  }
  func.func @transform_0(%arg0: i32) -> (i32, i32) {
    %c0_i32 = arith.constant 0 : i32
    %c0_i32_0 = arith.constant 0 : i32
    return %arg0, %c0_i32 : i32, i32
  }
  func.func @transform_1(%arg0: i32) -> (i32, i32, i32) {
    %c0_i32 = arith.constant 0 : i32
    %c0_i32_0 = arith.constant 0 : i32
    %c0_i32_1 = arith.constant 0 : i32
    return %c0_i32, %arg0, %c0_i32_0 : i32, i32, i32
  }
  func.func @transform_2(%arg0: i32) -> (i32, i32) {
    %c0_i32 = arith.constant 0 : i32
    %c0_i32_0 = arith.constant 0 : i32
    %c0_i32_1 = arith.constant 0 : i32
    return %c0_i32, %c0_i32_0 : i32, i32
  }
  func.func @transform_3(%arg0: i32) -> (i32, i32, i32) {
    %c0_i32 = arith.constant 0 : i32
    %c0_i32_0 = arith.constant 0 : i32
    %c0_i32_1 = arith.constant 0 : i32
    return %c0_i32, %arg0, %c0_i32_0 : i32, i32, i32
  }
}

module attributes {stable_mosaic.version = 14 : i64} {
  func.func @body(%arg0: i32, %arg1: memref<4x1000x128xf32, #tpu.memory_space<vmem>>, %arg2: memref<2x1000x16xf32, #tpu.memory_space<vmem>>, %arg3: memref<1x512xf32, #tpu.memory_space<vmem>>, %arg4: memref<512x256xf32, #tpu.memory_space<vmem>>, %arg5: memref<2x1000x128xf32, #tpu.memory_space<vmem>>) attributes {dimension_semantics = [#tpu.dimension_semantics<arbitrary>], iteration_bounds = array<i64: 10>, scalar_prefetch = 0 : i64, scratch_operands = 0 : i64, tpu.core_type = #tpu.core_type<tc>, window_params = [{transform_indices = @transform_0, window_bounds = array<i64: 4, 1000, 128>}, {transform_indices = @transform_1, window_bounds = array<i64: 2, 1000, 16>}, {pipeline_mode = #tpu.pipeline_mode<synchronous>, transform_indices = @transform_2, window_bounds = array<i64: 1, 512>}, {pipeline_mode = #tpu.pipeline_mode<synchronous>, transform_indices = @transform_3, window_bounds = array<i64: 512, 256>}, {transform_indices = @transform_4, window_bounds = array<i64: 2, 1000, 128>}]} {
    %get3A = arith.constant 0 : index
    %get3A_0 = arith.constant 0 : index
    %get3A_1 = arith.constant 0 : index
    %get3A_2 = vector.load %arg2[%get3A, %get3A_0, %get3A_1] : memref<2x1000x16xf32, #tpu.memory_space<vmem>>, vector<1x1000x1xf32>
    %get3A_3 = vector.shape_cast %get3A_2 : vector<1x1000x1xf32> to vector<1000x1xf32>
    %get3A_4 = arith.constant 1 : index
    %get3A_5 = arith.constant 0 : index
    %get3A_6 = arith.constant 0 : index
    %get3A_7 = vector.load %arg2[%get3A_4, %get3A_5, %get3A_6] : memref<2x1000x16xf32, #tpu.memory_space<vmem>>, vector<1x1000x1xf32>
    %get3A_8 = vector.shape_cast %get3A_7 : vector<1x1000x1xf32> to vector<1000x1xf32>
    %add3A = arith.addf %get3A_3, %get3A_8 : vector<1000x1xf32>
    %add3A_9 = arith.constant 1.000000e+00 : f32
    %add3A_10 = vector.broadcast %add3A_9 : f32 to vector<1000x1xf32>
    %add3A_11 = arith.addf %add3A, %add3A_10 : vector<1000x1xf32>
    %rsqrt3A = math.rsqrt %add3A_11 : vector<1000x1xf32>
    %get3A_12 = arith.constant 0 : index
    %get3A_13 = arith.constant 0 : index
    %get3A_14 = arith.constant 0 : index
    %get3A_15 = vector.load %arg1[%get3A_12, %get3A_13, %get3A_14] : memref<4x1000x128xf32, #tpu.memory_space<vmem>>, vector<1x1000x128xf32>
    %get3A_16 = vector.shape_cast %get3A_15 : vector<1x1000x128xf32> to vector<1000x128xf32>
    %get3A_17 = arith.constant 1 : index
    %get3A_18 = arith.constant 0 : index
    %get3A_19 = arith.constant 0 : index
    %get3A_20 = vector.load %arg1[%get3A_17, %get3A_18, %get3A_19] : memref<4x1000x128xf32, #tpu.memory_space<vmem>>, vector<1x1000x128xf32>
    %get3A_21 = vector.shape_cast %get3A_20 : vector<1x1000x128xf32> to vector<1000x128xf32>
    %get3A_22 = arith.constant 2 : index
    %get3A_23 = arith.constant 0 : index
    %get3A_24 = arith.constant 0 : index
    %get3A_25 = vector.load %arg1[%get3A_22, %get3A_23, %get3A_24] : memref<4x1000x128xf32, #tpu.memory_space<vmem>>, vector<1x1000x128xf32>
    %get3A_26 = vector.shape_cast %get3A_25 : vector<1x1000x128xf32> to vector<1000x128xf32>
    %get3A_27 = arith.constant 3 : index
    %get3A_28 = arith.constant 0 : index
    %get3A_29 = arith.constant 0 : index
    %get3A_30 = vector.load %arg1[%get3A_27, %get3A_28, %get3A_29] : memref<4x1000x128xf32, #tpu.memory_space<vmem>>, vector<1x1000x128xf32>
    %get3A_31 = vector.shape_cast %get3A_30 : vector<1x1000x128xf32> to vector<1000x128xf32>
    %concatenate3A = tpu.concatenate %get3A_16, %get3A_21, %get3A_26, %get3A_31 in 1 : vector<1000x128xf32>, vector<1000x128xf32>, vector<1000x128xf32>, vector<1000x128xf32> -> vector<1000x512xf32>
    %mul3A = vector.broadcast %rsqrt3A : vector<1000x1xf32> to vector<1000x512xf32>
    %mul3A_32 = arith.mulf %concatenate3A, %mul3A : vector<1000x512xf32>
    %get3A_33 = arith.constant 0 : index
    %get3A_34 = arith.constant 0 : index
    %get3A_35 = vector.load %arg3[%get3A_33, %get3A_34] : memref<1x512xf32, #tpu.memory_space<vmem>>, vector<1x512xf32>
    %get3A_36 = vector.shape_cast %get3A_35 : vector<1x512xf32> to vector<512xf32>
    %broadcast_in_dim3A = vector.shape_cast %get3A_36 : vector<512xf32> to vector<1x512xf32>
    %add3A_37 = vector.broadcast %broadcast_in_dim3A : vector<1x512xf32> to vector<1000x512xf32>
    %add3A_38 = arith.addf %mul3A_32, %add3A_37 : vector<1000x512xf32>
    %max3A = arith.constant 0.000000e+00 : f32
    %max3A_39 = vector.broadcast %max3A : f32 to vector<1000x512xf32>
    %max3A_40 = arith.maximumf %add3A_38, %max3A_39 : vector<1000x512xf32>
    %get3A_41 = arith.constant 0 : index
    %get3A_42 = arith.constant 0 : index
    %get3A_43 = vector.load %arg4[%get3A_41, %get3A_42] : memref<512x256xf32, #tpu.memory_space<vmem>>, vector<512x256xf32>
    %dot_general3A = arith.constant dense<0.000000e+00> : vector<1000x256xf32>
    %dot_general3A_44 = tpu.matmul %max3A_40, %get3A_43, %dot_general3A {dimension_numbers = #tpu.dot_dimension_numbers<[1], [0], [0], [1], [0, 0, 1, 1], [], []>, transpose_lhs_hint = false} : vector<1000x512xf32>, vector<512x256xf32>, vector<1000x256xf32> -> vector<1000x256xf32>
    %mul3A_45 = vector.broadcast %rsqrt3A : vector<1000x1xf32> to vector<1000x256xf32>
    %mul3A_46 = arith.mulf %dot_general3A_44, %mul3A_45 : vector<1000x256xf32>
    %slice3A = vector.extract_strided_slice %mul3A_46 {offsets = [0, 0], sizes = [1000, 128], strides = [1, 1]} : vector<1000x256xf32> to vector<1000x128xf32>
    %swap3A = arith.constant 0 : index
    %swap3A_47 = arith.constant 0 : index
    %swap3A_48 = arith.constant 0 : index
    %swap3A_49 = vector.load %arg5[%swap3A, %swap3A_47, %swap3A_48] : memref<2x1000x128xf32, #tpu.memory_space<vmem>>, vector<1x1000x128xf32>
    %swap3A_50 = vector.shape_cast %swap3A_49 : vector<1x1000x128xf32> to vector<1000x128xf32>
    %swap3A_51 = vector.shape_cast %slice3A : vector<1000x128xf32> to vector<1x1000x128xf32>
    tpu.vector_store %arg5[%swap3A, %swap3A_47, %swap3A_48], %swap3A_51 {strides = array<i32>} : memref<2x1000x128xf32, #tpu.memory_space<vmem>>, vector<1x1000x128xf32>,
    %slice3A_52 = vector.extract_strided_slice %mul3A_46 {offsets = [0, 128], sizes = [1000, 128], strides = [1, 1]} : vector<1000x256xf32> to vector<1000x128xf32>
    %swap3A_53 = arith.constant 1 : index
    %swap3A_54 = arith.constant 0 : index
    %swap3A_55 = arith.constant 0 : index
    %swap3A_56 = vector.load %arg5[%swap3A_53, %swap3A_54, %swap3A_55] : memref<2x1000x128xf32, #tpu.memory_space<vmem>>, vector<1x1000x128xf32>
    %swap3A_57 = vector.shape_cast %swap3A_56 : vector<1x1000x128xf32> to vector<1000x128xf32>
    %swap3A_58 = vector.shape_cast %slice3A_52 : vector<1000x128xf32> to vector<1x1000x128xf32>
    tpu.vector_store %arg5[%swap3A_53, %swap3A_54, %swap3A_55], %swap3A_58 {strides = array<i32>} : memref<2x1000x128xf32, #tpu.memory_space<vmem>>, vector<1x1000x128xf32>,
    return
  }
  func.func @transform_0(%arg0: i32) -> (i32, i32, i32) {
    %c0_i32 = arith.constant 0 : i32
    %c0_i32_0 = arith.constant 0 : i32
    %c0_i32_1 = arith.constant 0 : i32
    return %c0_i32, %arg0, %c0_i32_0 : i32, i32, i32
  }
  func.func @transform_1(%arg0: i32) -> (i32, i32, i32) {
    %c0_i32 = arith.constant 0 : i32
    %c0_i32_0 = arith.constant 0 : i32
    %c0_i32_1 = arith.constant 0 : i32
    return %c0_i32, %arg0, %c0_i32_0 : i32, i32, i32
  }
  func.func @transform_2(%arg0: i32) -> (i32, i32) {
    %c0_i32 = arith.constant 0 : i32
    %c0_i32_0 = arith.constant 0 : i32
    %c0_i32_1 = arith.constant 0 : i32
    return %c0_i32, %c0_i32_0 : i32, i32
  }
  func.func @transform_3(%arg0: i32) -> (i32, i32) {
    %c0_i32 = arith.constant 0 : i32
    %c0_i32_0 = arith.constant 0 : i32
    %c0_i32_1 = arith.constant 0 : i32
    return %c0_i32, %c0_i32_0 : i32, i32
  }
  func.func @transform_4(%arg0: i32) -> (i32, i32, i32) {
    %c0_i32 = arith.constant 0 : i32
    %c0_i32_0 = arith.constant 0 : i32
    %c0_i32_1 = arith.constant 0 : i32
    return %c0_i32, %arg0, %c0_i32_0 : i32, i32, i32
  }
}

module attributes {stable_mosaic.version = 14 : i64} {
  func.func @body(%arg0: i32, %arg1: memref<2x1000x128xf32, #tpu.memory_space<vmem>>, %arg2: memref<2x1000x16xf32, #tpu.memory_space<vmem>>, %arg3: memref<1x256xf32, #tpu.memory_space<vmem>>, %arg4: memref<1000x1xi32, #tpu.memory_space<vmem>>, %arg5: memref<64x256xf32, #tpu.memory_space<vmem>>, %arg6: memref<512x256xf32, #tpu.memory_space<vmem>>, %arg7: memref<1x256xf32, #tpu.memory_space<vmem>>, %arg8: memref<256x64xf32, #tpu.memory_space<vmem>>, %arg9: memref<1x64xf32, #tpu.memory_space<vmem>>, %arg10: memref<64x128xf32, #tpu.memory_space<vmem>>, %arg11: memref<1x128xf32, #tpu.memory_space<vmem>>, %arg12: memref<64x128xf32, #tpu.memory_space<vmem>>, %arg13: memref<64x256xf32, #tpu.memory_space<vmem>>, %arg14: memref<64x8xf32, #tpu.memory_space<vmem>>) attributes {dimension_semantics = [#tpu.dimension_semantics<arbitrary>], iteration_bounds = array<i64: 10>, scalar_prefetch = 0 : i64, scratch_operands = 2 : i64, tpu.core_type = #tpu.core_type<tc>, window_params = [{transform_indices = @transform_0, window_bounds = array<i64: 2, 1000, 128>}, {transform_indices = @transform_1, window_bounds = array<i64: 2, 1000, 16>}, {pipeline_mode = #tpu.pipeline_mode<synchronous>, transform_indices = @transform_2, window_bounds = array<i64: 1, 256>}, {transform_indices = @transform_3, window_bounds = array<i64: 1000, 1>}, {pipeline_mode = #tpu.pipeline_mode<synchronous>, transform_indices = @transform_4, window_bounds = array<i64: 64, 256>}, {pipeline_mode = #tpu.pipeline_mode<synchronous>, transform_indices = @transform_5, window_bounds = array<i64: 512, 256>}, {pipeline_mode = #tpu.pipeline_mode<synchronous>, transform_indices = @transform_6, window_bounds = array<i64: 1, 256>}, {pipeline_mode = #tpu.pipeline_mode<synchronous>, transform_indices = @transform_7, window_bounds = array<i64: 256, 64>}, {pipeline_mode = #tpu.pipeline_mode<synchronous>, transform_indices = @transform_8, window_bounds = array<i64: 1, 64>}, {pipeline_mode = #tpu.pipeline_mode<synchronous>, transform_indices = @transform_9, window_bounds = array<i64: 64, 128>}, {pipeline_mode = #tpu.pipeline_mode<synchronous>, transform_indices = @transform_10, window_bounds = array<i64: 1, 128>}, {pipeline_mode = #tpu.pipeline_mode<synchronous>, transform_indices = @transform_11, window_bounds = array<i64: 64, 128>}]} {
    %eq3A = arith.constant 0 : i32
    %eq3A_0 = arith.cmpi eq, %arg0, %eq3A : i32
    %convert_element_type3A = arith.extui %eq3A_0 : i1 to i32
    %cond3A = arith.constant 0 : i32
    %cond3A_1 = arith.cmpi ne, %convert_element_type3A, %cond3A : i32
    scf.if %cond3A_1 {
      %broadcast_in_dim3A_61 = arith.constant 0.000000e+00 : f32
      %broadcast_in_dim3A_62 = vector.broadcast %broadcast_in_dim3A_61 : f32 to vector<64x256xf32>
      %swap3A_63 = arith.constant 0 : index
      %swap3A_64 = arith.constant 0 : index
      %swap3A_65 = vector.load %arg13[%swap3A_63, %swap3A_64] : memref<64x256xf32, #tpu.memory_space<vmem>>, vector<64x256xf32>
      tpu.vector_store %arg13[%swap3A_63, %swap3A_64], %broadcast_in_dim3A_62 {strides = array<i32>} : memref<64x256xf32, #tpu.memory_space<vmem>>, vector<64x256xf32>,
      %broadcast_in_dim3A_66 = arith.constant 0.000000e+00 : f32
      %broadcast_in_dim3A_67 = vector.broadcast %broadcast_in_dim3A_66 : f32 to vector<64x8xf32>
      %swap3A_68 = arith.constant 0 : index
      %swap3A_69 = arith.constant 0 : index
      %swap3A_70 = vector.load %arg14[%swap3A_68, %swap3A_69] : memref<64x8xf32, #tpu.memory_space<vmem>>, vector<64x8xf32>
      tpu.vector_store %arg14[%swap3A_68, %swap3A_69], %broadcast_in_dim3A_67 {strides = array<i32>} : memref<64x8xf32, #tpu.memory_space<vmem>>, vector<64x8xf32>,
    } else {
    }
    %get3A = arith.constant 0 : index
    %get3A_2 = arith.constant 0 : index
    %get3A_3 = arith.constant 0 : index
    %get3A_4 = vector.load %arg2[%get3A, %get3A_2, %get3A_3] : memref<2x1000x16xf32, #tpu.memory_space<vmem>>, vector<1x1000x1xf32>
    %get3A_5 = vector.shape_cast %get3A_4 : vector<1x1000x1xf32> to vector<1000x1xf32>
    %get3A_6 = arith.constant 1 : index
    %get3A_7 = arith.constant 0 : index
    %get3A_8 = arith.constant 0 : index
    %get3A_9 = vector.load %arg2[%get3A_6, %get3A_7, %get3A_8] : memref<2x1000x16xf32, #tpu.memory_space<vmem>>, vector<1x1000x1xf32>
    %get3A_10 = vector.shape_cast %get3A_9 : vector<1x1000x1xf32> to vector<1000x1xf32>
    %add3A = arith.addf %get3A_5, %get3A_10 : vector<1000x1xf32>
    %add3A_11 = arith.constant 1.000000e+00 : f32
    %add3A_12 = vector.broadcast %add3A_11 : f32 to vector<1000x1xf32>
    %add3A_13 = arith.addf %add3A, %add3A_12 : vector<1000x1xf32>
    %rsqrt3A = math.rsqrt %add3A_13 : vector<1000x1xf32>
    %get3A_14 = arith.constant 0 : index
    %get3A_15 = arith.constant 0 : index
    %get3A_16 = arith.constant 0 : index
    %get3A_17 = vector.load %arg1[%get3A_14, %get3A_15, %get3A_16] : memref<2x1000x128xf32, #tpu.memory_space<vmem>>, vector<1x1000x128xf32>
    %get3A_18 = vector.shape_cast %get3A_17 : vector<1x1000x128xf32> to vector<1000x128xf32>
    %get3A_19 = arith.constant 1 : index
    %get3A_20 = arith.constant 0 : index
    %get3A_21 = arith.constant 0 : index
    %get3A_22 = vector.load %arg1[%get3A_19, %get3A_20, %get3A_21] : memref<2x1000x128xf32, #tpu.memory_space<vmem>>, vector<1x1000x128xf32>
    %get3A_23 = vector.shape_cast %get3A_22 : vector<1x1000x128xf32> to vector<1000x128xf32>
    %concatenate3A = tpu.concatenate %get3A_18, %get3A_23 in 1 : vector<1000x128xf32>, vector<1000x128xf32> -> vector<1000x256xf32>
    %mul3A = vector.broadcast %rsqrt3A : vector<1000x1xf32> to vector<1000x256xf32>
    %mul3A_24 = arith.mulf %concatenate3A, %mul3A : vector<1000x256xf32>
    %get3A_25 = arith.constant 0 : index
    %get3A_26 = arith.constant 0 : index
    %get3A_27 = vector.load %arg3[%get3A_25, %get3A_26] : memref<1x256xf32, #tpu.memory_space<vmem>>, vector<1x256xf32>
    %get3A_28 = vector.shape_cast %get3A_27 : vector<1x256xf32> to vector<256xf32>
    %broadcast_in_dim3A = vector.shape_cast %get3A_28 : vector<256xf32> to vector<1x256xf32>
    %add3A_29 = vector.broadcast %broadcast_in_dim3A : vector<1x256xf32> to vector<1000x256xf32>
    %add3A_30 = arith.addf %mul3A_24, %add3A_29 : vector<1000x256xf32>
    %get3A_31 = arith.constant 0 : index
    %get3A_32 = arith.constant 0 : index
    %get3A_33 = vector.load %arg4[%get3A_31, %get3A_32] : memref<1000x1xi32, #tpu.memory_space<vmem>>, vector<1000x1xi32>
    %iota3A = tpu.iota {dimensions = array<i32: 1>} : vector<1000x64xi32>
    %eq3A_34 = vector.broadcast %get3A_33 : vector<1000x1xi32> to vector<1000x64xi32>
    %eq3A_35 = arith.cmpi eq, %eq3A_34, %iota3A : vector<1000x64xi32>
    %convert_element_type3A_36 = arith.extui %eq3A_35 : vector<1000x64xi1> to vector<1000x64xi32>
    %convert_element_type3A_37 = arith.sitofp %convert_element_type3A_36 : vector<1000x64xi32> to vector<1000x64xf32>
    %get3A_38 = arith.constant 0 : index
    %get3A_39 = arith.constant 0 : index
    %get3A_40 = vector.load %arg13[%get3A_38, %get3A_39] : memref<64x256xf32, #tpu.memory_space<vmem>>, vector<64x256xf32>
    %dot_general3A = arith.constant dense<0.000000e+00> : vector<64x256xf32>
    %dot_general3A_41 = tpu.matmul %convert_element_type3A_37, %add3A_30, %dot_general3A {dimension_numbers = #tpu.dot_dimension_numbers<[0], [0], [1], [1], [0, 1, 1, 1], [], []>, transpose_lhs_hint = false} : vector<1000x64xf32>, vector<1000x256xf32>, vector<64x256xf32> -> vector<64x256xf32>
    %add3A_42 = arith.addf %get3A_40, %dot_general3A_41 : vector<64x256xf32>
    %swap3A = arith.constant 0 : index
    %swap3A_43 = arith.constant 0 : index
    %swap3A_44 = vector.load %arg13[%swap3A, %swap3A_43] : memref<64x256xf32, #tpu.memory_space<vmem>>, vector<64x256xf32>
    tpu.vector_store %arg13[%swap3A, %swap3A_43], %add3A_42 {strides = array<i32>} : memref<64x256xf32, #tpu.memory_space<vmem>>, vector<64x256xf32>,
    %get3A_45 = arith.constant 0 : index
    %get3A_46 = arith.constant 0 : index
    %get3A_47 = vector.load %arg14[%get3A_45, %get3A_46] : memref<64x8xf32, #tpu.memory_space<vmem>>, vector<64x8xf32>
    %broadcast_in_dim3A_48 = arith.constant 1.000000e+00 : f32
    %broadcast_in_dim3A_49 = vector.broadcast %broadcast_in_dim3A_48 : f32 to vector<1000x8xf32>
    %dot_general3A_50 = arith.constant dense<0.000000e+00> : vector<64x8xf32>
    %dot_general3A_51 = tpu.matmul %convert_element_type3A_37, %broadcast_in_dim3A_49, %dot_general3A_50 {dimension_numbers = #tpu.dot_dimension_numbers<[0], [0], [1], [1], [0, 1, 1, 1], [], []>, transpose_lhs_hint = false} : vector<1000x64xf32>, vector<1000x8xf32>, vector<64x8xf32> -> vector<64x8xf32>
    %add3A_52 = arith.addf %get3A_47, %dot_general3A_51 : vector<64x8xf32>
    %swap3A_53 = arith.constant 0 : index
    %swap3A_54 = arith.constant 0 : index
    %swap3A_55 = vector.load %arg14[%swap3A_53, %swap3A_54] : memref<64x8xf32, #tpu.memory_space<vmem>>, vector<64x8xf32>
    tpu.vector_store %arg14[%swap3A_53, %swap3A_54], %add3A_52 {strides = array<i32>} : memref<64x8xf32, #tpu.memory_space<vmem>>, vector<64x8xf32>,
    %eq3A_56 = arith.constant 9 : i32
    %eq3A_57 = arith.cmpi eq, %arg0, %eq3A_56 : i32
    %convert_element_type3A_58 = arith.extui %eq3A_57 : i1 to i32
    %cond3A_59 = arith.constant 0 : i32
    %cond3A_60 = arith.cmpi ne, %convert_element_type3A_58, %cond3A_59 : i32
    scf.if %cond3A_60 {
      %get3A_61 = arith.constant 0 : index
      %get3A_62 = arith.constant 0 : index
      %get3A_63 = vector.load %arg13[%get3A_61, %get3A_62] : memref<64x256xf32, #tpu.memory_space<vmem>>, vector<64x256xf32>
      %get3A_64 = arith.constant 0 : index
      %get3A_65 = arith.constant 0 : index
      %get3A_66 = vector.load %arg14[%get3A_64, %get3A_65] : memref<64x8xf32, #tpu.memory_space<vmem>>, vector<64x1xf32>
      %max3A = arith.constant 1.000000e+00 : f32
      %max3A_67 = vector.broadcast %max3A : f32 to vector<64x1xf32>
      %max3A_68 = arith.maximumf %get3A_66, %max3A_67 : vector<64x1xf32>
      %div3A = vector.broadcast %max3A_68 : vector<64x1xf32> to vector<64x256xf32>
      %div3A_69 = arith.divf %get3A_63, %div3A : vector<64x256xf32>
      %mul3A_70 = arith.mulf %div3A_69, %div3A_69 : vector<64x256xf32>
      %reduce_sum3A = arith.constant dense<0.000000e+00> : vector<64xf32>
      %reduce_sum3A_71 = vector.multi_reduction <add>, %mul3A_70, %reduce_sum3A [1] : vector<64x256xf32> to vector<64xf32>
      %broadcast_in_dim3A_72 = vector.shape_cast %reduce_sum3A_71 : vector<64xf32> to vector<64x1xf32>
      %sqrt3A = math.sqrt %broadcast_in_dim3A_72 : vector<64x1xf32>
      %max3A_73 = arith.constant 9.99999996E-13 : f32
      %max3A_74 = vector.broadcast %max3A_73 : f32 to vector<64x1xf32>
      %max3A_75 = arith.maximumf %sqrt3A, %max3A_74 : vector<64x1xf32>
      %div3A_76 = vector.broadcast %max3A_75 : vector<64x1xf32> to vector<64x256xf32>
      %div3A_77 = arith.divf %div3A_69, %div3A_76 : vector<64x256xf32>
      %get3A_78 = arith.constant 0 : index
      %get3A_79 = arith.constant 0 : index
      %get3A_80 = vector.load %arg6[%get3A_78, %get3A_79] : memref<512x256xf32, #tpu.memory_space<vmem>>, vector<256x256xf32>
      %dot_general3A_81 = arith.constant dense<0.000000e+00> : vector<64x256xf32>
      %dot_general3A_82 = tpu.matmul %div3A_77, %get3A_80, %dot_general3A_81 {dimension_numbers = #tpu.dot_dimension_numbers<[1], [0], [0], [1], [0, 0, 1, 1], [], []>, transpose_lhs_hint = false} : vector<64x256xf32>, vector<256x256xf32>, vector<64x256xf32> -> vector<64x256xf32>
      %get3A_83 = arith.constant 0 : index
      %get3A_84 = arith.constant 0 : index
      %get3A_85 = vector.load %arg5[%get3A_83, %get3A_84] : memref<64x256xf32, #tpu.memory_space<vmem>>, vector<64x256xf32>
      %get3A_86 = arith.constant 256 : index
      %get3A_87 = arith.constant 0 : index
      %get3A_88 = vector.load %arg6[%get3A_86, %get3A_87] : memref<512x256xf32, #tpu.memory_space<vmem>>, vector<256x256xf32>
      %dot_general3A_89 = arith.constant dense<0.000000e+00> : vector<64x256xf32>
      %dot_general3A_90 = tpu.matmul %get3A_85, %get3A_88, %dot_general3A_89 {dimension_numbers = #tpu.dot_dimension_numbers<[1], [0], [0], [1], [0, 0, 1, 1], [], []>, transpose_lhs_hint = false} : vector<64x256xf32>, vector<256x256xf32>, vector<64x256xf32> -> vector<64x256xf32>
      %add3A_91 = arith.addf %dot_general3A_82, %dot_general3A_90 : vector<64x256xf32>
      %get3A_92 = arith.constant 0 : index
      %get3A_93 = arith.constant 0 : index
      %get3A_94 = vector.load %arg7[%get3A_92, %get3A_93] : memref<1x256xf32, #tpu.memory_space<vmem>>, vector<1x256xf32>
      %get3A_95 = vector.shape_cast %get3A_94 : vector<1x256xf32> to vector<256xf32>
      %broadcast_in_dim3A_96 = vector.shape_cast %get3A_95 : vector<256xf32> to vector<1x256xf32>
      %add3A_97 = vector.broadcast %broadcast_in_dim3A_96 : vector<1x256xf32> to vector<64x256xf32>
      %add3A_98 = arith.addf %add3A_91, %add3A_97 : vector<64x256xf32>
      %max3A_99 = arith.constant 0.000000e+00 : f32
      %max3A_100 = vector.broadcast %max3A_99 : f32 to vector<64x256xf32>
      %max3A_101 = arith.maximumf %add3A_98, %max3A_100 : vector<64x256xf32>
      %get3A_102 = arith.constant 0 : index
      %get3A_103 = arith.constant 0 : index
      %get3A_104 = vector.load %arg8[%get3A_102, %get3A_103] : memref<256x64xf32, #tpu.memory_space<vmem>>, vector<256x64xf32>
      %dot_general3A_105 = arith.constant dense<0.000000e+00> : vector<64x64xf32>
      %dot_general3A_106 = tpu.matmul %max3A_101, %get3A_104, %dot_general3A_105 {dimension_numbers = #tpu.dot_dimension_numbers<[1], [0], [0], [1], [0, 0, 1, 1], [], []>, transpose_lhs_hint = false} : vector<64x256xf32>, vector<256x64xf32>, vector<64x64xf32> -> vector<64x64xf32>
      %get3A_107 = arith.constant 0 : index
      %get3A_108 = arith.constant 0 : index
      %get3A_109 = vector.load %arg9[%get3A_107, %get3A_108] : memref<1x64xf32, #tpu.memory_space<vmem>>, vector<1x64xf32>
      %get3A_110 = vector.shape_cast %get3A_109 : vector<1x64xf32> to vector<64xf32>
      %broadcast_in_dim3A_111 = vector.shape_cast %get3A_110 : vector<64xf32> to vector<1x64xf32>
      %add3A_112 = vector.broadcast %broadcast_in_dim3A_111 : vector<1x64xf32> to vector<64x64xf32>
      %add3A_113 = arith.addf %dot_general3A_106, %add3A_112 : vector<64x64xf32>
      %max3A_114 = arith.constant 0.000000e+00 : f32
      %max3A_115 = vector.broadcast %max3A_114 : f32 to vector<64x64xf32>
      %max3A_116 = arith.maximumf %add3A_113, %max3A_115 : vector<64x64xf32>
      %get3A_117 = arith.constant 0 : index
      %get3A_118 = arith.constant 0 : index
      %get3A_119 = vector.load %arg10[%get3A_117, %get3A_118] : memref<64x128xf32, #tpu.memory_space<vmem>>, vector<64x128xf32>
      %dot_general3A_120 = arith.constant dense<0.000000e+00> : vector<64x128xf32>
      %dot_general3A_121 = tpu.matmul %max3A_116, %get3A_119, %dot_general3A_120 {dimension_numbers = #tpu.dot_dimension_numbers<[1], [0], [0], [1], [0, 0, 1, 1], [], []>, transpose_lhs_hint = false} : vector<64x64xf32>, vector<64x128xf32>, vector<64x128xf32> -> vector<64x128xf32>
      %get3A_122 = arith.constant 0 : index
      %get3A_123 = arith.constant 0 : index
      %get3A_124 = vector.load %arg11[%get3A_122, %get3A_123] : memref<1x128xf32, #tpu.memory_space<vmem>>, vector<1x128xf32>
      %get3A_125 = vector.shape_cast %get3A_124 : vector<1x128xf32> to vector<128xf32>
      %broadcast_in_dim3A_126 = vector.shape_cast %get3A_125 : vector<128xf32> to vector<1x128xf32>
      %add3A_127 = vector.broadcast %broadcast_in_dim3A_126 : vector<1x128xf32> to vector<64x128xf32>
      %add3A_128 = arith.addf %dot_general3A_121, %add3A_127 : vector<64x128xf32>
      %logistic3A = arith.negf %add3A_128 : vector<64x128xf32>
      %logistic3A_129 = math.exp %logistic3A : vector<64x128xf32>
      %logistic3A_130 = arith.constant 1.000000e+00 : f32
      %logistic3A_131 = vector.broadcast %logistic3A_130 : f32 to vector<64x128xf32>
      %logistic3A_132 = arith.addf %logistic3A_131, %logistic3A_129 : vector<64x128xf32>
      %logistic3A_133 = arith.divf %logistic3A_131, %logistic3A_132 : vector<64x128xf32>
      %swap3A_134 = arith.constant 0 : index
      %swap3A_135 = arith.constant 0 : index
      %swap3A_136 = vector.load %arg12[%swap3A_134, %swap3A_135] : memref<64x128xf32, #tpu.memory_space<vmem>>, vector<64x128xf32>
      tpu.vector_store %arg12[%swap3A_134, %swap3A_135], %logistic3A_133 {strides = array<i32>} : memref<64x128xf32, #tpu.memory_space<vmem>>, vector<64x128xf32>,
    } else {
    }
    return
  }
  func.func @transform_0(%arg0: i32) -> (i32, i32, i32) {
    %c0_i32 = arith.constant 0 : i32
    %c0_i32_0 = arith.constant 0 : i32
    %c0_i32_1 = arith.constant 0 : i32
    return %c0_i32, %arg0, %c0_i32_0 : i32, i32, i32
  }
  func.func @transform_1(%arg0: i32) -> (i32, i32, i32) {
    %c0_i32 = arith.constant 0 : i32
    %c0_i32_0 = arith.constant 0 : i32
    %c0_i32_1 = arith.constant 0 : i32
    return %c0_i32, %arg0, %c0_i32_0 : i32, i32, i32
  }
  func.func @transform_2(%arg0: i32) -> (i32, i32) {
    %c0_i32 = arith.constant 0 : i32
    %c0_i32_0 = arith.constant 0 : i32
    %c0_i32_1 = arith.constant 0 : i32
    return %c0_i32, %c0_i32_0 : i32, i32
  }
  func.func @transform_3(%arg0: i32) -> (i32, i32) {
    %c0_i32 = arith.constant 0 : i32
    %c0_i32_0 = arith.constant 0 : i32
    return %arg0, %c0_i32 : i32, i32
  }
  func.func @transform_4(%arg0: i32) -> (i32, i32) {
    %c0_i32 = arith.constant 0 : i32
    %c0_i32_0 = arith.constant 0 : i32
    %c0_i32_1 = arith.constant 0 : i32
    return %c0_i32, %c0_i32_0 : i32, i32
  }
  func.func @transform_5(%arg0: i32) -> (i32, i32) {
    %c0_i32 = arith.constant 0 : i32
    %c0_i32_0 = arith.constant 0 : i32
    %c0_i32_1 = arith.constant 0 : i32
    return %c0_i32, %c0_i32_0 : i32, i32
  }
  func.func @transform_6(%arg0: i32) -> (i32, i32) {
    %c0_i32 = arith.constant 0 : i32
    %c0_i32_0 = arith.constant 0 : i32
    %c0_i32_1 = arith.constant 0 : i32
    return %c0_i32, %c0_i32_0 : i32, i32
  }
  func.func @transform_7(%arg0: i32) -> (i32, i32) {
    %c0_i32 = arith.constant 0 : i32
    %c0_i32_0 = arith.constant 0 : i32
    %c0_i32_1 = arith.constant 0 : i32
    return %c0_i32, %c0_i32_0 : i32, i32
  }
  func.func @transform_8(%arg0: i32) -> (i32, i32) {
    %c0_i32 = arith.constant 0 : i32
    %c0_i32_0 = arith.constant 0 : i32
    %c0_i32_1 = arith.constant 0 : i32
    return %c0_i32, %c0_i32_0 : i32, i32
  }
  func.func @transform_9(%arg0: i32) -> (i32, i32) {
    %c0_i32 = arith.constant 0 : i32
    %c0_i32_0 = arith.constant 0 : i32
    %c0_i32_1 = arith.constant 0 : i32
    return %c0_i32, %c0_i32_0 : i32, i32
  }
  func.func @transform_10(%arg0: i32) -> (i32, i32) {
    %c0_i32 = arith.constant 0 : i32
    %c0_i32_0 = arith.constant 0 : i32
    %c0_i32_1 = arith.constant 0 : i32
    return %c0_i32, %c0_i32_0 : i32, i32
  }
  func.func @transform_11(%arg0: i32) -> (i32, i32) {
    %c0_i32 = arith.constant 0 : i32
    %c0_i32_0 = arith.constant 0 : i32
    %c0_i32_1 = arith.constant 0 : i32
    return %c0_i32, %c0_i32_0 : i32, i32
  }
}

</mosaic_0001>

<sc_bundles>
// kernel: kernel.12.cloned.1.call-start
scs
__scs_entry_jumppad:
0x0: {  	(pc) =	sbr.rel $0x88, $3  }
0x1: {  	(tag) =	ssettag $0x0;
	lr =	simm.s32 $0x1  }
0x2: {  	[smem:$0x3F8F] =	sst lr;
	_ =	strace $0xD0000000  }
0x3: {  	_ = 	snop  }
0x4: {  	_ = 	snop  }
0x5: {  	_ = 	snop  }
0x6: {  	_ = 	snop  }
0x7: {  	_ = 	snop  }
__scs_overlays_trampoline_lowered:
0x8: {  	[smem:$0x3F9E] =	sst s0  }
0x9: {  	[smem:$0x3F9F] =	sst s1  }
0xa: {  	[smem:$0x3FA0] =	sst s2  }
0xb: {  	[smem:$0x3FA1] =	sst s3  }
0xc: {  	[smem:$0x3FA2] =	sst s4  }
0xd: {  	[smem:$0x3FA3] =	sst s5  }
0xe: {  	[smem:$0x3FA4] =	sst s6  }
0xf: {  	[smem:$0x3FA5] =	sst s7  }
0x10: {  	[smem:$0x3FA6] =	sst s8  }
0x11: {  	[smem:$0x3FA7] =	sst s9;
	s0 =	simm.s32 @!p0 $0x0  }
0x12: {  	s1 =	sld [smem:$0x3F8D];
	s0 =	simm.s32 @p0 $0x1  }
0x13: {  	[smem:$0x3FA8] =	sst s0;
	s0 =	simm.s32 @!p1 $0x0  }
0x14: {  	s2 =	sld [smem:$0x3F8C];
	s0 =	simm.s32 @p1 $0x1  }
0x15: {  	[smem:$0x3FA9] =	sst s0;
	s0 =	simm.s32 @!p2 $0x0  }
0x16: {  	s3 =	sld [smem:$0x3FDB];
	s0 =	simm.s32 @p2 $0x1  }
0x17: {  	s4 =	simm.s32 $0x1BF5;
	[smem:$0x3FAB] =	sst s0  }
0x18: {  	s0 =	sld [smem:$0x3F8E];
	_ =	swait.ge [sflag:s4], $0x0  }
0x19: {  	s7 =	sld [smem:$0x3F8F]  }
0x1a: {  	s8 =	sadd.s32 $0xFFFFE003, lr  }
0x1b: {  	s9 =	sadd.s32 $0xFFFFFEF7, lr;
	s5 =	simm.s32 $0xFFFFFFFF;
	p2 =	slt.u32 s8, $0xFFFFF086  }
0x1c: {  	p1 =	slt.u32 s9, $0xF7A;
	s5 =	simm.s32 @!p2 $0x0  }
0x1d: {  	s5 =	simm.s32 @p1 $0x1;
	p0 =	seq.s32 s7, s2  }
0x1e: {  	s7 =	smul.u32 @!p0 $0xF7A, s2;
	p2 =	seq.s32 @!p0 s5, $0x0  }
0x1f: {  	s9 =	smul.u32 $0xF7A, s1;
	s8 =	simm.s32 @!p0 $0x1BF5;
	p2 =	por !p2, p0  }
0x20: {  	[sflag:s8] =	ssyncset.s32 @!p0 $0xFFFFF086;
	s6 =	sadd.s32 @!p0 s3, s7;
	s7 =	simm.s32 @!p0 $0x108  }
0x21: {  	s3 =	sadd.s32 s3, s9;
	s6 =	sadd.s32 @!p0 $0x88, s6;
	s7 =	simm.s32 @p2 $0x1082  }
0x22: {  	[simem:s7], [sflag:s8] =	dma.local @!p0 [hbm:s6], $0xF7A  }
0x23: {  	s9 =	sor.u32 $0xD0000000, s2;
	s6 =	simm.s32 $0x108;
	_ =	swait.ge @!p0 [sflag:s8], $0x0  }
0x24: {  	s3 =	sadd.s32 $0x88, s3;
	s6 =	simm.s32 @!p1 $0x1082;
	[sflag:s4] =	ssyncset.s32 $0xFFFFF086  }
0x25: {  	[simem:s6], [sflag:s4] =	dma.local [hbm:s3], $0xF7A  }
0x26: {  	[smem:$0x3F8F] =	sst s1;
	(tag) =	ssettag s2;
	_ =	strace s9  }
0x27: {  	s1 =	sld [smem:$0x3F9F]  }
0x28: {  	s2 =	sld [smem:$0x3FA0]  }
0x29: {  	s4 =	sld [smem:$0x3FA2]  }
0x2a: {  	p0 =	seq.s32 s5, $0x0;
	s5 =	sld [smem:$0x3FA3]  }
0x2b: {  	s6 =	sld [smem:$0x3FA4]  }
0x2c: {  	s7 =	sld [smem:$0x3FA5]  }
0x2d: {  	s3 =	simm.s32 $0x108;
	s8 =	sld [smem:$0x3FA6]  }
0x2e: {  	s3 =	simm.s32 @!p0 $0x1082;
	s9 =	sld [smem:$0x3FA7]  }
0x2f: {  	lr =	sadd.s32 s0, s3;
	s0 =	sld [smem:$0x3F9E]  }
0x30: {  	s3 =	sld [smem:$0x3FA1]  }
0x31: {  	[smem:$0x3FAA] =	sst s10  }
0x32: {  	s10 =	sld [smem:$0x3FA8];
	_ =	sdelay $0x3  }
0x33: {  	p0 =	seq.s32 s10, $0x1;
	s10 =	sld [smem:$0x3FAA];
	_ =	sdelay $0x3  }
0x34: {  	[smem:$0x3FAA] =	sst s10  }
0x35: {  	s10 =	sld [smem:$0x3FA9];
	_ =	sdelay $0x3  }
0x36: {  	p1 =	seq.s32 s10, $0x1;
	s10 =	sld [smem:$0x3FAA];
	_ =	sdelay $0x3  }
0x37: {  	[smem:$0x3FAA] =	sst s10  }
0x38: {  	s10 =	sld [smem:$0x3FAB]  }
0x39: {  	_ = 	snop;
	(pc) =	sbr.ind lr, $3  }
0x3a: {  	_ = 	snop  }
0x3b: {  	_ = 	snop  }
0x3c: {  	p2 =	seq.s32 s10, $0x1;
	s10 =	sld [smem:$0x3FAA]  }
0x3d: {  	_ =	shalt  }
0x3e: {  	_ =	shalt  }
0x3f: {  	_ =	shalt  }
0x40: {  	_ =	shalt  }
0x41: {  	_ =	shalt  }
0x42: {  	_ =	shalt  }
0x43: {  	_ =	shalt  }
0x44: {  	_ =	shalt  }
0x45: {  	_ =	shalt  }
0x46: {  	_ =	shalt  }
0x47: {  	_ =	shalt  }
0x48: {  	_ =	shalt  }
0x49: {  	_ =	shalt  }
0x4a: {  	_ =	shalt  }
0x4b: {  	_ =	shalt  }
0x4c: {  	_ =	shalt  }
0x4d: {  	_ =	shalt  }
0x4e: {  	_ =	shalt  }
0x4f: {  	_ =	shalt  }
0x50: {  	_ =	shalt  }
0x51: {  	_ =	shalt  }
0x52: {  	_ =	shalt  }
0x53: {  	_ =	shalt  }
0x54: {  	_ =	shalt  }
0x55: {  	_ =	shalt  }
0x56: {  	_ =	shalt  }
0x57: {  	_ =	shalt  }
0x58: {  	_ =	shalt  }
0x59: {  	_ =	shalt  }
0x5a: {  	_ =	shalt  }
0x5b: {  	_ =	shalt  }
0x5c: {  	_ =	shalt  }
0x5d: {  	_ =	shalt  }
0x5e: {  	_ =	shalt  }
0x5f: {  	_ =	shalt  }
0x60: {  	_ =	shalt  }
0x61: {  	_ =	shalt  }
0x62: {  	_ =	shalt  }
0x63: {  	_ =	shalt  }
0x64: {  	_ =	shalt  }
0x65: {  	_ =	shalt  }
0x66: {  	_ =	shalt  }
0x67: {  	_ =	shalt  }
0x68: {  	_ =	shalt  }
0x69: {  	_ =	shalt  }
0x6a: {  	_ =	shalt  }
0x6b: {  	_ =	shalt  }
0x6c: {  	_ =	shalt  }
0x6d: {  	_ =	shalt  }
0x6e: {  	_ =	shalt  }
0x6f: {  	_ =	shalt  }
0x70: {  	_ =	shalt  }
0x71: {  	_ =	shalt  }
0x72: {  	_ =	shalt  }
0x73: {  	_ =	shalt  }
0x74: {  	_ =	shalt  }
0x75: {  	_ =	shalt  }
0x76: {  	_ =	shalt  }
0x77: {  	_ =	shalt  }
0x78: {  	_ =	shalt  }
0x79: {  	_ =	shalt  }
0x7a: {  	_ =	shalt  }
0x7b: {  	_ =	shalt  }
0x7c: {  	_ =	shalt  }
0x7d: {  	_ =	shalt  }
0x7e: {  	_ =	shalt  }
0x7f: {  	_ =	shalt  }
0x80: {  	_ =	shalt  }
0x81: {  	_ =	shalt  }
0x82: {  	_ =	shalt  }
0x83: {  	_ =	shalt  }
0x84: {  	_ =	shalt  }
0x85: {  	_ =	shalt  }
0x86: {  	_ =	shalt  }
0x87: {  	_ =	shalt  }
.Lfunc_end0:
.L_simem_size_0:
called_computation_lowered:
.L_overlay_start_0:
0x88: {  	s2 =	sld [smem:$0x3FD9]  }
0x89: {  	s3 =	sld [smem:$0x3FFE];
	_ =	sdelay $0x1  }
0x8a: {  	s1 =	srdreg.scid  }
0x8b: {  	s0 =	sand.u32 $0x1, s1  }
0x8c: {  	s16 =	sshll.u32 s0, $0xA;
	s2 =	sadd.s32 s3, s2  }
0x8d: {  	s2 =	sadd.s32 s2, s16  }
0x8e: {  	[smem:$0x3FB6] =	sst s2  }
0x8f: {  	_ = 	snop  }
0x90: {  	(tm) =	ssettm $0x1  }
0x91: {  	s17 =	sld [smem:$0x3FFB];
	_ =	sdelay $0x3  }
0x92: {  	_ =	strace s17  }
0x93: {  	s2 =	sld [smem:$0x3FFC];
	_ =	sdelay $0x3  }
0x94: {  	_ =	strace s2  }
0x95: {  	s2 =	sld [smem:$0x3FFD];
	_ =	sdelay $0x3  }
0x96: {  	_ =	strace s2  }
0x97: {  	_ =	strace $0x8FFFFFFF  }
0x98: {  	s18 =	sld [smem:$0x3FDB];
	_ =	sdelay $0x1  }
0x99: {  	s19 =	simm.s32 $_scs_section_size  }
0x9a: {  	s4 =	simm.s32 $_size__tile_overlayer_lowered;
	s5 =	simm.s32 $_tile_overlayer_lowered  }
0x9b: {  	s22 =	simm.s32 $0x1BFF;
	s21 =	sshll.u32 s5, $0x1;
	s2 =	sadd.s32 s19, s18  }
0x9c: {  	s6 =	simm.s32 $0x0;
	s20 =	sshll.u32 s4, $0x1;
	s4 =	sadd.s32 s21, s2  }
0x9d: {  	[timem:s6], [sflag:s22] =	dma.local [hbm:s4], s20  }
0x9e: {  	_ =	swait.ge [sflag:s22], s20  }
0x9f: {  	s3 =	ssub.s32 $0x0, s20;
	[sflag:s22] =	ssyncset.done $0x0  }
0xa0: {  	[sflag:s22] =	ssyncadd.s32 s3;
	_ =	sdelay $0x1  }
0xa1: {  	s23 =	simm.s32 $0x1B8B  }
0xa2: {  	_ =	swait.ge [sflag:s23], $0x1  }
0xa3: {  	[sflag:s23] =	ssyncset.done $0x0  }
0xa4: {  	s25 =	simm.s32 $0x1B8E;
	s24 =	sld [smem:$0x3FFE];
	[sflag:s23] =	ssyncadd.s32 $0xFFFFFFFF  }
0xa5: {  	s26 =	simm.s32 $execute0_lowered;
	[smem:$0x3FD2] =	sst s25  }
0xa6: {  	s4 =	sshll.u32 s26, $0x1;
	_ =	strace $0x80000046;
	[dreg:$0x1] =	wrdreg $0xFFFFFFFF  }
0xa7: {  	s28 =	simm.s32 $_size_execute0_lowered;
	s2 =	sadd.s32 s2, s4;
	[dreg:$0x0] =	wrdreg $0x0  }
0xa8: {  	s4 =	sshll.u32 s28, $0x1;
	[dreg:$0x2] =	wrdreg s2  }
0xa9: {  	[dreg:$0x3] =	wrdreg s4  }
0xaa: {  	[dreg:$0x4] =	wrdreg $0xC0  }
0xab: {  	_ =	task [dreg:s6], $0x5FFFF  }
0xac: {  	[dreg:$0x1] =	wrdreg $0xFFFFFFFF  }
0xad: {  	[dreg:$0x0] =	wrdreg $0x60  }
0xae: {  	[dreg:$0x2] =	wrdreg s24  }
0xaf: {  	[dreg:$0x3] =	wrdreg $0x54000  }
0xb0: {  	[dreg:$0x4] =	wrdreg $0x9  }
0xb1: {  	_ =	task.clear_ibuf [dreg:s6], $0x5FFFF;
	_ =	strace $0x90000046  }
0xb2: {  	s29 =	simm.s32 $0x9;
	_ =	strace $0x80000048  }
0xb3: {  	_ =	swait.ge [sflag:s29], $0x1  }
0xb4: {  	[sflag:s29] =	ssyncadd.s32 $0xFFFFFFFF  }
0xb5: {  	_ =	strace $0x90000048  }
0xb6: {  	_ =	sfence  }
0xb7: {  	s30 =	sld [smem:$0x0];
	_ =	sdelay $0x2  }
0xb8: {  	s31 =	sshll.u32 s1, $0xD;
	s1 =	sshrl.u32 s1, $0x2  }
0xb9: {  	s3 =	sand.u32 $0x4000, s31;
	s1 =	sadd.s32 s1, s30  }
0xba: {  	s0 =	sor.u32 s3, s0;
	s1 =	sshll.u32 s1, $0x11  }
0xbb: {  	s0 =	sor.u32 s1, s0  }
0xbc: {  	s0 =	sadd.s32 $0x8F2B, s0  }
0xbd: {  	[sflag:s0] =	ssyncadd.remote.s32 $0x1  }
0xbe: {  	_ =	sfence.sel $0xFFFF  }
0xbf: {  	[dreg:$0x0] =	wrdreg $0xFFFFFFFF;
	(pc) =	sbr.abs _section_cstart, $3  }
0xc0: {  	[dreg:$0x1] =	wrdreg $0xFFFFFFFF  }
0xc1: {  	_ =	task.clear_ibuf [dreg:s6], $0x2FFFF;
	_ =	strace $0x9FFFFFFF  }
0xc2: {  	(tm) =	ssettm $0x7FFFFFFF  }
0xc3: {  	_ =	shalt  }
tec
execute0_lowered:
.L_overlay_start_1:
0x0: {  	(tag) =	ssettag $0x1  }
0x1: {  	s0 =	srdreg.scid;
	s7 =	rddreg [dreg:$0x0]  }
0x2: {  	s2 =	rddreg [dreg:$0x1];
	s6 =	sand.u32 $0x1, s0;
	s0 =	stileid.u32  }
0x3: {  	s3 =	simm.s32 $0x0;
	s13 =	simm.s32 $0x80;
	s8 =	smul.u32 $0x2780, s0  }
0x4: {  	s14 =	simm.s32 $0x0;
	[smem:$0x7FF] =	sst s3;
	s9 =	smul.u32 $0x27800, s6  }
0x5: {  	s5 =	sadd.s32 $0xAC00, s7;
	s1 =	sshll.u32 s6, $0x4;
	s11 =	smul.u32 $0x4F000, s0  }
0x6: {  	s6 =	ssub.s32 $0x2, s6;
	s31 =	sshll.u32 s0, $0x6;
	s4 =	sor.u32 s0, s1  }
0x7: {  	s1 =	rddreg [dreg:$0x2];
	_ =	strace $0x80000047;
	s28 =	sshrl.u32 s6, $0x1  }
0x8: {  	s4 =	smul.u32 $0x280, s4;
	s8 =	sadd.s32 s8, s9;
	s29 =	sshrl.u32 s11, $0x2  }
0x9: {  	s30 =	ssub.s32 s6, s28;
	s6 =	sor.u32 $0x1C01, s31;
	s11 =	simm.s32 $0x1  }
0xa: {  	s8 =	sadd.s32 s8, s7;
	s12 =	sadd.s32 s29, s2;
	s9 =	smax.u32 s30, $0x1  }
0xb: {  	s10 =	sadd.s32 s4, s7;
	s4 =	sadd.s32 $0x8400, s7;
	s8 =	sadd.s32 $0xB400, s8  }
0xc: {  	s7 =	sadd.s32 $0x3400, s10;
	s10 =	sshrl.u32 s12, $0x3;
	s12 =	simm.s32 $0x1400  }
.LBB2_1:
0xd: {  	[spmem:s10], [sflag:s6] =	dma.local [hbm:s4], $0x2780  }
0xe: {  	_ =	swait.ge [sflag:s11], $0x2780  }
0xf: {  	[sflag:s11] =	ssyncset.done $0x0  }
0x10: {  	[sflag:s11] =	ssyncadd.s32 $0xFFFFD880  }
0x11: {  	[tilespmem:s12], [sflag:$0x1] =	stream.linear.gather [hbm4b:s5+s3], $0x4000, $0x38;
	[tilespmem:$0x7B80] =	vst v63  }
0x12: {  	_ =	swait.ge [sflag:s11], $0x4000  }
0x13: {  	[sflag:s11] =	ssyncset.done $0x0  }
0x14: {  	[sflag:s11] =	ssyncadd.s32 $0xFFFFC000  }
0x15: {  	[tilespmem:s3], [sflag:$0x1] =	stream.linear.gather [hbm4b:s7+s3], $0x1400, $0x38;
	[tilespmem:$0x7B80] =	vst v63  }
0x16: {  	_ =	swait.ge [sflag:s11], $0x1400  }
0x17: {  	[sflag:s11] =	ssyncset.done $0x0  }
0x18: {  	[sflag:s11] =	ssyncadd.s32 $0xFFFFEC00  }
0x19: {  	s15 =	simm.s32 $0x0;
	[bflag:$0x0] =	sbarrier.arrive $0xFFFF  }
0x1a: {  	[spmem:s2] =	stream.indirect.scatter.add.f32 [tilespmem:s12], [sflag:$0x1], $0x10, s15, s13, $0xb8;
	[tilespmem:$0x7B80] =	vst v63  }
0x1b: {  	_ =	swait.ge [sflag:s11], $0x800  }
0x1c: {  	s15 =	simm.s32 $0x200;
	[sflag:s11] =	ssyncset.done $0x0  }
.LBB2_2:
0x1d: {  	s16 =	sshra.s32 s15, $0x2;
	[sflag:s11] =	ssyncadd.s32 $0xFFFFF800;
	p0 =	sne.s32 s15, $0x4E00  }
0x1e: {  	[spmem:s2] =	stream.indirect.scatter.add.f32 [tilespmem:s12], [sflag:$0x1], $0x10, s16, s13, $0xb8;
	[tilespmem:$0x7B80] =	vst v63  }
.Ltmp0:
0x1f: {  	_ = 	snop;
	(pc) =	sbr.rel @p0 .LBB2_2-.Ltmp0, $4  }
0x20: {  	_ = 	snop  }
0x21: {  	s15 =	sadd.s32 $0x200, s15  }
0x22: {  	_ =	swait.ge [sflag:s11], $0x800  }
0x23: {  	[sflag:s11] =	ssyncset.done $0x0  }
0x24: {  	s14 =	sadd.s32 $0x1, s14  }
0x25: {  	[sflag:s11] =	ssyncadd.s32 $0xFFFFF800;
	p0 =	sne.s32 s14, s9  }
.Ltmp1:
0x26: {  	[bflag:$0x0] =	sbarrier.arrive $0xFFFF;
	(pc) =	sbr.rel @p0 .LBB2_1-.Ltmp1, $4  }
0x27: {  	[hbm:s8], [sflag:s6] =	dma.local [spmem:s10], $0x2780  }
0x28: {  	_ =	swait.ge [sflag:s11], $0x2780  }
0x29: {  	[sflag:s11] =	ssyncset.done $0x0  }
0x2a: {  	[sflag:s11] =	ssyncadd.s32 $0xFFFFD880  }
0x2b: {  	_ =	sfence.sel $0x180000  }
0x2c: {  	[bflag:$0x0] =	sbarrier.arrive $0xFFFF  }
0x2d: {  	p0 =	sne.s32 s0, $0x0;
	_ =	strace $0x90000047  }
0x2e: {  	s0 =	sadd.s32 @!p0 $0x100000, s1;
	[bflag:$0x2] =	sbarrier.arrive $0xFFFF  }
0x2f: {  	[sflag:s0] =	ssyncadd.tile.s32 @!p0 $0x1;
	_ =	shalt  }
.Lfunc_end2:
_tile_overlayer_lowered:
.L_overlay_start_2:
0x30: {  	(tag) =	ssettag $0x2  }
0x31: {  	s0 =	rddreg [dreg:$0x0];
	s2 =	stileid.u32  }
0x32: {  	s1 =	rddreg [dreg:$0x1];
	p0 =	sne.s32 s2, $0x0  }
0x33: {  	s3 =	rddreg [dreg:$0x2];
	[bflag:$0x3] =	sbarrier.arrive $0xFFFF;
	s2 =	simm.s32 @!p0 $0x1C01  }
0x34: {  	[timem:s3], [sflag:s2] =	dma.local @!p0 [hbm:s0], s1  }
0x35: {  	s0 =	simm.s32 @!p0 $0x1  }
0x36: {  	_ =	swait.ge @!p0 [sflag:s0], s1  }
0x37: {  	s1 =	ssub.s32 @!p0 $0x0, s1;
	[sflag:s0] =	ssyncset.done @!p0 $0x0  }
0x38: {  	[sflag:s0] =	ssyncadd.s32 @!p0 s1  }
0x39: {  	[bflag:$0x3] =	sbarrier.arrive $0xFFFF  }
0x3a: {  	_ =	shalt  }

// kernel: kernel.15.cloned.1.call-start
scs
__scs_entry_jumppad:
0x0: {  	(pc) =	sbr.rel $0x88, $3  }
0x1: {  	(tag) =	ssettag $0x0;
	lr =	simm.s32 $0x1  }
0x2: {  	[smem:$0x3F8F] =	sst lr;
	_ =	strace $0xD0000000  }
0x3: {  	_ = 	snop  }
0x4: {  	_ = 	snop  }
0x5: {  	_ = 	snop  }
0x6: {  	_ = 	snop  }
0x7: {  	_ = 	snop  }
__scs_overlays_trampoline_lowered:
0x8: {  	[smem:$0x3F9E] =	sst s0  }
0x9: {  	[smem:$0x3F9F] =	sst s1  }
0xa: {  	[smem:$0x3FA0] =	sst s2  }
0xb: {  	[smem:$0x3FA1] =	sst s3  }
0xc: {  	[smem:$0x3FA2] =	sst s4  }
0xd: {  	[smem:$0x3FA3] =	sst s5  }
0xe: {  	[smem:$0x3FA4] =	sst s6  }
0xf: {  	[smem:$0x3FA5] =	sst s7  }
0x10: {  	[smem:$0x3FA6] =	sst s8  }
0x11: {  	[smem:$0x3FA7] =	sst s9;
	s0 =	simm.s32 @!p0 $0x0  }
0x12: {  	s1 =	sld [smem:$0x3F8D];
	s0 =	simm.s32 @p0 $0x1  }
0x13: {  	[smem:$0x3FA8] =	sst s0;
	s0 =	simm.s32 @!p1 $0x0  }
0x14: {  	s2 =	sld [smem:$0x3F8C];
	s0 =	simm.s32 @p1 $0x1  }
0x15: {  	[smem:$0x3FA9] =	sst s0;
	s0 =	simm.s32 @!p2 $0x0  }
0x16: {  	s3 =	sld [smem:$0x3FDB];
	s0 =	simm.s32 @p2 $0x1  }
0x17: {  	s4 =	simm.s32 $0x1BF5;
	[smem:$0x3FAB] =	sst s0  }
0x18: {  	s0 =	sld [smem:$0x3F8E];
	_ =	swait.ge [sflag:s4], $0x0  }
0x19: {  	s7 =	sld [smem:$0x3F8F]  }
0x1a: {  	s8 =	sadd.s32 $0xFFFFE003, lr  }
0x1b: {  	s9 =	sadd.s32 $0xFFFFFEF7, lr;
	s5 =	simm.s32 $0xFFFFFFFF;
	p2 =	slt.u32 s8, $0xFFFFF086  }
0x1c: {  	p1 =	slt.u32 s9, $0xF7A;
	s5 =	simm.s32 @!p2 $0x0  }
0x1d: {  	s5 =	simm.s32 @p1 $0x1;
	p0 =	seq.s32 s7, s2  }
0x1e: {  	s7 =	smul.u32 @!p0 $0xF7A, s2;
	p2 =	seq.s32 @!p0 s5, $0x0  }
0x1f: {  	s9 =	smul.u32 $0xF7A, s1;
	s8 =	simm.s32 @!p0 $0x1BF5;
	p2 =	por !p2, p0  }
0x20: {  	[sflag:s8] =	ssyncset.s32 @!p0 $0xFFFFF086;
	s6 =	sadd.s32 @!p0 s3, s7;
	s7 =	simm.s32 @!p0 $0x108  }
0x21: {  	s3 =	sadd.s32 s3, s9;
	s6 =	sadd.s32 @!p0 $0x88, s6;
	s7 =	simm.s32 @p2 $0x1082  }
0x22: {  	[simem:s7], [sflag:s8] =	dma.local @!p0 [hbm:s6], $0xF7A  }
0x23: {  	s9 =	sor.u32 $0xD0000000, s2;
	s6 =	simm.s32 $0x108;
	_ =	swait.ge @!p0 [sflag:s8], $0x0  }
0x24: {  	s3 =	sadd.s32 $0x88, s3;
	s6 =	simm.s32 @!p1 $0x1082;
	[sflag:s4] =	ssyncset.s32 $0xFFFFF086  }
0x25: {  	[simem:s6], [sflag:s4] =	dma.local [hbm:s3], $0xF7A  }
0x26: {  	[smem:$0x3F8F] =	sst s1;
	(tag) =	ssettag s2;
	_ =	strace s9  }
0x27: {  	s1 =	sld [smem:$0x3F9F]  }
0x28: {  	s2 =	sld [smem:$0x3FA0]  }
0x29: {  	s4 =	sld [smem:$0x3FA2]  }
0x2a: {  	p0 =	seq.s32 s5, $0x0;
	s5 =	sld [smem:$0x3FA3]  }
0x2b: {  	s6 =	sld [smem:$0x3FA4]  }
0x2c: {  	s7 =	sld [smem:$0x3FA5]  }
0x2d: {  	s3 =	simm.s32 $0x108;
	s8 =	sld [smem:$0x3FA6]  }
0x2e: {  	s3 =	simm.s32 @!p0 $0x1082;
	s9 =	sld [smem:$0x3FA7]  }
0x2f: {  	lr =	sadd.s32 s0, s3;
	s0 =	sld [smem:$0x3F9E]  }
0x30: {  	s3 =	sld [smem:$0x3FA1]  }
0x31: {  	[smem:$0x3FAA] =	sst s10  }
0x32: {  	s10 =	sld [smem:$0x3FA8];
	_ =	sdelay $0x3  }
0x33: {  	p0 =	seq.s32 s10, $0x1;
	s10 =	sld [smem:$0x3FAA];
	_ =	sdelay $0x3  }
0x34: {  	[smem:$0x3FAA] =	sst s10  }
0x35: {  	s10 =	sld [smem:$0x3FA9];
	_ =	sdelay $0x3  }
0x36: {  	p1 =	seq.s32 s10, $0x1;
	s10 =	sld [smem:$0x3FAA];
	_ =	sdelay $0x3  }
0x37: {  	[smem:$0x3FAA] =	sst s10  }
0x38: {  	s10 =	sld [smem:$0x3FAB]  }
0x39: {  	_ = 	snop;
	(pc) =	sbr.ind lr, $3  }
0x3a: {  	_ = 	snop  }
0x3b: {  	_ = 	snop  }
0x3c: {  	p2 =	seq.s32 s10, $0x1;
	s10 =	sld [smem:$0x3FAA]  }
0x3d: {  	_ =	shalt  }
0x3e: {  	_ =	shalt  }
0x3f: {  	_ =	shalt  }
0x40: {  	_ =	shalt  }
0x41: {  	_ =	shalt  }
0x42: {  	_ =	shalt  }
0x43: {  	_ =	shalt  }
0x44: {  	_ =	shalt  }
0x45: {  	_ =	shalt  }
0x46: {  	_ =	shalt  }
0x47: {  	_ =	shalt  }
0x48: {  	_ =	shalt  }
0x49: {  	_ =	shalt  }
0x4a: {  	_ =	shalt  }
0x4b: {  	_ =	shalt  }
0x4c: {  	_ =	shalt  }
0x4d: {  	_ =	shalt  }
0x4e: {  	_ =	shalt  }
0x4f: {  	_ =	shalt  }
0x50: {  	_ =	shalt  }
0x51: {  	_ =	shalt  }
0x52: {  	_ =	shalt  }
0x53: {  	_ =	shalt  }
0x54: {  	_ =	shalt  }
0x55: {  	_ =	shalt  }
0x56: {  	_ =	shalt  }
0x57: {  	_ =	shalt  }
0x58: {  	_ =	shalt  }
0x59: {  	_ =	shalt  }
0x5a: {  	_ =	shalt  }
0x5b: {  	_ =	shalt  }
0x5c: {  	_ =	shalt  }
0x5d: {  	_ =	shalt  }
0x5e: {  	_ =	shalt  }
0x5f: {  	_ =	shalt  }
0x60: {  	_ =	shalt  }
0x61: {  	_ =	shalt  }
0x62: {  	_ =	shalt  }
0x63: {  	_ =	shalt  }
0x64: {  	_ =	shalt  }
0x65: {  	_ =	shalt  }
0x66: {  	_ =	shalt  }
0x67: {  	_ =	shalt  }
0x68: {  	_ =	shalt  }
0x69: {  	_ =	shalt  }
0x6a: {  	_ =	shalt  }
0x6b: {  	_ =	shalt  }
0x6c: {  	_ =	shalt  }
0x6d: {  	_ =	shalt  }
0x6e: {  	_ =	shalt  }
0x6f: {  	_ =	shalt  }
0x70: {  	_ =	shalt  }
0x71: {  	_ =	shalt  }
0x72: {  	_ =	shalt  }
0x73: {  	_ =	shalt  }
0x74: {  	_ =	shalt  }
0x75: {  	_ =	shalt  }
0x76: {  	_ =	shalt  }
0x77: {  	_ =	shalt  }
0x78: {  	_ =	shalt  }
0x79: {  	_ =	shalt  }
0x7a: {  	_ =	shalt  }
0x7b: {  	_ =	shalt  }
0x7c: {  	_ =	shalt  }
0x7d: {  	_ =	shalt  }
0x7e: {  	_ =	shalt  }
0x7f: {  	_ =	shalt  }
0x80: {  	_ =	shalt  }
0x81: {  	_ =	shalt  }
0x82: {  	_ =	shalt  }
0x83: {  	_ =	shalt  }
0x84: {  	_ =	shalt  }
0x85: {  	_ =	shalt  }
0x86: {  	_ =	shalt  }
0x87: {  	_ =	shalt  }
.Lfunc_end0:
.L_simem_size_0:
called_computation.1_lowered:
.L_overlay_start_0:
0x88: {  	s2 =	sld [smem:$0x3FD9]  }
0x89: {  	s3 =	sld [smem:$0x3FFE];
	_ =	sdelay $0x1  }
0x8a: {  	s1 =	srdreg.scid  }
0x8b: {  	s0 =	sand.u32 $0x1, s1  }
0x8c: {  	s16 =	sshll.u32 s0, $0xA;
	s2 =	sadd.s32 s3, s2  }
0x8d: {  	s2 =	sadd.s32 s2, s16  }
0x8e: {  	[smem:$0x3FB6] =	sst s2  }
0x8f: {  	_ = 	snop  }
0x90: {  	(tm) =	ssettm $0x1  }
0x91: {  	s17 =	sld [smem:$0x3FFB];
	_ =	sdelay $0x3  }
0x92: {  	_ =	strace s17  }
0x93: {  	s2 =	sld [smem:$0x3FFC];
	_ =	sdelay $0x3  }
0x94: {  	_ =	strace s2  }
0x95: {  	s2 =	sld [smem:$0x3FFD];
	_ =	sdelay $0x3  }
0x96: {  	_ =	strace s2  }
0x97: {  	_ =	strace $0x8FFFFFFF  }
0x98: {  	s18 =	sld [smem:$0x3FDB];
	_ =	sdelay $0x1  }
0x99: {  	s19 =	simm.s32 $_scs_section_size  }
0x9a: {  	s4 =	simm.s32 $_size__tile_overlayer_lowered;
	s5 =	simm.s32 $_tile_overlayer_lowered  }
0x9b: {  	s22 =	simm.s32 $0x1BFF;
	s21 =	sshll.u32 s5, $0x1;
	s2 =	sadd.s32 s19, s18  }
0x9c: {  	s6 =	simm.s32 $0x0;
	s20 =	sshll.u32 s4, $0x1;
	s4 =	sadd.s32 s21, s2  }
0x9d: {  	[timem:s6], [sflag:s22] =	dma.local [hbm:s4], s20  }
0x9e: {  	_ =	swait.ge [sflag:s22], s20  }
0x9f: {  	s3 =	ssub.s32 $0x0, s20;
	[sflag:s22] =	ssyncset.done $0x0  }
0xa0: {  	[sflag:s22] =	ssyncadd.s32 s3;
	_ =	sdelay $0x1  }
0xa1: {  	s23 =	simm.s32 $0x1B8B  }
0xa2: {  	_ =	swait.ge [sflag:s23], $0x1  }
0xa3: {  	[sflag:s23] =	ssyncset.done $0x0  }
0xa4: {  	s25 =	simm.s32 $0x1B8E;
	s24 =	sld [smem:$0x3FFE];
	[sflag:s23] =	ssyncadd.s32 $0xFFFFFFFF  }
0xa5: {  	s26 =	simm.s32 $execute0_lowered;
	[smem:$0x3FD2] =	sst s25  }
0xa6: {  	s4 =	sshll.u32 s26, $0x1;
	_ =	strace $0x80000049;
	[dreg:$0x1] =	wrdreg $0xFFFFFFFF  }
0xa7: {  	s28 =	simm.s32 $_size_execute0_lowered;
	s2 =	sadd.s32 s2, s4;
	[dreg:$0x0] =	wrdreg $0x0  }
0xa8: {  	s4 =	sshll.u32 s28, $0x1;
	[dreg:$0x2] =	wrdreg s2  }
0xa9: {  	[dreg:$0x3] =	wrdreg s4  }
0xaa: {  	[dreg:$0x4] =	wrdreg $0xC0  }
0xab: {  	_ =	task [dreg:s6], $0x5FFFF  }
0xac: {  	[dreg:$0x1] =	wrdreg $0xFFFFFFFF  }
0xad: {  	[dreg:$0x0] =	wrdreg $0x60  }
0xae: {  	[dreg:$0x2] =	wrdreg s24  }
0xaf: {  	[dreg:$0x3] =	wrdreg $0xA8000  }
0xb0: {  	[dreg:$0x4] =	wrdreg $0x9  }
0xb1: {  	_ =	task.clear_ibuf [dreg:s6], $0x5FFFF;
	_ =	strace $0x90000049  }
0xb2: {  	s29 =	simm.s32 $0x9;
	_ =	strace $0x8000004B  }
0xb3: {  	_ =	swait.ge [sflag:s29], $0x1  }
0xb4: {  	[sflag:s29] =	ssyncadd.s32 $0xFFFFFFFF  }
0xb5: {  	_ =	strace $0x9000004B  }
0xb6: {  	_ =	sfence  }
0xb7: {  	s30 =	sld [smem:$0x0];
	_ =	sdelay $0x2  }
0xb8: {  	s31 =	sshll.u32 s1, $0xD;
	s1 =	sshrl.u32 s1, $0x2  }
0xb9: {  	s3 =	sand.u32 $0x4000, s31;
	s1 =	sadd.s32 s1, s30  }
0xba: {  	s0 =	sor.u32 s3, s0;
	s1 =	sshll.u32 s1, $0x11  }
0xbb: {  	s0 =	sor.u32 s1, s0  }
0xbc: {  	s0 =	sadd.s32 $0x8F2B, s0  }
0xbd: {  	[sflag:s0] =	ssyncadd.remote.s32 $0x1  }
0xbe: {  	_ =	sfence.sel $0xFFFF  }
0xbf: {  	[dreg:$0x0] =	wrdreg $0xFFFFFFFF;
	(pc) =	sbr.abs _section_cstart, $3  }
0xc0: {  	[dreg:$0x1] =	wrdreg $0xFFFFFFFF  }
0xc1: {  	_ =	task.clear_ibuf [dreg:s6], $0x2FFFF;
	_ =	strace $0x9FFFFFFF  }
0xc2: {  	(tm) =	ssettm $0x7FFFFFFF  }
0xc3: {  	_ =	shalt  }
tec
execute0_lowered:
.L_overlay_start_1:
0x0: {  	(tag) =	ssettag $0x1  }
0x1: {  	s0 =	rddreg [dreg:$0x0]  }
0x2: {  	s1 =	rddreg [dreg:$0x1];
	s3 =	simm.s32 $0x0;
	s2 =	stileid.u32  }
0x3: {  	s6 =	srdreg.scid;
	s19 =	simm.s32 $0x1400;
	s20 =	simm.s32 $0x2  }
0x4: {  	s21 =	simm.s32 $0x80;
	s22 =	simm.s32 $0x6800;
	s28 =	simm.s32 $0x0  }
0x5: {  	[smem:$0x7FF] =	sst s3;
	s4 =	sadd.s32 $0x73400, s0;
	s5 =	smul.u32 $0x2800, s2  }
0x6: {  	s12 =	sadd.s32 $0x5F400, s0;
	s6 =	sand.u32 $0x1, s6;
	s11 =	smul.u32 $0x278, s2  }
0x7: {  	s8 =	smul.u32 $0x4F000, s2;
	s31 =	sshll.u32 s2, $0x6;
	_ =	strace $0x8000004A  }
0x8: {  	s7 =	ssub.s32 $0x2, s6;
	s9 =	smul.u32 $0x4F00, s6;
	s24 =	sshll.u32 s6, $0x5  }
0x9: {  	s6 =	sshllo.u32 s6, $0x1;
	s5 =	sshrl.u32 s5, $0x3;
	s23 =	sshrl.u32 s7, $0x1  }
0xa: {  	s25 =	sshrl.u32 s8, $0x2;
	s30 =	sshll.u32 s6, $0x4;
	s14 =	smul.u32 $0x2780, s6  }
0xb: {  	s10 =	sadd.s32 s5, s0;
	s0 =	sadd.s32 $0x111400, s0;
	s16 =	ssub.s32 s7, s23  }
0xc: {  	s26 =	sadd.s32 s11, s9;
	s5 =	sor.u32 s2, s24;
	s17 =	sadd.s32 s25, s1  }
0xd: {  	s7 =	sor.u32 s2, s30;
	s23 =	simm.s32 $0x4;
	s24 =	simm.s32 $0x3  }
0xe: {  	s25 =	simm.s32 $0x1;
	s13 =	sshll.u32 s26, $0x4;
	s29 =	smul.u32 $0x2800, s5  }
0xf: {  	s15 =	smul.u32 $0x2800, s7;
	s7 =	sor.u32 $0x1C05, s31;
	s14 =	sadd.s32 s11, s14  }
0x10: {  	s16 =	smax.u32 s16, $0x1;
	s17 =	sshrl.u32 s17, $0x3;
	s26 =	simm.s32 $0x2800  }
.Ltmp0:
0x11: {  	s5 =	sadd.s32 s4, s13;
	s11 =	sadd.s32 s0, s13;
	(pc) =	sbr.rel .LBB2_1-.Ltmp0, $4  }
0x12: {  	s18 =	sshll.u32 s14, $0x4;
	s8 =	sshrl.u32 s29, $0x3;
	s15 =	sshrl.u32 s15, $0x3  }
0x13: {  	s13 =	sadd.s32 s4, s18;
	s6 =	sadd.s32 s12, s8;
	s8 =	sadd.s32 $0x3400, s10  }
0x14: {  	s10 =	sadd.s32 $0x3680, s10;
	s12 =	sadd.s32 s12, s15;
	s15 =	sadd.s32 s0, s18  }
0x15: {  	s18 =	simm.s32 $0x5;
	s9 =	sadd.s32 $0x280, s6;
	s14 =	sadd.s32 $0x280, s12  }
.LBB2_41:
0x16: {  	_ =	swait.ge [sflag:s24], $0x4000  }
0x17: {  	[sflag:s24] =	ssyncset.done $0x0  }
0x18: {  	[sflag:s24] =	ssyncadd.s32 $0xFFFFC000  }
0x19: {  	_ =	swait.ge [sflag:s23], $0x4000  }
0x1a: {  	[sflag:s23] =	ssyncset.done $0x0  }
0x1b: {  	s28 =	sadd.s32 $0x1, s28;
	[sflag:s23] =	ssyncadd.s32 $0xFFFFC000  }
0x1c: {  	p0 =	sne.s32 s28, s16;
	[bflag:$0x0] =	sbarrier.arrive $0xFFFF  }
0x1d: {  	[hbm:s15], [sflag:s7] =	dma.local [spmem:s17], $0x2780  }
.Ltmp1:
0x1e: {  	_ =	swait.ge [sflag:s18], $0x2780;
	(pc) =	sbr.rel @!p0 .LBB2_42-.Ltmp1, $3  }
0x1f: {  	[sflag:s18] =	ssyncset.done $0x0  }
0x20: {  	[sflag:s18] =	ssyncadd.s32 $0xFFFFD880  }
0x21: {  	[bflag:$0x0] =	sbarrier.arrive $0xFFFF;
	_ =	sdelay $0x1  }
.LBB2_1:
0x22: {  	[spmem:s17], [sflag:s7] =	dma.local [hbm:s5], $0x2780  }
0x23: {  	_ =	swait.ge [sflag:s18], $0x2780  }
0x24: {  	[sflag:s18] =	ssyncset.done $0x0  }
0x25: {  	[sflag:s18] =	ssyncadd.s32 $0xFFFFD880  }
0x26: {  	[bflag:$0x0] =	sbarrier.arrive $0xFFFF  }
0x27: {  	[tilespmem:s3], [sflag:$0x5] =	stream.linear.gather [hbm4b:s6+s3], $0x1400, $0x38;
	[tilespmem:$0x1E400] =	vst v63  }
0x28: {  	_ =	swait.ge [sflag:s18], $0x1400  }
0x29: {  	[sflag:s18] =	ssyncset.done $0x0  }
.Ltmp2:
0x2a: {  	[sflag:s18] =	ssyncadd.s32 $0xFFFFEC00;
	(pc) =	sbr.rel .LBB2_2-.Ltmp2, $4  }
0x2b: {  	[tilespmem:s19], [sflag:$0x5] =	stream.linear.gather [hbm4b:s8+s3], $0x1400, $0x38;
	[tilespmem:$0x1E400] =	vst v63  }
0x2c: {  	_ =	swait.ge [sflag:s18], $0x1400  }
0x2d: {  	s29 =	simm.s32 $0xFFFFFFFF;
	[sflag:s18] =	ssyncset.done $0x0  }
0x2e: {  	s30 =	simm.s32 $0x0;
	s31 =	simm.s32 $0x0;
	[sflag:s18] =	ssyncadd.s32 $0xFFFFEC00  }
.LBB2_5:
0x2f: {  	[tilespmem:s26], [sflag:$0x1] =	stream.indirect.gather [hbm4b:s4+s21], $0x80, s3, s21, $0xb8;
	[tilespmem:$0x1E400] =	vst v63  }
.LBB2_10:
0x30: {  	s0 =	sshra.s32 s30, $0x2;
	s30 =	sadd.s32 $0x400, s30  }
0x31: {  	s2 =	sadd.s32 $0x80, s0;
	p0 =	sne.s32 s30, $0x5400  }
0x32: {  	[tilespmem:s22], [sflag:$0x2] =	stream.indirect.gather [hbm4b:s4+s21], $0x80, s2, s21, $0xb8;
	[tilespmem:$0x1E400] =	vst v63  }
.Ltmp3:
0x33: {  	_ = 	snop;
	(pc) =	sbr.rel @!p0 .LBB2_11-.Ltmp3, $4  }
0x34: {  	_ =	swait.ge [sflag:s25], $0x4000  }
0x35: {  	s31 =	sadd.s32 $0x1, s31;
	[sflag:s25] =	ssyncset.done $0x0  }
0x36: {  	s29 =	sadd.s32 $0x2, s29;
	s0 =	sadd.s32 $0x1400, s0;
	[sflag:s25] =	ssyncadd.s32 $0xFFFFC000  }
0x37: {  	[spmem:s1] =	stream.indirect.scatter.add.f32 [tilespmem:s26], [sflag:$0x3], $0x80, s0, s21, $0xb8;
	[tilespmem:$0x1E400] =	vst v63  }
.LBB2_2:
0x38: {  	p0 =	seq.s32 s31, $0x14  }
.Ltmp4:
0x39: {  	_ = 	snop;
	(pc) =	sbr.rel @p0 .LBB2_3-.Ltmp4, $1  }
0x3a: {  	_ =	sdelay $0x3  }
0x3b: {  	p0 =	sne.s32 s31, $0x0  }
.Ltmp5:
0x3c: {  	_ = 	snop;
	(pc) =	sbr.rel @!p0 .LBB2_5-.Ltmp5, $1  }
0x3d: {  	_ =	sdelay $0x3  }
0x3e: {  	p0 =	sgt.u32 s29, $0x27  }
.Ltmp6:
0x3f: {  	_ =	swait.ge [sflag:s24], $0x4000;
	(pc) =	sbr.rel @p0 .LBB2_8-.Ltmp6, $4  }
.Ltmp7:
0x40: {  	[sflag:s24] =	ssyncset.done $0x0;
	(pc) =	sbr.rel @!p0 .LBB2_7-.Ltmp7, $4  }
0x41: {  	s0 =	sshra.s32 s30, $0x2;
	[sflag:s24] =	ssyncadd.s32 $0xFFFFC000  }
0x42: {  	[tilespmem:s26], [sflag:$0x1] =	stream.indirect.gather [hbm4b:s4+s21], $0x80, s0, s21, $0xb8;
	[tilespmem:$0x1E400] =	vst v63  }
0x43: {  	s0 =	smov.u32 s29  }
0x44: {  	_ = 	snop  }
.LBB2_3:
0x45: {  	s0 =	simm.s32 $0x27  }
.LBB2_7:
0x46: {  	_ =	swait.ge [sflag:s20], $0x4000;
	s0 =	sshll.u32 s0, $0x7  }
0x47: {  	[sflag:s20] =	ssyncset.done $0x0;
	s0 =	sand.u32 $0x3FFFFF80, s0  }
0x48: {  	[sflag:s20] =	ssyncadd.s32 $0xFFFFC000;
	s0 =	sadd.s32 $0x1400, s0  }
0x49: {  	[spmem:s1] =	stream.indirect.scatter.add.f32 [tilespmem:s22], [sflag:$0x4], $0x80, s0, s21, $0xb8;
	[tilespmem:$0x1E400] =	vst v63  }
.LBB2_8:
0x4a: {  	p0 =	seq.s32 s30, $0x5000  }
.Ltmp8:
0x4b: {  	_ = 	snop;
	(pc) =	sbr.rel @p0 .LBB2_11-.Ltmp8, $1  }
0x4c: {  	_ =	sdelay $0x3  }
.Ltmp9:
0x4d: {  	(pc) =	sbr.rel .LBB2_10-.Ltmp9, $4  }
0x4e: {  	_ = 	snop  }
0x4f: {  	_ =	swait.ge [sflag:s23], $0x4000  }
0x50: {  	[sflag:s23] =	ssyncset.done $0x0  }
0x51: {  	[sflag:s23] =	ssyncadd.s32 $0xFFFFC000  }
.LBB2_11:
0x52: {  	_ =	swait.ge [sflag:s24], $0x4000  }
0x53: {  	[sflag:s24] =	ssyncset.done $0x0  }
0x54: {  	[sflag:s24] =	ssyncadd.s32 $0xFFFFC000  }
0x55: {  	_ =	swait.ge [sflag:s23], $0x4000  }
0x56: {  	[sflag:s23] =	ssyncset.done $0x0  }
0x57: {  	s29 =	simm.s32 $0x0;
	[sflag:s23] =	ssyncadd.s32 $0xFFFFC000  }
0x58: {  	[tilespmem:s29], [sflag:$0x5] =	stream.linear.gather [hbm4b:s9+s29], $0x1400, $0x38;
	[tilespmem:$0x1E400] =	vst v63  }
0x59: {  	_ =	swait.ge [sflag:s18], $0x1400  }
0x5a: {  	[sflag:s18] =	ssyncset.done $0x0  }
.Ltmp10:
0x5b: {  	[sflag:s18] =	ssyncadd.s32 $0xFFFFEC00;
	(pc) =	sbr.rel .LBB2_12-.Ltmp10, $4  }
0x5c: {  	[tilespmem:s19], [sflag:$0x5] =	stream.linear.gather [hbm4b:s10+s29], $0x1400, $0x38;
	[tilespmem:$0x1E400] =	vst v63  }
0x5d: {  	_ =	swait.ge [sflag:s18], $0x1400  }
0x5e: {  	[sflag:s18] =	ssyncset.done $0x0  }
0x5f: {  	s30 =	simm.s32 $0xFFFFFFFF;
	s31 =	simm.s32 $0x0;
	[sflag:s18] =	ssyncadd.s32 $0xFFFFEC00  }
.LBB2_15:
0x60: {  	[tilespmem:s26], [sflag:$0x1] =	stream.indirect.gather [hbm4b:s4+s21], $0x80, s3, s21, $0xb8;
	[tilespmem:$0x1E400] =	vst v63  }
.LBB2_20:
0x61: {  	s0 =	sshra.s32 s29, $0x2;
	s29 =	sadd.s32 $0x400, s29  }
0x62: {  	s2 =	sadd.s32 $0x80, s0;
	p0 =	sne.s32 s29, $0x5400  }
0x63: {  	[tilespmem:s22], [sflag:$0x2] =	stream.indirect.gather [hbm4b:s4+s21], $0x80, s2, s21, $0xb8;
	[tilespmem:$0x1E400] =	vst v63  }
.Ltmp11:
0x64: {  	_ = 	snop;
	(pc) =	sbr.rel @!p0 .LBB2_21-.Ltmp11, $4  }
0x65: {  	_ =	swait.ge [sflag:s25], $0x4000  }
0x66: {  	s31 =	sadd.s32 $0x1, s31;
	[sflag:s25] =	ssyncset.done $0x0  }
0x67: {  	s30 =	sadd.s32 $0x2, s30;
	s0 =	sadd.s32 $0x1400, s0;
	[sflag:s25] =	ssyncadd.s32 $0xFFFFC000  }
0x68: {  	[spmem:s1] =	stream.indirect.scatter.add.f32 [tilespmem:s26], [sflag:$0x3], $0x80, s0, s21, $0xb8;
	[tilespmem:$0x1E400] =	vst v63  }
.LBB2_12:
0x69: {  	p0 =	seq.s32 s31, $0x14  }
.Ltmp12:
0x6a: {  	_ = 	snop;
	(pc) =	sbr.rel @p0 .LBB2_13-.Ltmp12, $1  }
0x6b: {  	_ =	sdelay $0x3  }
0x6c: {  	p0 =	sne.s32 s31, $0x0  }
.Ltmp13:
0x6d: {  	_ = 	snop;
	(pc) =	sbr.rel @!p0 .LBB2_15-.Ltmp13, $1  }
0x6e: {  	_ =	sdelay $0x3  }
0x6f: {  	p0 =	sgt.u32 s30, $0x27  }
.Ltmp14:
0x70: {  	_ =	swait.ge [sflag:s24], $0x4000;
	(pc) =	sbr.rel @p0 .LBB2_18-.Ltmp14, $4  }
.Ltmp15:
0x71: {  	[sflag:s24] =	ssyncset.done $0x0;
	(pc) =	sbr.rel @!p0 .LBB2_17-.Ltmp15, $4  }
0x72: {  	s0 =	sshra.s32 s29, $0x2;
	[sflag:s24] =	ssyncadd.s32 $0xFFFFC000  }
0x73: {  	[tilespmem:s26], [sflag:$0x1] =	stream.indirect.gather [hbm4b:s4+s21], $0x80, s0, s21, $0xb8;
	[tilespmem:$0x1E400] =	vst v63  }
0x74: {  	s0 =	smov.u32 s30  }
0x75: {  	_ = 	snop  }
.LBB2_13:
0x76: {  	s0 =	simm.s32 $0x27  }
.LBB2_17:
0x77: {  	_ =	swait.ge [sflag:s20], $0x4000;
	s0 =	sshll.u32 s0, $0x7  }
0x78: {  	[sflag:s20] =	ssyncset.done $0x0;
	s0 =	sand.u32 $0x3FFFFF80, s0  }
0x79: {  	[sflag:s20] =	ssyncadd.s32 $0xFFFFC000;
	s0 =	sadd.s32 $0x1400, s0  }
0x7a: {  	[spmem:s1] =	stream.indirect.scatter.add.f32 [tilespmem:s22], [sflag:$0x4], $0x80, s0, s21, $0xb8;
	[tilespmem:$0x1E400] =	vst v63  }
.LBB2_18:
0x7b: {  	p0 =	seq.s32 s29, $0x5000  }
.Ltmp16:
0x7c: {  	_ = 	snop;
	(pc) =	sbr.rel @p0 .LBB2_21-.Ltmp16, $1  }
0x7d: {  	_ =	sdelay $0x3  }
.Ltmp17:
0x7e: {  	(pc) =	sbr.rel .LBB2_20-.Ltmp17, $4  }
0x7f: {  	_ = 	snop  }
0x80: {  	_ =	swait.ge [sflag:s23], $0x4000  }
0x81: {  	[sflag:s23] =	ssyncset.done $0x0  }
0x82: {  	[sflag:s23] =	ssyncadd.s32 $0xFFFFC000  }
.LBB2_21:
0x83: {  	_ =	swait.ge [sflag:s24], $0x4000  }
0x84: {  	[sflag:s24] =	ssyncset.done $0x0  }
0x85: {  	[sflag:s24] =	ssyncadd.s32 $0xFFFFC000  }
0x86: {  	_ =	swait.ge [sflag:s23], $0x4000  }
0x87: {  	[sflag:s23] =	ssyncset.done $0x0  }
0x88: {  	[sflag:s23] =	ssyncadd.s32 $0xFFFFC000  }
0x89: {  	[bflag:$0x0] =	sbarrier.arrive $0xFFFF  }
0x8a: {  	[hbm:s11], [sflag:s7] =	dma.local [spmem:s17], $0x2780  }
0x8b: {  	_ =	swait.ge [sflag:s18], $0x2780  }
0x8c: {  	[sflag:s18] =	ssyncset.done $0x0  }
0x8d: {  	[sflag:s18] =	ssyncadd.s32 $0xFFFFD880  }
0x8e: {  	[bflag:$0x0] =	sbarrier.arrive $0xFFFF  }
0x8f: {  	[spmem:s17], [sflag:s7] =	dma.local [hbm:s13], $0x2780  }
0x90: {  	_ =	swait.ge [sflag:s18], $0x2780  }
0x91: {  	[sflag:s18] =	ssyncset.done $0x0  }
0x92: {  	[sflag:s18] =	ssyncadd.s32 $0xFFFFD880  }
0x93: {  	s29 =	simm.s32 $0x0;
	[bflag:$0x0] =	sbarrier.arrive $0xFFFF  }
0x94: {  	[tilespmem:s29], [sflag:$0x5] =	stream.linear.gather [hbm4b:s12+s29], $0x1400, $0x38;
	[tilespmem:$0x1E400] =	vst v63  }
0x95: {  	_ =	swait.ge [sflag:s18], $0x1400  }
0x96: {  	[sflag:s18] =	ssyncset.done $0x0  }
.Ltmp18:
0x97: {  	[sflag:s18] =	ssyncadd.s32 $0xFFFFEC00;
	(pc) =	sbr.rel .LBB2_22-.Ltmp18, $4  }
0x98: {  	[tilespmem:s19], [sflag:$0x5] =	stream.linear.gather [hbm4b:s8+s29], $0x1400, $0x38;
	[tilespmem:$0x1E400] =	vst v63  }
0x99: {  	_ =	swait.ge [sflag:s18], $0x1400  }
0x9a: {  	[sflag:s18] =	ssyncset.done $0x0  }
0x9b: {  	s30 =	simm.s32 $0xFFFFFFFF;
	s31 =	simm.s32 $0x0;
	[sflag:s18] =	ssyncadd.s32 $0xFFFFEC00  }
.LBB2_25:
0x9c: {  	[tilespmem:s26], [sflag:$0x1] =	stream.indirect.gather [hbm4b:s4+s21], $0x80, s3, s21, $0xb8;
	[tilespmem:$0x1E400] =	vst v63  }
.LBB2_30:
0x9d: {  	s0 =	sshra.s32 s29, $0x2;
	s29 =	sadd.s32 $0x400, s29  }
0x9e: {  	s2 =	sadd.s32 $0x80, s0;
	p0 =	sne.s32 s29, $0x5400  }
0x9f: {  	[tilespmem:s22], [sflag:$0x2] =	stream.indirect.gather [hbm4b:s4+s21], $0x80, s2, s21, $0xb8;
	[tilespmem:$0x1E400] =	vst v63  }
.Ltmp19:
0xa0: {  	_ = 	snop;
	(pc) =	sbr.rel @!p0 .LBB2_31-.Ltmp19, $4  }
0xa1: {  	_ =	swait.ge [sflag:s25], $0x4000  }
0xa2: {  	s31 =	sadd.s32 $0x1, s31;
	[sflag:s25] =	ssyncset.done $0x0  }
0xa3: {  	s30 =	sadd.s32 $0x2, s30;
	s0 =	sadd.s32 $0x1400, s0;
	[sflag:s25] =	ssyncadd.s32 $0xFFFFC000  }
0xa4: {  	[spmem:s1] =	stream.indirect.scatter.add.f32 [tilespmem:s26], [sflag:$0x3], $0x80, s0, s21, $0xb8;
	[tilespmem:$0x1E400] =	vst v63  }
.LBB2_22:
0xa5: {  	p0 =	seq.s32 s31, $0x14  }
.Ltmp20:
0xa6: {  	_ = 	snop;
	(pc) =	sbr.rel @p0 .LBB2_23-.Ltmp20, $1  }
0xa7: {  	_ =	sdelay $0x3  }
0xa8: {  	p0 =	sne.s32 s31, $0x0  }
.Ltmp21:
0xa9: {  	_ = 	snop;
	(pc) =	sbr.rel @!p0 .LBB2_25-.Ltmp21, $1  }
0xaa: {  	_ =	sdelay $0x3  }
0xab: {  	p0 =	sgt.u32 s30, $0x27  }
.Ltmp22:
0xac: {  	_ =	swait.ge [sflag:s24], $0x4000;
	(pc) =	sbr.rel @p0 .LBB2_28-.Ltmp22, $4  }
.Ltmp23:
0xad: {  	[sflag:s24] =	ssyncset.done $0x0;
	(pc) =	sbr.rel @!p0 .LBB2_27-.Ltmp23, $4  }
0xae: {  	s0 =	sshra.s32 s29, $0x2;
	[sflag:s24] =	ssyncadd.s32 $0xFFFFC000  }
0xaf: {  	[tilespmem:s26], [sflag:$0x1] =	stream.indirect.gather [hbm4b:s4+s21], $0x80, s0, s21, $0xb8;
	[tilespmem:$0x1E400] =	vst v63  }
0xb0: {  	s0 =	smov.u32 s30  }
0xb1: {  	_ = 	snop  }
.LBB2_23:
0xb2: {  	s0 =	simm.s32 $0x27  }
.LBB2_27:
0xb3: {  	_ =	swait.ge [sflag:s20], $0x4000;
	s0 =	sshll.u32 s0, $0x7  }
0xb4: {  	[sflag:s20] =	ssyncset.done $0x0;
	s0 =	sand.u32 $0x3FFFFF80, s0  }
0xb5: {  	[sflag:s20] =	ssyncadd.s32 $0xFFFFC000;
	s0 =	sadd.s32 $0x1400, s0  }
0xb6: {  	[spmem:s1] =	stream.indirect.scatter.add.f32 [tilespmem:s22], [sflag:$0x4], $0x80, s0, s21, $0xb8;
	[tilespmem:$0x1E400] =	vst v63  }
.LBB2_28:
0xb7: {  	p0 =	seq.s32 s29, $0x5000  }
.Ltmp24:
0xb8: {  	_ = 	snop;
	(pc) =	sbr.rel @p0 .LBB2_31-.Ltmp24, $1  }
0xb9: {  	_ =	sdelay $0x3  }
.Ltmp25:
0xba: {  	(pc) =	sbr.rel .LBB2_30-.Ltmp25, $4  }
0xbb: {  	_ = 	snop  }
0xbc: {  	_ =	swait.ge [sflag:s23], $0x4000  }
0xbd: {  	[sflag:s23] =	ssyncset.done $0x0  }
0xbe: {  	[sflag:s23] =	ssyncadd.s32 $0xFFFFC000  }
.LBB2_31:
0xbf: {  	_ =	swait.ge [sflag:s24], $0x4000  }
0xc0: {  	[sflag:s24] =	ssyncset.done $0x0  }
0xc1: {  	[sflag:s24] =	ssyncadd.s32 $0xFFFFC000  }
0xc2: {  	_ =	swait.ge [sflag:s23], $0x4000  }
0xc3: {  	[sflag:s23] =	ssyncset.done $0x0  }
0xc4: {  	s29 =	simm.s32 $0x0;
	[sflag:s23] =	ssyncadd.s32 $0xFFFFC000  }
0xc5: {  	[tilespmem:s29], [sflag:$0x5] =	stream.linear.gather [hbm4b:s14+s29], $0x1400, $0x38;
	[tilespmem:$0x1E400] =	vst v63  }
0xc6: {  	_ =	swait.ge [sflag:s18], $0x1400  }
0xc7: {  	[sflag:s18] =	ssyncset.done $0x0  }
.Ltmp26:
0xc8: {  	[sflag:s18] =	ssyncadd.s32 $0xFFFFEC00;
	(pc) =	sbr.rel .LBB2_32-.Ltmp26, $4  }
0xc9: {  	[tilespmem:s19], [sflag:$0x5] =	stream.linear.gather [hbm4b:s10+s29], $0x1400, $0x38;
	[tilespmem:$0x1E400] =	vst v63  }
0xca: {  	_ =	swait.ge [sflag:s18], $0x1400  }
0xcb: {  	[sflag:s18] =	ssyncset.done $0x0  }
0xcc: {  	s30 =	simm.s32 $0xFFFFFFFF;
	s31 =	simm.s32 $0x0;
	[sflag:s18] =	ssyncadd.s32 $0xFFFFEC00  }
.LBB2_35:
0xcd: {  	[tilespmem:s26], [sflag:$0x1] =	stream.indirect.gather [hbm4b:s4+s21], $0x80, s3, s21, $0xb8;
	[tilespmem:$0x1E400] =	vst v63  }
.LBB2_40:
0xce: {  	s0 =	sshra.s32 s29, $0x2;
	s29 =	sadd.s32 $0x400, s29  }
0xcf: {  	s2 =	sadd.s32 $0x80, s0;
	p0 =	sne.s32 s29, $0x5400  }
0xd0: {  	[tilespmem:s22], [sflag:$0x2] =	stream.indirect.gather [hbm4b:s4+s21], $0x80, s2, s21, $0xb8;
	[tilespmem:$0x1E400] =	vst v63  }
.Ltmp27:
0xd1: {  	_ = 	snop;
	(pc) =	sbr.rel @!p0 .LBB2_41-.Ltmp27, $4  }
0xd2: {  	_ =	swait.ge [sflag:s25], $0x4000  }
0xd3: {  	s31 =	sadd.s32 $0x1, s31;
	[sflag:s25] =	ssyncset.done $0x0  }
0xd4: {  	s30 =	sadd.s32 $0x2, s30;
	s0 =	sadd.s32 $0x1400, s0;
	[sflag:s25] =	ssyncadd.s32 $0xFFFFC000  }
0xd5: {  	[spmem:s1] =	stream.indirect.scatter.add.f32 [tilespmem:s26], [sflag:$0x3], $0x80, s0, s21, $0xb8;
	[tilespmem:$0x1E400] =	vst v63  }
.LBB2_32:
0xd6: {  	p0 =	seq.s32 s31, $0x14  }
.Ltmp28:
0xd7: {  	_ = 	snop;
	(pc) =	sbr.rel @p0 .LBB2_33-.Ltmp28, $1  }
0xd8: {  	_ =	sdelay $0x3  }
0xd9: {  	p0 =	sne.s32 s31, $0x0  }
.Ltmp29:
0xda: {  	_ = 	snop;
	(pc) =	sbr.rel @!p0 .LBB2_35-.Ltmp29, $1  }
0xdb: {  	_ =	sdelay $0x3  }
0xdc: {  	p0 =	sgt.u32 s30, $0x27  }
.Ltmp30:
0xdd: {  	_ =	swait.ge [sflag:s24], $0x4000;
	(pc) =	sbr.rel @p0 .LBB2_38-.Ltmp30, $4  }
.Ltmp31:
0xde: {  	[sflag:s24] =	ssyncset.done $0x0;
	(pc) =	sbr.rel @!p0 .LBB2_37-.Ltmp31, $4  }
0xdf: {  	s0 =	sshra.s32 s29, $0x2;
	[sflag:s24] =	ssyncadd.s32 $0xFFFFC000  }
0xe0: {  	[tilespmem:s26], [sflag:$0x1] =	stream.indirect.gather [hbm4b:s4+s21], $0x80, s0, s21, $0xb8;
	[tilespmem:$0x1E400] =	vst v63  }
0xe1: {  	s0 =	smov.u32 s30  }
0xe2: {  	_ = 	snop  }
.LBB2_33:
0xe3: {  	s0 =	simm.s32 $0x27  }
.LBB2_37:
0xe4: {  	_ =	swait.ge [sflag:s20], $0x4000;
	s0 =	sshll.u32 s0, $0x7  }
0xe5: {  	[sflag:s20] =	ssyncset.done $0x0;
	s0 =	sand.u32 $0x3FFFFF80, s0  }
0xe6: {  	[sflag:s20] =	ssyncadd.s32 $0xFFFFC000;
	s0 =	sadd.s32 $0x1400, s0  }
0xe7: {  	[spmem:s1] =	stream.indirect.scatter.add.f32 [tilespmem:s22], [sflag:$0x4], $0x80, s0, s21, $0xb8;
	[tilespmem:$0x1E400] =	vst v63  }
.LBB2_38:
0xe8: {  	p0 =	seq.s32 s29, $0x5000  }
.Ltmp32:
0xe9: {  	_ = 	snop;
	(pc) =	sbr.rel @p0 .LBB2_41-.Ltmp32, $1  }
0xea: {  	_ =	sdelay $0x3  }
.Ltmp33:
0xeb: {  	(pc) =	sbr.rel .LBB2_40-.Ltmp33, $4  }
0xec: {  	_ = 	snop  }
0xed: {  	_ =	swait.ge [sflag:s23], $0x4000  }
0xee: {  	[sflag:s23] =	ssyncset.done $0x0  }
0xef: {  	[sflag:s23] =	ssyncadd.s32 $0xFFFFC000  }
.LBB2_42:
0xf0: {  	_ =	sfence.sel $0x180000  }
0xf1: {  	[bflag:$0x0] =	sbarrier.arrive $0xFFFF  }
0xf2: {  	_ =	strace $0x9000004A  }
0xf3: {  	s0 =	stileid.u32;
	[bflag:$0x2] =	sbarrier.arrive $0xFFFF  }
0xf4: {  	p0 =	sne.s32 s0, $0x0;
	s0 =	rddreg [dreg:$0x2]  }
0xf5: {  	s0 =	sadd.s32 @!p0 $0x100000, s0  }
0xf6: {  	[sflag:s0] =	ssyncadd.tile.s32 @!p0 $0x1;
	_ =	shalt  }
.Lfunc_end2:
_tile_overlayer_lowered:
.L_overlay_start_2:
0xf7: {  	(tag) =	ssettag $0x2  }
0xf8: {  	s0 =	rddreg [dreg:$0x0];
	s2 =	stileid.u32  }
0xf9: {  	s1 =	rddreg [dreg:$0x1];
	p0 =	sne.s32 s2, $0x0  }
0xfa: {  	s3 =	rddreg [dreg:$0x2];
	[bflag:$0x3] =	sbarrier.arrive $0xFFFF;
	s2 =	simm.s32 @!p0 $0x1C05  }
0xfb: {  	[timem:s3], [sflag:s2] =	dma.local @!p0 [hbm:s0], s1  }
0xfc: {  	s0 =	simm.s32 @!p0 $0x5  }
0xfd: {  	_ =	swait.ge @!p0 [sflag:s0], s1  }
0xfe: {  	s1 =	ssub.s32 @!p0 $0x0, s1;
	[sflag:s0] =	ssyncset.done @!p0 $0x0  }
0xff: {  	[sflag:s0] =	ssyncadd.s32 @!p0 s1  }
0x100: {  	[bflag:$0x3] =	sbarrier.arrive $0xFFFF  }
0x101: {  	_ =	shalt  }

// kernel: kernel.18.cloned.1.call-start
scs
__scs_entry_jumppad:
0x0: {  	(pc) =	sbr.rel $0x88, $3  }
0x1: {  	(tag) =	ssettag $0x0;
	lr =	simm.s32 $0x1  }
0x2: {  	[smem:$0x3F8F] =	sst lr;
	_ =	strace $0xD0000000  }
0x3: {  	_ = 	snop  }
0x4: {  	_ = 	snop  }
0x5: {  	_ = 	snop  }
0x6: {  	_ = 	snop  }
0x7: {  	_ = 	snop  }
__scs_overlays_trampoline_lowered:
0x8: {  	[smem:$0x3F9E] =	sst s0  }
0x9: {  	[smem:$0x3F9F] =	sst s1  }
0xa: {  	[smem:$0x3FA0] =	sst s2  }
0xb: {  	[smem:$0x3FA1] =	sst s3  }
0xc: {  	[smem:$0x3FA2] =	sst s4  }
0xd: {  	[smem:$0x3FA3] =	sst s5  }
0xe: {  	[smem:$0x3FA4] =	sst s6  }
0xf: {  	[smem:$0x3FA5] =	sst s7  }
0x10: {  	[smem:$0x3FA6] =	sst s8  }
0x11: {  	[smem:$0x3FA7] =	sst s9;
	s0 =	simm.s32 @!p0 $0x0  }
0x12: {  	s1 =	sld [smem:$0x3F8D];
	s0 =	simm.s32 @p0 $0x1  }
0x13: {  	[smem:$0x3FA8] =	sst s0;
	s0 =	simm.s32 @!p1 $0x0  }
0x14: {  	s2 =	sld [smem:$0x3F8C];
	s0 =	simm.s32 @p1 $0x1  }
0x15: {  	[smem:$0x3FA9] =	sst s0;
	s0 =	simm.s32 @!p2 $0x0  }
0x16: {  	s3 =	sld [smem:$0x3FDB];
	s0 =	simm.s32 @p2 $0x1  }
0x17: {  	s4 =	simm.s32 $0x1BF5;
	[smem:$0x3FAB] =	sst s0  }
0x18: {  	s0 =	sld [smem:$0x3F8E];
	_ =	swait.ge [sflag:s4], $0x0  }
0x19: {  	s7 =	sld [smem:$0x3F8F]  }
0x1a: {  	s8 =	sadd.s32 $0xFFFFE003, lr  }
0x1b: {  	s9 =	sadd.s32 $0xFFFFFEF7, lr;
	s5 =	simm.s32 $0xFFFFFFFF;
	p2 =	slt.u32 s8, $0xFFFFF086  }
0x1c: {  	p1 =	slt.u32 s9, $0xF7A;
	s5 =	simm.s32 @!p2 $0x0  }
0x1d: {  	s5 =	simm.s32 @p1 $0x1;
	p0 =	seq.s32 s7, s2  }
0x1e: {  	s7 =	smul.u32 @!p0 $0xF7A, s2;
	p2 =	seq.s32 @!p0 s5, $0x0  }
0x1f: {  	s9 =	smul.u32 $0xF7A, s1;
	s8 =	simm.s32 @!p0 $0x1BF5;
	p2 =	por !p2, p0  }
0x20: {  	[sflag:s8] =	ssyncset.s32 @!p0 $0xFFFFF086;
	s6 =	sadd.s32 @!p0 s3, s7;
	s7 =	simm.s32 @!p0 $0x108  }
0x21: {  	s3 =	sadd.s32 s3, s9;
	s6 =	sadd.s32 @!p0 $0x88, s6;
	s7 =	simm.s32 @p2 $0x1082  }
0x22: {  	[simem:s7], [sflag:s8] =	dma.local @!p0 [hbm:s6], $0xF7A  }
0x23: {  	s9 =	sor.u32 $0xD0000000, s2;
	s6 =	simm.s32 $0x108;
	_ =	swait.ge @!p0 [sflag:s8], $0x0  }
0x24: {  	s3 =	sadd.s32 $0x88, s3;
	s6 =	simm.s32 @!p1 $0x1082;
	[sflag:s4] =	ssyncset.s32 $0xFFFFF086  }
0x25: {  	[simem:s6], [sflag:s4] =	dma.local [hbm:s3], $0xF7A  }
0x26: {  	[smem:$0x3F8F] =	sst s1;
	(tag) =	ssettag s2;
	_ =	strace s9  }
0x27: {  	s1 =	sld [smem:$0x3F9F]  }
0x28: {  	s2 =	sld [smem:$0x3FA0]  }
0x29: {  	s4 =	sld [smem:$0x3FA2]  }
0x2a: {  	p0 =	seq.s32 s5, $0x0;
	s5 =	sld [smem:$0x3FA3]  }
0x2b: {  	s6 =	sld [smem:$0x3FA4]  }
0x2c: {  	s7 =	sld [smem:$0x3FA5]  }
0x2d: {  	s3 =	simm.s32 $0x108;
	s8 =	sld [smem:$0x3FA6]  }
0x2e: {  	s3 =	simm.s32 @!p0 $0x1082;
	s9 =	sld [smem:$0x3FA7]  }
0x2f: {  	lr =	sadd.s32 s0, s3;
	s0 =	sld [smem:$0x3F9E]  }
0x30: {  	s3 =	sld [smem:$0x3FA1]  }
0x31: {  	[smem:$0x3FAA] =	sst s10  }
0x32: {  	s10 =	sld [smem:$0x3FA8];
	_ =	sdelay $0x3  }
0x33: {  	p0 =	seq.s32 s10, $0x1;
	s10 =	sld [smem:$0x3FAA];
	_ =	sdelay $0x3  }
0x34: {  	[smem:$0x3FAA] =	sst s10  }
0x35: {  	s10 =	sld [smem:$0x3FA9];
	_ =	sdelay $0x3  }
0x36: {  	p1 =	seq.s32 s10, $0x1;
	s10 =	sld [smem:$0x3FAA];
	_ =	sdelay $0x3  }
0x37: {  	[smem:$0x3FAA] =	sst s10  }
0x38: {  	s10 =	sld [smem:$0x3FAB]  }
0x39: {  	_ = 	snop;
	(pc) =	sbr.ind lr, $3  }
0x3a: {  	_ = 	snop  }
0x3b: {  	_ = 	snop  }
0x3c: {  	p2 =	seq.s32 s10, $0x1;
	s10 =	sld [smem:$0x3FAA]  }
0x3d: {  	_ =	shalt  }
0x3e: {  	_ =	shalt  }
0x3f: {  	_ =	shalt  }
0x40: {  	_ =	shalt  }
0x41: {  	_ =	shalt  }
0x42: {  	_ =	shalt  }
0x43: {  	_ =	shalt  }
0x44: {  	_ =	shalt  }
0x45: {  	_ =	shalt  }
0x46: {  	_ =	shalt  }
0x47: {  	_ =	shalt  }
0x48: {  	_ =	shalt  }
0x49: {  	_ =	shalt  }
0x4a: {  	_ =	shalt  }
0x4b: {  	_ =	shalt  }
0x4c: {  	_ =	shalt  }
0x4d: {  	_ =	shalt  }
0x4e: {  	_ =	shalt  }
0x4f: {  	_ =	shalt  }
0x50: {  	_ =	shalt  }
0x51: {  	_ =	shalt  }
0x52: {  	_ =	shalt  }
0x53: {  	_ =	shalt  }
0x54: {  	_ =	shalt  }
0x55: {  	_ =	shalt  }
0x56: {  	_ =	shalt  }
0x57: {  	_ =	shalt  }
0x58: {  	_ =	shalt  }
0x59: {  	_ =	shalt  }
0x5a: {  	_ =	shalt  }
0x5b: {  	_ =	shalt  }
0x5c: {  	_ =	shalt  }
0x5d: {  	_ =	shalt  }
0x5e: {  	_ =	shalt  }
0x5f: {  	_ =	shalt  }
0x60: {  	_ =	shalt  }
0x61: {  	_ =	shalt  }
0x62: {  	_ =	shalt  }
0x63: {  	_ =	shalt  }
0x64: {  	_ =	shalt  }
0x65: {  	_ =	shalt  }
0x66: {  	_ =	shalt  }
0x67: {  	_ =	shalt  }
0x68: {  	_ =	shalt  }
0x69: {  	_ =	shalt  }
0x6a: {  	_ =	shalt  }
0x6b: {  	_ =	shalt  }
0x6c: {  	_ =	shalt  }
0x6d: {  	_ =	shalt  }
0x6e: {  	_ =	shalt  }
0x6f: {  	_ =	shalt  }
0x70: {  	_ =	shalt  }
0x71: {  	_ =	shalt  }
0x72: {  	_ =	shalt  }
0x73: {  	_ =	shalt  }
0x74: {  	_ =	shalt  }
0x75: {  	_ =	shalt  }
0x76: {  	_ =	shalt  }
0x77: {  	_ =	shalt  }
0x78: {  	_ =	shalt  }
0x79: {  	_ =	shalt  }
0x7a: {  	_ =	shalt  }
0x7b: {  	_ =	shalt  }
0x7c: {  	_ =	shalt  }
0x7d: {  	_ =	shalt  }
0x7e: {  	_ =	shalt  }
0x7f: {  	_ =	shalt  }
0x80: {  	_ =	shalt  }
0x81: {  	_ =	shalt  }
0x82: {  	_ =	shalt  }
0x83: {  	_ =	shalt  }
0x84: {  	_ =	shalt  }
0x85: {  	_ =	shalt  }
0x86: {  	_ =	shalt  }
0x87: {  	_ =	shalt  }
.Lfunc_end0:
.L_simem_size_0:
called_computation.2_lowered:
.L_overlay_start_0:
0x88: {  	s2 =	sld [smem:$0x3FD9]  }
0x89: {  	s3 =	sld [smem:$0x3FFE];
	_ =	sdelay $0x1  }
0x8a: {  	s1 =	srdreg.scid  }
0x8b: {  	s0 =	sand.u32 $0x1, s1  }
0x8c: {  	s16 =	sshll.u32 s0, $0xA;
	s2 =	sadd.s32 s3, s2  }
0x8d: {  	s2 =	sadd.s32 s2, s16  }
0x8e: {  	[smem:$0x3FB6] =	sst s2  }
0x8f: {  	_ = 	snop  }
0x90: {  	(tm) =	ssettm $0x1  }
0x91: {  	s17 =	sld [smem:$0x3FFB];
	_ =	sdelay $0x3  }
0x92: {  	_ =	strace s17  }
0x93: {  	s2 =	sld [smem:$0x3FFC];
	_ =	sdelay $0x3  }
0x94: {  	_ =	strace s2  }
0x95: {  	s2 =	sld [smem:$0x3FFD];
	_ =	sdelay $0x3  }
0x96: {  	_ =	strace s2  }
0x97: {  	_ =	strace $0x8FFFFFFF  }
0x98: {  	s18 =	sld [smem:$0x3FDB];
	_ =	sdelay $0x1  }
0x99: {  	s19 =	simm.s32 $_scs_section_size  }
0x9a: {  	s4 =	simm.s32 $_size__tile_overlayer_lowered;
	s5 =	simm.s32 $_tile_overlayer_lowered  }
0x9b: {  	s22 =	simm.s32 $0x1BFF;
	s21 =	sshll.u32 s5, $0x1;
	s2 =	sadd.s32 s19, s18  }
0x9c: {  	s6 =	simm.s32 $0x0;
	s20 =	sshll.u32 s4, $0x1;
	s4 =	sadd.s32 s21, s2  }
0x9d: {  	[timem:s6], [sflag:s22] =	dma.local [hbm:s4], s20  }
0x9e: {  	_ =	swait.ge [sflag:s22], s20  }
0x9f: {  	s3 =	ssub.s32 $0x0, s20;
	[sflag:s22] =	ssyncset.done $0x0  }
0xa0: {  	[sflag:s22] =	ssyncadd.s32 s3;
	_ =	sdelay $0x1  }
0xa1: {  	s23 =	simm.s32 $0x1B8B  }
0xa2: {  	_ =	swait.ge [sflag:s23], $0x1  }
0xa3: {  	[sflag:s23] =	ssyncset.done $0x0  }
0xa4: {  	s25 =	simm.s32 $0x1B8E;
	s24 =	sld [smem:$0x3FFE];
	[sflag:s23] =	ssyncadd.s32 $0xFFFFFFFF  }
0xa5: {  	s26 =	simm.s32 $execute0_lowered;
	[smem:$0x3FD2] =	sst s25  }
0xa6: {  	s4 =	sshll.u32 s26, $0x1;
	_ =	strace $0x8000004C;
	[dreg:$0x1] =	wrdreg $0xFFFFFFFF  }
0xa7: {  	s28 =	simm.s32 $_size_execute0_lowered;
	s2 =	sadd.s32 s2, s4;
	[dreg:$0x0] =	wrdreg $0x0  }
0xa8: {  	s4 =	sshll.u32 s28, $0x1;
	[dreg:$0x2] =	wrdreg s2  }
0xa9: {  	[dreg:$0x3] =	wrdreg s4  }
0xaa: {  	[dreg:$0x4] =	wrdreg $0xC0  }
0xab: {  	_ =	task [dreg:s6], $0x5FFFF  }
0xac: {  	[dreg:$0x1] =	wrdreg $0xFFFFFFFF  }
0xad: {  	[dreg:$0x0] =	wrdreg $0x60  }
0xae: {  	[dreg:$0x2] =	wrdreg s24  }
0xaf: {  	[dreg:$0x3] =	wrdreg $0xA8000  }
0xb0: {  	[dreg:$0x4] =	wrdreg $0x9  }
0xb1: {  	_ =	task.clear_ibuf [dreg:s6], $0x5FFFF;
	_ =	strace $0x9000004C  }
0xb2: {  	s29 =	simm.s32 $0x9;
	_ =	strace $0x8000004E  }
0xb3: {  	_ =	swait.ge [sflag:s29], $0x1  }
0xb4: {  	[sflag:s29] =	ssyncadd.s32 $0xFFFFFFFF  }
0xb5: {  	_ =	strace $0x9000004E  }
0xb6: {  	_ =	sfence  }
0xb7: {  	s30 =	sld [smem:$0x0];
	_ =	sdelay $0x2  }
0xb8: {  	s31 =	sshll.u32 s1, $0xD;
	s1 =	sshrl.u32 s1, $0x2  }
0xb9: {  	s3 =	sand.u32 $0x4000, s31;
	s1 =	sadd.s32 s1, s30  }
0xba: {  	s0 =	sor.u32 s3, s0;
	s1 =	sshll.u32 s1, $0x11  }
0xbb: {  	s0 =	sor.u32 s1, s0  }
0xbc: {  	s0 =	sadd.s32 $0x8F2B, s0  }
0xbd: {  	[sflag:s0] =	ssyncadd.remote.s32 $0x1  }
0xbe: {  	_ =	sfence.sel $0xFFFF  }
0xbf: {  	[dreg:$0x0] =	wrdreg $0xFFFFFFFF;
	(pc) =	sbr.abs _section_cstart, $3  }
0xc0: {  	[dreg:$0x1] =	wrdreg $0xFFFFFFFF  }
0xc1: {  	_ =	task.clear_ibuf [dreg:s6], $0x2FFFF;
	_ =	strace $0x9FFFFFFF  }
0xc2: {  	(tm) =	ssettm $0x7FFFFFFF  }
0xc3: {  	_ =	shalt  }
tec
execute0_lowered:
.L_overlay_start_1:
0x0: {  	(tag) =	ssettag $0x1  }
0x1: {  	s0 =	rddreg [dreg:$0x0]  }
0x2: {  	s1 =	rddreg [dreg:$0x1];
	s3 =	simm.s32 $0x0;
	s2 =	stileid.u32  }
0x3: {  	s6 =	srdreg.scid;
	s19 =	simm.s32 $0x1400;
	s20 =	simm.s32 $0x2  }
0x4: {  	s21 =	simm.s32 $0x80;
	s22 =	simm.s32 $0x6800;
	s28 =	simm.s32 $0x0  }
0x5: {  	[smem:$0x7FF] =	sst s3;
	s4 =	sadd.s32 $0x73400, s0;
	s5 =	smul.u32 $0x2800, s2  }
0x6: {  	s12 =	sadd.s32 $0x5F400, s0;
	s6 =	sand.u32 $0x1, s6;
	s11 =	smul.u32 $0x278, s2  }
0x7: {  	s8 =	smul.u32 $0x4F000, s2;
	s31 =	sshll.u32 s2, $0x6;
	_ =	strace $0x8000004D  }
0x8: {  	s7 =	ssub.s32 $0x2, s6;
	s9 =	smul.u32 $0x4F00, s6;
	s24 =	sshll.u32 s6, $0x5  }
0x9: {  	s6 =	sshllo.u32 s6, $0x1;
	s5 =	sshrl.u32 s5, $0x3;
	s23 =	sshrl.u32 s7, $0x1  }
0xa: {  	s25 =	sshrl.u32 s8, $0x2;
	s30 =	sshll.u32 s6, $0x4;
	s14 =	smul.u32 $0x2780, s6  }
0xb: {  	s10 =	sadd.s32 s5, s0;
	s0 =	sadd.s32 $0x111400, s0;
	s16 =	ssub.s32 s7, s23  }
0xc: {  	s26 =	sadd.s32 s11, s9;
	s5 =	sor.u32 s2, s24;
	s17 =	sadd.s32 s25, s1  }
0xd: {  	s7 =	sor.u32 s2, s30;
	s23 =	simm.s32 $0x4;
	s24 =	simm.s32 $0x3  }
0xe: {  	s25 =	simm.s32 $0x1;
	s13 =	sshll.u32 s26, $0x4;
	s29 =	smul.u32 $0x2800, s5  }
0xf: {  	s15 =	smul.u32 $0x2800, s7;
	s7 =	sor.u32 $0x1C05, s31;
	s14 =	sadd.s32 s11, s14  }
0x10: {  	s16 =	smax.u32 s16, $0x1;
	s17 =	sshrl.u32 s17, $0x3;
	s26 =	simm.s32 $0x2800  }
.Ltmp0:
0x11: {  	s5 =	sadd.s32 s4, s13;
	s11 =	sadd.s32 s0, s13;
	(pc) =	sbr.rel .LBB2_1-.Ltmp0, $4  }
0x12: {  	s18 =	sshll.u32 s14, $0x4;
	s8 =	sshrl.u32 s29, $0x3;
	s15 =	sshrl.u32 s15, $0x3  }
0x13: {  	s13 =	sadd.s32 s4, s18;
	s6 =	sadd.s32 s12, s8;
	s8 =	sadd.s32 $0x3400, s10  }
0x14: {  	s10 =	sadd.s32 $0x3680, s10;
	s12 =	sadd.s32 s12, s15;
	s15 =	sadd.s32 s0, s18  }
0x15: {  	s18 =	simm.s32 $0x5;
	s9 =	sadd.s32 $0x280, s6;
	s14 =	sadd.s32 $0x280, s12  }
.LBB2_41:
0x16: {  	_ =	swait.ge [sflag:s24], $0x4000  }
0x17: {  	[sflag:s24] =	ssyncset.done $0x0  }
0x18: {  	[sflag:s24] =	ssyncadd.s32 $0xFFFFC000  }
0x19: {  	_ =	swait.ge [sflag:s23], $0x4000  }
0x1a: {  	[sflag:s23] =	ssyncset.done $0x0  }
0x1b: {  	s28 =	sadd.s32 $0x1, s28;
	[sflag:s23] =	ssyncadd.s32 $0xFFFFC000  }
0x1c: {  	p0 =	sne.s32 s28, s16;
	[bflag:$0x0] =	sbarrier.arrive $0xFFFF  }
0x1d: {  	[hbm:s15], [sflag:s7] =	dma.local [spmem:s17], $0x2780  }
.Ltmp1:
0x1e: {  	_ =	swait.ge [sflag:s18], $0x2780;
	(pc) =	sbr.rel @!p0 .LBB2_42-.Ltmp1, $3  }
0x1f: {  	[sflag:s18] =	ssyncset.done $0x0  }
0x20: {  	[sflag:s18] =	ssyncadd.s32 $0xFFFFD880  }
0x21: {  	[bflag:$0x0] =	sbarrier.arrive $0xFFFF;
	_ =	sdelay $0x1  }
.LBB2_1:
0x22: {  	[spmem:s17], [sflag:s7] =	dma.local [hbm:s5], $0x2780  }
0x23: {  	_ =	swait.ge [sflag:s18], $0x2780  }
0x24: {  	[sflag:s18] =	ssyncset.done $0x0  }
0x25: {  	[sflag:s18] =	ssyncadd.s32 $0xFFFFD880  }
0x26: {  	[bflag:$0x0] =	sbarrier.arrive $0xFFFF  }
0x27: {  	[tilespmem:s3], [sflag:$0x5] =	stream.linear.gather [hbm4b:s6+s3], $0x1400, $0x38;
	[tilespmem:$0x1E400] =	vst v63  }
0x28: {  	_ =	swait.ge [sflag:s18], $0x1400  }
0x29: {  	[sflag:s18] =	ssyncset.done $0x0  }
.Ltmp2:
0x2a: {  	[sflag:s18] =	ssyncadd.s32 $0xFFFFEC00;
	(pc) =	sbr.rel .LBB2_2-.Ltmp2, $4  }
0x2b: {  	[tilespmem:s19], [sflag:$0x5] =	stream.linear.gather [hbm4b:s8+s3], $0x1400, $0x38;
	[tilespmem:$0x1E400] =	vst v63  }
0x2c: {  	_ =	swait.ge [sflag:s18], $0x1400  }
0x2d: {  	s29 =	simm.s32 $0xFFFFFFFF;
	[sflag:s18] =	ssyncset.done $0x0  }
0x2e: {  	s30 =	simm.s32 $0x0;
	s31 =	simm.s32 $0x0;
	[sflag:s18] =	ssyncadd.s32 $0xFFFFEC00  }
.LBB2_5:
0x2f: {  	[tilespmem:s26], [sflag:$0x1] =	stream.indirect.gather [hbm4b:s4+s21], $0x80, s3, s21, $0xb8;
	[tilespmem:$0x1E400] =	vst v63  }
.LBB2_10:
0x30: {  	s0 =	sshra.s32 s30, $0x2;
	s30 =	sadd.s32 $0x400, s30  }
0x31: {  	s2 =	sadd.s32 $0x80, s0;
	p0 =	sne.s32 s30, $0x5400  }
0x32: {  	[tilespmem:s22], [sflag:$0x2] =	stream.indirect.gather [hbm4b:s4+s21], $0x80, s2, s21, $0xb8;
	[tilespmem:$0x1E400] =	vst v63  }
.Ltmp3:
0x33: {  	_ = 	snop;
	(pc) =	sbr.rel @!p0 .LBB2_11-.Ltmp3, $4  }
0x34: {  	_ =	swait.ge [sflag:s25], $0x4000  }
0x35: {  	s31 =	sadd.s32 $0x1, s31;
	[sflag:s25] =	ssyncset.done $0x0  }
0x36: {  	s29 =	sadd.s32 $0x2, s29;
	s0 =	sadd.s32 $0x1400, s0;
	[sflag:s25] =	ssyncadd.s32 $0xFFFFC000  }
0x37: {  	[spmem:s1] =	stream.indirect.scatter.add.f32 [tilespmem:s26], [sflag:$0x3], $0x80, s0, s21, $0xb8;
	[tilespmem:$0x1E400] =	vst v63  }
.LBB2_2:
0x38: {  	p0 =	seq.s32 s31, $0x14  }
.Ltmp4:
0x39: {  	_ = 	snop;
	(pc) =	sbr.rel @p0 .LBB2_3-.Ltmp4, $1  }
0x3a: {  	_ =	sdelay $0x3  }
0x3b: {  	p0 =	sne.s32 s31, $0x0  }
.Ltmp5:
0x3c: {  	_ = 	snop;
	(pc) =	sbr.rel @!p0 .LBB2_5-.Ltmp5, $1  }
0x3d: {  	_ =	sdelay $0x3  }
0x3e: {  	p0 =	sgt.u32 s29, $0x27  }
.Ltmp6:
0x3f: {  	_ =	swait.ge [sflag:s24], $0x4000;
	(pc) =	sbr.rel @p0 .LBB2_8-.Ltmp6, $4  }
.Ltmp7:
0x40: {  	[sflag:s24] =	ssyncset.done $0x0;
	(pc) =	sbr.rel @!p0 .LBB2_7-.Ltmp7, $4  }
0x41: {  	s0 =	sshra.s32 s30, $0x2;
	[sflag:s24] =	ssyncadd.s32 $0xFFFFC000  }
0x42: {  	[tilespmem:s26], [sflag:$0x1] =	stream.indirect.gather [hbm4b:s4+s21], $0x80, s0, s21, $0xb8;
	[tilespmem:$0x1E400] =	vst v63  }
0x43: {  	s0 =	smov.u32 s29  }
0x44: {  	_ = 	snop  }
.LBB2_3:
0x45: {  	s0 =	simm.s32 $0x27  }
.LBB2_7:
0x46: {  	_ =	swait.ge [sflag:s20], $0x4000;
	s0 =	sshll.u32 s0, $0x7  }
0x47: {  	[sflag:s20] =	ssyncset.done $0x0;
	s0 =	sand.u32 $0x3FFFFF80, s0  }
0x48: {  	[sflag:s20] =	ssyncadd.s32 $0xFFFFC000;
	s0 =	sadd.s32 $0x1400, s0  }
0x49: {  	[spmem:s1] =	stream.indirect.scatter.add.f32 [tilespmem:s22], [sflag:$0x4], $0x80, s0, s21, $0xb8;
	[tilespmem:$0x1E400] =	vst v63  }
.LBB2_8:
0x4a: {  	p0 =	seq.s32 s30, $0x5000  }
.Ltmp8:
0x4b: {  	_ = 	snop;
	(pc) =	sbr.rel @p0 .LBB2_11-.Ltmp8, $1  }
0x4c: {  	_ =	sdelay $0x3  }
.Ltmp9:
0x4d: {  	(pc) =	sbr.rel .LBB2_10-.Ltmp9, $4  }
0x4e: {  	_ = 	snop  }
0x4f: {  	_ =	swait.ge [sflag:s23], $0x4000  }
0x50: {  	[sflag:s23] =	ssyncset.done $0x0  }
0x51: {  	[sflag:s23] =	ssyncadd.s32 $0xFFFFC000  }
.LBB2_11:
0x52: {  	_ =	swait.ge [sflag:s24], $0x4000  }
0x53: {  	[sflag:s24] =	ssyncset.done $0x0  }
0x54: {  	[sflag:s24] =	ssyncadd.s32 $0xFFFFC000  }
0x55: {  	_ =	swait.ge [sflag:s23], $0x4000  }
0x56: {  	[sflag:s23] =	ssyncset.done $0x0  }
0x57: {  	s29 =	simm.s32 $0x0;
	[sflag:s23] =	ssyncadd.s32 $0xFFFFC000  }
0x58: {  	[tilespmem:s29], [sflag:$0x5] =	stream.linear.gather [hbm4b:s9+s29], $0x1400, $0x38;
	[tilespmem:$0x1E400] =	vst v63  }
0x59: {  	_ =	swait.ge [sflag:s18], $0x1400  }
0x5a: {  	[sflag:s18] =	ssyncset.done $0x0  }
.Ltmp10:
0x5b: {  	[sflag:s18] =	ssyncadd.s32 $0xFFFFEC00;
	(pc) =	sbr.rel .LBB2_12-.Ltmp10, $4  }
0x5c: {  	[tilespmem:s19], [sflag:$0x5] =	stream.linear.gather [hbm4b:s10+s29], $0x1400, $0x38;
	[tilespmem:$0x1E400] =	vst v63  }
0x5d: {  	_ =	swait.ge [sflag:s18], $0x1400  }
0x5e: {  	[sflag:s18] =	ssyncset.done $0x0  }
0x5f: {  	s30 =	simm.s32 $0xFFFFFFFF;
	s31 =	simm.s32 $0x0;
	[sflag:s18] =	ssyncadd.s32 $0xFFFFEC00  }
.LBB2_15:
0x60: {  	[tilespmem:s26], [sflag:$0x1] =	stream.indirect.gather [hbm4b:s4+s21], $0x80, s3, s21, $0xb8;
	[tilespmem:$0x1E400] =	vst v63  }
.LBB2_20:
0x61: {  	s0 =	sshra.s32 s29, $0x2;
	s29 =	sadd.s32 $0x400, s29  }
0x62: {  	s2 =	sadd.s32 $0x80, s0;
	p0 =	sne.s32 s29, $0x5400  }
0x63: {  	[tilespmem:s22], [sflag:$0x2] =	stream.indirect.gather [hbm4b:s4+s21], $0x80, s2, s21, $0xb8;
	[tilespmem:$0x1E400] =	vst v63  }
.Ltmp11:
0x64: {  	_ = 	snop;
	(pc) =	sbr.rel @!p0 .LBB2_21-.Ltmp11, $4  }
0x65: {  	_ =	swait.ge [sflag:s25], $0x4000  }
0x66: {  	s31 =	sadd.s32 $0x1, s31;
	[sflag:s25] =	ssyncset.done $0x0  }
0x67: {  	s30 =	sadd.s32 $0x2, s30;
	s0 =	sadd.s32 $0x1400, s0;
	[sflag:s25] =	ssyncadd.s32 $0xFFFFC000  }
0x68: {  	[spmem:s1] =	stream.indirect.scatter.add.f32 [tilespmem:s26], [sflag:$0x3], $0x80, s0, s21, $0xb8;
	[tilespmem:$0x1E400] =	vst v63  }
.LBB2_12:
0x69: {  	p0 =	seq.s32 s31, $0x14  }
.Ltmp12:
0x6a: {  	_ = 	snop;
	(pc) =	sbr.rel @p0 .LBB2_13-.Ltmp12, $1  }
0x6b: {  	_ =	sdelay $0x3  }
0x6c: {  	p0 =	sne.s32 s31, $0x0  }
.Ltmp13:
0x6d: {  	_ = 	snop;
	(pc) =	sbr.rel @!p0 .LBB2_15-.Ltmp13, $1  }
0x6e: {  	_ =	sdelay $0x3  }
0x6f: {  	p0 =	sgt.u32 s30, $0x27  }
.Ltmp14:
0x70: {  	_ =	swait.ge [sflag:s24], $0x4000;
	(pc) =	sbr.rel @p0 .LBB2_18-.Ltmp14, $4  }
.Ltmp15:
0x71: {  	[sflag:s24] =	ssyncset.done $0x0;
	(pc) =	sbr.rel @!p0 .LBB2_17-.Ltmp15, $4  }
0x72: {  	s0 =	sshra.s32 s29, $0x2;
	[sflag:s24] =	ssyncadd.s32 $0xFFFFC000  }
0x73: {  	[tilespmem:s26], [sflag:$0x1] =	stream.indirect.gather [hbm4b:s4+s21], $0x80, s0, s21, $0xb8;
	[tilespmem:$0x1E400] =	vst v63  }
0x74: {  	s0 =	smov.u32 s30  }
0x75: {  	_ = 	snop  }
.LBB2_13:
0x76: {  	s0 =	simm.s32 $0x27  }
.LBB2_17:
0x77: {  	_ =	swait.ge [sflag:s20], $0x4000;
	s0 =	sshll.u32 s0, $0x7  }
0x78: {  	[sflag:s20] =	ssyncset.done $0x0;
	s0 =	sand.u32 $0x3FFFFF80, s0  }
0x79: {  	[sflag:s20] =	ssyncadd.s32 $0xFFFFC000;
	s0 =	sadd.s32 $0x1400, s0  }
0x7a: {  	[spmem:s1] =	stream.indirect.scatter.add.f32 [tilespmem:s22], [sflag:$0x4], $0x80, s0, s21, $0xb8;
	[tilespmem:$0x1E400] =	vst v63  }
.LBB2_18:
0x7b: {  	p0 =	seq.s32 s29, $0x5000  }
.Ltmp16:
0x7c: {  	_ = 	snop;
	(pc) =	sbr.rel @p0 .LBB2_21-.Ltmp16, $1  }
0x7d: {  	_ =	sdelay $0x3  }
.Ltmp17:
0x7e: {  	(pc) =	sbr.rel .LBB2_20-.Ltmp17, $4  }
0x7f: {  	_ = 	snop  }
0x80: {  	_ =	swait.ge [sflag:s23], $0x4000  }
0x81: {  	[sflag:s23] =	ssyncset.done $0x0  }
0x82: {  	[sflag:s23] =	ssyncadd.s32 $0xFFFFC000  }
.LBB2_21:
0x83: {  	_ =	swait.ge [sflag:s24], $0x4000  }
0x84: {  	[sflag:s24] =	ssyncset.done $0x0  }
0x85: {  	[sflag:s24] =	ssyncadd.s32 $0xFFFFC000  }
0x86: {  	_ =	swait.ge [sflag:s23], $0x4000  }
0x87: {  	[sflag:s23] =	ssyncset.done $0x0  }
0x88: {  	[sflag:s23] =	ssyncadd.s32 $0xFFFFC000  }
0x89: {  	[bflag:$0x0] =	sbarrier.arrive $0xFFFF  }
0x8a: {  	[hbm:s11], [sflag:s7] =	dma.local [spmem:s17], $0x2780  }
0x8b: {  	_ =	swait.ge [sflag:s18], $0x2780  }
0x8c: {  	[sflag:s18] =	ssyncset.done $0x0  }
0x8d: {  	[sflag:s18] =	ssyncadd.s32 $0xFFFFD880  }
0x8e: {  	[bflag:$0x0] =	sbarrier.arrive $0xFFFF  }
0x8f: {  	[spmem:s17], [sflag:s7] =	dma.local [hbm:s13], $0x2780  }
0x90: {  	_ =	swait.ge [sflag:s18], $0x2780  }
0x91: {  	[sflag:s18] =	ssyncset.done $0x0  }
0x92: {  	[sflag:s18] =	ssyncadd.s32 $0xFFFFD880  }
0x93: {  	s29 =	simm.s32 $0x0;
	[bflag:$0x0] =	sbarrier.arrive $0xFFFF  }
0x94: {  	[tilespmem:s29], [sflag:$0x5] =	stream.linear.gather [hbm4b:s12+s29], $0x1400, $0x38;
	[tilespmem:$0x1E400] =	vst v63  }
0x95: {  	_ =	swait.ge [sflag:s18], $0x1400  }
0x96: {  	[sflag:s18] =	ssyncset.done $0x0  }
.Ltmp18:
0x97: {  	[sflag:s18] =	ssyncadd.s32 $0xFFFFEC00;
	(pc) =	sbr.rel .LBB2_22-.Ltmp18, $4  }
0x98: {  	[tilespmem:s19], [sflag:$0x5] =	stream.linear.gather [hbm4b:s8+s29], $0x1400, $0x38;
	[tilespmem:$0x1E400] =	vst v63  }
0x99: {  	_ =	swait.ge [sflag:s18], $0x1400  }
0x9a: {  	[sflag:s18] =	ssyncset.done $0x0  }
0x9b: {  	s30 =	simm.s32 $0xFFFFFFFF;
	s31 =	simm.s32 $0x0;
	[sflag:s18] =	ssyncadd.s32 $0xFFFFEC00  }
.LBB2_25:
0x9c: {  	[tilespmem:s26], [sflag:$0x1] =	stream.indirect.gather [hbm4b:s4+s21], $0x80, s3, s21, $0xb8;
	[tilespmem:$0x1E400] =	vst v63  }
.LBB2_30:
0x9d: {  	s0 =	sshra.s32 s29, $0x2;
	s29 =	sadd.s32 $0x400, s29  }
0x9e: {  	s2 =	sadd.s32 $0x80, s0;
	p0 =	sne.s32 s29, $0x5400  }
0x9f: {  	[tilespmem:s22], [sflag:$0x2] =	stream.indirect.gather [hbm4b:s4+s21], $0x80, s2, s21, $0xb8;
	[tilespmem:$0x1E400] =	vst v63  }
.Ltmp19:
0xa0: {  	_ = 	snop;
	(pc) =	sbr.rel @!p0 .LBB2_31-.Ltmp19, $4  }
0xa1: {  	_ =	swait.ge [sflag:s25], $0x4000  }
0xa2: {  	s31 =	sadd.s32 $0x1, s31;
	[sflag:s25] =	ssyncset.done $0x0  }
0xa3: {  	s30 =	sadd.s32 $0x2, s30;
	s0 =	sadd.s32 $0x1400, s0;
	[sflag:s25] =	ssyncadd.s32 $0xFFFFC000  }
0xa4: {  	[spmem:s1] =	stream.indirect.scatter.add.f32 [tilespmem:s26], [sflag:$0x3], $0x80, s0, s21, $0xb8;
	[tilespmem:$0x1E400] =	vst v63  }
.LBB2_22:
0xa5: {  	p0 =	seq.s32 s31, $0x14  }
.Ltmp20:
0xa6: {  	_ = 	snop;
	(pc) =	sbr.rel @p0 .LBB2_23-.Ltmp20, $1  }
0xa7: {  	_ =	sdelay $0x3  }
0xa8: {  	p0 =	sne.s32 s31, $0x0  }
.Ltmp21:
0xa9: {  	_ = 	snop;
	(pc) =	sbr.rel @!p0 .LBB2_25-.Ltmp21, $1  }
0xaa: {  	_ =	sdelay $0x3  }
0xab: {  	p0 =	sgt.u32 s30, $0x27  }
.Ltmp22:
0xac: {  	_ =	swait.ge [sflag:s24], $0x4000;
	(pc) =	sbr.rel @p0 .LBB2_28-.Ltmp22, $4  }
.Ltmp23:
0xad: {  	[sflag:s24] =	ssyncset.done $0x0;
	(pc) =	sbr.rel @!p0 .LBB2_27-.Ltmp23, $4  }
0xae: {  	s0 =	sshra.s32 s29, $0x2;
	[sflag:s24] =	ssyncadd.s32 $0xFFFFC000  }
0xaf: {  	[tilespmem:s26], [sflag:$0x1] =	stream.indirect.gather [hbm4b:s4+s21], $0x80, s0, s21, $0xb8;
	[tilespmem:$0x1E400] =	vst v63  }
0xb0: {  	s0 =	smov.u32 s30  }
0xb1: {  	_ = 	snop  }
.LBB2_23:
0xb2: {  	s0 =	simm.s32 $0x27  }
.LBB2_27:
0xb3: {  	_ =	swait.ge [sflag:s20], $0x4000;
	s0 =	sshll.u32 s0, $0x7  }
0xb4: {  	[sflag:s20] =	ssyncset.done $0x0;
	s0 =	sand.u32 $0x3FFFFF80, s0  }
0xb5: {  	[sflag:s20] =	ssyncadd.s32 $0xFFFFC000;
	s0 =	sadd.s32 $0x1400, s0  }
0xb6: {  	[spmem:s1] =	stream.indirect.scatter.add.f32 [tilespmem:s22], [sflag:$0x4], $0x80, s0, s21, $0xb8;
	[tilespmem:$0x1E400] =	vst v63  }
.LBB2_28:
0xb7: {  	p0 =	seq.s32 s29, $0x5000  }
.Ltmp24:
0xb8: {  	_ = 	snop;
	(pc) =	sbr.rel @p0 .LBB2_31-.Ltmp24, $1  }
0xb9: {  	_ =	sdelay $0x3  }
.Ltmp25:
0xba: {  	(pc) =	sbr.rel .LBB2_30-.Ltmp25, $4  }
0xbb: {  	_ = 	snop  }
0xbc: {  	_ =	swait.ge [sflag:s23], $0x4000  }
0xbd: {  	[sflag:s23] =	ssyncset.done $0x0  }
0xbe: {  	[sflag:s23] =	ssyncadd.s32 $0xFFFFC000  }
.LBB2_31:
0xbf: {  	_ =	swait.ge [sflag:s24], $0x4000  }
0xc0: {  	[sflag:s24] =	ssyncset.done $0x0  }
0xc1: {  	[sflag:s24] =	ssyncadd.s32 $0xFFFFC000  }
0xc2: {  	_ =	swait.ge [sflag:s23], $0x4000  }
0xc3: {  	[sflag:s23] =	ssyncset.done $0x0  }
0xc4: {  	s29 =	simm.s32 $0x0;
	[sflag:s23] =	ssyncadd.s32 $0xFFFFC000  }
0xc5: {  	[tilespmem:s29], [sflag:$0x5] =	stream.linear.gather [hbm4b:s14+s29], $0x1400, $0x38;
	[tilespmem:$0x1E400] =	vst v63  }
0xc6: {  	_ =	swait.ge [sflag:s18], $0x1400  }
0xc7: {  	[sflag:s18] =	ssyncset.done $0x0  }
.Ltmp26:
0xc8: {  	[sflag:s18] =	ssyncadd.s32 $0xFFFFEC00;
	(pc) =	sbr.rel .LBB2_32-.Ltmp26, $4  }
0xc9: {  	[tilespmem:s19], [sflag:$0x5] =	stream.linear.gather [hbm4b:s10+s29], $0x1400, $0x38;
	[tilespmem:$0x1E400] =	vst v63  }
0xca: {  	_ =	swait.ge [sflag:s18], $0x1400  }
0xcb: {  	[sflag:s18] =	ssyncset.done $0x0  }
0xcc: {  	s30 =	simm.s32 $0xFFFFFFFF;
	s31 =	simm.s32 $0x0;
	[sflag:s18] =	ssyncadd.s32 $0xFFFFEC00  }
.LBB2_35:
0xcd: {  	[tilespmem:s26], [sflag:$0x1] =	stream.indirect.gather [hbm4b:s4+s21], $0x80, s3, s21, $0xb8;
	[tilespmem:$0x1E400] =	vst v63  }
.LBB2_40:
0xce: {  	s0 =	sshra.s32 s29, $0x2;
	s29 =	sadd.s32 $0x400, s29  }
0xcf: {  	s2 =	sadd.s32 $0x80, s0;
	p0 =	sne.s32 s29, $0x5400  }
0xd0: {  	[tilespmem:s22], [sflag:$0x2] =	stream.indirect.gather [hbm4b:s4+s21], $0x80, s2, s21, $0xb8;
	[tilespmem:$0x1E400] =	vst v63  }
.Ltmp27:
0xd1: {  	_ = 	snop;
	(pc) =	sbr.rel @!p0 .LBB2_41-.Ltmp27, $4  }
0xd2: {  	_ =	swait.ge [sflag:s25], $0x4000  }
0xd3: {  	s31 =	sadd.s32 $0x1, s31;
	[sflag:s25] =	ssyncset.done $0x0  }
0xd4: {  	s30 =	sadd.s32 $0x2, s30;
	s0 =	sadd.s32 $0x1400, s0;
	[sflag:s25] =	ssyncadd.s32 $0xFFFFC000  }
0xd5: {  	[spmem:s1] =	stream.indirect.scatter.add.f32 [tilespmem:s26], [sflag:$0x3], $0x80, s0, s21, $0xb8;
	[tilespmem:$0x1E400] =	vst v63  }
.LBB2_32:
0xd6: {  	p0 =	seq.s32 s31, $0x14  }
.Ltmp28:
0xd7: {  	_ = 	snop;
	(pc) =	sbr.rel @p0 .LBB2_33-.Ltmp28, $1  }
0xd8: {  	_ =	sdelay $0x3  }
0xd9: {  	p0 =	sne.s32 s31, $0x0  }
.Ltmp29:
0xda: {  	_ = 	snop;
	(pc) =	sbr.rel @!p0 .LBB2_35-.Ltmp29, $1  }
0xdb: {  	_ =	sdelay $0x3  }
0xdc: {  	p0 =	sgt.u32 s30, $0x27  }
.Ltmp30:
0xdd: {  	_ =	swait.ge [sflag:s24], $0x4000;
	(pc) =	sbr.rel @p0 .LBB2_38-.Ltmp30, $4  }
.Ltmp31:
0xde: {  	[sflag:s24] =	ssyncset.done $0x0;
	(pc) =	sbr.rel @!p0 .LBB2_37-.Ltmp31, $4  }
0xdf: {  	s0 =	sshra.s32 s29, $0x2;
	[sflag:s24] =	ssyncadd.s32 $0xFFFFC000  }
0xe0: {  	[tilespmem:s26], [sflag:$0x1] =	stream.indirect.gather [hbm4b:s4+s21], $0x80, s0, s21, $0xb8;
	[tilespmem:$0x1E400] =	vst v63  }
0xe1: {  	s0 =	smov.u32 s30  }
0xe2: {  	_ = 	snop  }
.LBB2_33:
0xe3: {  	s0 =	simm.s32 $0x27  }
.LBB2_37:
0xe4: {  	_ =	swait.ge [sflag:s20], $0x4000;
	s0 =	sshll.u32 s0, $0x7  }
0xe5: {  	[sflag:s20] =	ssyncset.done $0x0;
	s0 =	sand.u32 $0x3FFFFF80, s0  }
0xe6: {  	[sflag:s20] =	ssyncadd.s32 $0xFFFFC000;
	s0 =	sadd.s32 $0x1400, s0  }
0xe7: {  	[spmem:s1] =	stream.indirect.scatter.add.f32 [tilespmem:s22], [sflag:$0x4], $0x80, s0, s21, $0xb8;
	[tilespmem:$0x1E400] =	vst v63  }
.LBB2_38:
0xe8: {  	p0 =	seq.s32 s29, $0x5000  }
.Ltmp32:
0xe9: {  	_ = 	snop;
	(pc) =	sbr.rel @p0 .LBB2_41-.Ltmp32, $1  }
0xea: {  	_ =	sdelay $0x3  }
.Ltmp33:
0xeb: {  	(pc) =	sbr.rel .LBB2_40-.Ltmp33, $4  }
0xec: {  	_ = 	snop  }
0xed: {  	_ =	swait.ge [sflag:s23], $0x4000  }
0xee: {  	[sflag:s23] =	ssyncset.done $0x0  }
0xef: {  	[sflag:s23] =	ssyncadd.s32 $0xFFFFC000  }
.LBB2_42:
0xf0: {  	_ =	sfence.sel $0x180000  }
0xf1: {  	[bflag:$0x0] =	sbarrier.arrive $0xFFFF  }
0xf2: {  	_ =	strace $0x9000004D  }
0xf3: {  	s0 =	stileid.u32;
	[bflag:$0x2] =	sbarrier.arrive $0xFFFF  }
0xf4: {  	p0 =	sne.s32 s0, $0x0;
	s0 =	rddreg [dreg:$0x2]  }
0xf5: {  	s0 =	sadd.s32 @!p0 $0x100000, s0  }
0xf6: {  	[sflag:s0] =	ssyncadd.tile.s32 @!p0 $0x1;
	_ =	shalt  }
.Lfunc_end2:
_tile_overlayer_lowered:
.L_overlay_start_2:
0xf7: {  	(tag) =	ssettag $0x2  }
0xf8: {  	s0 =	rddreg [dreg:$0x0];
	s2 =	stileid.u32  }
0xf9: {  	s1 =	rddreg [dreg:$0x1];
	p0 =	sne.s32 s2, $0x0  }
0xfa: {  	s3 =	rddreg [dreg:$0x2];
	[bflag:$0x3] =	sbarrier.arrive $0xFFFF;
	s2 =	simm.s32 @!p0 $0x1C05  }
0xfb: {  	[timem:s3], [sflag:s2] =	dma.local @!p0 [hbm:s0], s1  }
0xfc: {  	s0 =	simm.s32 @!p0 $0x5  }
0xfd: {  	_ =	swait.ge @!p0 [sflag:s0], s1  }
0xfe: {  	s1 =	ssub.s32 @!p0 $0x0, s1;
	[sflag:s0] =	ssyncset.done @!p0 $0x0  }
0xff: {  	[sflag:s0] =	ssyncadd.s32 @!p0 s1  }
0x100: {  	[bflag:$0x3] =	sbarrier.arrive $0xFFFF  }
0x101: {  	_ =	shalt  }

// kernel: kernel.21.cloned.1.call-start
scs
__scs_entry_jumppad:
0x0: {  	(pc) =	sbr.rel $0x88, $3  }
0x1: {  	(tag) =	ssettag $0x0;
	lr =	simm.s32 $0x1  }
0x2: {  	[smem:$0x3F8F] =	sst lr;
	_ =	strace $0xD0000000  }
0x3: {  	_ = 	snop  }
0x4: {  	_ = 	snop  }
0x5: {  	_ = 	snop  }
0x6: {  	_ = 	snop  }
0x7: {  	_ = 	snop  }
__scs_overlays_trampoline_lowered:
0x8: {  	[smem:$0x3F9E] =	sst s0  }
0x9: {  	[smem:$0x3F9F] =	sst s1  }
0xa: {  	[smem:$0x3FA0] =	sst s2  }
0xb: {  	[smem:$0x3FA1] =	sst s3  }
0xc: {  	[smem:$0x3FA2] =	sst s4  }
0xd: {  	[smem:$0x3FA3] =	sst s5  }
0xe: {  	[smem:$0x3FA4] =	sst s6  }
0xf: {  	[smem:$0x3FA5] =	sst s7  }
0x10: {  	[smem:$0x3FA6] =	sst s8  }
0x11: {  	[smem:$0x3FA7] =	sst s9;
	s0 =	simm.s32 @!p0 $0x0  }
0x12: {  	s1 =	sld [smem:$0x3F8D];
	s0 =	simm.s32 @p0 $0x1  }
0x13: {  	[smem:$0x3FA8] =	sst s0;
	s0 =	simm.s32 @!p1 $0x0  }
0x14: {  	s2 =	sld [smem:$0x3F8C];
	s0 =	simm.s32 @p1 $0x1  }
0x15: {  	[smem:$0x3FA9] =	sst s0;
	s0 =	simm.s32 @!p2 $0x0  }
0x16: {  	s3 =	sld [smem:$0x3FDB];
	s0 =	simm.s32 @p2 $0x1  }
0x17: {  	s4 =	simm.s32 $0x1BF5;
	[smem:$0x3FAB] =	sst s0  }
0x18: {  	s0 =	sld [smem:$0x3F8E];
	_ =	swait.ge [sflag:s4], $0x0  }
0x19: {  	s7 =	sld [smem:$0x3F8F]  }
0x1a: {  	s8 =	sadd.s32 $0xFFFFE003, lr  }
0x1b: {  	s9 =	sadd.s32 $0xFFFFFEF7, lr;
	s5 =	simm.s32 $0xFFFFFFFF;
	p2 =	slt.u32 s8, $0xFFFFF086  }
0x1c: {  	p1 =	slt.u32 s9, $0xF7A;
	s5 =	simm.s32 @!p2 $0x0  }
0x1d: {  	s5 =	simm.s32 @p1 $0x1;
	p0 =	seq.s32 s7, s2  }
0x1e: {  	s7 =	smul.u32 @!p0 $0xF7A, s2;
	p2 =	seq.s32 @!p0 s5, $0x0  }
0x1f: {  	s9 =	smul.u32 $0xF7A, s1;
	s8 =	simm.s32 @!p0 $0x1BF5;
	p2 =	por !p2, p0  }
0x20: {  	[sflag:s8] =	ssyncset.s32 @!p0 $0xFFFFF086;
	s6 =	sadd.s32 @!p0 s3, s7;
	s7 =	simm.s32 @!p0 $0x108  }
0x21: {  	s3 =	sadd.s32 s3, s9;
	s6 =	sadd.s32 @!p0 $0x88, s6;
	s7 =	simm.s32 @p2 $0x1082  }
0x22: {  	[simem:s7], [sflag:s8] =	dma.local @!p0 [hbm:s6], $0xF7A  }
0x23: {  	s9 =	sor.u32 $0xD0000000, s2;
	s6 =	simm.s32 $0x108;
	_ =	swait.ge @!p0 [sflag:s8], $0x0  }
0x24: {  	s3 =	sadd.s32 $0x88, s3;
	s6 =	simm.s32 @!p1 $0x1082;
	[sflag:s4] =	ssyncset.s32 $0xFFFFF086  }
0x25: {  	[simem:s6], [sflag:s4] =	dma.local [hbm:s3], $0xF7A  }
0x26: {  	[smem:$0x3F8F] =	sst s1;
	(tag) =	ssettag s2;
	_ =	strace s9  }
0x27: {  	s1 =	sld [smem:$0x3F9F]  }
0x28: {  	s2 =	sld [smem:$0x3FA0]  }
0x29: {  	s4 =	sld [smem:$0x3FA2]  }
0x2a: {  	p0 =	seq.s32 s5, $0x0;
	s5 =	sld [smem:$0x3FA3]  }
0x2b: {  	s6 =	sld [smem:$0x3FA4]  }
0x2c: {  	s7 =	sld [smem:$0x3FA5]  }
0x2d: {  	s3 =	simm.s32 $0x108;
	s8 =	sld [smem:$0x3FA6]  }
0x2e: {  	s3 =	simm.s32 @!p0 $0x1082;
	s9 =	sld [smem:$0x3FA7]  }
0x2f: {  	lr =	sadd.s32 s0, s3;
	s0 =	sld [smem:$0x3F9E]  }
0x30: {  	s3 =	sld [smem:$0x3FA1]  }
0x31: {  	[smem:$0x3FAA] =	sst s10  }
0x32: {  	s10 =	sld [smem:$0x3FA8];
	_ =	sdelay $0x3  }
0x33: {  	p0 =	seq.s32 s10, $0x1;
	s10 =	sld [smem:$0x3FAA];
	_ =	sdelay $0x3  }
0x34: {  	[smem:$0x3FAA] =	sst s10  }
0x35: {  	s10 =	sld [smem:$0x3FA9];
	_ =	sdelay $0x3  }
0x36: {  	p1 =	seq.s32 s10, $0x1;
	s10 =	sld [smem:$0x3FAA];
	_ =	sdelay $0x3  }
0x37: {  	[smem:$0x3FAA] =	sst s10  }
0x38: {  	s10 =	sld [smem:$0x3FAB]  }
0x39: {  	_ = 	snop;
	(pc) =	sbr.ind lr, $3  }
0x3a: {  	_ = 	snop  }
0x3b: {  	_ = 	snop  }
0x3c: {  	p2 =	seq.s32 s10, $0x1;
	s10 =	sld [smem:$0x3FAA]  }
0x3d: {  	_ =	shalt  }
0x3e: {  	_ =	shalt  }
0x3f: {  	_ =	shalt  }
0x40: {  	_ =	shalt  }
0x41: {  	_ =	shalt  }
0x42: {  	_ =	shalt  }
0x43: {  	_ =	shalt  }
0x44: {  	_ =	shalt  }
0x45: {  	_ =	shalt  }
0x46: {  	_ =	shalt  }
0x47: {  	_ =	shalt  }
0x48: {  	_ =	shalt  }
0x49: {  	_ =	shalt  }
0x4a: {  	_ =	shalt  }
0x4b: {  	_ =	shalt  }
0x4c: {  	_ =	shalt  }
0x4d: {  	_ =	shalt  }
0x4e: {  	_ =	shalt  }
0x4f: {  	_ =	shalt  }
0x50: {  	_ =	shalt  }
0x51: {  	_ =	shalt  }
0x52: {  	_ =	shalt  }
0x53: {  	_ =	shalt  }
0x54: {  	_ =	shalt  }
0x55: {  	_ =	shalt  }
0x56: {  	_ =	shalt  }
0x57: {  	_ =	shalt  }
0x58: {  	_ =	shalt  }
0x59: {  	_ =	shalt  }
0x5a: {  	_ =	shalt  }
0x5b: {  	_ =	shalt  }
0x5c: {  	_ =	shalt  }
0x5d: {  	_ =	shalt  }
0x5e: {  	_ =	shalt  }
0x5f: {  	_ =	shalt  }
0x60: {  	_ =	shalt  }
0x61: {  	_ =	shalt  }
0x62: {  	_ =	shalt  }
0x63: {  	_ =	shalt  }
0x64: {  	_ =	shalt  }
0x65: {  	_ =	shalt  }
0x66: {  	_ =	shalt  }
0x67: {  	_ =	shalt  }
0x68: {  	_ =	shalt  }
0x69: {  	_ =	shalt  }
0x6a: {  	_ =	shalt  }
0x6b: {  	_ =	shalt  }
0x6c: {  	_ =	shalt  }
0x6d: {  	_ =	shalt  }
0x6e: {  	_ =	shalt  }
0x6f: {  	_ =	shalt  }
0x70: {  	_ =	shalt  }
0x71: {  	_ =	shalt  }
0x72: {  	_ =	shalt  }
0x73: {  	_ =	shalt  }
0x74: {  	_ =	shalt  }
0x75: {  	_ =	shalt  }
0x76: {  	_ =	shalt  }
0x77: {  	_ =	shalt  }
0x78: {  	_ =	shalt  }
0x79: {  	_ =	shalt  }
0x7a: {  	_ =	shalt  }
0x7b: {  	_ =	shalt  }
0x7c: {  	_ =	shalt  }
0x7d: {  	_ =	shalt  }
0x7e: {  	_ =	shalt  }
0x7f: {  	_ =	shalt  }
0x80: {  	_ =	shalt  }
0x81: {  	_ =	shalt  }
0x82: {  	_ =	shalt  }
0x83: {  	_ =	shalt  }
0x84: {  	_ =	shalt  }
0x85: {  	_ =	shalt  }
0x86: {  	_ =	shalt  }
0x87: {  	_ =	shalt  }
.Lfunc_end0:
.L_simem_size_0:
called_computation.3_lowered:
.L_overlay_start_0:
0x88: {  	s2 =	sld [smem:$0x3FD9]  }
0x89: {  	s3 =	sld [smem:$0x3FFE];
	_ =	sdelay $0x1  }
0x8a: {  	s1 =	srdreg.scid  }
0x8b: {  	s0 =	sand.u32 $0x1, s1  }
0x8c: {  	s16 =	sshll.u32 s0, $0xA;
	s2 =	sadd.s32 s3, s2  }
0x8d: {  	s2 =	sadd.s32 s2, s16  }
0x8e: {  	[smem:$0x3FB6] =	sst s2  }
0x8f: {  	_ = 	snop  }
0x90: {  	(tm) =	ssettm $0x1  }
0x91: {  	s17 =	sld [smem:$0x3FFB];
	_ =	sdelay $0x3  }
0x92: {  	_ =	strace s17  }
0x93: {  	s2 =	sld [smem:$0x3FFC];
	_ =	sdelay $0x3  }
0x94: {  	_ =	strace s2  }
0x95: {  	s2 =	sld [smem:$0x3FFD];
	_ =	sdelay $0x3  }
0x96: {  	_ =	strace s2  }
0x97: {  	_ =	strace $0x8FFFFFFF  }
0x98: {  	s18 =	sld [smem:$0x3FDB];
	_ =	sdelay $0x1  }
0x99: {  	s19 =	simm.s32 $_scs_section_size  }
0x9a: {  	s4 =	simm.s32 $_size__tile_overlayer_lowered;
	s5 =	simm.s32 $_tile_overlayer_lowered  }
0x9b: {  	s22 =	simm.s32 $0x1BFF;
	s21 =	sshll.u32 s5, $0x1;
	s2 =	sadd.s32 s19, s18  }
0x9c: {  	s6 =	simm.s32 $0x0;
	s20 =	sshll.u32 s4, $0x1;
	s4 =	sadd.s32 s21, s2  }
0x9d: {  	[timem:s6], [sflag:s22] =	dma.local [hbm:s4], s20  }
0x9e: {  	_ =	swait.ge [sflag:s22], s20  }
0x9f: {  	s3 =	ssub.s32 $0x0, s20;
	[sflag:s22] =	ssyncset.done $0x0  }
0xa0: {  	[sflag:s22] =	ssyncadd.s32 s3;
	_ =	sdelay $0x1  }
0xa1: {  	s23 =	simm.s32 $0x1B8B  }
0xa2: {  	_ =	swait.ge [sflag:s23], $0x1  }
0xa3: {  	[sflag:s23] =	ssyncset.done $0x0  }
0xa4: {  	s25 =	simm.s32 $0x1B8E;
	s24 =	sld [smem:$0x3FFE];
	[sflag:s23] =	ssyncadd.s32 $0xFFFFFFFF  }
0xa5: {  	s26 =	simm.s32 $execute0_lowered;
	[smem:$0x3FD2] =	sst s25  }
0xa6: {  	s4 =	sshll.u32 s26, $0x1;
	_ =	strace $0x8000004F;
	[dreg:$0x1] =	wrdreg $0xFFFFFFFF  }
0xa7: {  	s28 =	simm.s32 $_size_execute0_lowered;
	s2 =	sadd.s32 s2, s4;
	[dreg:$0x0] =	wrdreg $0x0  }
0xa8: {  	s4 =	sshll.u32 s28, $0x1;
	[dreg:$0x2] =	wrdreg s2  }
0xa9: {  	[dreg:$0x3] =	wrdreg s4  }
0xaa: {  	[dreg:$0x4] =	wrdreg $0xC0  }
0xab: {  	_ =	task [dreg:s6], $0x5FFFF  }
0xac: {  	[dreg:$0x1] =	wrdreg $0xFFFFFFFF  }
0xad: {  	[dreg:$0x0] =	wrdreg $0x60  }
0xae: {  	[dreg:$0x2] =	wrdreg s24  }
0xaf: {  	[dreg:$0x3] =	wrdreg $0xA8000  }
0xb0: {  	[dreg:$0x4] =	wrdreg $0x9  }
0xb1: {  	_ =	task.clear_ibuf [dreg:s6], $0x5FFFF;
	_ =	strace $0x9000004F  }
0xb2: {  	s29 =	simm.s32 $0x9;
	_ =	strace $0x80000051  }
0xb3: {  	_ =	swait.ge [sflag:s29], $0x1  }
0xb4: {  	[sflag:s29] =	ssyncadd.s32 $0xFFFFFFFF  }
0xb5: {  	_ =	strace $0x90000051  }
0xb6: {  	_ =	sfence  }
0xb7: {  	s30 =	sld [smem:$0x0];
	_ =	sdelay $0x2  }
0xb8: {  	s31 =	sshll.u32 s1, $0xD;
	s1 =	sshrl.u32 s1, $0x2  }
0xb9: {  	s3 =	sand.u32 $0x4000, s31;
	s1 =	sadd.s32 s1, s30  }
0xba: {  	s0 =	sor.u32 s3, s0;
	s1 =	sshll.u32 s1, $0x11  }
0xbb: {  	s0 =	sor.u32 s1, s0  }
0xbc: {  	s0 =	sadd.s32 $0x8F2B, s0  }
0xbd: {  	[sflag:s0] =	ssyncadd.remote.s32 $0x1  }
0xbe: {  	_ =	sfence.sel $0xFFFF  }
0xbf: {  	[dreg:$0x0] =	wrdreg $0xFFFFFFFF;
	(pc) =	sbr.abs _section_cstart, $3  }
0xc0: {  	[dreg:$0x1] =	wrdreg $0xFFFFFFFF  }
0xc1: {  	_ =	task.clear_ibuf [dreg:s6], $0x2FFFF;
	_ =	strace $0x9FFFFFFF  }
0xc2: {  	(tm) =	ssettm $0x7FFFFFFF  }
0xc3: {  	_ =	shalt  }
tec
execute0_lowered:
.L_overlay_start_1:
0x0: {  	(tag) =	ssettag $0x1  }
0x1: {  	s0 =	rddreg [dreg:$0x0]  }
0x2: {  	s1 =	rddreg [dreg:$0x1];
	s3 =	simm.s32 $0x0;
	s2 =	stileid.u32  }
0x3: {  	s6 =	srdreg.scid;
	s19 =	simm.s32 $0x1400;
	s20 =	simm.s32 $0x2  }
0x4: {  	s21 =	simm.s32 $0x80;
	s22 =	simm.s32 $0x6800;
	s28 =	simm.s32 $0x0  }
0x5: {  	[smem:$0x7FF] =	sst s3;
	s4 =	sadd.s32 $0x73400, s0;
	s5 =	smul.u32 $0x2800, s2  }
0x6: {  	s12 =	sadd.s32 $0x5F400, s0;
	s6 =	sand.u32 $0x1, s6;
	s11 =	smul.u32 $0x278, s2  }
0x7: {  	s8 =	smul.u32 $0x4F000, s2;
	s31 =	sshll.u32 s2, $0x6;
	_ =	strace $0x80000050  }
0x8: {  	s7 =	ssub.s32 $0x2, s6;
	s9 =	smul.u32 $0x4F00, s6;
	s24 =	sshll.u32 s6, $0x5  }
0x9: {  	s6 =	sshllo.u32 s6, $0x1;
	s5 =	sshrl.u32 s5, $0x3;
	s23 =	sshrl.u32 s7, $0x1  }
0xa: {  	s25 =	sshrl.u32 s8, $0x2;
	s30 =	sshll.u32 s6, $0x4;
	s14 =	smul.u32 $0x2780, s6  }
0xb: {  	s10 =	sadd.s32 s5, s0;
	s0 =	sadd.s32 $0x111400, s0;
	s16 =	ssub.s32 s7, s23  }
0xc: {  	s26 =	sadd.s32 s11, s9;
	s5 =	sor.u32 s2, s24;
	s17 =	sadd.s32 s25, s1  }
0xd: {  	s7 =	sor.u32 s2, s30;
	s23 =	simm.s32 $0x4;
	s24 =	simm.s32 $0x3  }
0xe: {  	s25 =	simm.s32 $0x1;
	s13 =	sshll.u32 s26, $0x4;
	s29 =	smul.u32 $0x2800, s5  }
0xf: {  	s15 =	smul.u32 $0x2800, s7;
	s7 =	sor.u32 $0x1C05, s31;
	s14 =	sadd.s32 s11, s14  }
0x10: {  	s16 =	smax.u32 s16, $0x1;
	s17 =	sshrl.u32 s17, $0x3;
	s26 =	simm.s32 $0x2800  }
.Ltmp0:
0x11: {  	s5 =	sadd.s32 s4, s13;
	s11 =	sadd.s32 s0, s13;
	(pc) =	sbr.rel .LBB2_1-.Ltmp0, $4  }
0x12: {  	s18 =	sshll.u32 s14, $0x4;
	s8 =	sshrl.u32 s29, $0x3;
	s15 =	sshrl.u32 s15, $0x3  }
0x13: {  	s13 =	sadd.s32 s4, s18;
	s6 =	sadd.s32 s12, s8;
	s8 =	sadd.s32 $0x3400, s10  }
0x14: {  	s10 =	sadd.s32 $0x3680, s10;
	s12 =	sadd.s32 s12, s15;
	s15 =	sadd.s32 s0, s18  }
0x15: {  	s18 =	simm.s32 $0x5;
	s9 =	sadd.s32 $0x280, s6;
	s14 =	sadd.s32 $0x280, s12  }
.LBB2_41:
0x16: {  	_ =	swait.ge [sflag:s24], $0x4000  }
0x17: {  	[sflag:s24] =	ssyncset.done $0x0  }
0x18: {  	[sflag:s24] =	ssyncadd.s32 $0xFFFFC000  }
0x19: {  	_ =	swait.ge [sflag:s23], $0x4000  }
0x1a: {  	[sflag:s23] =	ssyncset.done $0x0  }
0x1b: {  	s28 =	sadd.s32 $0x1, s28;
	[sflag:s23] =	ssyncadd.s32 $0xFFFFC000  }
0x1c: {  	p0 =	sne.s32 s28, s16;
	[bflag:$0x0] =	sbarrier.arrive $0xFFFF  }
0x1d: {  	[hbm:s15], [sflag:s7] =	dma.local [spmem:s17], $0x2780  }
.Ltmp1:
0x1e: {  	_ =	swait.ge [sflag:s18], $0x2780;
	(pc) =	sbr.rel @!p0 .LBB2_42-.Ltmp1, $3  }
0x1f: {  	[sflag:s18] =	ssyncset.done $0x0  }
0x20: {  	[sflag:s18] =	ssyncadd.s32 $0xFFFFD880  }
0x21: {  	[bflag:$0x0] =	sbarrier.arrive $0xFFFF;
	_ =	sdelay $0x1  }
.LBB2_1:
0x22: {  	[spmem:s17], [sflag:s7] =	dma.local [hbm:s5], $0x2780  }
0x23: {  	_ =	swait.ge [sflag:s18], $0x2780  }
0x24: {  	[sflag:s18] =	ssyncset.done $0x0  }
0x25: {  	[sflag:s18] =	ssyncadd.s32 $0xFFFFD880  }
0x26: {  	[bflag:$0x0] =	sbarrier.arrive $0xFFFF  }
0x27: {  	[tilespmem:s3], [sflag:$0x5] =	stream.linear.gather [hbm4b:s6+s3], $0x1400, $0x38;
	[tilespmem:$0x1E400] =	vst v63  }
0x28: {  	_ =	swait.ge [sflag:s18], $0x1400  }
0x29: {  	[sflag:s18] =	ssyncset.done $0x0  }
.Ltmp2:
0x2a: {  	[sflag:s18] =	ssyncadd.s32 $0xFFFFEC00;
	(pc) =	sbr.rel .LBB2_2-.Ltmp2, $4  }
0x2b: {  	[tilespmem:s19], [sflag:$0x5] =	stream.linear.gather [hbm4b:s8+s3], $0x1400, $0x38;
	[tilespmem:$0x1E400] =	vst v63  }
0x2c: {  	_ =	swait.ge [sflag:s18], $0x1400  }
0x2d: {  	s29 =	simm.s32 $0xFFFFFFFF;
	[sflag:s18] =	ssyncset.done $0x0  }
0x2e: {  	s30 =	simm.s32 $0x0;
	s31 =	simm.s32 $0x0;
	[sflag:s18] =	ssyncadd.s32 $0xFFFFEC00  }
.LBB2_5:
0x2f: {  	[tilespmem:s26], [sflag:$0x1] =	stream.indirect.gather [hbm4b:s4+s21], $0x80, s3, s21, $0xb8;
	[tilespmem:$0x1E400] =	vst v63  }
.LBB2_10:
0x30: {  	s0 =	sshra.s32 s30, $0x2;
	s30 =	sadd.s32 $0x400, s30  }
0x31: {  	s2 =	sadd.s32 $0x80, s0;
	p0 =	sne.s32 s30, $0x5400  }
0x32: {  	[tilespmem:s22], [sflag:$0x2] =	stream.indirect.gather [hbm4b:s4+s21], $0x80, s2, s21, $0xb8;
	[tilespmem:$0x1E400] =	vst v63  }
.Ltmp3:
0x33: {  	_ = 	snop;
	(pc) =	sbr.rel @!p0 .LBB2_11-.Ltmp3, $4  }
0x34: {  	_ =	swait.ge [sflag:s25], $0x4000  }
0x35: {  	s31 =	sadd.s32 $0x1, s31;
	[sflag:s25] =	ssyncset.done $0x0  }
0x36: {  	s29 =	sadd.s32 $0x2, s29;
	s0 =	sadd.s32 $0x1400, s0;
	[sflag:s25] =	ssyncadd.s32 $0xFFFFC000  }
0x37: {  	[spmem:s1] =	stream.indirect.scatter.add.f32 [tilespmem:s26], [sflag:$0x3], $0x80, s0, s21, $0xb8;
	[tilespmem:$0x1E400] =	vst v63  }
.LBB2_2:
0x38: {  	p0 =	seq.s32 s31, $0x14  }
.Ltmp4:
0x39: {  	_ = 	snop;
	(pc) =	sbr.rel @p0 .LBB2_3-.Ltmp4, $1  }
0x3a: {  	_ =	sdelay $0x3  }
0x3b: {  	p0 =	sne.s32 s31, $0x0  }
.Ltmp5:
0x3c: {  	_ = 	snop;
	(pc) =	sbr.rel @!p0 .LBB2_5-.Ltmp5, $1  }
0x3d: {  	_ =	sdelay $0x3  }
0x3e: {  	p0 =	sgt.u32 s29, $0x27  }
.Ltmp6:
0x3f: {  	_ =	swait.ge [sflag:s24], $0x4000;
	(pc) =	sbr.rel @p0 .LBB2_8-.Ltmp6, $4  }
.Ltmp7:
0x40: {  	[sflag:s24] =	ssyncset.done $0x0;
	(pc) =	sbr.rel @!p0 .LBB2_7-.Ltmp7, $4  }
0x41: {  	s0 =	sshra.s32 s30, $0x2;
	[sflag:s24] =	ssyncadd.s32 $0xFFFFC000  }
0x42: {  	[tilespmem:s26], [sflag:$0x1] =	stream.indirect.gather [hbm4b:s4+s21], $0x80, s0, s21, $0xb8;
	[tilespmem:$0x1E400] =	vst v63  }
0x43: {  	s0 =	smov.u32 s29  }
0x44: {  	_ = 	snop  }
.LBB2_3:
0x45: {  	s0 =	simm.s32 $0x27  }
.LBB2_7:
0x46: {  	_ =	swait.ge [sflag:s20], $0x4000;
	s0 =	sshll.u32 s0, $0x7  }
0x47: {  	[sflag:s20] =	ssyncset.done $0x0;
	s0 =	sand.u32 $0x3FFFFF80, s0  }
0x48: {  	[sflag:s20] =	ssyncadd.s32 $0xFFFFC000;
	s0 =	sadd.s32 $0x1400, s0  }
0x49: {  	[spmem:s1] =	stream.indirect.scatter.add.f32 [tilespmem:s22], [sflag:$0x4], $0x80, s0, s21, $0xb8;
	[tilespmem:$0x1E400] =	vst v63  }
.LBB2_8:
0x4a: {  	p0 =	seq.s32 s30, $0x5000  }
.Ltmp8:
0x4b: {  	_ = 	snop;
	(pc) =	sbr.rel @p0 .LBB2_11-.Ltmp8, $1  }
0x4c: {  	_ =	sdelay $0x3  }
.Ltmp9:
0x4d: {  	(pc) =	sbr.rel .LBB2_10-.Ltmp9, $4  }
0x4e: {  	_ = 	snop  }
0x4f: {  	_ =	swait.ge [sflag:s23], $0x4000  }
0x50: {  	[sflag:s23] =	ssyncset.done $0x0  }
0x51: {  	[sflag:s23] =	ssyncadd.s32 $0xFFFFC000  }
.LBB2_11:
0x52: {  	_ =	swait.ge [sflag:s24], $0x4000  }
0x53: {  	[sflag:s24] =	ssyncset.done $0x0  }
0x54: {  	[sflag:s24] =	ssyncadd.s32 $0xFFFFC000  }
0x55: {  	_ =	swait.ge [sflag:s23], $0x4000  }
0x56: {  	[sflag:s23] =	ssyncset.done $0x0  }
0x57: {  	s29 =	simm.s32 $0x0;
	[sflag:s23] =	ssyncadd.s32 $0xFFFFC000  }
0x58: {  	[tilespmem:s29], [sflag:$0x5] =	stream.linear.gather [hbm4b:s9+s29], $0x1400, $0x38;
	[tilespmem:$0x1E400] =	vst v63  }
0x59: {  	_ =	swait.ge [sflag:s18], $0x1400  }
0x5a: {  	[sflag:s18] =	ssyncset.done $0x0  }
.Ltmp10:
0x5b: {  	[sflag:s18] =	ssyncadd.s32 $0xFFFFEC00;
	(pc) =	sbr.rel .LBB2_12-.Ltmp10, $4  }
0x5c: {  	[tilespmem:s19], [sflag:$0x5] =	stream.linear.gather [hbm4b:s10+s29], $0x1400, $0x38;
	[tilespmem:$0x1E400] =	vst v63  }
0x5d: {  	_ =	swait.ge [sflag:s18], $0x1400  }
0x5e: {  	[sflag:s18] =	ssyncset.done $0x0  }
0x5f: {  	s30 =	simm.s32 $0xFFFFFFFF;
	s31 =	simm.s32 $0x0;
	[sflag:s18] =	ssyncadd.s32 $0xFFFFEC00  }
.LBB2_15:
0x60: {  	[tilespmem:s26], [sflag:$0x1] =	stream.indirect.gather [hbm4b:s4+s21], $0x80, s3, s21, $0xb8;
	[tilespmem:$0x1E400] =	vst v63  }
.LBB2_20:
0x61: {  	s0 =	sshra.s32 s29, $0x2;
	s29 =	sadd.s32 $0x400, s29  }
0x62: {  	s2 =	sadd.s32 $0x80, s0;
	p0 =	sne.s32 s29, $0x5400  }
0x63: {  	[tilespmem:s22], [sflag:$0x2] =	stream.indirect.gather [hbm4b:s4+s21], $0x80, s2, s21, $0xb8;
	[tilespmem:$0x1E400] =	vst v63  }
.Ltmp11:
0x64: {  	_ = 	snop;
	(pc) =	sbr.rel @!p0 .LBB2_21-.Ltmp11, $4  }
0x65: {  	_ =	swait.ge [sflag:s25], $0x4000  }
0x66: {  	s31 =	sadd.s32 $0x1, s31;
	[sflag:s25] =	ssyncset.done $0x0  }
0x67: {  	s30 =	sadd.s32 $0x2, s30;
	s0 =	sadd.s32 $0x1400, s0;
	[sflag:s25] =	ssyncadd.s32 $0xFFFFC000  }
0x68: {  	[spmem:s1] =	stream.indirect.scatter.add.f32 [tilespmem:s26], [sflag:$0x3], $0x80, s0, s21, $0xb8;
	[tilespmem:$0x1E400] =	vst v63  }
.LBB2_12:
0x69: {  	p0 =	seq.s32 s31, $0x14  }
.Ltmp12:
0x6a: {  	_ = 	snop;
	(pc) =	sbr.rel @p0 .LBB2_13-.Ltmp12, $1  }
0x6b: {  	_ =	sdelay $0x3  }
0x6c: {  	p0 =	sne.s32 s31, $0x0  }
.Ltmp13:
0x6d: {  	_ = 	snop;
	(pc) =	sbr.rel @!p0 .LBB2_15-.Ltmp13, $1  }
0x6e: {  	_ =	sdelay $0x3  }
0x6f: {  	p0 =	sgt.u32 s30, $0x27  }
.Ltmp14:
0x70: {  	_ =	swait.ge [sflag:s24], $0x4000;
	(pc) =	sbr.rel @p0 .LBB2_18-.Ltmp14, $4  }
.Ltmp15:
0x71: {  	[sflag:s24] =	ssyncset.done $0x0;
	(pc) =	sbr.rel @!p0 .LBB2_17-.Ltmp15, $4  }
0x72: {  	s0 =	sshra.s32 s29, $0x2;
	[sflag:s24] =	ssyncadd.s32 $0xFFFFC000  }
0x73: {  	[tilespmem:s26], [sflag:$0x1] =	stream.indirect.gather [hbm4b:s4+s21], $0x80, s0, s21, $0xb8;
	[tilespmem:$0x1E400] =	vst v63  }
0x74: {  	s0 =	smov.u32 s30  }
0x75: {  	_ = 	snop  }
.LBB2_13:
0x76: {  	s0 =	simm.s32 $0x27  }
.LBB2_17:
0x77: {  	_ =	swait.ge [sflag:s20], $0x4000;
	s0 =	sshll.u32 s0, $0x7  }
0x78: {  	[sflag:s20] =	ssyncset.done $0x0;
	s0 =	sand.u32 $0x3FFFFF80, s0  }
0x79: {  	[sflag:s20] =	ssyncadd.s32 $0xFFFFC000;
	s0 =	sadd.s32 $0x1400, s0  }
0x7a: {  	[spmem:s1] =	stream.indirect.scatter.add.f32 [tilespmem:s22], [sflag:$0x4], $0x80, s0, s21, $0xb8;
	[tilespmem:$0x1E400] =	vst v63  }
.LBB2_18:
0x7b: {  	p0 =	seq.s32 s29, $0x5000  }
.Ltmp16:
0x7c: {  	_ = 	snop;
	(pc) =	sbr.rel @p0 .LBB2_21-.Ltmp16, $1  }
0x7d: {  	_ =	sdelay $0x3  }
.Ltmp17:
0x7e: {  	(pc) =	sbr.rel .LBB2_20-.Ltmp17, $4  }
0x7f: {  	_ = 	snop  }
0x80: {  	_ =	swait.ge [sflag:s23], $0x4000  }
0x81: {  	[sflag:s23] =	ssyncset.done $0x0  }
0x82: {  	[sflag:s23] =	ssyncadd.s32 $0xFFFFC000  }
.LBB2_21:
0x83: {  	_ =	swait.ge [sflag:s24], $0x4000  }
0x84: {  	[sflag:s24] =	ssyncset.done $0x0  }
0x85: {  	[sflag:s24] =	ssyncadd.s32 $0xFFFFC000  }
0x86: {  	_ =	swait.ge [sflag:s23], $0x4000  }
0x87: {  	[sflag:s23] =	ssyncset.done $0x0  }
0x88: {  	[sflag:s23] =	ssyncadd.s32 $0xFFFFC000  }
0x89: {  	[bflag:$0x0] =	sbarrier.arrive $0xFFFF  }
0x8a: {  	[hbm:s11], [sflag:s7] =	dma.local [spmem:s17], $0x2780  }
0x8b: {  	_ =	swait.ge [sflag:s18], $0x2780  }
0x8c: {  	[sflag:s18] =	ssyncset.done $0x0  }
0x8d: {  	[sflag:s18] =	ssyncadd.s32 $0xFFFFD880  }
0x8e: {  	[bflag:$0x0] =	sbarrier.arrive $0xFFFF  }
0x8f: {  	[spmem:s17], [sflag:s7] =	dma.local [hbm:s13], $0x2780  }
0x90: {  	_ =	swait.ge [sflag:s18], $0x2780  }
0x91: {  	[sflag:s18] =	ssyncset.done $0x0  }
0x92: {  	[sflag:s18] =	ssyncadd.s32 $0xFFFFD880  }
0x93: {  	s29 =	simm.s32 $0x0;
	[bflag:$0x0] =	sbarrier.arrive $0xFFFF  }
0x94: {  	[tilespmem:s29], [sflag:$0x5] =	stream.linear.gather [hbm4b:s12+s29], $0x1400, $0x38;
	[tilespmem:$0x1E400] =	vst v63  }
0x95: {  	_ =	swait.ge [sflag:s18], $0x1400  }
0x96: {  	[sflag:s18] =	ssyncset.done $0x0  }
.Ltmp18:
0x97: {  	[sflag:s18] =	ssyncadd.s32 $0xFFFFEC00;
	(pc) =	sbr.rel .LBB2_22-.Ltmp18, $4  }
0x98: {  	[tilespmem:s19], [sflag:$0x5] =	stream.linear.gather [hbm4b:s8+s29], $0x1400, $0x38;
	[tilespmem:$0x1E400] =	vst v63  }
0x99: {  	_ =	swait.ge [sflag:s18], $0x1400  }
0x9a: {  	[sflag:s18] =	ssyncset.done $0x0  }
0x9b: {  	s30 =	simm.s32 $0xFFFFFFFF;
	s31 =	simm.s32 $0x0;
	[sflag:s18] =	ssyncadd.s32 $0xFFFFEC00  }
.LBB2_25:
0x9c: {  	[tilespmem:s26], [sflag:$0x1] =	stream.indirect.gather [hbm4b:s4+s21], $0x80, s3, s21, $0xb8;
	[tilespmem:$0x1E400] =	vst v63  }
.LBB2_30:
0x9d: {  	s0 =	sshra.s32 s29, $0x2;
	s29 =	sadd.s32 $0x400, s29  }
0x9e: {  	s2 =	sadd.s32 $0x80, s0;
	p0 =	sne.s32 s29, $0x5400  }
0x9f: {  	[tilespmem:s22], [sflag:$0x2] =	stream.indirect.gather [hbm4b:s4+s21], $0x80, s2, s21, $0xb8;
	[tilespmem:$0x1E400] =	vst v63  }
.Ltmp19:
0xa0: {  	_ = 	snop;
	(pc) =	sbr.rel @!p0 .LBB2_31-.Ltmp19, $4  }
0xa1: {  	_ =	swait.ge [sflag:s25], $0x4000  }
0xa2: {  	s31 =	sadd.s32 $0x1, s31;
	[sflag:s25] =	ssyncset.done $0x0  }
0xa3: {  	s30 =	sadd.s32 $0x2, s30;
	s0 =	sadd.s32 $0x1400, s0;
	[sflag:s25] =	ssyncadd.s32 $0xFFFFC000  }
0xa4: {  	[spmem:s1] =	stream.indirect.scatter.add.f32 [tilespmem:s26], [sflag:$0x3], $0x80, s0, s21, $0xb8;
	[tilespmem:$0x1E400] =	vst v63  }
.LBB2_22:
0xa5: {  	p0 =	seq.s32 s31, $0x14  }
.Ltmp20:
0xa6: {  	_ = 	snop;
	(pc) =	sbr.rel @p0 .LBB2_23-.Ltmp20, $1  }
0xa7: {  	_ =	sdelay $0x3  }
0xa8: {  	p0 =	sne.s32 s31, $0x0  }
.Ltmp21:
0xa9: {  	_ = 	snop;
	(pc) =	sbr.rel @!p0 .LBB2_25-.Ltmp21, $1  }
0xaa: {  	_ =	sdelay $0x3  }
0xab: {  	p0 =	sgt.u32 s30, $0x27  }
.Ltmp22:
0xac: {  	_ =	swait.ge [sflag:s24], $0x4000;
	(pc) =	sbr.rel @p0 .LBB2_28-.Ltmp22, $4  }
.Ltmp23:
0xad: {  	[sflag:s24] =	ssyncset.done $0x0;
	(pc) =	sbr.rel @!p0 .LBB2_27-.Ltmp23, $4  }
0xae: {  	s0 =	sshra.s32 s29, $0x2;
	[sflag:s24] =	ssyncadd.s32 $0xFFFFC000  }
0xaf: {  	[tilespmem:s26], [sflag:$0x1] =	stream.indirect.gather [hbm4b:s4+s21], $0x80, s0, s21, $0xb8;
	[tilespmem:$0x1E400] =	vst v63  }
0xb0: {  	s0 =	smov.u32 s30  }
0xb1: {  	_ = 	snop  }
.LBB2_23:
0xb2: {  	s0 =	simm.s32 $0x27  }
.LBB2_27:
0xb3: {  	_ =	swait.ge [sflag:s20], $0x4000;
	s0 =	sshll.u32 s0, $0x7  }
0xb4: {  	[sflag:s20] =	ssyncset.done $0x0;
	s0 =	sand.u32 $0x3FFFFF80, s0  }
0xb5: {  	[sflag:s20] =	ssyncadd.s32 $0xFFFFC000;
	s0 =	sadd.s32 $0x1400, s0  }
0xb6: {  	[spmem:s1] =	stream.indirect.scatter.add.f32 [tilespmem:s22], [sflag:$0x4], $0x80, s0, s21, $0xb8;
	[tilespmem:$0x1E400] =	vst v63  }
.LBB2_28:
0xb7: {  	p0 =	seq.s32 s29, $0x5000  }
.Ltmp24:
0xb8: {  	_ = 	snop;
	(pc) =	sbr.rel @p0 .LBB2_31-.Ltmp24, $1  }
0xb9: {  	_ =	sdelay $0x3  }
.Ltmp25:
0xba: {  	(pc) =	sbr.rel .LBB2_30-.Ltmp25, $4  }
0xbb: {  	_ = 	snop  }
0xbc: {  	_ =	swait.ge [sflag:s23], $0x4000  }
0xbd: {  	[sflag:s23] =	ssyncset.done $0x0  }
0xbe: {  	[sflag:s23] =	ssyncadd.s32 $0xFFFFC000  }
.LBB2_31:
0xbf: {  	_ =	swait.ge [sflag:s24], $0x4000  }
0xc0: {  	[sflag:s24] =	ssyncset.done $0x0  }
0xc1: {  	[sflag:s24] =	ssyncadd.s32 $0xFFFFC000  }
0xc2: {  	_ =	swait.ge [sflag:s23], $0x4000  }
0xc3: {  	[sflag:s23] =	ssyncset.done $0x0  }
0xc4: {  	s29 =	simm.s32 $0x0;
	[sflag:s23] =	ssyncadd.s32 $0xFFFFC000  }
0xc5: {  	[tilespmem:s29], [sflag:$0x5] =	stream.linear.gather [hbm4b:s14+s29], $0x1400, $0x38;
	[tilespmem:$0x1E400] =	vst v63  }
0xc6: {  	_ =	swait.ge [sflag:s18], $0x1400  }
0xc7: {  	[sflag:s18] =	ssyncset.done $0x0  }
.Ltmp26:
0xc8: {  	[sflag:s18] =	ssyncadd.s32 $0xFFFFEC00;
	(pc) =	sbr.rel .LBB2_32-.Ltmp26, $4  }
0xc9: {  	[tilespmem:s19], [sflag:$0x5] =	stream.linear.gather [hbm4b:s10+s29], $0x1400, $0x38;
	[tilespmem:$0x1E400] =	vst v63  }
0xca: {  	_ =	swait.ge [sflag:s18], $0x1400  }
0xcb: {  	[sflag:s18] =	ssyncset.done $0x0  }
0xcc: {  	s30 =	simm.s32 $0xFFFFFFFF;
	s31 =	simm.s32 $0x0;
	[sflag:s18] =	ssyncadd.s32 $0xFFFFEC00  }
.LBB2_35:
0xcd: {  	[tilespmem:s26], [sflag:$0x1] =	stream.indirect.gather [hbm4b:s4+s21], $0x80, s3, s21, $0xb8;
	[tilespmem:$0x1E400] =	vst v63  }
.LBB2_40:
0xce: {  	s0 =	sshra.s32 s29, $0x2;
	s29 =	sadd.s32 $0x400, s29  }
0xcf: {  	s2 =	sadd.s32 $0x80, s0;
	p0 =	sne.s32 s29, $0x5400  }
0xd0: {  	[tilespmem:s22], [sflag:$0x2] =	stream.indirect.gather [hbm4b:s4+s21], $0x80, s2, s21, $0xb8;
	[tilespmem:$0x1E400] =	vst v63  }
.Ltmp27:
0xd1: {  	_ = 	snop;
	(pc) =	sbr.rel @!p0 .LBB2_41-.Ltmp27, $4  }
0xd2: {  	_ =	swait.ge [sflag:s25], $0x4000  }
0xd3: {  	s31 =	sadd.s32 $0x1, s31;
	[sflag:s25] =	ssyncset.done $0x0  }
0xd4: {  	s30 =	sadd.s32 $0x2, s30;
	s0 =	sadd.s32 $0x1400, s0;
	[sflag:s25] =	ssyncadd.s32 $0xFFFFC000  }
0xd5: {  	[spmem:s1] =	stream.indirect.scatter.add.f32 [tilespmem:s26], [sflag:$0x3], $0x80, s0, s21, $0xb8;
	[tilespmem:$0x1E400] =	vst v63  }
.LBB2_32:
0xd6: {  	p0 =	seq.s32 s31, $0x14  }
.Ltmp28:
0xd7: {  	_ = 	snop;
	(pc) =	sbr.rel @p0 .LBB2_33-.Ltmp28, $1  }
0xd8: {  	_ =	sdelay $0x3  }
0xd9: {  	p0 =	sne.s32 s31, $0x0  }
.Ltmp29:
0xda: {  	_ = 	snop;
	(pc) =	sbr.rel @!p0 .LBB2_35-.Ltmp29, $1  }
0xdb: {  	_ =	sdelay $0x3  }
0xdc: {  	p0 =	sgt.u32 s30, $0x27  }
.Ltmp30:
0xdd: {  	_ =	swait.ge [sflag:s24], $0x4000;
	(pc) =	sbr.rel @p0 .LBB2_38-.Ltmp30, $4  }
.Ltmp31:
0xde: {  	[sflag:s24] =	ssyncset.done $0x0;
	(pc) =	sbr.rel @!p0 .LBB2_37-.Ltmp31, $4  }
0xdf: {  	s0 =	sshra.s32 s29, $0x2;
	[sflag:s24] =	ssyncadd.s32 $0xFFFFC000  }
0xe0: {  	[tilespmem:s26], [sflag:$0x1] =	stream.indirect.gather [hbm4b:s4+s21], $0x80, s0, s21, $0xb8;
	[tilespmem:$0x1E400] =	vst v63  }
0xe1: {  	s0 =	smov.u32 s30  }
0xe2: {  	_ = 	snop  }
.LBB2_33:
0xe3: {  	s0 =	simm.s32 $0x27  }
.LBB2_37:
0xe4: {  	_ =	swait.ge [sflag:s20], $0x4000;
	s0 =	sshll.u32 s0, $0x7  }
0xe5: {  	[sflag:s20] =	ssyncset.done $0x0;
	s0 =	sand.u32 $0x3FFFFF80, s0  }
0xe6: {  	[sflag:s20] =	ssyncadd.s32 $0xFFFFC000;
	s0 =	sadd.s32 $0x1400, s0  }
0xe7: {  	[spmem:s1] =	stream.indirect.scatter.add.f32 [tilespmem:s22], [sflag:$0x4], $0x80, s0, s21, $0xb8;
	[tilespmem:$0x1E400] =	vst v63  }
.LBB2_38:
0xe8: {  	p0 =	seq.s32 s29, $0x5000  }
.Ltmp32:
0xe9: {  	_ = 	snop;
	(pc) =	sbr.rel @p0 .LBB2_41-.Ltmp32, $1  }
0xea: {  	_ =	sdelay $0x3  }
.Ltmp33:
0xeb: {  	(pc) =	sbr.rel .LBB2_40-.Ltmp33, $4  }
0xec: {  	_ = 	snop  }
0xed: {  	_ =	swait.ge [sflag:s23], $0x4000  }
0xee: {  	[sflag:s23] =	ssyncset.done $0x0  }
0xef: {  	[sflag:s23] =	ssyncadd.s32 $0xFFFFC000  }
.LBB2_42:
0xf0: {  	_ =	sfence.sel $0x180000  }
0xf1: {  	[bflag:$0x0] =	sbarrier.arrive $0xFFFF  }
0xf2: {  	_ =	strace $0x90000050  }
0xf3: {  	s0 =	stileid.u32;
	[bflag:$0x2] =	sbarrier.arrive $0xFFFF  }
0xf4: {  	p0 =	sne.s32 s0, $0x0;
	s0 =	rddreg [dreg:$0x2]  }
0xf5: {  	s0 =	sadd.s32 @!p0 $0x100000, s0  }
0xf6: {  	[sflag:s0] =	ssyncadd.tile.s32 @!p0 $0x1;
	_ =	shalt  }
.Lfunc_end2:
_tile_overlayer_lowered:
.L_overlay_start_2:
0xf7: {  	(tag) =	ssettag $0x2  }
0xf8: {  	s0 =	rddreg [dreg:$0x0];
	s2 =	stileid.u32  }
0xf9: {  	s1 =	rddreg [dreg:$0x1];
	p0 =	sne.s32 s2, $0x0  }
0xfa: {  	s3 =	rddreg [dreg:$0x2];
	[bflag:$0x3] =	sbarrier.arrive $0xFFFF;
	s2 =	simm.s32 @!p0 $0x1C05  }
0xfb: {  	[timem:s3], [sflag:s2] =	dma.local @!p0 [hbm:s0], s1  }
0xfc: {  	s0 =	simm.s32 @!p0 $0x5  }
0xfd: {  	_ =	swait.ge @!p0 [sflag:s0], s1  }
0xfe: {  	s1 =	ssub.s32 @!p0 $0x0, s1;
	[sflag:s0] =	ssyncset.done @!p0 $0x0  }
0xff: {  	[sflag:s0] =	ssyncadd.s32 @!p0 s1  }
0x100: {  	[bflag:$0x3] =	sbarrier.arrive $0xFFFF  }
0x101: {  	_ =	shalt  }

// kernel: kernel.24.cloned.1.call-start
scs
__scs_entry_jumppad:
0x0: {  	(pc) =	sbr.rel $0x88, $3  }
0x1: {  	(tag) =	ssettag $0x0;
	lr =	simm.s32 $0x1  }
0x2: {  	[smem:$0x3F8F] =	sst lr;
	_ =	strace $0xD0000000  }
0x3: {  	_ = 	snop  }
0x4: {  	_ = 	snop  }
0x5: {  	_ = 	snop  }
0x6: {  	_ = 	snop  }
0x7: {  	_ = 	snop  }
__scs_overlays_trampoline_lowered:
0x8: {  	[smem:$0x3F9E] =	sst s0  }
0x9: {  	[smem:$0x3F9F] =	sst s1  }
0xa: {  	[smem:$0x3FA0] =	sst s2  }
0xb: {  	[smem:$0x3FA1] =	sst s3  }
0xc: {  	[smem:$0x3FA2] =	sst s4  }
0xd: {  	[smem:$0x3FA3] =	sst s5  }
0xe: {  	[smem:$0x3FA4] =	sst s6  }
0xf: {  	[smem:$0x3FA5] =	sst s7  }
0x10: {  	[smem:$0x3FA6] =	sst s8  }
0x11: {  	[smem:$0x3FA7] =	sst s9;
	s0 =	simm.s32 @!p0 $0x0  }
0x12: {  	s1 =	sld [smem:$0x3F8D];
	s0 =	simm.s32 @p0 $0x1  }
0x13: {  	[smem:$0x3FA8] =	sst s0;
	s0 =	simm.s32 @!p1 $0x0  }
0x14: {  	s2 =	sld [smem:$0x3F8C];
	s0 =	simm.s32 @p1 $0x1  }
0x15: {  	[smem:$0x3FA9] =	sst s0;
	s0 =	simm.s32 @!p2 $0x0  }
0x16: {  	s3 =	sld [smem:$0x3FDB];
	s0 =	simm.s32 @p2 $0x1  }
0x17: {  	s4 =	simm.s32 $0x1BF5;
	[smem:$0x3FAB] =	sst s0  }
0x18: {  	s0 =	sld [smem:$0x3F8E];
	_ =	swait.ge [sflag:s4], $0x0  }
0x19: {  	s7 =	sld [smem:$0x3F8F]  }
0x1a: {  	s8 =	sadd.s32 $0xFFFFE003, lr  }
0x1b: {  	s9 =	sadd.s32 $0xFFFFFEF7, lr;
	s5 =	simm.s32 $0xFFFFFFFF;
	p2 =	slt.u32 s8, $0xFFFFF086  }
0x1c: {  	p1 =	slt.u32 s9, $0xF7A;
	s5 =	simm.s32 @!p2 $0x0  }
0x1d: {  	s5 =	simm.s32 @p1 $0x1;
	p0 =	seq.s32 s7, s2  }
0x1e: {  	s7 =	smul.u32 @!p0 $0xF7A, s2;
	p2 =	seq.s32 @!p0 s5, $0x0  }
0x1f: {  	s9 =	smul.u32 $0xF7A, s1;
	s8 =	simm.s32 @!p0 $0x1BF5;
	p2 =	por !p2, p0  }
0x20: {  	[sflag:s8] =	ssyncset.s32 @!p0 $0xFFFFF086;
	s6 =	sadd.s32 @!p0 s3, s7;
	s7 =	simm.s32 @!p0 $0x108  }
0x21: {  	s3 =	sadd.s32 s3, s9;
	s6 =	sadd.s32 @!p0 $0x88, s6;
	s7 =	simm.s32 @p2 $0x1082  }
0x22: {  	[simem:s7], [sflag:s8] =	dma.local @!p0 [hbm:s6], $0xF7A  }
0x23: {  	s9 =	sor.u32 $0xD0000000, s2;
	s6 =	simm.s32 $0x108;
	_ =	swait.ge @!p0 [sflag:s8], $0x0  }
0x24: {  	s3 =	sadd.s32 $0x88, s3;
	s6 =	simm.s32 @!p1 $0x1082;
	[sflag:s4] =	ssyncset.s32 $0xFFFFF086  }
0x25: {  	[simem:s6], [sflag:s4] =	dma.local [hbm:s3], $0xF7A  }
0x26: {  	[smem:$0x3F8F] =	sst s1;
	(tag) =	ssettag s2;
	_ =	strace s9  }
0x27: {  	s1 =	sld [smem:$0x3F9F]  }
0x28: {  	s2 =	sld [smem:$0x3FA0]  }
0x29: {  	s4 =	sld [smem:$0x3FA2]  }
0x2a: {  	p0 =	seq.s32 s5, $0x0;
	s5 =	sld [smem:$0x3FA3]  }
0x2b: {  	s6 =	sld [smem:$0x3FA4]  }
0x2c: {  	s7 =	sld [smem:$0x3FA5]  }
0x2d: {  	s3 =	simm.s32 $0x108;
	s8 =	sld [smem:$0x3FA6]  }
0x2e: {  	s3 =	simm.s32 @!p0 $0x1082;
	s9 =	sld [smem:$0x3FA7]  }
0x2f: {  	lr =	sadd.s32 s0, s3;
	s0 =	sld [smem:$0x3F9E]  }
0x30: {  	s3 =	sld [smem:$0x3FA1]  }
0x31: {  	[smem:$0x3FAA] =	sst s10  }
0x32: {  	s10 =	sld [smem:$0x3FA8];
	_ =	sdelay $0x3  }
0x33: {  	p0 =	seq.s32 s10, $0x1;
	s10 =	sld [smem:$0x3FAA];
	_ =	sdelay $0x3  }
0x34: {  	[smem:$0x3FAA] =	sst s10  }
0x35: {  	s10 =	sld [smem:$0x3FA9];
	_ =	sdelay $0x3  }
0x36: {  	p1 =	seq.s32 s10, $0x1;
	s10 =	sld [smem:$0x3FAA];
	_ =	sdelay $0x3  }
0x37: {  	[smem:$0x3FAA] =	sst s10  }
0x38: {  	s10 =	sld [smem:$0x3FAB]  }
0x39: {  	_ = 	snop;
	(pc) =	sbr.ind lr, $3  }
0x3a: {  	_ = 	snop  }
0x3b: {  	_ = 	snop  }
0x3c: {  	p2 =	seq.s32 s10, $0x1;
	s10 =	sld [smem:$0x3FAA]  }
0x3d: {  	_ =	shalt  }
0x3e: {  	_ =	shalt  }
0x3f: {  	_ =	shalt  }
0x40: {  	_ =	shalt  }
0x41: {  	_ =	shalt  }
0x42: {  	_ =	shalt  }
0x43: {  	_ =	shalt  }
0x44: {  	_ =	shalt  }
0x45: {  	_ =	shalt  }
0x46: {  	_ =	shalt  }
0x47: {  	_ =	shalt  }
0x48: {  	_ =	shalt  }
0x49: {  	_ =	shalt  }
0x4a: {  	_ =	shalt  }
0x4b: {  	_ =	shalt  }
0x4c: {  	_ =	shalt  }
0x4d: {  	_ =	shalt  }
0x4e: {  	_ =	shalt  }
0x4f: {  	_ =	shalt  }
0x50: {  	_ =	shalt  }
0x51: {  	_ =	shalt  }
0x52: {  	_ =	shalt  }
0x53: {  	_ =	shalt  }
0x54: {  	_ =	shalt  }
0x55: {  	_ =	shalt  }
0x56: {  	_ =	shalt  }
0x57: {  	_ =	shalt  }
0x58: {  	_ =	shalt  }
0x59: {  	_ =	shalt  }
0x5a: {  	_ =	shalt  }
0x5b: {  	_ =	shalt  }
0x5c: {  	_ =	shalt  }
0x5d: {  	_ =	shalt  }
0x5e: {  	_ =	shalt  }
0x5f: {  	_ =	shalt  }
0x60: {  	_ =	shalt  }
0x61: {  	_ =	shalt  }
0x62: {  	_ =	shalt  }
0x63: {  	_ =	shalt  }
0x64: {  	_ =	shalt  }
0x65: {  	_ =	shalt  }
0x66: {  	_ =	shalt  }
0x67: {  	_ =	shalt  }
0x68: {  	_ =	shalt  }
0x69: {  	_ =	shalt  }
0x6a: {  	_ =	shalt  }
0x6b: {  	_ =	shalt  }
0x6c: {  	_ =	shalt  }
0x6d: {  	_ =	shalt  }
0x6e: {  	_ =	shalt  }
0x6f: {  	_ =	shalt  }
0x70: {  	_ =	shalt  }
0x71: {  	_ =	shalt  }
0x72: {  	_ =	shalt  }
0x73: {  	_ =	shalt  }
0x74: {  	_ =	shalt  }
0x75: {  	_ =	shalt  }
0x76: {  	_ =	shalt  }
0x77: {  	_ =	shalt  }
0x78: {  	_ =	shalt  }
0x79: {  	_ =	shalt  }
0x7a: {  	_ =	shalt  }
0x7b: {  	_ =	shalt  }
0x7c: {  	_ =	shalt  }
0x7d: {  	_ =	shalt  }
0x7e: {  	_ =	shalt  }
0x7f: {  	_ =	shalt  }
0x80: {  	_ =	shalt  }
0x81: {  	_ =	shalt  }
0x82: {  	_ =	shalt  }
0x83: {  	_ =	shalt  }
0x84: {  	_ =	shalt  }
0x85: {  	_ =	shalt  }
0x86: {  	_ =	shalt  }
0x87: {  	_ =	shalt  }
.Lfunc_end0:
.L_simem_size_0:
called_computation.4_lowered:
.L_overlay_start_0:
0x88: {  	s2 =	sld [smem:$0x3FD9]  }
0x89: {  	s3 =	sld [smem:$0x3FFE];
	_ =	sdelay $0x1  }
0x8a: {  	s1 =	srdreg.scid  }
0x8b: {  	s0 =	sand.u32 $0x1, s1  }
0x8c: {  	s16 =	sshll.u32 s0, $0xA;
	s2 =	sadd.s32 s3, s2  }
0x8d: {  	s2 =	sadd.s32 s2, s16  }
0x8e: {  	[smem:$0x3FB6] =	sst s2  }
0x8f: {  	_ = 	snop  }
0x90: {  	(tm) =	ssettm $0x1  }
0x91: {  	s17 =	sld [smem:$0x3FFB];
	_ =	sdelay $0x3  }
0x92: {  	_ =	strace s17  }
0x93: {  	s2 =	sld [smem:$0x3FFC];
	_ =	sdelay $0x3  }
0x94: {  	_ =	strace s2  }
0x95: {  	s2 =	sld [smem:$0x3FFD];
	_ =	sdelay $0x3  }
0x96: {  	_ =	strace s2  }
0x97: {  	_ =	strace $0x8FFFFFFF  }
0x98: {  	s18 =	sld [smem:$0x3FDB];
	_ =	sdelay $0x1  }
0x99: {  	s19 =	simm.s32 $_scs_section_size  }
0x9a: {  	s4 =	simm.s32 $_size__tile_overlayer_lowered;
	s5 =	simm.s32 $_tile_overlayer_lowered  }
0x9b: {  	s22 =	simm.s32 $0x1BFF;
	s21 =	sshll.u32 s5, $0x1;
	s2 =	sadd.s32 s19, s18  }
0x9c: {  	s6 =	simm.s32 $0x0;
	s20 =	sshll.u32 s4, $0x1;
	s4 =	sadd.s32 s21, s2  }
0x9d: {  	[timem:s6], [sflag:s22] =	dma.local [hbm:s4], s20  }
0x9e: {  	_ =	swait.ge [sflag:s22], s20  }
0x9f: {  	s3 =	ssub.s32 $0x0, s20;
	[sflag:s22] =	ssyncset.done $0x0  }
0xa0: {  	[sflag:s22] =	ssyncadd.s32 s3;
	_ =	sdelay $0x1  }
0xa1: {  	s23 =	simm.s32 $0x1B8B  }
0xa2: {  	_ =	swait.ge [sflag:s23], $0x1  }
0xa3: {  	[sflag:s23] =	ssyncset.done $0x0  }
0xa4: {  	s25 =	simm.s32 $0x1B8E;
	s24 =	sld [smem:$0x3FFE];
	[sflag:s23] =	ssyncadd.s32 $0xFFFFFFFF  }
0xa5: {  	s26 =	simm.s32 $execute0_lowered;
	[smem:$0x3FD2] =	sst s25  }
0xa6: {  	s4 =	sshll.u32 s26, $0x1;
	_ =	strace $0x80000052;
	[dreg:$0x1] =	wrdreg $0xFFFFFFFF  }
0xa7: {  	s28 =	simm.s32 $_size_execute0_lowered;
	s2 =	sadd.s32 s2, s4;
	[dreg:$0x0] =	wrdreg $0x0  }
0xa8: {  	s4 =	sshll.u32 s28, $0x1;
	[dreg:$0x2] =	wrdreg s2  }
0xa9: {  	[dreg:$0x3] =	wrdreg s4  }
0xaa: {  	[dreg:$0x4] =	wrdreg $0xC0  }
0xab: {  	_ =	task [dreg:s6], $0x5FFFF  }
0xac: {  	[dreg:$0x1] =	wrdreg $0xFFFFFFFF  }
0xad: {  	[dreg:$0x0] =	wrdreg $0x60  }
0xae: {  	[dreg:$0x2] =	wrdreg s24  }
0xaf: {  	[dreg:$0x3] =	wrdreg $0xA8000  }
0xb0: {  	[dreg:$0x4] =	wrdreg $0x9  }
0xb1: {  	_ =	task.clear_ibuf [dreg:s6], $0x5FFFF;
	_ =	strace $0x90000052  }
0xb2: {  	s29 =	simm.s32 $0x9;
	_ =	strace $0x80000054  }
0xb3: {  	_ =	swait.ge [sflag:s29], $0x1  }
0xb4: {  	[sflag:s29] =	ssyncadd.s32 $0xFFFFFFFF  }
0xb5: {  	_ =	strace $0x90000054  }
0xb6: {  	_ =	sfence  }
0xb7: {  	s30 =	sld [smem:$0x0];
	_ =	sdelay $0x2  }
0xb8: {  	s31 =	sshll.u32 s1, $0xD;
	s1 =	sshrl.u32 s1, $0x2  }
0xb9: {  	s3 =	sand.u32 $0x4000, s31;
	s1 =	sadd.s32 s1, s30  }
0xba: {  	s0 =	sor.u32 s3, s0;
	s1 =	sshll.u32 s1, $0x11  }
0xbb: {  	s0 =	sor.u32 s1, s0  }
0xbc: {  	s0 =	sadd.s32 $0x8F2B, s0  }
0xbd: {  	[sflag:s0] =	ssyncadd.remote.s32 $0x1  }
0xbe: {  	_ =	sfence.sel $0xFFFF  }
0xbf: {  	[dreg:$0x0] =	wrdreg $0xFFFFFFFF;
	(pc) =	sbr.abs _section_cstart, $3  }
0xc0: {  	[dreg:$0x1] =	wrdreg $0xFFFFFFFF  }
0xc1: {  	_ =	task.clear_ibuf [dreg:s6], $0x2FFFF;
	_ =	strace $0x9FFFFFFF  }
0xc2: {  	(tm) =	ssettm $0x7FFFFFFF  }
0xc3: {  	_ =	shalt  }
tec
execute0_lowered:
.L_overlay_start_1:
0x0: {  	(tag) =	ssettag $0x1  }
0x1: {  	s0 =	srdreg.scid;
	s6 =	rddreg [dreg:$0x0]  }
0x2: {  	s2 =	rddreg [dreg:$0x1];
	s3 =	simm.s32 $0x0;
	s15 =	simm.s32 $0x1400  }
0x3: {  	s16 =	simm.s32 $0x2;
	s17 =	simm.s32 $0x80;
	s18 =	simm.s32 $0x6800  }
0x4: {  	s19 =	simm.s32 $0x4;
	s5 =	sand.u32 $0x1, s0;
	s0 =	stileid.u32  }
0x5: {  	s20 =	simm.s32 $0x3;
	s21 =	simm.s32 $0x1;
	s7 =	smul.u32 $0x2800, s0  }
0x6: {  	s22 =	simm.s32 $0x2800;
	s23 =	simm.s32 $0x0;
	s8 =	smul.u32 $0x2780, s5  }
0x7: {  	[smem:$0x7FF] =	sst s3;
	s1 =	sshll.u32 s5, $0x4;
	s10 =	smul.u32 $0x278, s0  }
0x8: {  	s5 =	ssub.s32 $0x2, s5;
	s26 =	smul.u32 $0x4F000, s0;
	s1 =	sor.u32 s0, s1  }
0x9: {  	s31 =	sshll.u32 s0, $0x6;
	s29 =	sshrl.u32 s5, $0x1;
	s4 =	smul.u32 $0x2800, s1  }
0xa: {  	s1 =	rddreg [dreg:$0x2];
	_ =	strace $0x80000053;
	s7 =	sshrl.u32 s7, $0x3  }
0xb: {  	s8 =	sadd.s32 s10, s8;
	s13 =	ssub.s32 s5, s29;
	s30 =	sshrl.u32 s26, $0x2  }
0xc: {  	s11 =	sadd.s32 s7, s6;
	s28 =	sshll.u32 s8, $0x4;
	s14 =	sadd.s32 s30, s2  }
.Ltmp0:
0xd: {  	s9 =	sshrl.u32 s4, $0x3;
	s4 =	sadd.s32 $0x5A400, s6;
	(pc) =	sbr.rel .LBB2_1-.Ltmp0, $4  }
0xe: {  	s12 =	sadd.s32 s28, s6;
	s8 =	sadd.s32 $0x3400, s11;
	s10 =	sadd.s32 $0x3680, s11  }
0xf: {  	s9 =	sadd.s32 s9, s6;
	s5 =	sadd.s32 s4, s28;
	s6 =	sor.u32 $0x1C05, s31  }
0x10: {  	s11 =	sadd.s32 $0xA9400, s12;
	s12 =	smax.u32 s13, $0x1;
	s13 =	sshrl.u32 s14, $0x3  }
0x11: {  	s14 =	simm.s32 $0x5;
	s7 =	sadd.s32 $0x1AF400, s9;
	s9 =	sadd.s32 $0x1AF680, s9  }
.LBB2_21:
0x12: {  	_ =	swait.ge [sflag:s20], $0x4000  }
0x13: {  	[sflag:s20] =	ssyncset.done $0x0  }
0x14: {  	[sflag:s20] =	ssyncadd.s32 $0xFFFFC000  }
0x15: {  	_ =	swait.ge [sflag:s19], $0x4000  }
0x16: {  	[sflag:s19] =	ssyncset.done $0x0  }
0x17: {  	s23 =	sadd.s32 $0x1, s23;
	[sflag:s19] =	ssyncadd.s32 $0xFFFFC000  }
0x18: {  	p0 =	sne.s32 s23, s12;
	[bflag:$0x0] =	sbarrier.arrive $0xFFFF  }
0x19: {  	[hbm:s11], [sflag:s6] =	dma.local [spmem:s13], $0x2780  }
.Ltmp1:
0x1a: {  	_ =	swait.ge [sflag:s14], $0x2780;
	(pc) =	sbr.rel @!p0 .LBB2_22-.Ltmp1, $3  }
0x1b: {  	[sflag:s14] =	ssyncset.done $0x0  }
0x1c: {  	[sflag:s14] =	ssyncadd.s32 $0xFFFFD880  }
0x1d: {  	[bflag:$0x0] =	sbarrier.arrive $0xFFFF;
	_ =	sdelay $0x1  }
.LBB2_1:
0x1e: {  	[spmem:s13], [sflag:s6] =	dma.local [hbm:s5], $0x2780  }
0x1f: {  	_ =	swait.ge [sflag:s14], $0x2780  }
0x20: {  	[sflag:s14] =	ssyncset.done $0x0  }
0x21: {  	[sflag:s14] =	ssyncadd.s32 $0xFFFFD880  }
0x22: {  	[bflag:$0x0] =	sbarrier.arrive $0xFFFF  }
0x23: {  	[tilespmem:s3], [sflag:$0x5] =	stream.linear.gather [hbm4b:s7+s3], $0x1400, $0x38;
	[tilespmem:$0x1E400] =	vst v63  }
0x24: {  	_ =	swait.ge [sflag:s14], $0x1400  }
0x25: {  	[sflag:s14] =	ssyncset.done $0x0  }
.Ltmp2:
0x26: {  	[sflag:s14] =	ssyncadd.s32 $0xFFFFEC00;
	(pc) =	sbr.rel .LBB2_2-.Ltmp2, $4  }
0x27: {  	[tilespmem:s15], [sflag:$0x5] =	stream.linear.gather [hbm4b:s8+s3], $0x1400, $0x38;
	[tilespmem:$0x1E400] =	vst v63  }
0x28: {  	_ =	swait.ge [sflag:s14], $0x1400  }
0x29: {  	s24 =	simm.s32 $0xFFFFFFFF;
	[sflag:s14] =	ssyncset.done $0x0  }
0x2a: {  	s25 =	simm.s32 $0x0;
	s26 =	simm.s32 $0x0;
	[sflag:s14] =	ssyncadd.s32 $0xFFFFEC00  }
.LBB2_5:
0x2b: {  	[tilespmem:s22], [sflag:$0x1] =	stream.indirect.gather [hbm4b:s4+s17], $0x80, s3, s17, $0xb8;
	[tilespmem:$0x1E400] =	vst v63  }
.LBB2_10:
0x2c: {  	s28 =	sshra.s32 s25, $0x2;
	s25 =	sadd.s32 $0x400, s25  }
0x2d: {  	s29 =	sadd.s32 $0x80, s28;
	p0 =	sne.s32 s25, $0x5400  }
0x2e: {  	[tilespmem:s18], [sflag:$0x2] =	stream.indirect.gather [hbm4b:s4+s17], $0x80, s29, s17, $0xb8;
	[tilespmem:$0x1E400] =	vst v63  }
.Ltmp3:
0x2f: {  	_ = 	snop;
	(pc) =	sbr.rel @!p0 .LBB2_11-.Ltmp3, $4  }
0x30: {  	_ =	swait.ge [sflag:s21], $0x4000  }
0x31: {  	s26 =	sadd.s32 $0x1, s26;
	[sflag:s21] =	ssyncset.done $0x0  }
0x32: {  	s24 =	sadd.s32 $0x2, s24;
	s28 =	sadd.s32 $0x1400, s28;
	[sflag:s21] =	ssyncadd.s32 $0xFFFFC000  }
0x33: {  	[spmem:s2] =	stream.indirect.scatter.add.f32 [tilespmem:s22], [sflag:$0x3], $0x80, s28, s17, $0xb8;
	[tilespmem:$0x1E400] =	vst v63  }
.LBB2_2:
0x34: {  	p0 =	seq.s32 s26, $0x14  }
.Ltmp4:
0x35: {  	_ = 	snop;
	(pc) =	sbr.rel @p0 .LBB2_3-.Ltmp4, $1  }
0x36: {  	_ =	sdelay $0x3  }
0x37: {  	p0 =	sne.s32 s26, $0x0  }
.Ltmp5:
0x38: {  	_ = 	snop;
	(pc) =	sbr.rel @!p0 .LBB2_5-.Ltmp5, $1  }
0x39: {  	_ =	sdelay $0x3  }
0x3a: {  	p0 =	sgt.u32 s24, $0x27  }
.Ltmp6:
0x3b: {  	_ =	swait.ge [sflag:s20], $0x4000;
	(pc) =	sbr.rel @p0 .LBB2_8-.Ltmp6, $4  }
.Ltmp7:
0x3c: {  	[sflag:s20] =	ssyncset.done $0x0;
	(pc) =	sbr.rel @!p0 .LBB2_7-.Ltmp7, $4  }
0x3d: {  	s28 =	sshra.s32 s25, $0x2;
	[sflag:s20] =	ssyncadd.s32 $0xFFFFC000  }
0x3e: {  	[tilespmem:s22], [sflag:$0x1] =	stream.indirect.gather [hbm4b:s4+s17], $0x80, s28, s17, $0xb8;
	[tilespmem:$0x1E400] =	vst v63  }
0x3f: {  	s28 =	smov.u32 s24  }
0x40: {  	_ = 	snop  }
.LBB2_3:
0x41: {  	s28 =	simm.s32 $0x27  }
.LBB2_7:
0x42: {  	_ =	swait.ge [sflag:s16], $0x4000;
	s28 =	sshll.u32 s28, $0x7  }
0x43: {  	[sflag:s16] =	ssyncset.done $0x0;
	s28 =	sand.u32 $0x3FFFFF80, s28  }
0x44: {  	[sflag:s16] =	ssyncadd.s32 $0xFFFFC000;
	s28 =	sadd.s32 $0x1400, s28  }
0x45: {  	[spmem:s2] =	stream.indirect.scatter.add.f32 [tilespmem:s18], [sflag:$0x4], $0x80, s28, s17, $0xb8;
	[tilespmem:$0x1E400] =	vst v63  }
.LBB2_8:
0x46: {  	p0 =	seq.s32 s25, $0x5000  }
.Ltmp8:
0x47: {  	_ = 	snop;
	(pc) =	sbr.rel @p0 .LBB2_11-.Ltmp8, $1  }
0x48: {  	_ =	sdelay $0x3  }
.Ltmp9:
0x49: {  	(pc) =	sbr.rel .LBB2_10-.Ltmp9, $4  }
0x4a: {  	_ = 	snop  }
0x4b: {  	_ =	swait.ge [sflag:s19], $0x4000  }
0x4c: {  	[sflag:s19] =	ssyncset.done $0x0  }
0x4d: {  	[sflag:s19] =	ssyncadd.s32 $0xFFFFC000  }
.LBB2_11:
0x4e: {  	_ =	swait.ge [sflag:s20], $0x4000  }
0x4f: {  	[sflag:s20] =	ssyncset.done $0x0  }
0x50: {  	[sflag:s20] =	ssyncadd.s32 $0xFFFFC000  }
0x51: {  	_ =	swait.ge [sflag:s19], $0x4000  }
0x52: {  	[sflag:s19] =	ssyncset.done $0x0  }
0x53: {  	s24 =	simm.s32 $0x0;
	[sflag:s19] =	ssyncadd.s32 $0xFFFFC000  }
0x54: {  	[tilespmem:s24], [sflag:$0x5] =	stream.linear.gather [hbm4b:s9+s24], $0x1400, $0x38;
	[tilespmem:$0x1E400] =	vst v63  }
0x55: {  	_ =	swait.ge [sflag:s14], $0x1400  }
0x56: {  	[sflag:s14] =	ssyncset.done $0x0  }
.Ltmp10:
0x57: {  	[sflag:s14] =	ssyncadd.s32 $0xFFFFEC00;
	(pc) =	sbr.rel .LBB2_12-.Ltmp10, $4  }
0x58: {  	[tilespmem:s15], [sflag:$0x5] =	stream.linear.gather [hbm4b:s10+s24], $0x1400, $0x38;
	[tilespmem:$0x1E400] =	vst v63  }
0x59: {  	_ =	swait.ge [sflag:s14], $0x1400  }
0x5a: {  	[sflag:s14] =	ssyncset.done $0x0  }
0x5b: {  	s25 =	simm.s32 $0xFFFFFFFF;
	s26 =	simm.s32 $0x0;
	[sflag:s14] =	ssyncadd.s32 $0xFFFFEC00  }
.LBB2_15:
0x5c: {  	[tilespmem:s22], [sflag:$0x1] =	stream.indirect.gather [hbm4b:s4+s17], $0x80, s3, s17, $0xb8;
	[tilespmem:$0x1E400] =	vst v63  }
.LBB2_20:
0x5d: {  	s28 =	sshra.s32 s24, $0x2;
	s24 =	sadd.s32 $0x400, s24  }
0x5e: {  	s29 =	sadd.s32 $0x80, s28;
	p0 =	sne.s32 s24, $0x5400  }
0x5f: {  	[tilespmem:s18], [sflag:$0x2] =	stream.indirect.gather [hbm4b:s4+s17], $0x80, s29, s17, $0xb8;
	[tilespmem:$0x1E400] =	vst v63  }
.Ltmp11:
0x60: {  	_ = 	snop;
	(pc) =	sbr.rel @!p0 .LBB2_21-.Ltmp11, $4  }
0x61: {  	_ =	swait.ge [sflag:s21], $0x4000  }
0x62: {  	s26 =	sadd.s32 $0x1, s26;
	[sflag:s21] =	ssyncset.done $0x0  }
0x63: {  	s25 =	sadd.s32 $0x2, s25;
	s28 =	sadd.s32 $0x1400, s28;
	[sflag:s21] =	ssyncadd.s32 $0xFFFFC000  }
0x64: {  	[spmem:s2] =	stream.indirect.scatter.add.f32 [tilespmem:s22], [sflag:$0x3], $0x80, s28, s17, $0xb8;
	[tilespmem:$0x1E400] =	vst v63  }
.LBB2_12:
0x65: {  	p0 =	seq.s32 s26, $0x14  }
.Ltmp12:
0x66: {  	_ = 	snop;
	(pc) =	sbr.rel @p0 .LBB2_13-.Ltmp12, $1  }
0x67: {  	_ =	sdelay $0x3  }
0x68: {  	p0 =	sne.s32 s26, $0x0  }
.Ltmp13:
0x69: {  	_ = 	snop;
	(pc) =	sbr.rel @!p0 .LBB2_15-.Ltmp13, $1  }
0x6a: {  	_ =	sdelay $0x3  }
0x6b: {  	p0 =	sgt.u32 s25, $0x27  }
.Ltmp14:
0x6c: {  	_ =	swait.ge [sflag:s20], $0x4000;
	(pc) =	sbr.rel @p0 .LBB2_18-.Ltmp14, $4  }
.Ltmp15:
0x6d: {  	[sflag:s20] =	ssyncset.done $0x0;
	(pc) =	sbr.rel @!p0 .LBB2_17-.Ltmp15, $4  }
0x6e: {  	s28 =	sshra.s32 s24, $0x2;
	[sflag:s20] =	ssyncadd.s32 $0xFFFFC000  }
0x6f: {  	[tilespmem:s22], [sflag:$0x1] =	stream.indirect.gather [hbm4b:s4+s17], $0x80, s28, s17, $0xb8;
	[tilespmem:$0x1E400] =	vst v63  }
0x70: {  	s28 =	smov.u32 s25  }
0x71: {  	_ = 	snop  }
.LBB2_13:
0x72: {  	s28 =	simm.s32 $0x27  }
.LBB2_17:
0x73: {  	_ =	swait.ge [sflag:s16], $0x4000;
	s28 =	sshll.u32 s28, $0x7  }
0x74: {  	[sflag:s16] =	ssyncset.done $0x0;
	s28 =	sand.u32 $0x3FFFFF80, s28  }
0x75: {  	[sflag:s16] =	ssyncadd.s32 $0xFFFFC000;
	s28 =	sadd.s32 $0x1400, s28  }
0x76: {  	[spmem:s2] =	stream.indirect.scatter.add.f32 [tilespmem:s18], [sflag:$0x4], $0x80, s28, s17, $0xb8;
	[tilespmem:$0x1E400] =	vst v63  }
.LBB2_18:
0x77: {  	p0 =	seq.s32 s24, $0x5000  }
.Ltmp16:
0x78: {  	_ = 	snop;
	(pc) =	sbr.rel @p0 .LBB2_21-.Ltmp16, $1  }
0x79: {  	_ =	sdelay $0x3  }
.Ltmp17:
0x7a: {  	(pc) =	sbr.rel .LBB2_20-.Ltmp17, $4  }
0x7b: {  	_ = 	snop  }
0x7c: {  	_ =	swait.ge [sflag:s19], $0x4000  }
0x7d: {  	[sflag:s19] =	ssyncset.done $0x0  }
0x7e: {  	[sflag:s19] =	ssyncadd.s32 $0xFFFFC000  }
.LBB2_22:
0x7f: {  	_ =	sfence.sel $0x180000  }
0x80: {  	[bflag:$0x0] =	sbarrier.arrive $0xFFFF  }
0x81: {  	p0 =	sne.s32 s0, $0x0;
	_ =	strace $0x90000053  }
0x82: {  	s0 =	sadd.s32 @!p0 $0x100000, s1;
	[bflag:$0x2] =	sbarrier.arrive $0xFFFF  }
0x83: {  	[sflag:s0] =	ssyncadd.tile.s32 @!p0 $0x1;
	_ =	shalt  }
.Lfunc_end2:
_tile_overlayer_lowered:
.L_overlay_start_2:
0x84: {  	(tag) =	ssettag $0x2  }
0x85: {  	s0 =	rddreg [dreg:$0x0];
	s2 =	stileid.u32  }
0x86: {  	s1 =	rddreg [dreg:$0x1];
	p0 =	sne.s32 s2, $0x0  }
0x87: {  	s3 =	rddreg [dreg:$0x2];
	[bflag:$0x3] =	sbarrier.arrive $0xFFFF;
	s2 =	simm.s32 @!p0 $0x1C05  }
0x88: {  	[timem:s3], [sflag:s2] =	dma.local @!p0 [hbm:s0], s1  }
0x89: {  	s0 =	simm.s32 @!p0 $0x5  }
0x8a: {  	_ =	swait.ge @!p0 [sflag:s0], s1  }
0x8b: {  	s1 =	ssub.s32 @!p0 $0x0, s1;
	[sflag:s0] =	ssyncset.done @!p0 $0x0  }
0x8c: {  	[sflag:s0] =	ssyncadd.s32 @!p0 s1  }
0x8d: {  	[bflag:$0x3] =	sbarrier.arrive $0xFFFF  }
0x8e: {  	_ =	shalt  }

</sc_bundles>
